<compile_context>
chip_gen: v7x
topology: tpu7x:2x2x1
jax: 0.10.2.dev20260603
libtpu: 0.0.44.dev20260713+nightly
codegen_flags: <defaults>
</compile_context>

<pallas_src>
import functools

import jax
import jax.numpy as jnp
from jax import lax
from jax.experimental import pallas as pl
from jax.experimental.pallas import tpu as pltpu
from jax.experimental.pallas import tpu_sc as plsc

_NC = 2
_NS = 16
_NW = _NC * _NS


@functools.lru_cache(maxsize=None)
def _make_circulant_kernel(H, S):
  n_blocks = S // 128
  n_ug = 128 // 8
  W = 2 * S - 128
  n_units = H // 2
  mesh = plsc.VectorSubcoreMesh(core_axis_name="c", subcore_axis_name="s")

  @functools.partial(
      pl.kernel,
      mesh=mesh,
      out_type=jax.ShapeDtypeStruct((H, S, S), jnp.float32),
      scratch_types=[pltpu.VMEM((8, W), jnp.float32)] * 3
      + [pltpu.SemaphoreType.DMA] * 3,
  )
  def k(e128_hbm, out_hbm, *scratch):
    bufs, sems = scratch[:3], scratch[3:]
    wid = lax.axis_index("s") * _NC + lax.axis_index("c")
    wu = lax.rem(wid, n_ug)
    hp = wid // n_ug
    u0 = pl.multiple_of(8 * wu, 8)

    def issue_load(t, b):
      h = hp + 2 * t
      pltpu.async_copy(e128_hbm.at[h, pl.ds(u0, 8)],
                       bufs[b].at[:, pl.ds(0, S)], sems[b])
      pltpu.async_copy(e128_hbm.at[h, pl.ds(u0, 8), pl.ds(0, W - S)],
                       bufs[b].at[:, pl.ds(S, W - S)], sems[b])

    def wait_load(b):
      pltpu.make_async_copy(e128_hbm.at[0, pl.ds(0, 8)],
                            bufs[b].at[:, pl.ds(0, S)], sems[b]).wait()
      pltpu.make_async_copy(e128_hbm.at[0, pl.ds(0, 8), pl.ds(0, W - S)],
                            bufs[b].at[:, pl.ds(S, W - S)], sems[b]).wait()

    def issue_stores(t, b):
      h = hp + 2 * t
      for kb in range(n_blocks):
        i_row = pl.multiple_of(128 * kb + u0, 8)
        pltpu.async_copy(bufs[b].at[:, pl.ds(S - 128 - 128 * kb, S)],
                         out_hbm.at[h, pl.ds(i_row, 8)], sems[b])

    def drain_stores(b):
      for kb in range(n_blocks):
        pltpu.make_async_copy(bufs[b].at[:, pl.ds(0, S)],
                              out_hbm.at[0, pl.ds(0, 8)], sems[b]).wait()

    issue_load(0, 0)
    if n_units > 1:
      issue_load(1, 1)
    for t in range(n_units):
      b = t % 3
      wait_load(b)
      issue_stores(t, b)
      if t + 2 < n_units:
        if t >= 1:
          drain_stores((t + 2) % 3)
        issue_load(t + 2, (t + 2) % 3)
    for t in range(max(0, n_units - 3), n_units):
      drain_stores(t % 3)

  return k


def _expand_body(t_ref, out_ref):
  s = t_ref.shape[-1]
  v = pltpu.roll(t_ref[0], s - 127, axis=1)
  x = jnp.broadcast_to(v, (128, s))
  out_ref[...] = pltpu.roll(x, 0, axis=1, stride=1, stride_axis=0)[None]


@functools.lru_cache(maxsize=None)
def _make_expand_kernel(H, S):
  return pl.pallas_call(
      _expand_body,
      grid=(H,),
      in_specs=[pl.BlockSpec((1, 1, S), lambda h: (h, 0, 0))],
      out_specs=pl.BlockSpec((1, 128, S), lambda h: (h, 0, 0)),
      out_shape=jax.ShapeDtypeStruct((H, 128, S), jnp.float32),
  )


def kernel(seq_len, bias_table):
  del seq_len
  S, H = bias_table.shape
  t = jnp.flip(bias_table, axis=0).T[:, None, :]
  e128 = _make_expand_kernel(H, S)(t)
  return _make_circulant_kernel(H, S)(e128)

# --- scband reference (transcript-rebuilt; emitter-appended) ---
"""Pipeline reference for scband-circular-relative-position-bias-85521388798352 (READ-ONLY COPY).

The authoritative reference and input builder live on the scoring server;
editing this copy changes nothing except your own understanding.
"""

import jax, jax.numpy as jnp
import numpy as np

NUM_POSITIONS = 2048
NUM_HEADS = 12

def setup_inputs(seed: int = 0) -> dict:
    key = jax.random.key(seed)
    bias_table = jax.random.normal(key, (NUM_POSITIONS, NUM_HEADS), dtype=jnp.float32) * 0.02
    return {"seq_len": 2048, "bias_table": bias_table}

def reference(seq_len, bias_table):
    positions = jnp.arange(bias_table.shape[0])
    relative_positions = positions[:, None] - positions[None, :]
    circular_distances = jnp.mod(relative_positions + seq_len * NUM_POSITIONS, NUM_POSITIONS)
    bias = jnp.take(bias_table, circular_distances, axis=0)  # [S, S, H]
    return jnp.transpose(bias, (2, 0, 1))  # [H, S, S]

if __name__ == "__main__":
    import jax
    _d = setup_inputs()
    print(jax.jit(kernel)(*tuple(_d.values())))

</pallas_src>

<mosaic_0001>
#map = affine_map<(d0, d1) -> (0, 0, 0)>
module attributes {stable_mosaic.version = 14 : i64} {
  func.func @k(%arg0: i32, %arg1: i32, %arg2: memref<12x128x2048xf32, #tpu.memory_space<hbm>>, %arg3: memref<12x2048x2048xf32, #tpu.memory_space<hbm>>, %arg4: memref<8x3968xf32, #tpu.memory_space<vmem>>, %arg5: memref<8x3968xf32, #tpu.memory_space<vmem>>, %arg6: memref<8x3968xf32, #tpu.memory_space<vmem>>, %arg7: memref<!tpu.dma_semaphore, #tpu.memory_space<semaphore_mem>>, %arg8: memref<!tpu.dma_semaphore, #tpu.memory_space<semaphore_mem>>, %arg9: memref<!tpu.dma_semaphore, #tpu.memory_space<semaphore_mem>>) attributes {dimension_semantics = [#tpu.dimension_semantics<core_parallel>, #tpu.dimension_semantics<subcore_parallel>], iteration_bounds = array<i64: 2, 16>, scalar_prefetch = 0 : i64, scratch_operands = 6 : i64, tpu.core_type = #tpu.core_type<sc_vector_subcore>, window_params = [{transform_indices = #map}, {transform_indices = #map}]} {
    %mul3A = arith.constant 2 : i32
    %mul3A_0 = arith.muli %arg1, %mul3A : i32
    %add3A = arith.addi %mul3A_0, %arg0 : i32
    %rem3A = arith.constant 16 : i32
    %rem3A_1 = arith.remsi %add3A, %rem3A : i32
    %jit3A = arith.constant 16 : i32
    %div3A = arith.divsi %add3A, %jit3A : i32
    %sign3A = arith.constant 0 : i32
    %sign3A_2 = arith.cmpi sgt, %add3A, %sign3A : i32
    %sign3A_3 = arith.extui %sign3A_2 : i1 to i32
    %sign3A_4 = arith.constant 0 : i32
    %sign3A_5 = arith.cmpi slt, %add3A, %sign3A_4 : i32
    %sign3A_6 = arith.extui %sign3A_5 : i1 to i32
    %sign3A_7 = arith.subi %sign3A_3, %sign3A_6 : i32
    %sign3A_8 = arith.constant 0 : i32
    %sign3A_9 = arith.cmpi sgt, %jit3A, %sign3A_8 : i32
    %sign3A_10 = arith.extui %sign3A_9 : i1 to i32
    %sign3A_11 = arith.constant 0 : i32
    %sign3A_12 = arith.cmpi slt, %jit3A, %sign3A_11 : i32
    %sign3A_13 = arith.extui %sign3A_12 : i1 to i32
    %sign3A_14 = arith.subi %sign3A_10, %sign3A_13 : i32
    %ne3A = arith.cmpi ne, %sign3A_7, %sign3A_14 : i32
    %rem3A_15 = arith.remsi %add3A, %jit3A : i32
    %ne3A_16 = arith.constant 0 : i32
    %ne3A_17 = arith.cmpi ne, %rem3A_15, %ne3A_16 : i32
    %and3A = arith.andi %ne3A, %ne3A_17 : i1
    %sub3A = arith.constant 1 : i32
    %sub3A_18 = arith.subi %div3A, %sub3A : i32
    %select_n3A = arith.select %and3A, %sub3A_18, %div3A : i32
    %mul3A_19 = arith.constant 8 : i32
    %mul3A_20 = arith.muli %mul3A_19, %rem3A_1 : i32
    %multiple_of3A = tpu.assume_multiple %mul3A_20, 8 : i32
    %add3A_21 = arith.constant 0 : i32
    %add3A_22 = arith.addi %select_n3A, %add3A_21 : i32
    %dma_start3A = arith.constant 0 : i32
    %dma_start3A_23 = arith.constant 0 : i32
    %dma_start3A_24 = tpu.memref_slice %arg4[%dma_start3A, %dma_start3A_23] : memref<8x3968xf32, #tpu.memory_space<vmem>> -> memref<8x2048xf32, #tpu.memory_space<vmem>>
    %dma_start3A_25 = arith.constant 0 : i32
    %dma_start3A_26 = tpu.memref_slice %arg2[%add3A_22, %multiple_of3A, %dma_start3A_25] : memref<12x128x2048xf32, #tpu.memory_space<hbm>> -> memref<1x8x2048xf32, #tpu.memory_space<hbm>>
    %dma_start3A_27 = tpu.memref_squeeze %dma_start3A_26 : memref<1x8x2048xf32, #tpu.memory_space<hbm>> -> memref<8x2048xf32, #tpu.memory_space<hbm>>
    %dma_start3A_28 = arith.constant 0 : i32
    %dma_start3A_29 = arith.constant 0 : i32
    %dma_start3A_30 = tpu.memref_slice %arg4[%dma_start3A_28, %dma_start3A_29] : memref<8x3968xf32, #tpu.memory_space<vmem>> -> memref<8x2048xf32, #tpu.memory_space<vmem>>
    %dma_start3A_31 = arith.constant 0 : i32
    %dma_start3A_32 = tpu.memref_slice %arg2[%add3A_22, %multiple_of3A, %dma_start3A_31] : memref<12x128x2048xf32, #tpu.memory_space<hbm>> -> memref<1x8x2048xf32, #tpu.memory_space<hbm>>
    %dma_start3A_33 = tpu.memref_squeeze %dma_start3A_32 : memref<1x8x2048xf32, #tpu.memory_space<hbm>> -> memref<8x2048xf32, #tpu.memory_space<hbm>>
    tpu.enqueue_dma source(%dma_start3A_33 : memref<8x2048xf32, #tpu.memory_space<hbm>>) target(%dma_start3A_30 : memref<8x2048xf32, #tpu.memory_space<vmem>>) target_semaphore(%arg7 : memref<!tpu.dma_semaphore, #tpu.memory_space<semaphore_mem>>)
    %dma_start3A_34 = arith.constant 0 : i32
    %dma_start3A_35 = arith.constant 2048 : i32
    %dma_start3A_36 = tpu.memref_slice %arg4[%dma_start3A_34, %dma_start3A_35] : memref<8x3968xf32, #tpu.memory_space<vmem>> -> memref<8x1920xf32, #tpu.memory_space<vmem>>
    %dma_start3A_37 = arith.constant 0 : i32
    %dma_start3A_38 = tpu.memref_slice %arg2[%add3A_22, %multiple_of3A, %dma_start3A_37] : memref<12x128x2048xf32, #tpu.memory_space<hbm>> -> memref<1x8x1920xf32, #tpu.memory_space<hbm>>
    %dma_start3A_39 = tpu.memref_squeeze %dma_start3A_38 : memref<1x8x1920xf32, #tpu.memory_space<hbm>> -> memref<8x1920xf32, #tpu.memory_space<hbm>>
    %dma_start3A_40 = arith.constant 0 : i32
    %dma_start3A_41 = arith.constant 2048 : i32
    %dma_start3A_42 = tpu.memref_slice %arg4[%dma_start3A_40, %dma_start3A_41] : memref<8x3968xf32, #tpu.memory_space<vmem>> -> memref<8x1920xf32, #tpu.memory_space<vmem>>
    %dma_start3A_43 = arith.constant 0 : i32
    %dma_start3A_44 = tpu.memref_slice %arg2[%add3A_22, %multiple_of3A, %dma_start3A_43] : memref<12x128x2048xf32, #tpu.memory_space<hbm>> -> memref<1x8x1920xf32, #tpu.memory_space<hbm>>
    %dma_start3A_45 = tpu.memref_squeeze %dma_start3A_44 : memref<1x8x1920xf32, #tpu.memory_space<hbm>> -> memref<8x1920xf32, #tpu.memory_space<hbm>>
    tpu.enqueue_dma source(%dma_start3A_45 : memref<8x1920xf32, #tpu.memory_space<hbm>>) target(%dma_start3A_42 : memref<8x1920xf32, #tpu.memory_space<vmem>>) target_semaphore(%arg7 : memref<!tpu.dma_semaphore, #tpu.memory_space<semaphore_mem>>)
    %add3A_46 = arith.constant 2 : i32
    %add3A_47 = arith.addi %select_n3A, %add3A_46 : i32
    %dma_start3A_48 = arith.constant 0 : i32
    %dma_start3A_49 = arith.constant 0 : i32
    %dma_start3A_50 = tpu.memref_slice %arg5[%dma_start3A_48, %dma_start3A_49] : memref<8x3968xf32, #tpu.memory_space<vmem>> -> memref<8x2048xf32, #tpu.memory_space<vmem>>
    %dma_start3A_51 = arith.constant 0 : i32
    %dma_start3A_52 = tpu.memref_slice %arg2[%add3A_47, %multiple_of3A, %dma_start3A_51] : memref<12x128x2048xf32, #tpu.memory_space<hbm>> -> memref<1x8x2048xf32, #tpu.memory_space<hbm>>
    %dma_start3A_53 = tpu.memref_squeeze %dma_start3A_52 : memref<1x8x2048xf32, #tpu.memory_space<hbm>> -> memref<8x2048xf32, #tpu.memory_space<hbm>>
    %dma_start3A_54 = arith.constant 0 : i32
    %dma_start3A_55 = arith.constant 0 : i32
    %dma_start3A_56 = tpu.memref_slice %arg5[%dma_start3A_54, %dma_start3A_55] : memref<8x3968xf32, #tpu.memory_space<vmem>> -> memref<8x2048xf32, #tpu.memory_space<vmem>>
    %dma_start3A_57 = arith.constant 0 : i32
    %dma_start3A_58 = tpu.memref_slice %arg2[%add3A_47, %multiple_of3A, %dma_start3A_57] : memref<12x128x2048xf32, #tpu.memory_space<hbm>> -> memref<1x8x2048xf32, #tpu.memory_space<hbm>>
    %dma_start3A_59 = tpu.memref_squeeze %dma_start3A_58 : memref<1x8x2048xf32, #tpu.memory_space<hbm>> -> memref<8x2048xf32, #tpu.memory_space<hbm>>
    tpu.enqueue_dma source(%dma_start3A_59 : memref<8x2048xf32, #tpu.memory_space<hbm>>) target(%dma_start3A_56 : memref<8x2048xf32, #tpu.memory_space<vmem>>) target_semaphore(%arg8 : memref<!tpu.dma_semaphore, #tpu.memory_space<semaphore_mem>>)
    %dma_start3A_60 = arith.constant 0 : i32
    %dma_start3A_61 = arith.constant 2048 : i32
    %dma_start3A_62 = tpu.memref_slice %arg5[%dma_start3A_60, %dma_start3A_61] : memref<8x3968xf32, #tpu.memory_space<vmem>> -> memref<8x1920xf32, #tpu.memory_space<vmem>>
    %dma_start3A_63 = arith.constant 0 : i32
    %dma_start3A_64 = tpu.memref_slice %arg2[%add3A_47, %multiple_of3A, %dma_start3A_63] : memref<12x128x2048xf32, #tpu.memory_space<hbm>> -> memref<1x8x1920xf32, #tpu.memory_space<hbm>>
    %dma_start3A_65 = tpu.memref_squeeze %dma_start3A_64 : memref<1x8x1920xf32, #tpu.memory_space<hbm>> -> memref<8x1920xf32, #tpu.memory_space<hbm>>
    %dma_start3A_66 = arith.constant 0 : i32
    %dma_start3A_67 = arith.constant 2048 : i32
    %dma_start3A_68 = tpu.memref_slice %arg5[%dma_start3A_66, %dma_start3A_67] : memref<8x3968xf32, #tpu.memory_space<vmem>> -> memref<8x1920xf32, #tpu.memory_space<vmem>>
    %dma_start3A_69 = arith.constant 0 : i32
    %dma_start3A_70 = tpu.memref_slice %arg2[%add3A_47, %multiple_of3A, %dma_start3A_69] : memref<12x128x2048xf32, #tpu.memory_space<hbm>> -> memref<1x8x1920xf32, #tpu.memory_space<hbm>>
    %dma_start3A_71 = tpu.memref_squeeze %dma_start3A_70 : memref<1x8x1920xf32, #tpu.memory_space<hbm>> -> memref<8x1920xf32, #tpu.memory_space<hbm>>
    tpu.enqueue_dma source(%dma_start3A_71 : memref<8x1920xf32, #tpu.memory_space<hbm>>) target(%dma_start3A_68 : memref<8x1920xf32, #tpu.memory_space<vmem>>) target_semaphore(%arg8 : memref<!tpu.dma_semaphore, #tpu.memory_space<semaphore_mem>>)
    %dma_wait3A = arith.constant 0 : i32
    %dma_wait3A_72 = arith.constant 0 : i32
    %dma_wait3A_73 = arith.constant 0 : i32
    %dma_wait3A_74 = tpu.memref_slice %arg4[%dma_wait3A_72, %dma_wait3A_73] : memref<8x3968xf32, #tpu.memory_space<vmem>> -> memref<8x2048xf32, #tpu.memory_space<vmem>>
    %dma_wait3A_75 = arith.constant 0 : i32
    %dma_wait3A_76 = arith.constant 0 : i32
    %dma_wait3A_77 = tpu.memref_slice %arg2[%dma_wait3A, %dma_wait3A_75, %dma_wait3A_76] : memref<12x128x2048xf32, #tpu.memory_space<hbm>> -> memref<1x8x2048xf32, #tpu.memory_space<hbm>>
    %dma_wait3A_78 = tpu.memref_squeeze %dma_wait3A_77 : memref<1x8x2048xf32, #tpu.memory_space<hbm>> -> memref<8x2048xf32, #tpu.memory_space<hbm>>
    %dma_wait3A_79 = arith.constant 0 : i32
    %dma_wait3A_80 = arith.constant 0 : i32
    %dma_wait3A_81 = tpu.memref_slice %arg4[%dma_wait3A_79, %dma_wait3A_80] : memref<8x3968xf32, #tpu.memory_space<vmem>> -> memref<8x2048xf32, #tpu.memory_space<vmem>>
    %dma_wait3A_82 = arith.constant 0 : i32
    %dma_wait3A_83 = arith.constant 0 : i32
    %dma_wait3A_84 = tpu.memref_slice %arg2[%dma_wait3A, %dma_wait3A_82, %dma_wait3A_83] : memref<12x128x2048xf32, #tpu.memory_space<hbm>> -> memref<1x8x2048xf32, #tpu.memory_space<hbm>>
    %dma_wait3A_85 = tpu.memref_squeeze %dma_wait3A_84 : memref<1x8x2048xf32, #tpu.memory_space<hbm>> -> memref<8x2048xf32, #tpu.memory_space<hbm>>
    tpu.wait_dma2 semaphore(%arg7 : memref<!tpu.dma_semaphore, #tpu.memory_space<semaphore_mem>>) src(%dma_wait3A_85 : memref<8x2048xf32, #tpu.memory_space<hbm>>) dst(%dma_wait3A_81 : memref<8x2048xf32, #tpu.memory_space<vmem>>)
    %dma_wait3A_86 = arith.constant 0 : i32
    %dma_wait3A_87 = arith.constant 0 : i32
    %dma_wait3A_88 = arith.constant 2048 : i32
    %dma_wait3A_89 = tpu.memref_slice %arg4[%dma_wait3A_87, %dma_wait3A_88] : memref<8x3968xf32, #tpu.memory_space<vmem>> -> memref<8x1920xf32, #tpu.memory_space<vmem>>
    %dma_wait3A_90 = arith.constant 0 : i32
    %dma_wait3A_91 = arith.constant 0 : i32
    %dma_wait3A_92 = tpu.memref_slice %arg2[%dma_wait3A_86, %dma_wait3A_90, %dma_wait3A_91] : memref<12x128x2048xf32, #tpu.memory_space<hbm>> -> memref<1x8x1920xf32, #tpu.memory_space<hbm>>
    %dma_wait3A_93 = tpu.memref_squeeze %dma_wait3A_92 : memref<1x8x1920xf32, #tpu.memory_space<hbm>> -> memref<8x1920xf32, #tpu.memory_space<hbm>>
    %dma_wait3A_94 = arith.constant 0 : i32
    %dma_wait3A_95 = arith.constant 2048 : i32
    %dma_wait3A_96 = tpu.memref_slice %arg4[%dma_wait3A_94, %dma_wait3A_95] : memref<8x3968xf32, #tpu.memory_space<vmem>> -> memref<8x1920xf32, #tpu.memory_space<vmem>>
    %dma_wait3A_97 = arith.constant 0 : i32
    %dma_wait3A_98 = arith.constant 0 : i32
    %dma_wait3A_99 = tpu.memref_slice %arg2[%dma_wait3A_86, %dma_wait3A_97, %dma_wait3A_98] : memref<12x128x2048xf32, #tpu.memory_space<hbm>> -> memref<1x8x1920xf32, #tpu.memory_space<hbm>>
    %dma_wait3A_100 = tpu.memref_squeeze %dma_wait3A_99 : memref<1x8x1920xf32, #tpu.memory_space<hbm>> -> memref<8x1920xf32, #tpu.memory_space<hbm>>
    tpu.wait_dma2 semaphore(%arg7 : memref<!tpu.dma_semaphore, #tpu.memory_space<semaphore_mem>>) src(%dma_wait3A_100 : memref<8x1920xf32, #tpu.memory_space<hbm>>) dst(%dma_wait3A_96 : memref<8x1920xf32, #tpu.memory_space<vmem>>)
    %add3A_101 = arith.constant 0 : i32
    %add3A_102 = arith.addi %select_n3A, %add3A_101 : i32
    %add3A_103 = arith.constant 0 : i32
    %add3A_104 = arith.addi %add3A_103, %multiple_of3A : i32
    %multiple_of3A_105 = tpu.assume_multiple %add3A_104, 8 : i32
    %dma_start3A_106 = arith.constant 0 : i32
    %dma_start3A_107 = arith.constant 1920 : i32
    %dma_start3A_108 = tpu.memref_slice %arg4[%dma_start3A_106, %dma_start3A_107] : memref<8x3968xf32, #tpu.memory_space<vmem>> -> memref<8x2048xf32, #tpu.memory_space<vmem>>
    %dma_start3A_109 = arith.constant 0 : i32
    %dma_start3A_110 = tpu.memref_slice %arg3[%add3A_102, %multiple_of3A_105, %dma_start3A_109] : memref<12x2048x2048xf32, #tpu.memory_space<hbm>> -> memref<1x8x2048xf32, #tpu.memory_space<hbm>>
    %dma_start3A_111 = tpu.memref_squeeze %dma_start3A_110 : memref<1x8x2048xf32, #tpu.memory_space<hbm>> -> memref<8x2048xf32, #tpu.memory_space<hbm>>
    %dma_start3A_112 = arith.constant 0 : i32
    %dma_start3A_113 = tpu.memref_slice %arg3[%add3A_102, %multiple_of3A_105, %dma_start3A_112] : memref<12x2048x2048xf32, #tpu.memory_space<hbm>> -> memref<1x8x2048xf32, #tpu.memory_space<hbm>>
    %dma_start3A_114 = tpu.memref_squeeze %dma_start3A_113 : memref<1x8x2048xf32, #tpu.memory_space<hbm>> -> memref<8x2048xf32, #tpu.memory_space<hbm>>
    %dma_start3A_115 = arith.constant 0 : i32
    %dma_start3A_116 = arith.constant 1920 : i32
    %dma_start3A_117 = tpu.memref_slice %arg4[%dma_start3A_115, %dma_start3A_116] : memref<8x3968xf32, #tpu.memory_space<vmem>> -> memref<8x2048xf32, #tpu.memory_space<vmem>>
    tpu.enqueue_dma source(%dma_start3A_117 : memref<8x2048xf32, #tpu.memory_space<vmem>>) target(%dma_start3A_114 : memref<8x2048xf32, #tpu.memory_space<hbm>>) target_semaphore(%arg7 : memref<!tpu.dma_semaphore, #tpu.memory_space<semaphore_mem>>)
    %add3A_118 = arith.constant 128 : i32
    %add3A_119 = arith.addi %add3A_118, %multiple_of3A : i32
    %multiple_of3A_120 = tpu.assume_multiple %add3A_119, 8 : i32
    %dma_start3A_121 = arith.constant 0 : i32
    %dma_start3A_122 = arith.constant 1792 : i32
    %dma_start3A_123 = tpu.memref_slice %arg4[%dma_start3A_121, %dma_start3A_122] : memref<8x3968xf32, #tpu.memory_space<vmem>> -> memref<8x2048xf32, #tpu.memory_space<vmem>>
    %dma_start3A_124 = arith.constant 0 : i32
    %dma_start3A_125 = tpu.memref_slice %arg3[%add3A_102, %multiple_of3A_120, %dma_start3A_124] : memref<12x2048x2048xf32, #tpu.memory_space<hbm>> -> memref<1x8x2048xf32, #tpu.memory_space<hbm>>
    %dma_start3A_126 = tpu.memref_squeeze %dma_start3A_125 : memref<1x8x2048xf32, #tpu.memory_space<hbm>> -> memref<8x2048xf32, #tpu.memory_space<hbm>>
    %dma_start3A_127 = arith.constant 0 : i32
    %dma_start3A_128 = tpu.memref_slice %arg3[%add3A_102, %multiple_of3A_120, %dma_start3A_127] : memref<12x2048x2048xf32, #tpu.memory_space<hbm>> -> memref<1x8x2048xf32, #tpu.memory_space<hbm>>
    %dma_start3A_129 = tpu.memref_squeeze %dma_start3A_128 : memref<1x8x2048xf32, #tpu.memory_space<hbm>> -> memref<8x2048xf32, #tpu.memory_space<hbm>>
    %dma_start3A_130 = arith.constant 0 : i32
    %dma_start3A_131 = arith.constant 1792 : i32
    %dma_start3A_132 = tpu.memref_slice %arg4[%dma_start3A_130, %dma_start3A_131] : memref<8x3968xf32, #tpu.memory_space<vmem>> -> memref<8x2048xf32, #tpu.memory_space<vmem>>
    tpu.enqueue_dma source(%dma_start3A_132 : memref<8x2048xf32, #tpu.memory_space<vmem>>) target(%dma_start3A_129 : memref<8x2048xf32, #tpu.memory_space<hbm>>) target_semaphore(%arg7 : memref<!tpu.dma_semaphore, #tpu.memory_space<semaphore_mem>>)
    %add3A_133 = arith.constant 256 : i32
    %add3A_134 = arith.addi %add3A_133, %multiple_of3A : i32
    %multiple_of3A_135 = tpu.assume_multiple %add3A_134, 8 : i32
    %dma_start3A_136 = arith.constant 0 : i32
    %dma_start3A_137 = arith.constant 1664 : i32
    %dma_start3A_138 = tpu.memref_slice %arg4[%dma_start3A_136, %dma_start3A_137] : memref<8x3968xf32, #tpu.memory_space<vmem>> -> memref<8x2048xf32, #tpu.memory_space<vmem>>
    %dma_start3A_139 = arith.constant 0 : i32
    %dma_start3A_140 = tpu.memref_slice %arg3[%add3A_102, %multiple_of3A_135, %dma_start3A_139] : memref<12x2048x2048xf32, #tpu.memory_space<hbm>> -> memref<1x8x2048xf32, #tpu.memory_space<hbm>>
    %dma_start3A_141 = tpu.memref_squeeze %dma_start3A_140 : memref<1x8x2048xf32, #tpu.memory_space<hbm>> -> memref<8x2048xf32, #tpu.memory_space<hbm>>
    %dma_start3A_142 = arith.constant 0 : i32
    %dma_start3A_143 = tpu.memref_slice %arg3[%add3A_102, %multiple_of3A_135, %dma_start3A_142] : memref<12x2048x2048xf32, #tpu.memory_space<hbm>> -> memref<1x8x2048xf32, #tpu.memory_space<hbm>>
    %dma_start3A_144 = tpu.memref_squeeze %dma_start3A_143 : memref<1x8x2048xf32, #tpu.memory_space<hbm>> -> memref<8x2048xf32, #tpu.memory_space<hbm>>
    %dma_start3A_145 = arith.constant 0 : i32
    %dma_start3A_146 = arith.constant 1664 : i32
    %dma_start3A_147 = tpu.memref_slice %arg4[%dma_start3A_145, %dma_start3A_146] : memref<8x3968xf32, #tpu.memory_space<vmem>> -> memref<8x2048xf32, #tpu.memory_space<vmem>>
    tpu.enqueue_dma source(%dma_start3A_147 : memref<8x2048xf32, #tpu.memory_space<vmem>>) target(%dma_start3A_144 : memref<8x2048xf32, #tpu.memory_space<hbm>>) target_semaphore(%arg7 : memref<!tpu.dma_semaphore, #tpu.memory_space<semaphore_mem>>)
    %add3A_148 = arith.constant 384 : i32
    %add3A_149 = arith.addi %add3A_148, %multiple_of3A : i32
    %multiple_of3A_150 = tpu.assume_multiple %add3A_149, 8 : i32
    %dma_start3A_151 = arith.constant 0 : i32
    %dma_start3A_152 = arith.constant 1536 : i32
    %dma_start3A_153 = tpu.memref_slice %arg4[%dma_start3A_151, %dma_start3A_152] : memref<8x3968xf32, #tpu.memory_space<vmem>> -> memref<8x2048xf32, #tpu.memory_space<vmem>>
    %dma_start3A_154 = arith.constant 0 : i32
    %dma_start3A_155 = tpu.memref_slice %arg3[%add3A_102, %multiple_of3A_150, %dma_start3A_154] : memref<12x2048x2048xf32, #tpu.memory_space<hbm>> -> memref<1x8x2048xf32, #tpu.memory_space<hbm>>
    %dma_start3A_156 = tpu.memref_squeeze %dma_start3A_155 : memref<1x8x2048xf32, #tpu.memory_space<hbm>> -> memref<8x2048xf32, #tpu.memory_space<hbm>>
    %dma_start3A_157 = arith.constant 0 : i32
    %dma_start3A_158 = tpu.memref_slice %arg3[%add3A_102, %multiple_of3A_150, %dma_start3A_157] : memref<12x2048x2048xf32, #tpu.memory_space<hbm>> -> memref<1x8x2048xf32, #tpu.memory_space<hbm>>
    %dma_start3A_159 = tpu.memref_squeeze %dma_start3A_158 : memref<1x8x2048xf32, #tpu.memory_space<hbm>> -> memref<8x2048xf32, #tpu.memory_space<hbm>>
    %dma_start3A_160 = arith.constant 0 : i32
    %dma_start3A_161 = arith.constant 1536 : i32
    %dma_start3A_162 = tpu.memref_slice %arg4[%dma_start3A_160, %dma_start3A_161] : memref<8x3968xf32, #tpu.memory_space<vmem>> -> memref<8x2048xf32, #tpu.memory_space<vmem>>
    tpu.enqueue_dma source(%dma_start3A_162 : memref<8x2048xf32, #tpu.memory_space<vmem>>) target(%dma_start3A_159 : memref<8x2048xf32, #tpu.memory_space<hbm>>) target_semaphore(%arg7 : memref<!tpu.dma_semaphore, #tpu.memory_space<semaphore_mem>>)
    %add3A_163 = arith.constant 512 : i32
    %add3A_164 = arith.addi %add3A_163, %multiple_of3A : i32
    %multiple_of3A_165 = tpu.assume_multiple %add3A_164, 8 : i32
    %dma_start3A_166 = arith.constant 0 : i32
    %dma_start3A_167 = arith.constant 1408 : i32
    %dma_start3A_168 = tpu.memref_slice %arg4[%dma_start3A_166, %dma_start3A_167] : memref<8x3968xf32, #tpu.memory_space<vmem>> -> memref<8x2048xf32, #tpu.memory_space<vmem>>
    %dma_start3A_169 = arith.constant 0 : i32
    %dma_start3A_170 = tpu.memref_slice %arg3[%add3A_102, %multiple_of3A_165, %dma_start3A_169] : memref<12x2048x2048xf32, #tpu.memory_space<hbm>> -> memref<1x8x2048xf32, #tpu.memory_space<hbm>>
    %dma_start3A_171 = tpu.memref_squeeze %dma_start3A_170 : memref<1x8x2048xf32, #tpu.memory_space<hbm>> -> memref<8x2048xf32, #tpu.memory_space<hbm>>
    %dma_start3A_172 = arith.constant 0 : i32
    %dma_start3A_173 = tpu.memref_slice %arg3[%add3A_102, %multiple_of3A_165, %dma_start3A_172] : memref<12x2048x2048xf32, #tpu.memory_space<hbm>> -> memref<1x8x2048xf32, #tpu.memory_space<hbm>>
    %dma_start3A_174 = tpu.memref_squeeze %dma_start3A_173 : memref<1x8x2048xf32, #tpu.memory_space<hbm>> -> memref<8x2048xf32, #tpu.memory_space<hbm>>
    %dma_start3A_175 = arith.constant 0 : i32
    %dma_start3A_176 = arith.constant 1408 : i32
    %dma_start3A_177 = tpu.memref_slice %arg4[%dma_start3A_175, %dma_start3A_176] : memref<8x3968xf32, #tpu.memory_space<vmem>> -> memref<8x2048xf32, #tpu.memory_space<vmem>>
    tpu.enqueue_dma source(%dma_start3A_177 : memref<8x2048xf32, #tpu.memory_space<vmem>>) target(%dma_start3A_174 : memref<8x2048xf32, #tpu.memory_space<hbm>>) target_semaphore(%arg7 : memref<!tpu.dma_semaphore, #tpu.memory_space<semaphore_mem>>)
    %add3A_178 = arith.constant 640 : i32
    %add3A_179 = arith.addi %add3A_178, %multiple_of3A : i32
    %multiple_of3A_180 = tpu.assume_multiple %add3A_179, 8 : i32
    %dma_start3A_181 = arith.constant 0 : i32
    %dma_start3A_182 = arith.constant 1280 : i32
    %dma_start3A_183 = tpu.memref_slice %arg4[%dma_start3A_181, %dma_start3A_182] : memref<8x3968xf32, #tpu.memory_space<vmem>> -> memref<8x2048xf32, #tpu.memory_space<vmem>>
    %dma_start3A_184 = arith.constant 0 : i32
    %dma_start3A_185 = tpu.memref_slice %arg3[%add3A_102, %multiple_of3A_180, %dma_start3A_184] : memref<12x2048x2048xf32, #tpu.memory_space<hbm>> -> memref<1x8x2048xf32, #tpu.memory_space<hbm>>
    %dma_start3A_186 = tpu.memref_squeeze %dma_start3A_185 : memref<1x8x2048xf32, #tpu.memory_space<hbm>> -> memref<8x2048xf32, #tpu.memory_space<hbm>>
    %dma_start3A_187 = arith.constant 0 : i32
    %dma_start3A_188 = tpu.memref_slice %arg3[%add3A_102, %multiple_of3A_180, %dma_start3A_187] : memref<12x2048x2048xf32, #tpu.memory_space<hbm>> -> memref<1x8x2048xf32, #tpu.memory_space<hbm>>
    %dma_start3A_189 = tpu.memref_squeeze %dma_start3A_188 : memref<1x8x2048xf32, #tpu.memory_space<hbm>> -> memref<8x2048xf32, #tpu.memory_space<hbm>>
    %dma_start3A_190 = arith.constant 0 : i32
    %dma_start3A_191 = arith.constant 1280 : i32
    %dma_start3A_192 = tpu.memref_slice %arg4[%dma_start3A_190, %dma_start3A_191] : memref<8x3968xf32, #tpu.memory_space<vmem>> -> memref<8x2048xf32, #tpu.memory_space<vmem>>
    tpu.enqueue_dma source(%dma_start3A_192 : memref<8x2048xf32, #tpu.memory_space<vmem>>) target(%dma_start3A_189 : memref<8x2048xf32, #tpu.memory_space<hbm>>) target_semaphore(%arg7 : memref<!tpu.dma_semaphore, #tpu.memory_space<semaphore_mem>>)
    %add3A_193 = arith.constant 768 : i32
    %add3A_194 = arith.addi %add3A_193, %multiple_of3A : i32
    %multiple_of3A_195 = tpu.assume_multiple %add3A_194, 8 : i32
    %dma_start3A_196 = arith.constant 0 : i32
    %dma_start3A_197 = arith.constant 1152 : i32
    %dma_start3A_198 = tpu.memref_slice %arg4[%dma_start3A_196, %dma_start3A_197] : memref<8x3968xf32, #tpu.memory_space<vmem>> -> memref<8x2048xf32, #tpu.memory_space<vmem>>
    %dma_start3A_199 = arith.constant 0 : i32
    %dma_start3A_200 = tpu.memref_slice %arg3[%add3A_102, %multiple_of3A_195, %dma_start3A_199] : memref<12x2048x2048xf32, #tpu.memory_space<hbm>> -> memref<1x8x2048xf32, #tpu.memory_space<hbm>>
    %dma_start3A_201 = tpu.memref_squeeze %dma_start3A_200 : memref<1x8x2048xf32, #tpu.memory_space<hbm>> -> memref<8x2048xf32, #tpu.memory_space<hbm>>
    %dma_start3A_202 = arith.constant 0 : i32
    %dma_start3A_203 = tpu.memref_slice %arg3[%add3A_102, %multiple_of3A_195, %dma_start3A_202] : memref<12x2048x2048xf32, #tpu.memory_space<hbm>> -> memref<1x8x2048xf32, #tpu.memory_space<hbm>>
    %dma_start3A_204 = tpu.memref_squeeze %dma_start3A_203 : memref<1x8x2048xf32, #tpu.memory_space<hbm>> -> memref<8x2048xf32, #tpu.memory_space<hbm>>
    %dma_start3A_205 = arith.constant 0 : i32
    %dma_start3A_206 = arith.constant 1152 : i32
    %dma_start3A_207 = tpu.memref_slice %arg4[%dma_start3A_205, %dma_start3A_206] : memref<8x3968xf32, #tpu.memory_space<vmem>> -> memref<8x2048xf32, #tpu.memory_space<vmem>>
    tpu.enqueue_dma source(%dma_start3A_207 : memref<8x2048xf32, #tpu.memory_space<vmem>>) target(%dma_start3A_204 : memref<8x2048xf32, #tpu.memory_space<hbm>>) target_semaphore(%arg7 : memref<!tpu.dma_semaphore, #tpu.memory_space<semaphore_mem>>)
    %add3A_208 = arith.constant 896 : i32
    %add3A_209 = arith.addi %add3A_208, %multiple_of3A : i32
    %multiple_of3A_210 = tpu.assume_multiple %add3A_209, 8 : i32
    %dma_start3A_211 = arith.constant 0 : i32
    %dma_start3A_212 = arith.constant 1024 : i32
    %dma_start3A_213 = tpu.memref_slice %arg4[%dma_start3A_211, %dma_start3A_212] : memref<8x3968xf32, #tpu.memory_space<vmem>> -> memref<8x2048xf32, #tpu.memory_space<vmem>>
    %dma_start3A_214 = arith.constant 0 : i32
    %dma_start3A_215 = tpu.memref_slice %arg3[%add3A_102, %multiple_of3A_210, %dma_start3A_214] : memref<12x2048x2048xf32, #tpu.memory_space<hbm>> -> memref<1x8x2048xf32, #tpu.memory_space<hbm>>
    %dma_start3A_216 = tpu.memref_squeeze %dma_start3A_215 : memref<1x8x2048xf32, #tpu.memory_space<hbm>> -> memref<8x2048xf32, #tpu.memory_space<hbm>>
    %dma_start3A_217 = arith.constant 0 : i32
    %dma_start3A_218 = tpu.memref_slice %arg3[%add3A_102, %multiple_of3A_210, %dma_start3A_217] : memref<12x2048x2048xf32, #tpu.memory_space<hbm>> -> memref<1x8x2048xf32, #tpu.memory_space<hbm>>
    %dma_start3A_219 = tpu.memref_squeeze %dma_start3A_218 : memref<1x8x2048xf32, #tpu.memory_space<hbm>> -> memref<8x2048xf32, #tpu.memory_space<hbm>>
    %dma_start3A_220 = arith.constant 0 : i32
    %dma_start3A_221 = arith.constant 1024 : i32
    %dma_start3A_222 = tpu.memref_slice %arg4[%dma_start3A_220, %dma_start3A_221] : memref<8x3968xf32, #tpu.memory_space<vmem>> -> memref<8x2048xf32, #tpu.memory_space<vmem>>
    tpu.enqueue_dma source(%dma_start3A_222 : memref<8x2048xf32, #tpu.memory_space<vmem>>) target(%dma_start3A_219 : memref<8x2048xf32, #tpu.memory_space<hbm>>) target_semaphore(%arg7 : memref<!tpu.dma_semaphore, #tpu.memory_space<semaphore_mem>>)
    %add3A_223 = arith.constant 1024 : i32
    %add3A_224 = arith.addi %add3A_223, %multiple_of3A : i32
    %multiple_of3A_225 = tpu.assume_multiple %add3A_224, 8 : i32
    %dma_start3A_226 = arith.constant 0 : i32
    %dma_start3A_227 = arith.constant 896 : i32
    %dma_start3A_228 = tpu.memref_slice %arg4[%dma_start3A_226, %dma_start3A_227] : memref<8x3968xf32, #tpu.memory_space<vmem>> -> memref<8x2048xf32, #tpu.memory_space<vmem>>
    %dma_start3A_229 = arith.constant 0 : i32
    %dma_start3A_230 = tpu.memref_slice %arg3[%add3A_102, %multiple_of3A_225, %dma_start3A_229] : memref<12x2048x2048xf32, #tpu.memory_space<hbm>> -> memref<1x8x2048xf32, #tpu.memory_space<hbm>>
    %dma_start3A_231 = tpu.memref_squeeze %dma_start3A_230 : memref<1x8x2048xf32, #tpu.memory_space<hbm>> -> memref<8x2048xf32, #tpu.memory_space<hbm>>
    %dma_start3A_232 = arith.constant 0 : i32
    %dma_start3A_233 = tpu.memref_slice %arg3[%add3A_102, %multiple_of3A_225, %dma_start3A_232] : memref<12x2048x2048xf32, #tpu.memory_space<hbm>> -> memref<1x8x2048xf32, #tpu.memory_space<hbm>>
    %dma_start3A_234 = tpu.memref_squeeze %dma_start3A_233 : memref<1x8x2048xf32, #tpu.memory_space<hbm>> -> memref<8x2048xf32, #tpu.memory_space<hbm>>
    %dma_start3A_235 = arith.constant 0 : i32
    %dma_start3A_236 = arith.constant 896 : i32
    %dma_start3A_237 = tpu.memref_slice %arg4[%dma_start3A_235, %dma_start3A_236] : memref<8x3968xf32, #tpu.memory_space<vmem>> -> memref<8x2048xf32, #tpu.memory_space<vmem>>
    tpu.enqueue_dma source(%dma_start3A_237 : memref<8x2048xf32, #tpu.memory_space<vmem>>) target(%dma_start3A_234 : memref<8x2048xf32, #tpu.memory_space<hbm>>) target_semaphore(%arg7 : memref<!tpu.dma_semaphore, #tpu.memory_space<semaphore_mem>>)
    %add3A_238 = arith.constant 1152 : i32
    %add3A_239 = arith.addi %add3A_238, %multiple_of3A : i32
    %multiple_of3A_240 = tpu.assume_multiple %add3A_239, 8 : i32
    %dma_start3A_241 = arith.constant 0 : i32
    %dma_start3A_242 = arith.constant 768 : i32
    %dma_start3A_243 = tpu.memref_slice %arg4[%dma_start3A_241, %dma_start3A_242] : memref<8x3968xf32, #tpu.memory_space<vmem>> -> memref<8x2048xf32, #tpu.memory_space<vmem>>
    %dma_start3A_244 = arith.constant 0 : i32
    %dma_start3A_245 = tpu.memref_slice %arg3[%add3A_102, %multiple_of3A_240, %dma_start3A_244] : memref<12x2048x2048xf32, #tpu.memory_space<hbm>> -> memref<1x8x2048xf32, #tpu.memory_space<hbm>>
    %dma_start3A_246 = tpu.memref_squeeze %dma_start3A_245 : memref<1x8x2048xf32, #tpu.memory_space<hbm>> -> memref<8x2048xf32, #tpu.memory_space<hbm>>
    %dma_start3A_247 = arith.constant 0 : i32
    %dma_start3A_248 = tpu.memref_slice %arg3[%add3A_102, %multiple_of3A_240, %dma_start3A_247] : memref<12x2048x2048xf32, #tpu.memory_space<hbm>> -> memref<1x8x2048xf32, #tpu.memory_space<hbm>>
    %dma_start3A_249 = tpu.memref_squeeze %dma_start3A_248 : memref<1x8x2048xf32, #tpu.memory_space<hbm>> -> memref<8x2048xf32, #tpu.memory_space<hbm>>
    %dma_start3A_250 = arith.constant 0 : i32
    %dma_start3A_251 = arith.constant 768 : i32
    %dma_start3A_252 = tpu.memref_slice %arg4[%dma_start3A_250, %dma_start3A_251] : memref<8x3968xf32, #tpu.memory_space<vmem>> -> memref<8x2048xf32, #tpu.memory_space<vmem>>
    tpu.enqueue_dma source(%dma_start3A_252 : memref<8x2048xf32, #tpu.memory_space<vmem>>) target(%dma_start3A_249 : memref<8x2048xf32, #tpu.memory_space<hbm>>) target_semaphore(%arg7 : memref<!tpu.dma_semaphore, #tpu.memory_space<semaphore_mem>>)
    %add3A_253 = arith.constant 1280 : i32
    %add3A_254 = arith.addi %add3A_253, %multiple_of3A : i32
    %multiple_of3A_255 = tpu.assume_multiple %add3A_254, 8 : i32
    %dma_start3A_256 = arith.constant 0 : i32
    %dma_start3A_257 = arith.constant 640 : i32
    %dma_start3A_258 = tpu.memref_slice %arg4[%dma_start3A_256, %dma_start3A_257] : memref<8x3968xf32, #tpu.memory_space<vmem>> -> memref<8x2048xf32, #tpu.memory_space<vmem>>
    %dma_start3A_259 = arith.constant 0 : i32
    %dma_start3A_260 = tpu.memref_slice %arg3[%add3A_102, %multiple_of3A_255, %dma_start3A_259] : memref<12x2048x2048xf32, #tpu.memory_space<hbm>> -> memref<1x8x2048xf32, #tpu.memory_space<hbm>>
    %dma_start3A_261 = tpu.memref_squeeze %dma_start3A_260 : memref<1x8x2048xf32, #tpu.memory_space<hbm>> -> memref<8x2048xf32, #tpu.memory_space<hbm>>
    %dma_start3A_262 = arith.constant 0 : i32
    %dma_start3A_263 = tpu.memref_slice %arg3[%add3A_102, %multiple_of3A_255, %dma_start3A_262] : memref<12x2048x2048xf32, #tpu.memory_space<hbm>> -> memref<1x8x2048xf32, #tpu.memory_space<hbm>>
    %dma_start3A_264 = tpu.memref_squeeze %dma_start3A_263 : memref<1x8x2048xf32, #tpu.memory_space<hbm>> -> memref<8x2048xf32, #tpu.memory_space<hbm>>
    %dma_start3A_265 = arith.constant 0 : i32
    %dma_start3A_266 = arith.constant 640 : i32
    %dma_start3A_267 = tpu.memref_slice %arg4[%dma_start3A_265, %dma_start3A_266] : memref<8x3968xf32, #tpu.memory_space<vmem>> -> memref<8x2048xf32, #tpu.memory_space<vmem>>
    tpu.enqueue_dma source(%dma_start3A_267 : memref<8x2048xf32, #tpu.memory_space<vmem>>) target(%dma_start3A_264 : memref<8x2048xf32, #tpu.memory_space<hbm>>) target_semaphore(%arg7 : memref<!tpu.dma_semaphore, #tpu.memory_space<semaphore_mem>>)
    %add3A_268 = arith.constant 1408 : i32
    %add3A_269 = arith.addi %add3A_268, %multiple_of3A : i32
    %multiple_of3A_270 = tpu.assume_multiple %add3A_269, 8 : i32
    %dma_start3A_271 = arith.constant 0 : i32
    %dma_start3A_272 = arith.constant 512 : i32
    %dma_start3A_273 = tpu.memref_slice %arg4[%dma_start3A_271, %dma_start3A_272] : memref<8x3968xf32, #tpu.memory_space<vmem>> -> memref<8x2048xf32, #tpu.memory_space<vmem>>
    %dma_start3A_274 = arith.constant 0 : i32
    %dma_start3A_275 = tpu.memref_slice %arg3[%add3A_102, %multiple_of3A_270, %dma_start3A_274] : memref<12x2048x2048xf32, #tpu.memory_space<hbm>> -> memref<1x8x2048xf32, #tpu.memory_space<hbm>>
    %dma_start3A_276 = tpu.memref_squeeze %dma_start3A_275 : memref<1x8x2048xf32, #tpu.memory_space<hbm>> -> memref<8x2048xf32, #tpu.memory_space<hbm>>
    %dma_start3A_277 = arith.constant 0 : i32
    %dma_start3A_278 = tpu.memref_slice %arg3[%add3A_102, %multiple_of3A_270, %dma_start3A_277] : memref<12x2048x2048xf32, #tpu.memory_space<hbm>> -> memref<1x8x2048xf32, #tpu.memory_space<hbm>>
    %dma_start3A_279 = tpu.memref_squeeze %dma_start3A_278 : memref<1x8x2048xf32, #tpu.memory_space<hbm>> -> memref<8x2048xf32, #tpu.memory_space<hbm>>
    %dma_start3A_280 = arith.constant 0 : i32
    %dma_start3A_281 = arith.constant 512 : i32
    %dma_start3A_282 = tpu.memref_slice %arg4[%dma_start3A_280, %dma_start3A_281] : memref<8x3968xf32, #tpu.memory_space<vmem>> -> memref<8x2048xf32, #tpu.memory_space<vmem>>
    tpu.enqueue_dma source(%dma_start3A_282 : memref<8x2048xf32, #tpu.memory_space<vmem>>) target(%dma_start3A_279 : memref<8x2048xf32, #tpu.memory_space<hbm>>) target_semaphore(%arg7 : memref<!tpu.dma_semaphore, #tpu.memory_space<semaphore_mem>>)
    %add3A_283 = arith.constant 1536 : i32
    %add3A_284 = arith.addi %add3A_283, %multiple_of3A : i32
    %multiple_of3A_285 = tpu.assume_multiple %add3A_284, 8 : i32
    %dma_start3A_286 = arith.constant 0 : i32
    %dma_start3A_287 = arith.constant 384 : i32
    %dma_start3A_288 = tpu.memref_slice %arg4[%dma_start3A_286, %dma_start3A_287] : memref<8x3968xf32, #tpu.memory_space<vmem>> -> memref<8x2048xf32, #tpu.memory_space<vmem>>
    %dma_start3A_289 = arith.constant 0 : i32
    %dma_start3A_290 = tpu.memref_slice %arg3[%add3A_102, %multiple_of3A_285, %dma_start3A_289] : memref<12x2048x2048xf32, #tpu.memory_space<hbm>> -> memref<1x8x2048xf32, #tpu.memory_space<hbm>>
    %dma_start3A_291 = tpu.memref_squeeze %dma_start3A_290 : memref<1x8x2048xf32, #tpu.memory_space<hbm>> -> memref<8x2048xf32, #tpu.memory_space<hbm>>
    %dma_start3A_292 = arith.constant 0 : i32
    %dma_start3A_293 = tpu.memref_slice %arg3[%add3A_102, %multiple_of3A_285, %dma_start3A_292] : memref<12x2048x2048xf32, #tpu.memory_space<hbm>> -> memref<1x8x2048xf32, #tpu.memory_space<hbm>>
    %dma_start3A_294 = tpu.memref_squeeze %dma_start3A_293 : memref<1x8x2048xf32, #tpu.memory_space<hbm>> -> memref<8x2048xf32, #tpu.memory_space<hbm>>
    %dma_start3A_295 = arith.constant 0 : i32
    %dma_start3A_296 = arith.constant 384 : i32
    %dma_start3A_297 = tpu.memref_slice %arg4[%dma_start3A_295, %dma_start3A_296] : memref<8x3968xf32, #tpu.memory_space<vmem>> -> memref<8x2048xf32, #tpu.memory_space<vmem>>
    tpu.enqueue_dma source(%dma_start3A_297 : memref<8x2048xf32, #tpu.memory_space<vmem>>) target(%dma_start3A_294 : memref<8x2048xf32, #tpu.memory_space<hbm>>) target_semaphore(%arg7 : memref<!tpu.dma_semaphore, #tpu.memory_space<semaphore_mem>>)
    %add3A_298 = arith.constant 1664 : i32
    %add3A_299 = arith.addi %add3A_298, %multiple_of3A : i32
    %multiple_of3A_300 = tpu.assume_multiple %add3A_299, 8 : i32
    %dma_start3A_301 = arith.constant 0 : i32
    %dma_start3A_302 = arith.constant 256 : i32
    %dma_start3A_303 = tpu.memref_slice %arg4[%dma_start3A_301, %dma_start3A_302] : memref<8x3968xf32, #tpu.memory_space<vmem>> -> memref<8x2048xf32, #tpu.memory_space<vmem>>
    %dma_start3A_304 = arith.constant 0 : i32
    %dma_start3A_305 = tpu.memref_slice %arg3[%add3A_102, %multiple_of3A_300, %dma_start3A_304] : memref<12x2048x2048xf32, #tpu.memory_space<hbm>> -> memref<1x8x2048xf32, #tpu.memory_space<hbm>>
    %dma_start3A_306 = tpu.memref_squeeze %dma_start3A_305 : memref<1x8x2048xf32, #tpu.memory_space<hbm>> -> memref<8x2048xf32, #tpu.memory_space<hbm>>
    %dma_start3A_307 = arith.constant 0 : i32
    %dma_start3A_308 = tpu.memref_slice %arg3[%add3A_102, %multiple_of3A_300, %dma_start3A_307] : memref<12x2048x2048xf32, #tpu.memory_space<hbm>> -> memref<1x8x2048xf32, #tpu.memory_space<hbm>>
    %dma_start3A_309 = tpu.memref_squeeze %dma_start3A_308 : memref<1x8x2048xf32, #tpu.memory_space<hbm>> -> memref<8x2048xf32, #tpu.memory_space<hbm>>
    %dma_start3A_310 = arith.constant 0 : i32
    %dma_start3A_311 = arith.constant 256 : i32
    %dma_start3A_312 = tpu.memref_slice %arg4[%dma_start3A_310, %dma_start3A_311] : memref<8x3968xf32, #tpu.memory_space<vmem>> -> memref<8x2048xf32, #tpu.memory_space<vmem>>
    tpu.enqueue_dma source(%dma_start3A_312 : memref<8x2048xf32, #tpu.memory_space<vmem>>) target(%dma_start3A_309 : memref<8x2048xf32, #tpu.memory_space<hbm>>) target_semaphore(%arg7 : memref<!tpu.dma_semaphore, #tpu.memory_space<semaphore_mem>>)
    %add3A_313 = arith.constant 1792 : i32
    %add3A_314 = arith.addi %add3A_313, %multiple_of3A : i32
    %multiple_of3A_315 = tpu.assume_multiple %add3A_314, 8 : i32
    %dma_start3A_316 = arith.constant 0 : i32
    %dma_start3A_317 = arith.constant 128 : i32
    %dma_start3A_318 = tpu.memref_slice %arg4[%dma_start3A_316, %dma_start3A_317] : memref<8x3968xf32, #tpu.memory_space<vmem>> -> memref<8x2048xf32, #tpu.memory_space<vmem>>
    %dma_start3A_319 = arith.constant 0 : i32
    %dma_start3A_320 = tpu.memref_slice %arg3[%add3A_102, %multiple_of3A_315, %dma_start3A_319] : memref<12x2048x2048xf32, #tpu.memory_space<hbm>> -> memref<1x8x2048xf32, #tpu.memory_space<hbm>>
    %dma_start3A_321 = tpu.memref_squeeze %dma_start3A_320 : memref<1x8x2048xf32, #tpu.memory_space<hbm>> -> memref<8x2048xf32, #tpu.memory_space<hbm>>
    %dma_start3A_322 = arith.constant 0 : i32
    %dma_start3A_323 = tpu.memref_slice %arg3[%add3A_102, %multiple_of3A_315, %dma_start3A_322] : memref<12x2048x2048xf32, #tpu.memory_space<hbm>> -> memref<1x8x2048xf32, #tpu.memory_space<hbm>>
    %dma_start3A_324 = tpu.memref_squeeze %dma_start3A_323 : memref<1x8x2048xf32, #tpu.memory_space<hbm>> -> memref<8x2048xf32, #tpu.memory_space<hbm>>
    %dma_start3A_325 = arith.constant 0 : i32
    %dma_start3A_326 = arith.constant 128 : i32
    %dma_start3A_327 = tpu.memref_slice %arg4[%dma_start3A_325, %dma_start3A_326] : memref<8x3968xf32, #tpu.memory_space<vmem>> -> memref<8x2048xf32, #tpu.memory_space<vmem>>
    tpu.enqueue_dma source(%dma_start3A_327 : memref<8x2048xf32, #tpu.memory_space<vmem>>) target(%dma_start3A_324 : memref<8x2048xf32, #tpu.memory_space<hbm>>) target_semaphore(%arg7 : memref<!tpu.dma_semaphore, #tpu.memory_space<semaphore_mem>>)
    %add3A_328 = arith.constant 1920 : i32
    %add3A_329 = arith.addi %add3A_328, %multiple_of3A : i32
    %multiple_of3A_330 = tpu.assume_multiple %add3A_329, 8 : i32
    %dma_start3A_331 = arith.constant 0 : i32
    %dma_start3A_332 = arith.constant 0 : i32
    %dma_start3A_333 = tpu.memref_slice %arg4[%dma_start3A_331, %dma_start3A_332] : memref<8x3968xf32, #tpu.memory_space<vmem>> -> memref<8x2048xf32, #tpu.memory_space<vmem>>
    %dma_start3A_334 = arith.constant 0 : i32
    %dma_start3A_335 = tpu.memref_slice %arg3[%add3A_102, %multiple_of3A_330, %dma_start3A_334] : memref<12x2048x2048xf32, #tpu.memory_space<hbm>> -> memref<1x8x2048xf32, #tpu.memory_space<hbm>>
    %dma_start3A_336 = tpu.memref_squeeze %dma_start3A_335 : memref<1x8x2048xf32, #tpu.memory_space<hbm>> -> memref<8x2048xf32, #tpu.memory_space<hbm>>
    %dma_start3A_337 = arith.constant 0 : i32
    %dma_start3A_338 = tpu.memref_slice %arg3[%add3A_102, %multiple_of3A_330, %dma_start3A_337] : memref<12x2048x2048xf32, #tpu.memory_space<hbm>> -> memref<1x8x2048xf32, #tpu.memory_space<hbm>>
    %dma_start3A_339 = tpu.memref_squeeze %dma_start3A_338 : memref<1x8x2048xf32, #tpu.memory_space<hbm>> -> memref<8x2048xf32, #tpu.memory_space<hbm>>
    %dma_start3A_340 = arith.constant 0 : i32
    %dma_start3A_341 = arith.constant 0 : i32
    %dma_start3A_342 = tpu.memref_slice %arg4[%dma_start3A_340, %dma_start3A_341] : memref<8x3968xf32, #tpu.memory_space<vmem>> -> memref<8x2048xf32, #tpu.memory_space<vmem>>
    tpu.enqueue_dma source(%dma_start3A_342 : memref<8x2048xf32, #tpu.memory_space<vmem>>) target(%dma_start3A_339 : memref<8x2048xf32, #tpu.memory_space<hbm>>) target_semaphore(%arg7 : memref<!tpu.dma_semaphore, #tpu.memory_space<semaphore_mem>>)
    %add3A_343 = arith.constant 4 : i32
    %add3A_344 = arith.addi %select_n3A, %add3A_343 : i32
    %dma_start3A_345 = arith.constant 0 : i32
    %dma_start3A_346 = arith.constant 0 : i32
    %dma_start3A_347 = tpu.memref_slice %arg6[%dma_start3A_345, %dma_start3A_346] : memref<8x3968xf32, #tpu.memory_space<vmem>> -> memref<8x2048xf32, #tpu.memory_space<vmem>>
    %dma_start3A_348 = arith.constant 0 : i32
    %dma_start3A_349 = tpu.memref_slice %arg2[%add3A_344, %multiple_of3A, %dma_start3A_348] : memref<12x128x2048xf32, #tpu.memory_space<hbm>> -> memref<1x8x2048xf32, #tpu.memory_space<hbm>>
    %dma_start3A_350 = tpu.memref_squeeze %dma_start3A_349 : memref<1x8x2048xf32, #tpu.memory_space<hbm>> -> memref<8x2048xf32, #tpu.memory_space<hbm>>
    %dma_start3A_351 = arith.constant 0 : i32
    %dma_start3A_352 = arith.constant 0 : i32
    %dma_start3A_353 = tpu.memref_slice %arg6[%dma_start3A_351, %dma_start3A_352] : memref<8x3968xf32, #tpu.memory_space<vmem>> -> memref<8x2048xf32, #tpu.memory_space<vmem>>
    %dma_start3A_354 = arith.constant 0 : i32
    %dma_start3A_355 = tpu.memref_slice %arg2[%add3A_344, %multiple_of3A, %dma_start3A_354] : memref<12x128x2048xf32, #tpu.memory_space<hbm>> -> memref<1x8x2048xf32, #tpu.memory_space<hbm>>
    %dma_start3A_356 = tpu.memref_squeeze %dma_start3A_355 : memref<1x8x2048xf32, #tpu.memory_space<hbm>> -> memref<8x2048xf32, #tpu.memory_space<hbm>>
    tpu.enqueue_dma source(%dma_start3A_356 : memref<8x2048xf32, #tpu.memory_space<hbm>>) target(%dma_start3A_353 : memref<8x2048xf32, #tpu.memory_space<vmem>>) target_semaphore(%arg9 : memref<!tpu.dma_semaphore, #tpu.memory_space<semaphore_mem>>)
    %dma_start3A_357 = arith.constant 0 : i32
    %dma_start3A_358 = arith.constant 2048 : i32
    %dma_start3A_359 = tpu.memref_slice %arg6[%dma_start3A_357, %dma_start3A_358] : memref<8x3968xf32, #tpu.memory_space<vmem>> -> memref<8x1920xf32, #tpu.memory_space<vmem>>
    %dma_start3A_360 = arith.constant 0 : i32
    %dma_start3A_361 = tpu.memref_slice %arg2[%add3A_344, %multiple_of3A, %dma_start3A_360] : memref<12x128x2048xf32, #tpu.memory_space<hbm>> -> memref<1x8x1920xf32, #tpu.memory_space<hbm>>
    %dma_start3A_362 = tpu.memref_squeeze %dma_start3A_361 : memref<1x8x1920xf32, #tpu.memory_space<hbm>> -> memref<8x1920xf32, #tpu.memory_space<hbm>>
    %dma_start3A_363 = arith.constant 0 : i32
    %dma_start3A_364 = arith.constant 2048 : i32
    %dma_start3A_365 = tpu.memref_slice %arg6[%dma_start3A_363, %dma_start3A_364] : memref<8x3968xf32, #tpu.memory_space<vmem>> -> memref<8x1920xf32, #tpu.memory_space<vmem>>
    %dma_start3A_366 = arith.constant 0 : i32
    %dma_start3A_367 = tpu.memref_slice %arg2[%add3A_344, %multiple_of3A, %dma_start3A_366] : memref<12x128x2048xf32, #tpu.memory_space<hbm>> -> memref<1x8x1920xf32, #tpu.memory_space<hbm>>
    %dma_start3A_368 = tpu.memref_squeeze %dma_start3A_367 : memref<1x8x1920xf32, #tpu.memory_space<hbm>> -> memref<8x1920xf32, #tpu.memory_space<hbm>>
    tpu.enqueue_dma source(%dma_start3A_368 : memref<8x1920xf32, #tpu.memory_space<hbm>>) target(%dma_start3A_365 : memref<8x1920xf32, #tpu.memory_space<vmem>>) target_semaphore(%arg9 : memref<!tpu.dma_semaphore, #tpu.memory_space<semaphore_mem>>)
    %dma_wait3A_369 = arith.constant 0 : i32
    %dma_wait3A_370 = arith.constant 0 : i32
    %dma_wait3A_371 = arith.constant 0 : i32
    %dma_wait3A_372 = tpu.memref_slice %arg5[%dma_wait3A_370, %dma_wait3A_371] : memref<8x3968xf32, #tpu.memory_space<vmem>> -> memref<8x2048xf32, #tpu.memory_space<vmem>>
    %dma_wait3A_373 = arith.constant 0 : i32
    %dma_wait3A_374 = arith.constant 0 : i32
    %dma_wait3A_375 = tpu.memref_slice %arg2[%dma_wait3A_369, %dma_wait3A_373, %dma_wait3A_374] : memref<12x128x2048xf32, #tpu.memory_space<hbm>> -> memref<1x8x2048xf32, #tpu.memory_space<hbm>>
    %dma_wait3A_376 = tpu.memref_squeeze %dma_wait3A_375 : memref<1x8x2048xf32, #tpu.memory_space<hbm>> -> memref<8x2048xf32, #tpu.memory_space<hbm>>
    %dma_wait3A_377 = arith.constant 0 : i32
    %dma_wait3A_378 = arith.constant 0 : i32
    %dma_wait3A_379 = tpu.memref_slice %arg5[%dma_wait3A_377, %dma_wait3A_378] : memref<8x3968xf32, #tpu.memory_space<vmem>> -> memref<8x2048xf32, #tpu.memory_space<vmem>>
    %dma_wait3A_380 = arith.constant 0 : i32
    %dma_wait3A_381 = arith.constant 0 : i32
    %dma_wait3A_382 = tpu.memref_slice %arg2[%dma_wait3A_369, %dma_wait3A_380, %dma_wait3A_381] : memref<12x128x2048xf32, #tpu.memory_space<hbm>> -> memref<1x8x2048xf32, #tpu.memory_space<hbm>>
    %dma_wait3A_383 = tpu.memref_squeeze %dma_wait3A_382 : memref<1x8x2048xf32, #tpu.memory_space<hbm>> -> memref<8x2048xf32, #tpu.memory_space<hbm>>
    tpu.wait_dma2 semaphore(%arg8 : memref<!tpu.dma_semaphore, #tpu.memory_space<semaphore_mem>>) src(%dma_wait3A_383 : memref<8x2048xf32, #tpu.memory_space<hbm>>) dst(%dma_wait3A_379 : memref<8x2048xf32, #tpu.memory_space<vmem>>)
    %dma_wait3A_384 = arith.constant 0 : i32
    %dma_wait3A_385 = arith.constant 0 : i32
    %dma_wait3A_386 = arith.constant 2048 : i32
    %dma_wait3A_387 = tpu.memref_slice %arg5[%dma_wait3A_385, %dma_wait3A_386] : memref<8x3968xf32, #tpu.memory_space<vmem>> -> memref<8x1920xf32, #tpu.memory_space<vmem>>
    %dma_wait3A_388 = arith.constant 0 : i32
    %dma_wait3A_389 = arith.constant 0 : i32
    %dma_wait3A_390 = tpu.memref_slice %arg2[%dma_wait3A_384, %dma_wait3A_388, %dma_wait3A_389] : memref<12x128x2048xf32, #tpu.memory_space<hbm>> -> memref<1x8x1920xf32, #tpu.memory_space<hbm>>
    %dma_wait3A_391 = tpu.memref_squeeze %dma_wait3A_390 : memref<1x8x1920xf32, #tpu.memory_space<hbm>> -> memref<8x1920xf32, #tpu.memory_space<hbm>>
    %dma_wait3A_392 = arith.constant 0 : i32
    %dma_wait3A_393 = arith.constant 2048 : i32
    %dma_wait3A_394 = tpu.memref_slice %arg5[%dma_wait3A_392, %dma_wait3A_393] : memref<8x3968xf32, #tpu.memory_space<vmem>> -> memref<8x1920xf32, #tpu.memory_space<vmem>>
    %dma_wait3A_395 = arith.constant 0 : i32
    %dma_wait3A_396 = arith.constant 0 : i32
    %dma_wait3A_397 = tpu.memref_slice %arg2[%dma_wait3A_384, %dma_wait3A_395, %dma_wait3A_396] : memref<12x128x2048xf32, #tpu.memory_space<hbm>> -> memref<1x8x1920xf32, #tpu.memory_space<hbm>>
    %dma_wait3A_398 = tpu.memref_squeeze %dma_wait3A_397 : memref<1x8x1920xf32, #tpu.memory_space<hbm>> -> memref<8x1920xf32, #tpu.memory_space<hbm>>
    tpu.wait_dma2 semaphore(%arg8 : memref<!tpu.dma_semaphore, #tpu.memory_space<semaphore_mem>>) src(%dma_wait3A_398 : memref<8x1920xf32, #tpu.memory_space<hbm>>) dst(%dma_wait3A_394 : memref<8x1920xf32, #tpu.memory_space<vmem>>)
    %add3A_399 = arith.constant 2 : i32
    %add3A_400 = arith.addi %select_n3A, %add3A_399 : i32
    %add3A_401 = arith.constant 0 : i32
    %add3A_402 = arith.addi %add3A_401, %multiple_of3A : i32
    %multiple_of3A_403 = tpu.assume_multiple %add3A_402, 8 : i32
    %dma_start3A_404 = arith.constant 0 : i32
    %dma_start3A_405 = arith.constant 1920 : i32
    %dma_start3A_406 = tpu.memref_slice %arg5[%dma_start3A_404, %dma_start3A_405] : memref<8x3968xf32, #tpu.memory_space<vmem>> -> memref<8x2048xf32, #tpu.memory_space<vmem>>
    %dma_start3A_407 = arith.constant 0 : i32
    %dma_start3A_408 = tpu.memref_slice %arg3[%add3A_400, %multiple_of3A_403, %dma_start3A_407] : memref<12x2048x2048xf32, #tpu.memory_space<hbm>> -> memref<1x8x2048xf32, #tpu.memory_space<hbm>>
    %dma_start3A_409 = tpu.memref_squeeze %dma_start3A_408 : memref<1x8x2048xf32, #tpu.memory_space<hbm>> -> memref<8x2048xf32, #tpu.memory_space<hbm>>
    %dma_start3A_410 = arith.constant 0 : i32
    %dma_start3A_411 = tpu.memref_slice %arg3[%add3A_400, %multiple_of3A_403, %dma_start3A_410] : memref<12x2048x2048xf32, #tpu.memory_space<hbm>> -> memref<1x8x2048xf32, #tpu.memory_space<hbm>>
    %dma_start3A_412 = tpu.memref_squeeze %dma_start3A_411 : memref<1x8x2048xf32, #tpu.memory_space<hbm>> -> memref<8x2048xf32, #tpu.memory_space<hbm>>
    %dma_start3A_413 = arith.constant 0 : i32
    %dma_start3A_414 = arith.constant 1920 : i32
    %dma_start3A_415 = tpu.memref_slice %arg5[%dma_start3A_413, %dma_start3A_414] : memref<8x3968xf32, #tpu.memory_space<vmem>> -> memref<8x2048xf32, #tpu.memory_space<vmem>>
    tpu.enqueue_dma source(%dma_start3A_415 : memref<8x2048xf32, #tpu.memory_space<vmem>>) target(%dma_start3A_412 : memref<8x2048xf32, #tpu.memory_space<hbm>>) target_semaphore(%arg8 : memref<!tpu.dma_semaphore, #tpu.memory_space<semaphore_mem>>)
    %add3A_416 = arith.constant 128 : i32
    %add3A_417 = arith.addi %add3A_416, %multiple_of3A : i32
    %multiple_of3A_418 = tpu.assume_multiple %add3A_417, 8 : i32
    %dma_start3A_419 = arith.constant 0 : i32
    %dma_start3A_420 = arith.constant 1792 : i32
    %dma_start3A_421 = tpu.memref_slice %arg5[%dma_start3A_419, %dma_start3A_420] : memref<8x3968xf32, #tpu.memory_space<vmem>> -> memref<8x2048xf32, #tpu.memory_space<vmem>>
    %dma_start3A_422 = arith.constant 0 : i32
    %dma_start3A_423 = tpu.memref_slice %arg3[%add3A_400, %multiple_of3A_418, %dma_start3A_422] : memref<12x2048x2048xf32, #tpu.memory_space<hbm>> -> memref<1x8x2048xf32, #tpu.memory_space<hbm>>
    %dma_start3A_424 = tpu.memref_squeeze %dma_start3A_423 : memref<1x8x2048xf32, #tpu.memory_space<hbm>> -> memref<8x2048xf32, #tpu.memory_space<hbm>>
    %dma_start3A_425 = arith.constant 0 : i32
    %dma_start3A_426 = tpu.memref_slice %arg3[%add3A_400, %multiple_of3A_418, %dma_start3A_425] : memref<12x2048x2048xf32, #tpu.memory_space<hbm>> -> memref<1x8x2048xf32, #tpu.memory_space<hbm>>
    %dma_start3A_427 = tpu.memref_squeeze %dma_start3A_426 : memref<1x8x2048xf32, #tpu.memory_space<hbm>> -> memref<8x2048xf32, #tpu.memory_space<hbm>>
    %dma_start3A_428 = arith.constant 0 : i32
    %dma_start3A_429 = arith.constant 1792 : i32
    %dma_start3A_430 = tpu.memref_slice %arg5[%dma_start3A_428, %dma_start3A_429] : memref<8x3968xf32, #tpu.memory_space<vmem>> -> memref<8x2048xf32, #tpu.memory_space<vmem>>
    tpu.enqueue_dma source(%dma_start3A_430 : memref<8x2048xf32, #tpu.memory_space<vmem>>) target(%dma_start3A_427 : memref<8x2048xf32, #tpu.memory_space<hbm>>) target_semaphore(%arg8 : memref<!tpu.dma_semaphore, #tpu.memory_space<semaphore_mem>>)
    %add3A_431 = arith.constant 256 : i32
    %add3A_432 = arith.addi %add3A_431, %multiple_of3A : i32
    %multiple_of3A_433 = tpu.assume_multiple %add3A_432, 8 : i32
    %dma_start3A_434 = arith.constant 0 : i32
    %dma_start3A_435 = arith.constant 1664 : i32
    %dma_start3A_436 = tpu.memref_slice %arg5[%dma_start3A_434, %dma_start3A_435] : memref<8x3968xf32, #tpu.memory_space<vmem>> -> memref<8x2048xf32, #tpu.memory_space<vmem>>
    %dma_start3A_437 = arith.constant 0 : i32
    %dma_start3A_438 = tpu.memref_slice %arg3[%add3A_400, %multiple_of3A_433, %dma_start3A_437] : memref<12x2048x2048xf32, #tpu.memory_space<hbm>> -> memref<1x8x2048xf32, #tpu.memory_space<hbm>>
    %dma_start3A_439 = tpu.memref_squeeze %dma_start3A_438 : memref<1x8x2048xf32, #tpu.memory_space<hbm>> -> memref<8x2048xf32, #tpu.memory_space<hbm>>
    %dma_start3A_440 = arith.constant 0 : i32
    %dma_start3A_441 = tpu.memref_slice %arg3[%add3A_400, %multiple_of3A_433, %dma_start3A_440] : memref<12x2048x2048xf32, #tpu.memory_space<hbm>> -> memref<1x8x2048xf32, #tpu.memory_space<hbm>>
    %dma_start3A_442 = tpu.memref_squeeze %dma_start3A_441 : memref<1x8x2048xf32, #tpu.memory_space<hbm>> -> memref<8x2048xf32, #tpu.memory_space<hbm>>
    %dma_start3A_443 = arith.constant 0 : i32
    %dma_start3A_444 = arith.constant 1664 : i32
    %dma_start3A_445 = tpu.memref_slice %arg5[%dma_start3A_443, %dma_start3A_444] : memref<8x3968xf32, #tpu.memory_space<vmem>> -> memref<8x2048xf32, #tpu.memory_space<vmem>>
    tpu.enqueue_dma source(%dma_start3A_445 : memref<8x2048xf32, #tpu.memory_space<vmem>>) target(%dma_start3A_442 : memref<8x2048xf32, #tpu.memory_space<hbm>>) target_semaphore(%arg8 : memref<!tpu.dma_semaphore, #tpu.memory_space<semaphore_mem>>)
    %add3A_446 = arith.constant 384 : i32
    %add3A_447 = arith.addi %add3A_446, %multiple_of3A : i32
    %multiple_of3A_448 = tpu.assume_multiple %add3A_447, 8 : i32
    %dma_start3A_449 = arith.constant 0 : i32
    %dma_start3A_450 = arith.constant 1536 : i32
    %dma_start3A_451 = tpu.memref_slice %arg5[%dma_start3A_449, %dma_start3A_450] : memref<8x3968xf32, #tpu.memory_space<vmem>> -> memref<8x2048xf32, #tpu.memory_space<vmem>>
    %dma_start3A_452 = arith.constant 0 : i32
    %dma_start3A_453 = tpu.memref_slice %arg3[%add3A_400, %multiple_of3A_448, %dma_start3A_452] : memref<12x2048x2048xf32, #tpu.memory_space<hbm>> -> memref<1x8x2048xf32, #tpu.memory_space<hbm>>
    %dma_start3A_454 = tpu.memref_squeeze %dma_start3A_453 : memref<1x8x2048xf32, #tpu.memory_space<hbm>> -> memref<8x2048xf32, #tpu.memory_space<hbm>>
    %dma_start3A_455 = arith.constant 0 : i32
    %dma_start3A_456 = tpu.memref_slice %arg3[%add3A_400, %multiple_of3A_448, %dma_start3A_455] : memref<12x2048x2048xf32, #tpu.memory_space<hbm>> -> memref<1x8x2048xf32, #tpu.memory_space<hbm>>
    %dma_start3A_457 = tpu.memref_squeeze %dma_start3A_456 : memref<1x8x2048xf32, #tpu.memory_space<hbm>> -> memref<8x2048xf32, #tpu.memory_space<hbm>>
    %dma_start3A_458 = arith.constant 0 : i32
    %dma_start3A_459 = arith.constant 1536 : i32
    %dma_start3A_460 = tpu.memref_slice %arg5[%dma_start3A_458, %dma_start3A_459] : memref<8x3968xf32, #tpu.memory_space<vmem>> -> memref<8x2048xf32, #tpu.memory_space<vmem>>
    tpu.enqueue_dma source(%dma_start3A_460 : memref<8x2048xf32, #tpu.memory_space<vmem>>) target(%dma_start3A_457 : memref<8x2048xf32, #tpu.memory_space<hbm>>) target_semaphore(%arg8 : memref<!tpu.dma_semaphore, #tpu.memory_space<semaphore_mem>>)
    %add3A_461 = arith.constant 512 : i32
    %add3A_462 = arith.addi %add3A_461, %multiple_of3A : i32
    %multiple_of3A_463 = tpu.assume_multiple %add3A_462, 8 : i32
    %dma_start3A_464 = arith.constant 0 : i32
    %dma_start3A_465 = arith.constant 1408 : i32
    %dma_start3A_466 = tpu.memref_slice %arg5[%dma_start3A_464, %dma_start3A_465] : memref<8x3968xf32, #tpu.memory_space<vmem>> -> memref<8x2048xf32, #tpu.memory_space<vmem>>
    %dma_start3A_467 = arith.constant 0 : i32
    %dma_start3A_468 = tpu.memref_slice %arg3[%add3A_400, %multiple_of3A_463, %dma_start3A_467] : memref<12x2048x2048xf32, #tpu.memory_space<hbm>> -> memref<1x8x2048xf32, #tpu.memory_space<hbm>>
    %dma_start3A_469 = tpu.memref_squeeze %dma_start3A_468 : memref<1x8x2048xf32, #tpu.memory_space<hbm>> -> memref<8x2048xf32, #tpu.memory_space<hbm>>
    %dma_start3A_470 = arith.constant 0 : i32
    %dma_start3A_471 = tpu.memref_slice %arg3[%add3A_400, %multiple_of3A_463, %dma_start3A_470] : memref<12x2048x2048xf32, #tpu.memory_space<hbm>> -> memref<1x8x2048xf32, #tpu.memory_space<hbm>>
    %dma_start3A_472 = tpu.memref_squeeze %dma_start3A_471 : memref<1x8x2048xf32, #tpu.memory_space<hbm>> -> memref<8x2048xf32, #tpu.memory_space<hbm>>
    %dma_start3A_473 = arith.constant 0 : i32
    %dma_start3A_474 = arith.constant 1408 : i32
    %dma_start3A_475 = tpu.memref_slice %arg5[%dma_start3A_473, %dma_start3A_474] : memref<8x3968xf32, #tpu.memory_space<vmem>> -> memref<8x2048xf32, #tpu.memory_space<vmem>>
    tpu.enqueue_dma source(%dma_start3A_475 : memref<8x2048xf32, #tpu.memory_space<vmem>>) target(%dma_start3A_472 : memref<8x2048xf32, #tpu.memory_space<hbm>>) target_semaphore(%arg8 : memref<!tpu.dma_semaphore, #tpu.memory_space<semaphore_mem>>)
    %add3A_476 = arith.constant 640 : i32
    %add3A_477 = arith.addi %add3A_476, %multiple_of3A : i32
    %multiple_of3A_478 = tpu.assume_multiple %add3A_477, 8 : i32
    %dma_start3A_479 = arith.constant 0 : i32
    %dma_start3A_480 = arith.constant 1280 : i32
    %dma_start3A_481 = tpu.memref_slice %arg5[%dma_start3A_479, %dma_start3A_480] : memref<8x3968xf32, #tpu.memory_space<vmem>> -> memref<8x2048xf32, #tpu.memory_space<vmem>>
    %dma_start3A_482 = arith.constant 0 : i32
    %dma_start3A_483 = tpu.memref_slice %arg3[%add3A_400, %multiple_of3A_478, %dma_start3A_482] : memref<12x2048x2048xf32, #tpu.memory_space<hbm>> -> memref<1x8x2048xf32, #tpu.memory_space<hbm>>
    %dma_start3A_484 = tpu.memref_squeeze %dma_start3A_483 : memref<1x8x2048xf32, #tpu.memory_space<hbm>> -> memref<8x2048xf32, #tpu.memory_space<hbm>>
    %dma_start3A_485 = arith.constant 0 : i32
    %dma_start3A_486 = tpu.memref_slice %arg3[%add3A_400, %multiple_of3A_478, %dma_start3A_485] : memref<12x2048x2048xf32, #tpu.memory_space<hbm>> -> memref<1x8x2048xf32, #tpu.memory_space<hbm>>
    %dma_start3A_487 = tpu.memref_squeeze %dma_start3A_486 : memref<1x8x2048xf32, #tpu.memory_space<hbm>> -> memref<8x2048xf32, #tpu.memory_space<hbm>>
    %dma_start3A_488 = arith.constant 0 : i32
    %dma_start3A_489 = arith.constant 1280 : i32
    %dma_start3A_490 = tpu.memref_slice %arg5[%dma_start3A_488, %dma_start3A_489] : memref<8x3968xf32, #tpu.memory_space<vmem>> -> memref<8x2048xf32, #tpu.memory_space<vmem>>
    tpu.enqueue_dma source(%dma_start3A_490 : memref<8x2048xf32, #tpu.memory_space<vmem>>) target(%dma_start3A_487 : memref<8x2048xf32, #tpu.memory_space<hbm>>) target_semaphore(%arg8 : memref<!tpu.dma_semaphore, #tpu.memory_space<semaphore_mem>>)
    %add3A_491 = arith.constant 768 : i32
    %add3A_492 = arith.addi %add3A_491, %multiple_of3A : i32
    %multiple_of3A_493 = tpu.assume_multiple %add3A_492, 8 : i32
    %dma_start3A_494 = arith.constant 0 : i32
    %dma_start3A_495 = arith.constant 1152 : i32
    %dma_start3A_496 = tpu.memref_slice %arg5[%dma_start3A_494, %dma_start3A_495] : memref<8x3968xf32, #tpu.memory_space<vmem>> -> memref<8x2048xf32, #tpu.memory_space<vmem>>
    %dma_start3A_497 = arith.constant 0 : i32
    %dma_start3A_498 = tpu.memref_slice %arg3[%add3A_400, %multiple_of3A_493, %dma_start3A_497] : memref<12x2048x2048xf32, #tpu.memory_space<hbm>> -> memref<1x8x2048xf32, #tpu.memory_space<hbm>>
    %dma_start3A_499 = tpu.memref_squeeze %dma_start3A_498 : memref<1x8x2048xf32, #tpu.memory_space<hbm>> -> memref<8x2048xf32, #tpu.memory_space<hbm>>
    %dma_start3A_500 = arith.constant 0 : i32
    %dma_start3A_501 = tpu.memref_slice %arg3[%add3A_400, %multiple_of3A_493, %dma_start3A_500] : memref<12x2048x2048xf32, #tpu.memory_space<hbm>> -> memref<1x8x2048xf32, #tpu.memory_space<hbm>>
    %dma_start3A_502 = tpu.memref_squeeze %dma_start3A_501 : memref<1x8x2048xf32, #tpu.memory_space<hbm>> -> memref<8x2048xf32, #tpu.memory_space<hbm>>
    %dma_start3A_503 = arith.constant 0 : i32
    %dma_start3A_504 = arith.constant 1152 : i32
    %dma_start3A_505 = tpu.memref_slice %arg5[%dma_start3A_503, %dma_start3A_504] : memref<8x3968xf32, #tpu.memory_space<vmem>> -> memref<8x2048xf32, #tpu.memory_space<vmem>>
    tpu.enqueue_dma source(%dma_start3A_505 : memref<8x2048xf32, #tpu.memory_space<vmem>>) target(%dma_start3A_502 : memref<8x2048xf32, #tpu.memory_space<hbm>>) target_semaphore(%arg8 : memref<!tpu.dma_semaphore, #tpu.memory_space<semaphore_mem>>)
    %add3A_506 = arith.constant 896 : i32
    %add3A_507 = arith.addi %add3A_506, %multiple_of3A : i32
    %multiple_of3A_508 = tpu.assume_multiple %add3A_507, 8 : i32
    %dma_start3A_509 = arith.constant 0 : i32
    %dma_start3A_510 = arith.constant 1024 : i32
    %dma_start3A_511 = tpu.memref_slice %arg5[%dma_start3A_509, %dma_start3A_510] : memref<8x3968xf32, #tpu.memory_space<vmem>> -> memref<8x2048xf32, #tpu.memory_space<vmem>>
    %dma_start3A_512 = arith.constant 0 : i32
    %dma_start3A_513 = tpu.memref_slice %arg3[%add3A_400, %multiple_of3A_508, %dma_start3A_512] : memref<12x2048x2048xf32, #tpu.memory_space<hbm>> -> memref<1x8x2048xf32, #tpu.memory_space<hbm>>
    %dma_start3A_514 = tpu.memref_squeeze %dma_start3A_513 : memref<1x8x2048xf32, #tpu.memory_space<hbm>> -> memref<8x2048xf32, #tpu.memory_space<hbm>>
    %dma_start3A_515 = arith.constant 0 : i32
    %dma_start3A_516 = tpu.memref_slice %arg3[%add3A_400, %multiple_of3A_508, %dma_start3A_515] : memref<12x2048x2048xf32, #tpu.memory_space<hbm>> -> memref<1x8x2048xf32, #tpu.memory_space<hbm>>
    %dma_start3A_517 = tpu.memref_squeeze %dma_start3A_516 : memref<1x8x2048xf32, #tpu.memory_space<hbm>> -> memref<8x2048xf32, #tpu.memory_space<hbm>>
    %dma_start3A_518 = arith.constant 0 : i32
    %dma_start3A_519 = arith.constant 1024 : i32
    %dma_start3A_520 = tpu.memref_slice %arg5[%dma_start3A_518, %dma_start3A_519] : memref<8x3968xf32, #tpu.memory_space<vmem>> -> memref<8x2048xf32, #tpu.memory_space<vmem>>
    tpu.enqueue_dma source(%dma_start3A_520 : memref<8x2048xf32, #tpu.memory_space<vmem>>) target(%dma_start3A_517 : memref<8x2048xf32, #tpu.memory_space<hbm>>) target_semaphore(%arg8 : memref<!tpu.dma_semaphore, #tpu.memory_space<semaphore_mem>>)
    %add3A_521 = arith.constant 1024 : i32
    %add3A_522 = arith.addi %add3A_521, %multiple_of3A : i32
    %multiple_of3A_523 = tpu.assume_multiple %add3A_522, 8 : i32
    %dma_start3A_524 = arith.constant 0 : i32
    %dma_start3A_525 = arith.constant 896 : i32
    %dma_start3A_526 = tpu.memref_slice %arg5[%dma_start3A_524, %dma_start3A_525] : memref<8x3968xf32, #tpu.memory_space<vmem>> -> memref<8x2048xf32, #tpu.memory_space<vmem>>
    %dma_start3A_527 = arith.constant 0 : i32
    %dma_start3A_528 = tpu.memref_slice %arg3[%add3A_400, %multiple_of3A_523, %dma_start3A_527] : memref<12x2048x2048xf32, #tpu.memory_space<hbm>> -> memref<1x8x2048xf32, #tpu.memory_space<hbm>>
    %dma_start3A_529 = tpu.memref_squeeze %dma_start3A_528 : memref<1x8x2048xf32, #tpu.memory_space<hbm>> -> memref<8x2048xf32, #tpu.memory_space<hbm>>
    %dma_start3A_530 = arith.constant 0 : i32
    %dma_start3A_531 = tpu.memref_slice %arg3[%add3A_400, %multiple_of3A_523, %dma_start3A_530] : memref<12x2048x2048xf32, #tpu.memory_space<hbm>> -> memref<1x8x2048xf32, #tpu.memory_space<hbm>>
    %dma_start3A_532 = tpu.memref_squeeze %dma_start3A_531 : memref<1x8x2048xf32, #tpu.memory_space<hbm>> -> memref<8x2048xf32, #tpu.memory_space<hbm>>
    %dma_start3A_533 = arith.constant 0 : i32
    %dma_start3A_534 = arith.constant 896 : i32
    %dma_start3A_535 = tpu.memref_slice %arg5[%dma_start3A_533, %dma_start3A_534] : memref<8x3968xf32, #tpu.memory_space<vmem>> -> memref<8x2048xf32, #tpu.memory_space<vmem>>
    tpu.enqueue_dma source(%dma_start3A_535 : memref<8x2048xf32, #tpu.memory_space<vmem>>) target(%dma_start3A_532 : memref<8x2048xf32, #tpu.memory_space<hbm>>) target_semaphore(%arg8 : memref<!tpu.dma_semaphore, #tpu.memory_space<semaphore_mem>>)
    %add3A_536 = arith.constant 1152 : i32
    %add3A_537 = arith.addi %add3A_536, %multiple_of3A : i32
    %multiple_of3A_538 = tpu.assume_multiple %add3A_537, 8 : i32
    %dma_start3A_539 = arith.constant 0 : i32
    %dma_start3A_540 = arith.constant 768 : i32
    %dma_start3A_541 = tpu.memref_slice %arg5[%dma_start3A_539, %dma_start3A_540] : memref<8x3968xf32, #tpu.memory_space<vmem>> -> memref<8x2048xf32, #tpu.memory_space<vmem>>
    %dma_start3A_542 = arith.constant 0 : i32
    %dma_start3A_543 = tpu.memref_slice %arg3[%add3A_400, %multiple_of3A_538, %dma_start3A_542] : memref<12x2048x2048xf32, #tpu.memory_space<hbm>> -> memref<1x8x2048xf32, #tpu.memory_space<hbm>>
    %dma_start3A_544 = tpu.memref_squeeze %dma_start3A_543 : memref<1x8x2048xf32, #tpu.memory_space<hbm>> -> memref<8x2048xf32, #tpu.memory_space<hbm>>
    %dma_start3A_545 = arith.constant 0 : i32
    %dma_start3A_546 = tpu.memref_slice %arg3[%add3A_400, %multiple_of3A_538, %dma_start3A_545] : memref<12x2048x2048xf32, #tpu.memory_space<hbm>> -> memref<1x8x2048xf32, #tpu.memory_space<hbm>>
    %dma_start3A_547 = tpu.memref_squeeze %dma_start3A_546 : memref<1x8x2048xf32, #tpu.memory_space<hbm>> -> memref<8x2048xf32, #tpu.memory_space<hbm>>
    %dma_start3A_548 = arith.constant 0 : i32
    %dma_start3A_549 = arith.constant 768 : i32
    %dma_start3A_550 = tpu.memref_slice %arg5[%dma_start3A_548, %dma_start3A_549] : memref<8x3968xf32, #tpu.memory_space<vmem>> -> memref<8x2048xf32, #tpu.memory_space<vmem>>
    tpu.enqueue_dma source(%dma_start3A_550 : memref<8x2048xf32, #tpu.memory_space<vmem>>) target(%dma_start3A_547 : memref<8x2048xf32, #tpu.memory_space<hbm>>) target_semaphore(%arg8 : memref<!tpu.dma_semaphore, #tpu.memory_space<semaphore_mem>>)
    %add3A_551 = arith.constant 1280 : i32
    %add3A_552 = arith.addi %add3A_551, %multiple_of3A : i32
    %multiple_of3A_553 = tpu.assume_multiple %add3A_552, 8 : i32
    %dma_start3A_554 = arith.constant 0 : i32
    %dma_start3A_555 = arith.constant 640 : i32
    %dma_start3A_556 = tpu.memref_slice %arg5[%dma_start3A_554, %dma_start3A_555] : memref<8x3968xf32, #tpu.memory_space<vmem>> -> memref<8x2048xf32, #tpu.memory_space<vmem>>
    %dma_start3A_557 = arith.constant 0 : i32
    %dma_start3A_558 = tpu.memref_slice %arg3[%add3A_400, %multiple_of3A_553, %dma_start3A_557] : memref<12x2048x2048xf32, #tpu.memory_space<hbm>> -> memref<1x8x2048xf32, #tpu.memory_space<hbm>>
    %dma_start3A_559 = tpu.memref_squeeze %dma_start3A_558 : memref<1x8x2048xf32, #tpu.memory_space<hbm>> -> memref<8x2048xf32, #tpu.memory_space<hbm>>
    %dma_start3A_560 = arith.constant 0 : i32
    %dma_start3A_561 = tpu.memref_slice %arg3[%add3A_400, %multiple_of3A_553, %dma_start3A_560] : memref<12x2048x2048xf32, #tpu.memory_space<hbm>> -> memref<1x8x2048xf32, #tpu.memory_space<hbm>>
    %dma_start3A_562 = tpu.memref_squeeze %dma_start3A_561 : memref<1x8x2048xf32, #tpu.memory_space<hbm>> -> memref<8x2048xf32, #tpu.memory_space<hbm>>
    %dma_start3A_563 = arith.constant 0 : i32
    %dma_start3A_564 = arith.constant 640 : i32
    %dma_start3A_565 = tpu.memref_slice %arg5[%dma_start3A_563, %dma_start3A_564] : memref<8x3968xf32, #tpu.memory_space<vmem>> -> memref<8x2048xf32, #tpu.memory_space<vmem>>
    tpu.enqueue_dma source(%dma_start3A_565 : memref<8x2048xf32, #tpu.memory_space<vmem>>) target(%dma_start3A_562 : memref<8x2048xf32, #tpu.memory_space<hbm>>) target_semaphore(%arg8 : memref<!tpu.dma_semaphore, #tpu.memory_space<semaphore_mem>>)
    %add3A_566 = arith.constant 1408 : i32
    %add3A_567 = arith.addi %add3A_566, %multiple_of3A : i32
    %multiple_of3A_568 = tpu.assume_multiple %add3A_567, 8 : i32
    %dma_start3A_569 = arith.constant 0 : i32
    %dma_start3A_570 = arith.constant 512 : i32
    %dma_start3A_571 = tpu.memref_slice %arg5[%dma_start3A_569, %dma_start3A_570] : memref<8x3968xf32, #tpu.memory_space<vmem>> -> memref<8x2048xf32, #tpu.memory_space<vmem>>
    %dma_start3A_572 = arith.constant 0 : i32
    %dma_start3A_573 = tpu.memref_slice %arg3[%add3A_400, %multiple_of3A_568, %dma_start3A_572] : memref<12x2048x2048xf32, #tpu.memory_space<hbm>> -> memref<1x8x2048xf32, #tpu.memory_space<hbm>>
    %dma_start3A_574 = tpu.memref_squeeze %dma_start3A_573 : memref<1x8x2048xf32, #tpu.memory_space<hbm>> -> memref<8x2048xf32, #tpu.memory_space<hbm>>
    %dma_start3A_575 = arith.constant 0 : i32
    %dma_start3A_576 = tpu.memref_slice %arg3[%add3A_400, %multiple_of3A_568, %dma_start3A_575] : memref<12x2048x2048xf32, #tpu.memory_space<hbm>> -> memref<1x8x2048xf32, #tpu.memory_space<hbm>>
    %dma_start3A_577 = tpu.memref_squeeze %dma_start3A_576 : memref<1x8x2048xf32, #tpu.memory_space<hbm>> -> memref<8x2048xf32, #tpu.memory_space<hbm>>
    %dma_start3A_578 = arith.constant 0 : i32
    %dma_start3A_579 = arith.constant 512 : i32
    %dma_start3A_580 = tpu.memref_slice %arg5[%dma_start3A_578, %dma_start3A_579] : memref<8x3968xf32, #tpu.memory_space<vmem>> -> memref<8x2048xf32, #tpu.memory_space<vmem>>
    tpu.enqueue_dma source(%dma_start3A_580 : memref<8x2048xf32, #tpu.memory_space<vmem>>) target(%dma_start3A_577 : memref<8x2048xf32, #tpu.memory_space<hbm>>) target_semaphore(%arg8 : memref<!tpu.dma_semaphore, #tpu.memory_space<semaphore_mem>>)
    %add3A_581 = arith.constant 1536 : i32
    %add3A_582 = arith.addi %add3A_581, %multiple_of3A : i32
    %multiple_of3A_583 = tpu.assume_multiple %add3A_582, 8 : i32
    %dma_start3A_584 = arith.constant 0 : i32
    %dma_start3A_585 = arith.constant 384 : i32
    %dma_start3A_586 = tpu.memref_slice %arg5[%dma_start3A_584, %dma_start3A_585] : memref<8x3968xf32, #tpu.memory_space<vmem>> -> memref<8x2048xf32, #tpu.memory_space<vmem>>
    %dma_start3A_587 = arith.constant 0 : i32
    %dma_start3A_588 = tpu.memref_slice %arg3[%add3A_400, %multiple_of3A_583, %dma_start3A_587] : memref<12x2048x2048xf32, #tpu.memory_space<hbm>> -> memref<1x8x2048xf32, #tpu.memory_space<hbm>>
    %dma_start3A_589 = tpu.memref_squeeze %dma_start3A_588 : memref<1x8x2048xf32, #tpu.memory_space<hbm>> -> memref<8x2048xf32, #tpu.memory_space<hbm>>
    %dma_start3A_590 = arith.constant 0 : i32
    %dma_start3A_591 = tpu.memref_slice %arg3[%add3A_400, %multiple_of3A_583, %dma_start3A_590] : memref<12x2048x2048xf32, #tpu.memory_space<hbm>> -> memref<1x8x2048xf32, #tpu.memory_space<hbm>>
    %dma_start3A_592 = tpu.memref_squeeze %dma_start3A_591 : memref<1x8x2048xf32, #tpu.memory_space<hbm>> -> memref<8x2048xf32, #tpu.memory_space<hbm>>
    %dma_start3A_593 = arith.constant 0 : i32
    %dma_start3A_594 = arith.constant 384 : i32
    %dma_start3A_595 = tpu.memref_slice %arg5[%dma_start3A_593, %dma_start3A_594] : memref<8x3968xf32, #tpu.memory_space<vmem>> -> memref<8x2048xf32, #tpu.memory_space<vmem>>
    tpu.enqueue_dma source(%dma_start3A_595 : memref<8x2048xf32, #tpu.memory_space<vmem>>) target(%dma_start3A_592 : memref<8x2048xf32, #tpu.memory_space<hbm>>) target_semaphore(%arg8 : memref<!tpu.dma_semaphore, #tpu.memory_space<semaphore_mem>>)
    %add3A_596 = arith.constant 1664 : i32
    %add3A_597 = arith.addi %add3A_596, %multiple_of3A : i32
    %multiple_of3A_598 = tpu.assume_multiple %add3A_597, 8 : i32
    %dma_start3A_599 = arith.constant 0 : i32
    %dma_start3A_600 = arith.constant 256 : i32
    %dma_start3A_601 = tpu.memref_slice %arg5[%dma_start3A_599, %dma_start3A_600] : memref<8x3968xf32, #tpu.memory_space<vmem>> -> memref<8x2048xf32, #tpu.memory_space<vmem>>
    %dma_start3A_602 = arith.constant 0 : i32
    %dma_start3A_603 = tpu.memref_slice %arg3[%add3A_400, %multiple_of3A_598, %dma_start3A_602] : memref<12x2048x2048xf32, #tpu.memory_space<hbm>> -> memref<1x8x2048xf32, #tpu.memory_space<hbm>>
    %dma_start3A_604 = tpu.memref_squeeze %dma_start3A_603 : memref<1x8x2048xf32, #tpu.memory_space<hbm>> -> memref<8x2048xf32, #tpu.memory_space<hbm>>
    %dma_start3A_605 = arith.constant 0 : i32
    %dma_start3A_606 = tpu.memref_slice %arg3[%add3A_400, %multiple_of3A_598, %dma_start3A_605] : memref<12x2048x2048xf32, #tpu.memory_space<hbm>> -> memref<1x8x2048xf32, #tpu.memory_space<hbm>>
    %dma_start3A_607 = tpu.memref_squeeze %dma_start3A_606 : memref<1x8x2048xf32, #tpu.memory_space<hbm>> -> memref<8x2048xf32, #tpu.memory_space<hbm>>
    %dma_start3A_608 = arith.constant 0 : i32
    %dma_start3A_609 = arith.constant 256 : i32
    %dma_start3A_610 = tpu.memref_slice %arg5[%dma_start3A_608, %dma_start3A_609] : memref<8x3968xf32, #tpu.memory_space<vmem>> -> memref<8x2048xf32, #tpu.memory_space<vmem>>
    tpu.enqueue_dma source(%dma_start3A_610 : memref<8x2048xf32, #tpu.memory_space<vmem>>) target(%dma_start3A_607 : memref<8x2048xf32, #tpu.memory_space<hbm>>) target_semaphore(%arg8 : memref<!tpu.dma_semaphore, #tpu.memory_space<semaphore_mem>>)
    %add3A_611 = arith.constant 1792 : i32
    %add3A_612 = arith.addi %add3A_611, %multiple_of3A : i32
    %multiple_of3A_613 = tpu.assume_multiple %add3A_612, 8 : i32
    %dma_start3A_614 = arith.constant 0 : i32
    %dma_start3A_615 = arith.constant 128 : i32
    %dma_start3A_616 = tpu.memref_slice %arg5[%dma_start3A_614, %dma_start3A_615] : memref<8x3968xf32, #tpu.memory_space<vmem>> -> memref<8x2048xf32, #tpu.memory_space<vmem>>
    %dma_start3A_617 = arith.constant 0 : i32
    %dma_start3A_618 = tpu.memref_slice %arg3[%add3A_400, %multiple_of3A_613, %dma_start3A_617] : memref<12x2048x2048xf32, #tpu.memory_space<hbm>> -> memref<1x8x2048xf32, #tpu.memory_space<hbm>>
    %dma_start3A_619 = tpu.memref_squeeze %dma_start3A_618 : memref<1x8x2048xf32, #tpu.memory_space<hbm>> -> memref<8x2048xf32, #tpu.memory_space<hbm>>
    %dma_start3A_620 = arith.constant 0 : i32
    %dma_start3A_621 = tpu.memref_slice %arg3[%add3A_400, %multiple_of3A_613, %dma_start3A_620] : memref<12x2048x2048xf32, #tpu.memory_space<hbm>> -> memref<1x8x2048xf32, #tpu.memory_space<hbm>>
    %dma_start3A_622 = tpu.memref_squeeze %dma_start3A_621 : memref<1x8x2048xf32, #tpu.memory_space<hbm>> -> memref<8x2048xf32, #tpu.memory_space<hbm>>
    %dma_start3A_623 = arith.constant 0 : i32
    %dma_start3A_624 = arith.constant 128 : i32
    %dma_start3A_625 = tpu.memref_slice %arg5[%dma_start3A_623, %dma_start3A_624] : memref<8x3968xf32, #tpu.memory_space<vmem>> -> memref<8x2048xf32, #tpu.memory_space<vmem>>
    tpu.enqueue_dma source(%dma_start3A_625 : memref<8x2048xf32, #tpu.memory_space<vmem>>) target(%dma_start3A_622 : memref<8x2048xf32, #tpu.memory_space<hbm>>) target_semaphore(%arg8 : memref<!tpu.dma_semaphore, #tpu.memory_space<semaphore_mem>>)
    %add3A_626 = arith.constant 1920 : i32
    %add3A_627 = arith.addi %add3A_626, %multiple_of3A : i32
    %multiple_of3A_628 = tpu.assume_multiple %add3A_627, 8 : i32
    %dma_start3A_629 = arith.constant 0 : i32
    %dma_start3A_630 = arith.constant 0 : i32
    %dma_start3A_631 = tpu.memref_slice %arg5[%dma_start3A_629, %dma_start3A_630] : memref<8x3968xf32, #tpu.memory_space<vmem>> -> memref<8x2048xf32, #tpu.memory_space<vmem>>
    %dma_start3A_632 = arith.constant 0 : i32
    %dma_start3A_633 = tpu.memref_slice %arg3[%add3A_400, %multiple_of3A_628, %dma_start3A_632] : memref<12x2048x2048xf32, #tpu.memory_space<hbm>> -> memref<1x8x2048xf32, #tpu.memory_space<hbm>>
    %dma_start3A_634 = tpu.memref_squeeze %dma_start3A_633 : memref<1x8x2048xf32, #tpu.memory_space<hbm>> -> memref<8x2048xf32, #tpu.memory_space<hbm>>
    %dma_start3A_635 = arith.constant 0 : i32
    %dma_start3A_636 = tpu.memref_slice %arg3[%add3A_400, %multiple_of3A_628, %dma_start3A_635] : memref<12x2048x2048xf32, #tpu.memory_space<hbm>> -> memref<1x8x2048xf32, #tpu.memory_space<hbm>>
    %dma_start3A_637 = tpu.memref_squeeze %dma_start3A_636 : memref<1x8x2048xf32, #tpu.memory_space<hbm>> -> memref<8x2048xf32, #tpu.memory_space<hbm>>
    %dma_start3A_638 = arith.constant 0 : i32
    %dma_start3A_639 = arith.constant 0 : i32
    %dma_start3A_640 = tpu.memref_slice %arg5[%dma_start3A_638, %dma_start3A_639] : memref<8x3968xf32, #tpu.memory_space<vmem>> -> memref<8x2048xf32, #tpu.memory_space<vmem>>
    tpu.enqueue_dma source(%dma_start3A_640 : memref<8x2048xf32, #tpu.memory_space<vmem>>) target(%dma_start3A_637 : memref<8x2048xf32, #tpu.memory_space<hbm>>) target_semaphore(%arg8 : memref<!tpu.dma_semaphore, #tpu.memory_space<semaphore_mem>>)
    %dma_wait3A_641 = arith.constant 0 : i32
    %dma_wait3A_642 = arith.constant 0 : i32
    %dma_wait3A_643 = arith.constant 0 : i32
    %dma_wait3A_644 = tpu.memref_slice %arg4[%dma_wait3A_642, %dma_wait3A_643] : memref<8x3968xf32, #tpu.memory_space<vmem>> -> memref<8x2048xf32, #tpu.memory_space<vmem>>
    %dma_wait3A_645 = arith.constant 0 : i32
    %dma_wait3A_646 = arith.constant 0 : i32
    %dma_wait3A_647 = tpu.memref_slice %arg3[%dma_wait3A_641, %dma_wait3A_645, %dma_wait3A_646] : memref<12x2048x2048xf32, #tpu.memory_space<hbm>> -> memref<1x8x2048xf32, #tpu.memory_space<hbm>>
    %dma_wait3A_648 = tpu.memref_squeeze %dma_wait3A_647 : memref<1x8x2048xf32, #tpu.memory_space<hbm>> -> memref<8x2048xf32, #tpu.memory_space<hbm>>
    %dma_wait3A_649 = arith.constant 0 : i32
    %dma_wait3A_650 = arith.constant 0 : i32
    %dma_wait3A_651 = tpu.memref_slice %arg3[%dma_wait3A_641, %dma_wait3A_649, %dma_wait3A_650] : memref<12x2048x2048xf32, #tpu.memory_space<hbm>> -> memref<1x8x2048xf32, #tpu.memory_space<hbm>>
    %dma_wait3A_652 = tpu.memref_squeeze %dma_wait3A_651 : memref<1x8x2048xf32, #tpu.memory_space<hbm>> -> memref<8x2048xf32, #tpu.memory_space<hbm>>
    %dma_wait3A_653 = arith.constant 0 : i32
    %dma_wait3A_654 = arith.constant 0 : i32
    %dma_wait3A_655 = tpu.memref_slice %arg4[%dma_wait3A_653, %dma_wait3A_654] : memref<8x3968xf32, #tpu.memory_space<vmem>> -> memref<8x2048xf32, #tpu.memory_space<vmem>>
    tpu.wait_dma2 semaphore(%arg7 : memref<!tpu.dma_semaphore, #tpu.memory_space<semaphore_mem>>) src(%dma_wait3A_655 : memref<8x2048xf32, #tpu.memory_space<vmem>>) dst(%dma_wait3A_652 : memref<8x2048xf32, #tpu.memory_space<hbm>>)
    %dma_wait3A_656 = arith.constant 0 : i32
    %dma_wait3A_657 = arith.constant 0 : i32
    %dma_wait3A_658 = arith.constant 0 : i32
    %dma_wait3A_659 = tpu.memref_slice %arg4[%dma_wait3A_657, %dma_wait3A_658] : memref<8x3968xf32, #tpu.memory_space<vmem>> -> memref<8x2048xf32, #tpu.memory_space<vmem>>
    %dma_wait3A_660 = arith.constant 0 : i32
    %dma_wait3A_661 = arith.constant 0 : i32
    %dma_wait3A_662 = tpu.memref_slice %arg3[%dma_wait3A_656, %dma_wait3A_660, %dma_wait3A_661] : memref<12x2048x2048xf32, #tpu.memory_space<hbm>> -> memref<1x8x2048xf32, #tpu.memory_space<hbm>>
    %dma_wait3A_663 = tpu.memref_squeeze %dma_wait3A_662 : memref<1x8x2048xf32, #tpu.memory_space<hbm>> -> memref<8x2048xf32, #tpu.memory_space<hbm>>
    %dma_wait3A_664 = arith.constant 0 : i32
    %dma_wait3A_665 = arith.constant 0 : i32
    %dma_wait3A_666 = tpu.memref_slice %arg3[%dma_wait3A_656, %dma_wait3A_664, %dma_wait3A_665] : memref<12x2048x2048xf32, #tpu.memory_space<hbm>> -> memref<1x8x2048xf32, #tpu.memory_space<hbm>>
    %dma_wait3A_667 = tpu.memref_squeeze %dma_wait3A_666 : memref<1x8x2048xf32, #tpu.memory_space<hbm>> -> memref<8x2048xf32, #tpu.memory_space<hbm>>
    %dma_wait3A_668 = arith.constant 0 : i32
    %dma_wait3A_669 = arith.constant 0 : i32
    %dma_wait3A_670 = tpu.memref_slice %arg4[%dma_wait3A_668, %dma_wait3A_669] : memref<8x3968xf32, #tpu.memory_space<vmem>> -> memref<8x2048xf32, #tpu.memory_space<vmem>>
    tpu.wait_dma2 semaphore(%arg7 : memref<!tpu.dma_semaphore, #tpu.memory_space<semaphore_mem>>) src(%dma_wait3A_670 : memref<8x2048xf32, #tpu.memory_space<vmem>>) dst(%dma_wait3A_667 : memref<8x2048xf32, #tpu.memory_space<hbm>>)
    %dma_wait3A_671 = arith.constant 0 : i32
    %dma_wait3A_672 = arith.constant 0 : i32
    %dma_wait3A_673 = arith.constant 0 : i32
    %dma_wait3A_674 = tpu.memref_slice %arg4[%dma_wait3A_672, %dma_wait3A_673] : memref<8x3968xf32, #tpu.memory_space<vmem>> -> memref<8x2048xf32, #tpu.memory_space<vmem>>
    %dma_wait3A_675 = arith.constant 0 : i32
    %dma_wait3A_676 = arith.constant 0 : i32
    %dma_wait3A_677 = tpu.memref_slice %arg3[%dma_wait3A_671, %dma_wait3A_675, %dma_wait3A_676] : memref<12x2048x2048xf32, #tpu.memory_space<hbm>> -> memref<1x8x2048xf32, #tpu.memory_space<hbm>>
    %dma_wait3A_678 = tpu.memref_squeeze %dma_wait3A_677 : memref<1x8x2048xf32, #tpu.memory_space<hbm>> -> memref<8x2048xf32, #tpu.memory_space<hbm>>
    %dma_wait3A_679 = arith.constant 0 : i32
    %dma_wait3A_680 = arith.constant 0 : i32
    %dma_wait3A_681 = tpu.memref_slice %arg3[%dma_wait3A_671, %dma_wait3A_679, %dma_wait3A_680] : memref<12x2048x2048xf32, #tpu.memory_space<hbm>> -> memref<1x8x2048xf32, #tpu.memory_space<hbm>>
    %dma_wait3A_682 = tpu.memref_squeeze %dma_wait3A_681 : memref<1x8x2048xf32, #tpu.memory_space<hbm>> -> memref<8x2048xf32, #tpu.memory_space<hbm>>
    %dma_wait3A_683 = arith.constant 0 : i32
    %dma_wait3A_684 = arith.constant 0 : i32
    %dma_wait3A_685 = tpu.memref_slice %arg4[%dma_wait3A_683, %dma_wait3A_684] : memref<8x3968xf32, #tpu.memory_space<vmem>> -> memref<8x2048xf32, #tpu.memory_space<vmem>>
    tpu.wait_dma2 semaphore(%arg7 : memref<!tpu.dma_semaphore, #tpu.memory_space<semaphore_mem>>) src(%dma_wait3A_685 : memref<8x2048xf32, #tpu.memory_space<vmem>>) dst(%dma_wait3A_682 : memref<8x2048xf32, #tpu.memory_space<hbm>>)
    %dma_wait3A_686 = arith.constant 0 : i32
    %dma_wait3A_687 = arith.constant 0 : i32
    %dma_wait3A_688 = arith.constant 0 : i32
    %dma_wait3A_689 = tpu.memref_slice %arg4[%dma_wait3A_687, %dma_wait3A_688] : memref<8x3968xf32, #tpu.memory_space<vmem>> -> memref<8x2048xf32, #tpu.memory_space<vmem>>
    %dma_wait3A_690 = arith.constant 0 : i32
    %dma_wait3A_691 = arith.constant 0 : i32
    %dma_wait3A_692 = tpu.memref_slice %arg3[%dma_wait3A_686, %dma_wait3A_690, %dma_wait3A_691] : memref<12x2048x2048xf32, #tpu.memory_space<hbm>> -> memref<1x8x2048xf32, #tpu.memory_space<hbm>>
    %dma_wait3A_693 = tpu.memref_squeeze %dma_wait3A_692 : memref<1x8x2048xf32, #tpu.memory_space<hbm>> -> memref<8x2048xf32, #tpu.memory_space<hbm>>
    %dma_wait3A_694 = arith.constant 0 : i32
    %dma_wait3A_695 = arith.constant 0 : i32
    %dma_wait3A_696 = tpu.memref_slice %arg3[%dma_wait3A_686, %dma_wait3A_694, %dma_wait3A_695] : memref<12x2048x2048xf32, #tpu.memory_space<hbm>> -> memref<1x8x2048xf32, #tpu.memory_space<hbm>>
    %dma_wait3A_697 = tpu.memref_squeeze %dma_wait3A_696 : memref<1x8x2048xf32, #tpu.memory_space<hbm>> -> memref<8x2048xf32, #tpu.memory_space<hbm>>
    %dma_wait3A_698 = arith.constant 0 : i32
    %dma_wait3A_699 = arith.constant 0 : i32
    %dma_wait3A_700 = tpu.memref_slice %arg4[%dma_wait3A_698, %dma_wait3A_699] : memref<8x3968xf32, #tpu.memory_space<vmem>> -> memref<8x2048xf32, #tpu.memory_space<vmem>>
    tpu.wait_dma2 semaphore(%arg7 : memref<!tpu.dma_semaphore, #tpu.memory_space<semaphore_mem>>) src(%dma_wait3A_700 : memref<8x2048xf32, #tpu.memory_space<vmem>>) dst(%dma_wait3A_697 : memref<8x2048xf32, #tpu.memory_space<hbm>>)
    %dma_wait3A_701 = arith.constant 0 : i32
    %dma_wait3A_702 = arith.constant 0 : i32
    %dma_wait3A_703 = arith.constant 0 : i32
    %dma_wait3A_704 = tpu.memref_slice %arg4[%dma_wait3A_702, %dma_wait3A_703] : memref<8x3968xf32, #tpu.memory_space<vmem>> -> memref<8x2048xf32, #tpu.memory_space<vmem>>
    %dma_wait3A_705 = arith.constant 0 : i32
    %dma_wait3A_706 = arith.constant 0 : i32
    %dma_wait3A_707 = tpu.memref_slice %arg3[%dma_wait3A_701, %dma_wait3A_705, %dma_wait3A_706] : memref<12x2048x2048xf32, #tpu.memory_space<hbm>> -> memref<1x8x2048xf32, #tpu.memory_space<hbm>>
    %dma_wait3A_708 = tpu.memref_squeeze %dma_wait3A_707 : memref<1x8x2048xf32, #tpu.memory_space<hbm>> -> memref<8x2048xf32, #tpu.memory_space<hbm>>
    %dma_wait3A_709 = arith.constant 0 : i32
    %dma_wait3A_710 = arith.constant 0 : i32
    %dma_wait3A_711 = tpu.memref_slice %arg3[%dma_wait3A_701, %dma_wait3A_709, %dma_wait3A_710] : memref<12x2048x2048xf32, #tpu.memory_space<hbm>> -> memref<1x8x2048xf32, #tpu.memory_space<hbm>>
    %dma_wait3A_712 = tpu.memref_squeeze %dma_wait3A_711 : memref<1x8x2048xf32, #tpu.memory_space<hbm>> -> memref<8x2048xf32, #tpu.memory_space<hbm>>
    %dma_wait3A_713 = arith.constant 0 : i32
    %dma_wait3A_714 = arith.constant 0 : i32
    %dma_wait3A_715 = tpu.memref_slice %arg4[%dma_wait3A_713, %dma_wait3A_714] : memref<8x3968xf32, #tpu.memory_space<vmem>> -> memref<8x2048xf32, #tpu.memory_space<vmem>>
    tpu.wait_dma2 semaphore(%arg7 : memref<!tpu.dma_semaphore, #tpu.memory_space<semaphore_mem>>) src(%dma_wait3A_715 : memref<8x2048xf32, #tpu.memory_space<vmem>>) dst(%dma_wait3A_712 : memref<8x2048xf32, #tpu.memory_space<hbm>>)
    %dma_wait3A_716 = arith.constant 0 : i32
    %dma_wait3A_717 = arith.constant 0 : i32
    %dma_wait3A_718 = arith.constant 0 : i32
    %dma_wait3A_719 = tpu.memref_slice %arg4[%dma_wait3A_717, %dma_wait3A_718] : memref<8x3968xf32, #tpu.memory_space<vmem>> -> memref<8x2048xf32, #tpu.memory_space<vmem>>
    %dma_wait3A_720 = arith.constant 0 : i32
    %dma_wait3A_721 = arith.constant 0 : i32
    %dma_wait3A_722 = tpu.memref_slice %arg3[%dma_wait3A_716, %dma_wait3A_720, %dma_wait3A_721] : memref<12x2048x2048xf32, #tpu.memory_space<hbm>> -> memref<1x8x2048xf32, #tpu.memory_space<hbm>>
    %dma_wait3A_723 = tpu.memref_squeeze %dma_wait3A_722 : memref<1x8x2048xf32, #tpu.memory_space<hbm>> -> memref<8x2048xf32, #tpu.memory_space<hbm>>
    %dma_wait3A_724 = arith.constant 0 : i32
    %dma_wait3A_725 = arith.constant 0 : i32
    %dma_wait3A_726 = tpu.memref_slice %arg3[%dma_wait3A_716, %dma_wait3A_724, %dma_wait3A_725] : memref<12x2048x2048xf32, #tpu.memory_space<hbm>> -> memref<1x8x2048xf32, #tpu.memory_space<hbm>>
    %dma_wait3A_727 = tpu.memref_squeeze %dma_wait3A_726 : memref<1x8x2048xf32, #tpu.memory_space<hbm>> -> memref<8x2048xf32, #tpu.memory_space<hbm>>
    %dma_wait3A_728 = arith.constant 0 : i32
    %dma_wait3A_729 = arith.constant 0 : i32
    %dma_wait3A_730 = tpu.memref_slice %arg4[%dma_wait3A_728, %dma_wait3A_729] : memref<8x3968xf32, #tpu.memory_space<vmem>> -> memref<8x2048xf32, #tpu.memory_space<vmem>>
    tpu.wait_dma2 semaphore(%arg7 : memref<!tpu.dma_semaphore, #tpu.memory_space<semaphore_mem>>) src(%dma_wait3A_730 : memref<8x2048xf32, #tpu.memory_space<vmem>>) dst(%dma_wait3A_727 : memref<8x2048xf32, #tpu.memory_space<hbm>>)
    %dma_wait3A_731 = arith.constant 0 : i32
    %dma_wait3A_732 = arith.constant 0 : i32
    %dma_wait3A_733 = arith.constant 0 : i32
    %dma_wait3A_734 = tpu.memref_slice %arg4[%dma_wait3A_732, %dma_wait3A_733] : memref<8x3968xf32, #tpu.memory_space<vmem>> -> memref<8x2048xf32, #tpu.memory_space<vmem>>
    %dma_wait3A_735 = arith.constant 0 : i32
    %dma_wait3A_736 = arith.constant 0 : i32
    %dma_wait3A_737 = tpu.memref_slice %arg3[%dma_wait3A_731, %dma_wait3A_735, %dma_wait3A_736] : memref<12x2048x2048xf32, #tpu.memory_space<hbm>> -> memref<1x8x2048xf32, #tpu.memory_space<hbm>>
    %dma_wait3A_738 = tpu.memref_squeeze %dma_wait3A_737 : memref<1x8x2048xf32, #tpu.memory_space<hbm>> -> memref<8x2048xf32, #tpu.memory_space<hbm>>
    %dma_wait3A_739 = arith.constant 0 : i32
    %dma_wait3A_740 = arith.constant 0 : i32
    %dma_wait3A_741 = tpu.memref_slice %arg3[%dma_wait3A_731, %dma_wait3A_739, %dma_wait3A_740] : memref<12x2048x2048xf32, #tpu.memory_space<hbm>> -> memref<1x8x2048xf32, #tpu.memory_space<hbm>>
    %dma_wait3A_742 = tpu.memref_squeeze %dma_wait3A_741 : memref<1x8x2048xf32, #tpu.memory_space<hbm>> -> memref<8x2048xf32, #tpu.memory_space<hbm>>
    %dma_wait3A_743 = arith.constant 0 : i32
    %dma_wait3A_744 = arith.constant 0 : i32
    %dma_wait3A_745 = tpu.memref_slice %arg4[%dma_wait3A_743, %dma_wait3A_744] : memref<8x3968xf32, #tpu.memory_space<vmem>> -> memref<8x2048xf32, #tpu.memory_space<vmem>>
    tpu.wait_dma2 semaphore(%arg7 : memref<!tpu.dma_semaphore, #tpu.memory_space<semaphore_mem>>) src(%dma_wait3A_745 : memref<8x2048xf32, #tpu.memory_space<vmem>>) dst(%dma_wait3A_742 : memref<8x2048xf32, #tpu.memory_space<hbm>>)
    %dma_wait3A_746 = arith.constant 0 : i32
    %dma_wait3A_747 = arith.constant 0 : i32
    %dma_wait3A_748 = arith.constant 0 : i32
    %dma_wait3A_749 = tpu.memref_slice %arg4[%dma_wait3A_747, %dma_wait3A_748] : memref<8x3968xf32, #tpu.memory_space<vmem>> -> memref<8x2048xf32, #tpu.memory_space<vmem>>
    %dma_wait3A_750 = arith.constant 0 : i32
    %dma_wait3A_751 = arith.constant 0 : i32
    %dma_wait3A_752 = tpu.memref_slice %arg3[%dma_wait3A_746, %dma_wait3A_750, %dma_wait3A_751] : memref<12x2048x2048xf32, #tpu.memory_space<hbm>> -> memref<1x8x2048xf32, #tpu.memory_space<hbm>>
    %dma_wait3A_753 = tpu.memref_squeeze %dma_wait3A_752 : memref<1x8x2048xf32, #tpu.memory_space<hbm>> -> memref<8x2048xf32, #tpu.memory_space<hbm>>
    %dma_wait3A_754 = arith.constant 0 : i32
    %dma_wait3A_755 = arith.constant 0 : i32
    %dma_wait3A_756 = tpu.memref_slice %arg3[%dma_wait3A_746, %dma_wait3A_754, %dma_wait3A_755] : memref<12x2048x2048xf32, #tpu.memory_space<hbm>> -> memref<1x8x2048xf32, #tpu.memory_space<hbm>>
    %dma_wait3A_757 = tpu.memref_squeeze %dma_wait3A_756 : memref<1x8x2048xf32, #tpu.memory_space<hbm>> -> memref<8x2048xf32, #tpu.memory_space<hbm>>
    %dma_wait3A_758 = arith.constant 0 : i32
    %dma_wait3A_759 = arith.constant 0 : i32
    %dma_wait3A_760 = tpu.memref_slice %arg4[%dma_wait3A_758, %dma_wait3A_759] : memref<8x3968xf32, #tpu.memory_space<vmem>> -> memref<8x2048xf32, #tpu.memory_space<vmem>>
    tpu.wait_dma2 semaphore(%arg7 : memref<!tpu.dma_semaphore, #tpu.memory_space<semaphore_mem>>) src(%dma_wait3A_760 : memref<8x2048xf32, #tpu.memory_space<vmem>>) dst(%dma_wait3A_757 : memref<8x2048xf32, #tpu.memory_space<hbm>>)
    %dma_wait3A_761 = arith.constant 0 : i32
    %dma_wait3A_762 = arith.constant 0 : i32
    %dma_wait3A_763 = arith.constant 0 : i32
    %dma_wait3A_764 = tpu.memref_slice %arg4[%dma_wait3A_762, %dma_wait3A_763] : memref<8x3968xf32, #tpu.memory_space<vmem>> -> memref<8x2048xf32, #tpu.memory_space<vmem>>
    %dma_wait3A_765 = arith.constant 0 : i32
    %dma_wait3A_766 = arith.constant 0 : i32
    %dma_wait3A_767 = tpu.memref_slice %arg3[%dma_wait3A_761, %dma_wait3A_765, %dma_wait3A_766] : memref<12x2048x2048xf32, #tpu.memory_space<hbm>> -> memref<1x8x2048xf32, #tpu.memory_space<hbm>>
    %dma_wait3A_768 = tpu.memref_squeeze %dma_wait3A_767 : memref<1x8x2048xf32, #tpu.memory_space<hbm>> -> memref<8x2048xf32, #tpu.memory_space<hbm>>
    %dma_wait3A_769 = arith.constant 0 : i32
    %dma_wait3A_770 = arith.constant 0 : i32
    %dma_wait3A_771 = tpu.memref_slice %arg3[%dma_wait3A_761, %dma_wait3A_769, %dma_wait3A_770] : memref<12x2048x2048xf32, #tpu.memory_space<hbm>> -> memref<1x8x2048xf32, #tpu.memory_space<hbm>>
    %dma_wait3A_772 = tpu.memref_squeeze %dma_wait3A_771 : memref<1x8x2048xf32, #tpu.memory_space<hbm>> -> memref<8x2048xf32, #tpu.memory_space<hbm>>
    %dma_wait3A_773 = arith.constant 0 : i32
    %dma_wait3A_774 = arith.constant 0 : i32
    %dma_wait3A_775 = tpu.memref_slice %arg4[%dma_wait3A_773, %dma_wait3A_774] : memref<8x3968xf32, #tpu.memory_space<vmem>> -> memref<8x2048xf32, #tpu.memory_space<vmem>>
    tpu.wait_dma2 semaphore(%arg7 : memref<!tpu.dma_semaphore, #tpu.memory_space<semaphore_mem>>) src(%dma_wait3A_775 : memref<8x2048xf32, #tpu.memory_space<vmem>>) dst(%dma_wait3A_772 : memref<8x2048xf32, #tpu.memory_space<hbm>>)
    %dma_wait3A_776 = arith.constant 0 : i32
    %dma_wait3A_777 = arith.constant 0 : i32
    %dma_wait3A_778 = arith.constant 0 : i32
    %dma_wait3A_779 = tpu.memref_slice %arg4[%dma_wait3A_777, %dma_wait3A_778] : memref<8x3968xf32, #tpu.memory_space<vmem>> -> memref<8x2048xf32, #tpu.memory_space<vmem>>
    %dma_wait3A_780 = arith.constant 0 : i32
    %dma_wait3A_781 = arith.constant 0 : i32
    %dma_wait3A_782 = tpu.memref_slice %arg3[%dma_wait3A_776, %dma_wait3A_780, %dma_wait3A_781] : memref<12x2048x2048xf32, #tpu.memory_space<hbm>> -> memref<1x8x2048xf32, #tpu.memory_space<hbm>>
    %dma_wait3A_783 = tpu.memref_squeeze %dma_wait3A_782 : memref<1x8x2048xf32, #tpu.memory_space<hbm>> -> memref<8x2048xf32, #tpu.memory_space<hbm>>
    %dma_wait3A_784 = arith.constant 0 : i32
    %dma_wait3A_785 = arith.constant 0 : i32
    %dma_wait3A_786 = tpu.memref_slice %arg3[%dma_wait3A_776, %dma_wait3A_784, %dma_wait3A_785] : memref<12x2048x2048xf32, #tpu.memory_space<hbm>> -> memref<1x8x2048xf32, #tpu.memory_space<hbm>>
    %dma_wait3A_787 = tpu.memref_squeeze %dma_wait3A_786 : memref<1x8x2048xf32, #tpu.memory_space<hbm>> -> memref<8x2048xf32, #tpu.memory_space<hbm>>
    %dma_wait3A_788 = arith.constant 0 : i32
    %dma_wait3A_789 = arith.constant 0 : i32
    %dma_wait3A_790 = tpu.memref_slice %arg4[%dma_wait3A_788, %dma_wait3A_789] : memref<8x3968xf32, #tpu.memory_space<vmem>> -> memref<8x2048xf32, #tpu.memory_space<vmem>>
    tpu.wait_dma2 semaphore(%arg7 : memref<!tpu.dma_semaphore, #tpu.memory_space<semaphore_mem>>) src(%dma_wait3A_790 : memref<8x2048xf32, #tpu.memory_space<vmem>>) dst(%dma_wait3A_787 : memref<8x2048xf32, #tpu.memory_space<hbm>>)
    %dma_wait3A_791 = arith.constant 0 : i32
    %dma_wait3A_792 = arith.constant 0 : i32
    %dma_wait3A_793 = arith.constant 0 : i32
    %dma_wait3A_794 = tpu.memref_slice %arg4[%dma_wait3A_792, %dma_wait3A_793] : memref<8x3968xf32, #tpu.memory_space<vmem>> -> memref<8x2048xf32, #tpu.memory_space<vmem>>
    %dma_wait3A_795 = arith.constant 0 : i32
    %dma_wait3A_796 = arith.constant 0 : i32
    %dma_wait3A_797 = tpu.memref_slice %arg3[%dma_wait3A_791, %dma_wait3A_795, %dma_wait3A_796] : memref<12x2048x2048xf32, #tpu.memory_space<hbm>> -> memref<1x8x2048xf32, #tpu.memory_space<hbm>>
    %dma_wait3A_798 = tpu.memref_squeeze %dma_wait3A_797 : memref<1x8x2048xf32, #tpu.memory_space<hbm>> -> memref<8x2048xf32, #tpu.memory_space<hbm>>
    %dma_wait3A_799 = arith.constant 0 : i32
    %dma_wait3A_800 = arith.constant 0 : i32
    %dma_wait3A_801 = tpu.memref_slice %arg3[%dma_wait3A_791, %dma_wait3A_799, %dma_wait3A_800] : memref<12x2048x2048xf32, #tpu.memory_space<hbm>> -> memref<1x8x2048xf32, #tpu.memory_space<hbm>>
    %dma_wait3A_802 = tpu.memref_squeeze %dma_wait3A_801 : memref<1x8x2048xf32, #tpu.memory_space<hbm>> -> memref<8x2048xf32, #tpu.memory_space<hbm>>
    %dma_wait3A_803 = arith.constant 0 : i32
    %dma_wait3A_804 = arith.constant 0 : i32
    %dma_wait3A_805 = tpu.memref_slice %arg4[%dma_wait3A_803, %dma_wait3A_804] : memref<8x3968xf32, #tpu.memory_space<vmem>> -> memref<8x2048xf32, #tpu.memory_space<vmem>>
    tpu.wait_dma2 semaphore(%arg7 : memref<!tpu.dma_semaphore, #tpu.memory_space<semaphore_mem>>) src(%dma_wait3A_805 : memref<8x2048xf32, #tpu.memory_space<vmem>>) dst(%dma_wait3A_802 : memref<8x2048xf32, #tpu.memory_space<hbm>>)
    %dma_wait3A_806 = arith.constant 0 : i32
    %dma_wait3A_807 = arith.constant 0 : i32
    %dma_wait3A_808 = arith.constant 0 : i32
    %dma_wait3A_809 = tpu.memref_slice %arg4[%dma_wait3A_807, %dma_wait3A_808] : memref<8x3968xf32, #tpu.memory_space<vmem>> -> memref<8x2048xf32, #tpu.memory_space<vmem>>
    %dma_wait3A_810 = arith.constant 0 : i32
    %dma_wait3A_811 = arith.constant 0 : i32
    %dma_wait3A_812 = tpu.memref_slice %arg3[%dma_wait3A_806, %dma_wait3A_810, %dma_wait3A_811] : memref<12x2048x2048xf32, #tpu.memory_space<hbm>> -> memref<1x8x2048xf32, #tpu.memory_space<hbm>>
    %dma_wait3A_813 = tpu.memref_squeeze %dma_wait3A_812 : memref<1x8x2048xf32, #tpu.memory_space<hbm>> -> memref<8x2048xf32, #tpu.memory_space<hbm>>
    %dma_wait3A_814 = arith.constant 0 : i32
    %dma_wait3A_815 = arith.constant 0 : i32
    %dma_wait3A_816 = tpu.memref_slice %arg3[%dma_wait3A_806, %dma_wait3A_814, %dma_wait3A_815] : memref<12x2048x2048xf32, #tpu.memory_space<hbm>> -> memref<1x8x2048xf32, #tpu.memory_space<hbm>>
    %dma_wait3A_817 = tpu.memref_squeeze %dma_wait3A_816 : memref<1x8x2048xf32, #tpu.memory_space<hbm>> -> memref<8x2048xf32, #tpu.memory_space<hbm>>
    %dma_wait3A_818 = arith.constant 0 : i32
    %dma_wait3A_819 = arith.constant 0 : i32
    %dma_wait3A_820 = tpu.memref_slice %arg4[%dma_wait3A_818, %dma_wait3A_819] : memref<8x3968xf32, #tpu.memory_space<vmem>> -> memref<8x2048xf32, #tpu.memory_space<vmem>>
    tpu.wait_dma2 semaphore(%arg7 : memref<!tpu.dma_semaphore, #tpu.memory_space<semaphore_mem>>) src(%dma_wait3A_820 : memref<8x2048xf32, #tpu.memory_space<vmem>>) dst(%dma_wait3A_817 : memref<8x2048xf32, #tpu.memory_space<hbm>>)
    %dma_wait3A_821 = arith.constant 0 : i32
    %dma_wait3A_822 = arith.constant 0 : i32
    %dma_wait3A_823 = arith.constant 0 : i32
    %dma_wait3A_824 = tpu.memref_slice %arg4[%dma_wait3A_822, %dma_wait3A_823] : memref<8x3968xf32, #tpu.memory_space<vmem>> -> memref<8x2048xf32, #tpu.memory_space<vmem>>
    %dma_wait3A_825 = arith.constant 0 : i32
    %dma_wait3A_826 = arith.constant 0 : i32
    %dma_wait3A_827 = tpu.memref_slice %arg3[%dma_wait3A_821, %dma_wait3A_825, %dma_wait3A_826] : memref<12x2048x2048xf32, #tpu.memory_space<hbm>> -> memref<1x8x2048xf32, #tpu.memory_space<hbm>>
    %dma_wait3A_828 = tpu.memref_squeeze %dma_wait3A_827 : memref<1x8x2048xf32, #tpu.memory_space<hbm>> -> memref<8x2048xf32, #tpu.memory_space<hbm>>
    %dma_wait3A_829 = arith.constant 0 : i32
    %dma_wait3A_830 = arith.constant 0 : i32
    %dma_wait3A_831 = tpu.memref_slice %arg3[%dma_wait3A_821, %dma_wait3A_829, %dma_wait3A_830] : memref<12x2048x2048xf32, #tpu.memory_space<hbm>> -> memref<1x8x2048xf32, #tpu.memory_space<hbm>>
    %dma_wait3A_832 = tpu.memref_squeeze %dma_wait3A_831 : memref<1x8x2048xf32, #tpu.memory_space<hbm>> -> memref<8x2048xf32, #tpu.memory_space<hbm>>
    %dma_wait3A_833 = arith.constant 0 : i32
    %dma_wait3A_834 = arith.constant 0 : i32
    %dma_wait3A_835 = tpu.memref_slice %arg4[%dma_wait3A_833, %dma_wait3A_834] : memref<8x3968xf32, #tpu.memory_space<vmem>> -> memref<8x2048xf32, #tpu.memory_space<vmem>>
    tpu.wait_dma2 semaphore(%arg7 : memref<!tpu.dma_semaphore, #tpu.memory_space<semaphore_mem>>) src(%dma_wait3A_835 : memref<8x2048xf32, #tpu.memory_space<vmem>>) dst(%dma_wait3A_832 : memref<8x2048xf32, #tpu.memory_space<hbm>>)
    %dma_wait3A_836 = arith.constant 0 : i32
    %dma_wait3A_837 = arith.constant 0 : i32
    %dma_wait3A_838 = arith.constant 0 : i32
    %dma_wait3A_839 = tpu.memref_slice %arg4[%dma_wait3A_837, %dma_wait3A_838] : memref<8x3968xf32, #tpu.memory_space<vmem>> -> memref<8x2048xf32, #tpu.memory_space<vmem>>
    %dma_wait3A_840 = arith.constant 0 : i32
    %dma_wait3A_841 = arith.constant 0 : i32
    %dma_wait3A_842 = tpu.memref_slice %arg3[%dma_wait3A_836, %dma_wait3A_840, %dma_wait3A_841] : memref<12x2048x2048xf32, #tpu.memory_space<hbm>> -> memref<1x8x2048xf32, #tpu.memory_space<hbm>>
    %dma_wait3A_843 = tpu.memref_squeeze %dma_wait3A_842 : memref<1x8x2048xf32, #tpu.memory_space<hbm>> -> memref<8x2048xf32, #tpu.memory_space<hbm>>
    %dma_wait3A_844 = arith.constant 0 : i32
    %dma_wait3A_845 = arith.constant 0 : i32
    %dma_wait3A_846 = tpu.memref_slice %arg3[%dma_wait3A_836, %dma_wait3A_844, %dma_wait3A_845] : memref<12x2048x2048xf32, #tpu.memory_space<hbm>> -> memref<1x8x2048xf32, #tpu.memory_space<hbm>>
    %dma_wait3A_847 = tpu.memref_squeeze %dma_wait3A_846 : memref<1x8x2048xf32, #tpu.memory_space<hbm>> -> memref<8x2048xf32, #tpu.memory_space<hbm>>
    %dma_wait3A_848 = arith.constant 0 : i32
    %dma_wait3A_849 = arith.constant 0 : i32
    %dma_wait3A_850 = tpu.memref_slice %arg4[%dma_wait3A_848, %dma_wait3A_849] : memref<8x3968xf32, #tpu.memory_space<vmem>> -> memref<8x2048xf32, #tpu.memory_space<vmem>>
    tpu.wait_dma2 semaphore(%arg7 : memref<!tpu.dma_semaphore, #tpu.memory_space<semaphore_mem>>) src(%dma_wait3A_850 : memref<8x2048xf32, #tpu.memory_space<vmem>>) dst(%dma_wait3A_847 : memref<8x2048xf32, #tpu.memory_space<hbm>>)
    %dma_wait3A_851 = arith.constant 0 : i32
    %dma_wait3A_852 = arith.constant 0 : i32
    %dma_wait3A_853 = arith.constant 0 : i32
    %dma_wait3A_854 = tpu.memref_slice %arg4[%dma_wait3A_852, %dma_wait3A_853] : memref<8x3968xf32, #tpu.memory_space<vmem>> -> memref<8x2048xf32, #tpu.memory_space<vmem>>
    %dma_wait3A_855 = arith.constant 0 : i32
    %dma_wait3A_856 = arith.constant 0 : i32
    %dma_wait3A_857 = tpu.memref_slice %arg3[%dma_wait3A_851, %dma_wait3A_855, %dma_wait3A_856] : memref<12x2048x2048xf32, #tpu.memory_space<hbm>> -> memref<1x8x2048xf32, #tpu.memory_space<hbm>>
    %dma_wait3A_858 = tpu.memref_squeeze %dma_wait3A_857 : memref<1x8x2048xf32, #tpu.memory_space<hbm>> -> memref<8x2048xf32, #tpu.memory_space<hbm>>
    %dma_wait3A_859 = arith.constant 0 : i32
    %dma_wait3A_860 = arith.constant 0 : i32
    %dma_wait3A_861 = tpu.memref_slice %arg3[%dma_wait3A_851, %dma_wait3A_859, %dma_wait3A_860] : memref<12x2048x2048xf32, #tpu.memory_space<hbm>> -> memref<1x8x2048xf32, #tpu.memory_space<hbm>>
    %dma_wait3A_862 = tpu.memref_squeeze %dma_wait3A_861 : memref<1x8x2048xf32, #tpu.memory_space<hbm>> -> memref<8x2048xf32, #tpu.memory_space<hbm>>
    %dma_wait3A_863 = arith.constant 0 : i32
    %dma_wait3A_864 = arith.constant 0 : i32
    %dma_wait3A_865 = tpu.memref_slice %arg4[%dma_wait3A_863, %dma_wait3A_864] : memref<8x3968xf32, #tpu.memory_space<vmem>> -> memref<8x2048xf32, #tpu.memory_space<vmem>>
    tpu.wait_dma2 semaphore(%arg7 : memref<!tpu.dma_semaphore, #tpu.memory_space<semaphore_mem>>) src(%dma_wait3A_865 : memref<8x2048xf32, #tpu.memory_space<vmem>>) dst(%dma_wait3A_862 : memref<8x2048xf32, #tpu.memory_space<hbm>>)
    %dma_wait3A_866 = arith.constant 0 : i32
    %dma_wait3A_867 = arith.constant 0 : i32
    %dma_wait3A_868 = arith.constant 0 : i32
    %dma_wait3A_869 = tpu.memref_slice %arg4[%dma_wait3A_867, %dma_wait3A_868] : memref<8x3968xf32, #tpu.memory_space<vmem>> -> memref<8x2048xf32, #tpu.memory_space<vmem>>
    %dma_wait3A_870 = arith.constant 0 : i32
    %dma_wait3A_871 = arith.constant 0 : i32
    %dma_wait3A_872 = tpu.memref_slice %arg3[%dma_wait3A_866, %dma_wait3A_870, %dma_wait3A_871] : memref<12x2048x2048xf32, #tpu.memory_space<hbm>> -> memref<1x8x2048xf32, #tpu.memory_space<hbm>>
    %dma_wait3A_873 = tpu.memref_squeeze %dma_wait3A_872 : memref<1x8x2048xf32, #tpu.memory_space<hbm>> -> memref<8x2048xf32, #tpu.memory_space<hbm>>
    %dma_wait3A_874 = arith.constant 0 : i32
    %dma_wait3A_875 = arith.constant 0 : i32
    %dma_wait3A_876 = tpu.memref_slice %arg3[%dma_wait3A_866, %dma_wait3A_874, %dma_wait3A_875] : memref<12x2048x2048xf32, #tpu.memory_space<hbm>> -> memref<1x8x2048xf32, #tpu.memory_space<hbm>>
    %dma_wait3A_877 = tpu.memref_squeeze %dma_wait3A_876 : memref<1x8x2048xf32, #tpu.memory_space<hbm>> -> memref<8x2048xf32, #tpu.memory_space<hbm>>
    %dma_wait3A_878 = arith.constant 0 : i32
    %dma_wait3A_879 = arith.constant 0 : i32
    %dma_wait3A_880 = tpu.memref_slice %arg4[%dma_wait3A_878, %dma_wait3A_879] : memref<8x3968xf32, #tpu.memory_space<vmem>> -> memref<8x2048xf32, #tpu.memory_space<vmem>>
    tpu.wait_dma2 semaphore(%arg7 : memref<!tpu.dma_semaphore, #tpu.memory_space<semaphore_mem>>) src(%dma_wait3A_880 : memref<8x2048xf32, #tpu.memory_space<vmem>>) dst(%dma_wait3A_877 : memref<8x2048xf32, #tpu.memory_space<hbm>>)
    %add3A_881 = arith.constant 6 : i32
    %add3A_882 = arith.addi %select_n3A, %add3A_881 : i32
    %dma_start3A_883 = arith.constant 0 : i32
    %dma_start3A_884 = arith.constant 0 : i32
    %dma_start3A_885 = tpu.memref_slice %arg4[%dma_start3A_883, %dma_start3A_884] : memref<8x3968xf32, #tpu.memory_space<vmem>> -> memref<8x2048xf32, #tpu.memory_space<vmem>>
    %dma_start3A_886 = arith.constant 0 : i32
    %dma_start3A_887 = tpu.memref_slice %arg2[%add3A_882, %multiple_of3A, %dma_start3A_886] : memref<12x128x2048xf32, #tpu.memory_space<hbm>> -> memref<1x8x2048xf32, #tpu.memory_space<hbm>>
    %dma_start3A_888 = tpu.memref_squeeze %dma_start3A_887 : memref<1x8x2048xf32, #tpu.memory_space<hbm>> -> memref<8x2048xf32, #tpu.memory_space<hbm>>
    %dma_start3A_889 = arith.constant 0 : i32
    %dma_start3A_890 = arith.constant 0 : i32
    %dma_start3A_891 = tpu.memref_slice %arg4[%dma_start3A_889, %dma_start3A_890] : memref<8x3968xf32, #tpu.memory_space<vmem>> -> memref<8x2048xf32, #tpu.memory_space<vmem>>
    %dma_start3A_892 = arith.constant 0 : i32
    %dma_start3A_893 = tpu.memref_slice %arg2[%add3A_882, %multiple_of3A, %dma_start3A_892] : memref<12x128x2048xf32, #tpu.memory_space<hbm>> -> memref<1x8x2048xf32, #tpu.memory_space<hbm>>
    %dma_start3A_894 = tpu.memref_squeeze %dma_start3A_893 : memref<1x8x2048xf32, #tpu.memory_space<hbm>> -> memref<8x2048xf32, #tpu.memory_space<hbm>>
    tpu.enqueue_dma source(%dma_start3A_894 : memref<8x2048xf32, #tpu.memory_space<hbm>>) target(%dma_start3A_891 : memref<8x2048xf32, #tpu.memory_space<vmem>>) target_semaphore(%arg7 : memref<!tpu.dma_semaphore, #tpu.memory_space<semaphore_mem>>)
    %dma_start3A_895 = arith.constant 0 : i32
    %dma_start3A_896 = arith.constant 2048 : i32
    %dma_start3A_897 = tpu.memref_slice %arg4[%dma_start3A_895, %dma_start3A_896] : memref<8x3968xf32, #tpu.memory_space<vmem>> -> memref<8x1920xf32, #tpu.memory_space<vmem>>
    %dma_start3A_898 = arith.constant 0 : i32
    %dma_start3A_899 = tpu.memref_slice %arg2[%add3A_882, %multiple_of3A, %dma_start3A_898] : memref<12x128x2048xf32, #tpu.memory_space<hbm>> -> memref<1x8x1920xf32, #tpu.memory_space<hbm>>
    %dma_start3A_900 = tpu.memref_squeeze %dma_start3A_899 : memref<1x8x1920xf32, #tpu.memory_space<hbm>> -> memref<8x1920xf32, #tpu.memory_space<hbm>>
    %dma_start3A_901 = arith.constant 0 : i32
    %dma_start3A_902 = arith.constant 2048 : i32
    %dma_start3A_903 = tpu.memref_slice %arg4[%dma_start3A_901, %dma_start3A_902] : memref<8x3968xf32, #tpu.memory_space<vmem>> -> memref<8x1920xf32, #tpu.memory_space<vmem>>
    %dma_start3A_904 = arith.constant 0 : i32
    %dma_start3A_905 = tpu.memref_slice %arg2[%add3A_882, %multiple_of3A, %dma_start3A_904] : memref<12x128x2048xf32, #tpu.memory_space<hbm>> -> memref<1x8x1920xf32, #tpu.memory_space<hbm>>
    %dma_start3A_906 = tpu.memref_squeeze %dma_start3A_905 : memref<1x8x1920xf32, #tpu.memory_space<hbm>> -> memref<8x1920xf32, #tpu.memory_space<hbm>>
    tpu.enqueue_dma source(%dma_start3A_906 : memref<8x1920xf32, #tpu.memory_space<hbm>>) target(%dma_start3A_903 : memref<8x1920xf32, #tpu.memory_space<vmem>>) target_semaphore(%arg7 : memref<!tpu.dma_semaphore, #tpu.memory_space<semaphore_mem>>)
    %dma_wait3A_907 = arith.constant 0 : i32
    %dma_wait3A_908 = arith.constant 0 : i32
    %dma_wait3A_909 = arith.constant 0 : i32
    %dma_wait3A_910 = tpu.memref_slice %arg6[%dma_wait3A_908, %dma_wait3A_909] : memref<8x3968xf32, #tpu.memory_space<vmem>> -> memref<8x2048xf32, #tpu.memory_space<vmem>>
    %dma_wait3A_911 = arith.constant 0 : i32
    %dma_wait3A_912 = arith.constant 0 : i32
    %dma_wait3A_913 = tpu.memref_slice %arg2[%dma_wait3A_907, %dma_wait3A_911, %dma_wait3A_912] : memref<12x128x2048xf32, #tpu.memory_space<hbm>> -> memref<1x8x2048xf32, #tpu.memory_space<hbm>>
    %dma_wait3A_914 = tpu.memref_squeeze %dma_wait3A_913 : memref<1x8x2048xf32, #tpu.memory_space<hbm>> -> memref<8x2048xf32, #tpu.memory_space<hbm>>
    %dma_wait3A_915 = arith.constant 0 : i32
    %dma_wait3A_916 = arith.constant 0 : i32
    %dma_wait3A_917 = tpu.memref_slice %arg6[%dma_wait3A_915, %dma_wait3A_916] : memref<8x3968xf32, #tpu.memory_space<vmem>> -> memref<8x2048xf32, #tpu.memory_space<vmem>>
    %dma_wait3A_918 = arith.constant 0 : i32
    %dma_wait3A_919 = arith.constant 0 : i32
    %dma_wait3A_920 = tpu.memref_slice %arg2[%dma_wait3A_907, %dma_wait3A_918, %dma_wait3A_919] : memref<12x128x2048xf32, #tpu.memory_space<hbm>> -> memref<1x8x2048xf32, #tpu.memory_space<hbm>>
    %dma_wait3A_921 = tpu.memref_squeeze %dma_wait3A_920 : memref<1x8x2048xf32, #tpu.memory_space<hbm>> -> memref<8x2048xf32, #tpu.memory_space<hbm>>
    tpu.wait_dma2 semaphore(%arg9 : memref<!tpu.dma_semaphore, #tpu.memory_space<semaphore_mem>>) src(%dma_wait3A_921 : memref<8x2048xf32, #tpu.memory_space<hbm>>) dst(%dma_wait3A_917 : memref<8x2048xf32, #tpu.memory_space<vmem>>)
    %dma_wait3A_922 = arith.constant 0 : i32
    %dma_wait3A_923 = arith.constant 0 : i32
    %dma_wait3A_924 = arith.constant 2048 : i32
    %dma_wait3A_925 = tpu.memref_slice %arg6[%dma_wait3A_923, %dma_wait3A_924] : memref<8x3968xf32, #tpu.memory_space<vmem>> -> memref<8x1920xf32, #tpu.memory_space<vmem>>
    %dma_wait3A_926 = arith.constant 0 : i32
    %dma_wait3A_927 = arith.constant 0 : i32
    %dma_wait3A_928 = tpu.memref_slice %arg2[%dma_wait3A_922, %dma_wait3A_926, %dma_wait3A_927] : memref<12x128x2048xf32, #tpu.memory_space<hbm>> -> memref<1x8x1920xf32, #tpu.memory_space<hbm>>
    %dma_wait3A_929 = tpu.memref_squeeze %dma_wait3A_928 : memref<1x8x1920xf32, #tpu.memory_space<hbm>> -> memref<8x1920xf32, #tpu.memory_space<hbm>>
    %dma_wait3A_930 = arith.constant 0 : i32
    %dma_wait3A_931 = arith.constant 2048 : i32
    %dma_wait3A_932 = tpu.memref_slice %arg6[%dma_wait3A_930, %dma_wait3A_931] : memref<8x3968xf32, #tpu.memory_space<vmem>> -> memref<8x1920xf32, #tpu.memory_space<vmem>>
    %dma_wait3A_933 = arith.constant 0 : i32
    %dma_wait3A_934 = arith.constant 0 : i32
    %dma_wait3A_935 = tpu.memref_slice %arg2[%dma_wait3A_922, %dma_wait3A_933, %dma_wait3A_934] : memref<12x128x2048xf32, #tpu.memory_space<hbm>> -> memref<1x8x1920xf32, #tpu.memory_space<hbm>>
    %dma_wait3A_936 = tpu.memref_squeeze %dma_wait3A_935 : memref<1x8x1920xf32, #tpu.memory_space<hbm>> -> memref<8x1920xf32, #tpu.memory_space<hbm>>
    tpu.wait_dma2 semaphore(%arg9 : memref<!tpu.dma_semaphore, #tpu.memory_space<semaphore_mem>>) src(%dma_wait3A_936 : memref<8x1920xf32, #tpu.memory_space<hbm>>) dst(%dma_wait3A_932 : memref<8x1920xf32, #tpu.memory_space<vmem>>)
    %add3A_937 = arith.constant 4 : i32
    %add3A_938 = arith.addi %select_n3A, %add3A_937 : i32
    %add3A_939 = arith.constant 0 : i32
    %add3A_940 = arith.addi %add3A_939, %multiple_of3A : i32
    %multiple_of3A_941 = tpu.assume_multiple %add3A_940, 8 : i32
    %dma_start3A_942 = arith.constant 0 : i32
    %dma_start3A_943 = arith.constant 1920 : i32
    %dma_start3A_944 = tpu.memref_slice %arg6[%dma_start3A_942, %dma_start3A_943] : memref<8x3968xf32, #tpu.memory_space<vmem>> -> memref<8x2048xf32, #tpu.memory_space<vmem>>
    %dma_start3A_945 = arith.constant 0 : i32
    %dma_start3A_946 = tpu.memref_slice %arg3[%add3A_938, %multiple_of3A_941, %dma_start3A_945] : memref<12x2048x2048xf32, #tpu.memory_space<hbm>> -> memref<1x8x2048xf32, #tpu.memory_space<hbm>>
    %dma_start3A_947 = tpu.memref_squeeze %dma_start3A_946 : memref<1x8x2048xf32, #tpu.memory_space<hbm>> -> memref<8x2048xf32, #tpu.memory_space<hbm>>
    %dma_start3A_948 = arith.constant 0 : i32
    %dma_start3A_949 = tpu.memref_slice %arg3[%add3A_938, %multiple_of3A_941, %dma_start3A_948] : memref<12x2048x2048xf32, #tpu.memory_space<hbm>> -> memref<1x8x2048xf32, #tpu.memory_space<hbm>>
    %dma_start3A_950 = tpu.memref_squeeze %dma_start3A_949 : memref<1x8x2048xf32, #tpu.memory_space<hbm>> -> memref<8x2048xf32, #tpu.memory_space<hbm>>
    %dma_start3A_951 = arith.constant 0 : i32
    %dma_start3A_952 = arith.constant 1920 : i32
    %dma_start3A_953 = tpu.memref_slice %arg6[%dma_start3A_951, %dma_start3A_952] : memref<8x3968xf32, #tpu.memory_space<vmem>> -> memref<8x2048xf32, #tpu.memory_space<vmem>>
    tpu.enqueue_dma source(%dma_start3A_953 : memref<8x2048xf32, #tpu.memory_space<vmem>>) target(%dma_start3A_950 : memref<8x2048xf32, #tpu.memory_space<hbm>>) target_semaphore(%arg9 : memref<!tpu.dma_semaphore, #tpu.memory_space<semaphore_mem>>)
    %add3A_954 = arith.constant 128 : i32
    %add3A_955 = arith.addi %add3A_954, %multiple_of3A : i32
    %multiple_of3A_956 = tpu.assume_multiple %add3A_955, 8 : i32
    %dma_start3A_957 = arith.constant 0 : i32
    %dma_start3A_958 = arith.constant 1792 : i32
    %dma_start3A_959 = tpu.memref_slice %arg6[%dma_start3A_957, %dma_start3A_958] : memref<8x3968xf32, #tpu.memory_space<vmem>> -> memref<8x2048xf32, #tpu.memory_space<vmem>>
    %dma_start3A_960 = arith.constant 0 : i32
    %dma_start3A_961 = tpu.memref_slice %arg3[%add3A_938, %multiple_of3A_956, %dma_start3A_960] : memref<12x2048x2048xf32, #tpu.memory_space<hbm>> -> memref<1x8x2048xf32, #tpu.memory_space<hbm>>
    %dma_start3A_962 = tpu.memref_squeeze %dma_start3A_961 : memref<1x8x2048xf32, #tpu.memory_space<hbm>> -> memref<8x2048xf32, #tpu.memory_space<hbm>>
    %dma_start3A_963 = arith.constant 0 : i32
    %dma_start3A_964 = tpu.memref_slice %arg3[%add3A_938, %multiple_of3A_956, %dma_start3A_963] : memref<12x2048x2048xf32, #tpu.memory_space<hbm>> -> memref<1x8x2048xf32, #tpu.memory_space<hbm>>
    %dma_start3A_965 = tpu.memref_squeeze %dma_start3A_964 : memref<1x8x2048xf32, #tpu.memory_space<hbm>> -> memref<8x2048xf32, #tpu.memory_space<hbm>>
    %dma_start3A_966 = arith.constant 0 : i32
    %dma_start3A_967 = arith.constant 1792 : i32
    %dma_start3A_968 = tpu.memref_slice %arg6[%dma_start3A_966, %dma_start3A_967] : memref<8x3968xf32, #tpu.memory_space<vmem>> -> memref<8x2048xf32, #tpu.memory_space<vmem>>
    tpu.enqueue_dma source(%dma_start3A_968 : memref<8x2048xf32, #tpu.memory_space<vmem>>) target(%dma_start3A_965 : memref<8x2048xf32, #tpu.memory_space<hbm>>) target_semaphore(%arg9 : memref<!tpu.dma_semaphore, #tpu.memory_space<semaphore_mem>>)
    %add3A_969 = arith.constant 256 : i32
    %add3A_970 = arith.addi %add3A_969, %multiple_of3A : i32
    %multiple_of3A_971 = tpu.assume_multiple %add3A_970, 8 : i32
    %dma_start3A_972 = arith.constant 0 : i32
    %dma_start3A_973 = arith.constant 1664 : i32
    %dma_start3A_974 = tpu.memref_slice %arg6[%dma_start3A_972, %dma_start3A_973] : memref<8x3968xf32, #tpu.memory_space<vmem>> -> memref<8x2048xf32, #tpu.memory_space<vmem>>
    %dma_start3A_975 = arith.constant 0 : i32
    %dma_start3A_976 = tpu.memref_slice %arg3[%add3A_938, %multiple_of3A_971, %dma_start3A_975] : memref<12x2048x2048xf32, #tpu.memory_space<hbm>> -> memref<1x8x2048xf32, #tpu.memory_space<hbm>>
    %dma_start3A_977 = tpu.memref_squeeze %dma_start3A_976 : memref<1x8x2048xf32, #tpu.memory_space<hbm>> -> memref<8x2048xf32, #tpu.memory_space<hbm>>
    %dma_start3A_978 = arith.constant 0 : i32
    %dma_start3A_979 = tpu.memref_slice %arg3[%add3A_938, %multiple_of3A_971, %dma_start3A_978] : memref<12x2048x2048xf32, #tpu.memory_space<hbm>> -> memref<1x8x2048xf32, #tpu.memory_space<hbm>>
    %dma_start3A_980 = tpu.memref_squeeze %dma_start3A_979 : memref<1x8x2048xf32, #tpu.memory_space<hbm>> -> memref<8x2048xf32, #tpu.memory_space<hbm>>
    %dma_start3A_981 = arith.constant 0 : i32
    %dma_start3A_982 = arith.constant 1664 : i32
    %dma_start3A_983 = tpu.memref_slice %arg6[%dma_start3A_981, %dma_start3A_982] : memref<8x3968xf32, #tpu.memory_space<vmem>> -> memref<8x2048xf32, #tpu.memory_space<vmem>>
    tpu.enqueue_dma source(%dma_start3A_983 : memref<8x2048xf32, #tpu.memory_space<vmem>>) target(%dma_start3A_980 : memref<8x2048xf32, #tpu.memory_space<hbm>>) target_semaphore(%arg9 : memref<!tpu.dma_semaphore, #tpu.memory_space<semaphore_mem>>)
    %add3A_984 = arith.constant 384 : i32
    %add3A_985 = arith.addi %add3A_984, %multiple_of3A : i32
    %multiple_of3A_986 = tpu.assume_multiple %add3A_985, 8 : i32
    %dma_start3A_987 = arith.constant 0 : i32
    %dma_start3A_988 = arith.constant 1536 : i32
    %dma_start3A_989 = tpu.memref_slice %arg6[%dma_start3A_987, %dma_start3A_988] : memref<8x3968xf32, #tpu.memory_space<vmem>> -> memref<8x2048xf32, #tpu.memory_space<vmem>>
    %dma_start3A_990 = arith.constant 0 : i32
    %dma_start3A_991 = tpu.memref_slice %arg3[%add3A_938, %multiple_of3A_986, %dma_start3A_990] : memref<12x2048x2048xf32, #tpu.memory_space<hbm>> -> memref<1x8x2048xf32, #tpu.memory_space<hbm>>
    %dma_start3A_992 = tpu.memref_squeeze %dma_start3A_991 : memref<1x8x2048xf32, #tpu.memory_space<hbm>> -> memref<8x2048xf32, #tpu.memory_space<hbm>>
    %dma_start3A_993 = arith.constant 0 : i32
    %dma_start3A_994 = tpu.memref_slice %arg3[%add3A_938, %multiple_of3A_986, %dma_start3A_993] : memref<12x2048x2048xf32, #tpu.memory_space<hbm>> -> memref<1x8x2048xf32, #tpu.memory_space<hbm>>
    %dma_start3A_995 = tpu.memref_squeeze %dma_start3A_994 : memref<1x8x2048xf32, #tpu.memory_space<hbm>> -> memref<8x2048xf32, #tpu.memory_space<hbm>>
    %dma_start3A_996 = arith.constant 0 : i32
    %dma_start3A_997 = arith.constant 1536 : i32
    %dma_start3A_998 = tpu.memref_slice %arg6[%dma_start3A_996, %dma_start3A_997] : memref<8x3968xf32, #tpu.memory_space<vmem>> -> memref<8x2048xf32, #tpu.memory_space<vmem>>
    tpu.enqueue_dma source(%dma_start3A_998 : memref<8x2048xf32, #tpu.memory_space<vmem>>) target(%dma_start3A_995 : memref<8x2048xf32, #tpu.memory_space<hbm>>) target_semaphore(%arg9 : memref<!tpu.dma_semaphore, #tpu.memory_space<semaphore_mem>>)
    %add3A_999 = arith.constant 512 : i32
    %add3A_1000 = arith.addi %add3A_999, %multiple_of3A : i32
    %multiple_of3A_1001 = tpu.assume_multiple %add3A_1000, 8 : i32
    %dma_start3A_1002 = arith.constant 0 : i32
    %dma_start3A_1003 = arith.constant 1408 : i32
    %dma_start3A_1004 = tpu.memref_slice %arg6[%dma_start3A_1002, %dma_start3A_1003] : memref<8x3968xf32, #tpu.memory_space<vmem>> -> memref<8x2048xf32, #tpu.memory_space<vmem>>
    %dma_start3A_1005 = arith.constant 0 : i32
    %dma_start3A_1006 = tpu.memref_slice %arg3[%add3A_938, %multiple_of3A_1001, %dma_start3A_1005] : memref<12x2048x2048xf32, #tpu.memory_space<hbm>> -> memref<1x8x2048xf32, #tpu.memory_space<hbm>>
    %dma_start3A_1007 = tpu.memref_squeeze %dma_start3A_1006 : memref<1x8x2048xf32, #tpu.memory_space<hbm>> -> memref<8x2048xf32, #tpu.memory_space<hbm>>
    %dma_start3A_1008 = arith.constant 0 : i32
    %dma_start3A_1009 = tpu.memref_slice %arg3[%add3A_938, %multiple_of3A_1001, %dma_start3A_1008] : memref<12x2048x2048xf32, #tpu.memory_space<hbm>> -> memref<1x8x2048xf32, #tpu.memory_space<hbm>>
    %dma_start3A_1010 = tpu.memref_squeeze %dma_start3A_1009 : memref<1x8x2048xf32, #tpu.memory_space<hbm>> -> memref<8x2048xf32, #tpu.memory_space<hbm>>
    %dma_start3A_1011 = arith.constant 0 : i32
    %dma_start3A_1012 = arith.constant 1408 : i32
    %dma_start3A_1013 = tpu.memref_slice %arg6[%dma_start3A_1011, %dma_start3A_1012] : memref<8x3968xf32, #tpu.memory_space<vmem>> -> memref<8x2048xf32, #tpu.memory_space<vmem>>
    tpu.enqueue_dma source(%dma_start3A_1013 : memref<8x2048xf32, #tpu.memory_space<vmem>>) target(%dma_start3A_1010 : memref<8x2048xf32, #tpu.memory_space<hbm>>) target_semaphore(%arg9 : memref<!tpu.dma_semaphore, #tpu.memory_space<semaphore_mem>>)
    %add3A_1014 = arith.constant 640 : i32
    %add3A_1015 = arith.addi %add3A_1014, %multiple_of3A : i32
    %multiple_of3A_1016 = tpu.assume_multiple %add3A_1015, 8 : i32
    %dma_start3A_1017 = arith.constant 0 : i32
    %dma_start3A_1018 = arith.constant 1280 : i32
    %dma_start3A_1019 = tpu.memref_slice %arg6[%dma_start3A_1017, %dma_start3A_1018] : memref<8x3968xf32, #tpu.memory_space<vmem>> -> memref<8x2048xf32, #tpu.memory_space<vmem>>
    %dma_start3A_1020 = arith.constant 0 : i32
    %dma_start3A_1021 = tpu.memref_slice %arg3[%add3A_938, %multiple_of3A_1016, %dma_start3A_1020] : memref<12x2048x2048xf32, #tpu.memory_space<hbm>> -> memref<1x8x2048xf32, #tpu.memory_space<hbm>>
    %dma_start3A_1022 = tpu.memref_squeeze %dma_start3A_1021 : memref<1x8x2048xf32, #tpu.memory_space<hbm>> -> memref<8x2048xf32, #tpu.memory_space<hbm>>
    %dma_start3A_1023 = arith.constant 0 : i32
    %dma_start3A_1024 = tpu.memref_slice %arg3[%add3A_938, %multiple_of3A_1016, %dma_start3A_1023] : memref<12x2048x2048xf32, #tpu.memory_space<hbm>> -> memref<1x8x2048xf32, #tpu.memory_space<hbm>>
    %dma_start3A_1025 = tpu.memref_squeeze %dma_start3A_1024 : memref<1x8x2048xf32, #tpu.memory_space<hbm>> -> memref<8x2048xf32, #tpu.memory_space<hbm>>
    %dma_start3A_1026 = arith.constant 0 : i32
    %dma_start3A_1027 = arith.constant 1280 : i32
    %dma_start3A_1028 = tpu.memref_slice %arg6[%dma_start3A_1026, %dma_start3A_1027] : memref<8x3968xf32, #tpu.memory_space<vmem>> -> memref<8x2048xf32, #tpu.memory_space<vmem>>
    tpu.enqueue_dma source(%dma_start3A_1028 : memref<8x2048xf32, #tpu.memory_space<vmem>>) target(%dma_start3A_1025 : memref<8x2048xf32, #tpu.memory_space<hbm>>) target_semaphore(%arg9 : memref<!tpu.dma_semaphore, #tpu.memory_space<semaphore_mem>>)
    %add3A_1029 = arith.constant 768 : i32
    %add3A_1030 = arith.addi %add3A_1029, %multiple_of3A : i32
    %multiple_of3A_1031 = tpu.assume_multiple %add3A_1030, 8 : i32
    %dma_start3A_1032 = arith.constant 0 : i32
    %dma_start3A_1033 = arith.constant 1152 : i32
    %dma_start3A_1034 = tpu.memref_slice %arg6[%dma_start3A_1032, %dma_start3A_1033] : memref<8x3968xf32, #tpu.memory_space<vmem>> -> memref<8x2048xf32, #tpu.memory_space<vmem>>
    %dma_start3A_1035 = arith.constant 0 : i32
    %dma_start3A_1036 = tpu.memref_slice %arg3[%add3A_938, %multiple_of3A_1031, %dma_start3A_1035] : memref<12x2048x2048xf32, #tpu.memory_space<hbm>> -> memref<1x8x2048xf32, #tpu.memory_space<hbm>>
    %dma_start3A_1037 = tpu.memref_squeeze %dma_start3A_1036 : memref<1x8x2048xf32, #tpu.memory_space<hbm>> -> memref<8x2048xf32, #tpu.memory_space<hbm>>
    %dma_start3A_1038 = arith.constant 0 : i32
    %dma_start3A_1039 = tpu.memref_slice %arg3[%add3A_938, %multiple_of3A_1031, %dma_start3A_1038] : memref<12x2048x2048xf32, #tpu.memory_space<hbm>> -> memref<1x8x2048xf32, #tpu.memory_space<hbm>>
    %dma_start3A_1040 = tpu.memref_squeeze %dma_start3A_1039 : memref<1x8x2048xf32, #tpu.memory_space<hbm>> -> memref<8x2048xf32, #tpu.memory_space<hbm>>
    %dma_start3A_1041 = arith.constant 0 : i32
    %dma_start3A_1042 = arith.constant 1152 : i32
    %dma_start3A_1043 = tpu.memref_slice %arg6[%dma_start3A_1041, %dma_start3A_1042] : memref<8x3968xf32, #tpu.memory_space<vmem>> -> memref<8x2048xf32, #tpu.memory_space<vmem>>
    tpu.enqueue_dma source(%dma_start3A_1043 : memref<8x2048xf32, #tpu.memory_space<vmem>>) target(%dma_start3A_1040 : memref<8x2048xf32, #tpu.memory_space<hbm>>) target_semaphore(%arg9 : memref<!tpu.dma_semaphore, #tpu.memory_space<semaphore_mem>>)
    %add3A_1044 = arith.constant 896 : i32
    %add3A_1045 = arith.addi %add3A_1044, %multiple_of3A : i32
    %multiple_of3A_1046 = tpu.assume_multiple %add3A_1045, 8 : i32
    %dma_start3A_1047 = arith.constant 0 : i32
    %dma_start3A_1048 = arith.constant 1024 : i32
    %dma_start3A_1049 = tpu.memref_slice %arg6[%dma_start3A_1047, %dma_start3A_1048] : memref<8x3968xf32, #tpu.memory_space<vmem>> -> memref<8x2048xf32, #tpu.memory_space<vmem>>
    %dma_start3A_1050 = arith.constant 0 : i32
    %dma_start3A_1051 = tpu.memref_slice %arg3[%add3A_938, %multiple_of3A_1046, %dma_start3A_1050] : memref<12x2048x2048xf32, #tpu.memory_space<hbm>> -> memref<1x8x2048xf32, #tpu.memory_space<hbm>>
    %dma_start3A_1052 = tpu.memref_squeeze %dma_start3A_1051 : memref<1x8x2048xf32, #tpu.memory_space<hbm>> -> memref<8x2048xf32, #tpu.memory_space<hbm>>
    %dma_start3A_1053 = arith.constant 0 : i32
    %dma_start3A_1054 = tpu.memref_slice %arg3[%add3A_938, %multiple_of3A_1046, %dma_start3A_1053] : memref<12x2048x2048xf32, #tpu.memory_space<hbm>> -> memref<1x8x2048xf32, #tpu.memory_space<hbm>>
    %dma_start3A_1055 = tpu.memref_squeeze %dma_start3A_1054 : memref<1x8x2048xf32, #tpu.memory_space<hbm>> -> memref<8x2048xf32, #tpu.memory_space<hbm>>
    %dma_start3A_1056 = arith.constant 0 : i32
    %dma_start3A_1057 = arith.constant 1024 : i32
    %dma_start3A_1058 = tpu.memref_slice %arg6[%dma_start3A_1056, %dma_start3A_1057] : memref<8x3968xf32, #tpu.memory_space<vmem>> -> memref<8x2048xf32, #tpu.memory_space<vmem>>
    tpu.enqueue_dma source(%dma_start3A_1058 : memref<8x2048xf32, #tpu.memory_space<vmem>>) target(%dma_start3A_1055 : memref<8x2048xf32, #tpu.memory_space<hbm>>) target_semaphore(%arg9 : memref<!tpu.dma_semaphore, #tpu.memory_space<semaphore_mem>>)
    %add3A_1059 = arith.constant 1024 : i32
    %add3A_1060 = arith.addi %add3A_1059, %multiple_of3A : i32
    %multiple_of3A_1061 = tpu.assume_multiple %add3A_1060, 8 : i32
    %dma_start3A_1062 = arith.constant 0 : i32
    %dma_start3A_1063 = arith.constant 896 : i32
    %dma_start3A_1064 = tpu.memref_slice %arg6[%dma_start3A_1062, %dma_start3A_1063] : memref<8x3968xf32, #tpu.memory_space<vmem>> -> memref<8x2048xf32, #tpu.memory_space<vmem>>
    %dma_start3A_1065 = arith.constant 0 : i32
    %dma_start3A_1066 = tpu.memref_slice %arg3[%add3A_938, %multiple_of3A_1061, %dma_start3A_1065] : memref<12x2048x2048xf32, #tpu.memory_space<hbm>> -> memref<1x8x2048xf32, #tpu.memory_space<hbm>>
    %dma_start3A_1067 = tpu.memref_squeeze %dma_start3A_1066 : memref<1x8x2048xf32, #tpu.memory_space<hbm>> -> memref<8x2048xf32, #tpu.memory_space<hbm>>
    %dma_start3A_1068 = arith.constant 0 : i32
    %dma_start3A_1069 = tpu.memref_slice %arg3[%add3A_938, %multiple_of3A_1061, %dma_start3A_1068] : memref<12x2048x2048xf32, #tpu.memory_space<hbm>> -> memref<1x8x2048xf32, #tpu.memory_space<hbm>>
    %dma_start3A_1070 = tpu.memref_squeeze %dma_start3A_1069 : memref<1x8x2048xf32, #tpu.memory_space<hbm>> -> memref<8x2048xf32, #tpu.memory_space<hbm>>
    %dma_start3A_1071 = arith.constant 0 : i32
    %dma_start3A_1072 = arith.constant 896 : i32
    %dma_start3A_1073 = tpu.memref_slice %arg6[%dma_start3A_1071, %dma_start3A_1072] : memref<8x3968xf32, #tpu.memory_space<vmem>> -> memref<8x2048xf32, #tpu.memory_space<vmem>>
    tpu.enqueue_dma source(%dma_start3A_1073 : memref<8x2048xf32, #tpu.memory_space<vmem>>) target(%dma_start3A_1070 : memref<8x2048xf32, #tpu.memory_space<hbm>>) target_semaphore(%arg9 : memref<!tpu.dma_semaphore, #tpu.memory_space<semaphore_mem>>)
    %add3A_1074 = arith.constant 1152 : i32
    %add3A_1075 = arith.addi %add3A_1074, %multiple_of3A : i32
    %multiple_of3A_1076 = tpu.assume_multiple %add3A_1075, 8 : i32
    %dma_start3A_1077 = arith.constant 0 : i32
    %dma_start3A_1078 = arith.constant 768 : i32
    %dma_start3A_1079 = tpu.memref_slice %arg6[%dma_start3A_1077, %dma_start3A_1078] : memref<8x3968xf32, #tpu.memory_space<vmem>> -> memref<8x2048xf32, #tpu.memory_space<vmem>>
    %dma_start3A_1080 = arith.constant 0 : i32
    %dma_start3A_1081 = tpu.memref_slice %arg3[%add3A_938, %multiple_of3A_1076, %dma_start3A_1080] : memref<12x2048x2048xf32, #tpu.memory_space<hbm>> -> memref<1x8x2048xf32, #tpu.memory_space<hbm>>
    %dma_start3A_1082 = tpu.memref_squeeze %dma_start3A_1081 : memref<1x8x2048xf32, #tpu.memory_space<hbm>> -> memref<8x2048xf32, #tpu.memory_space<hbm>>
    %dma_start3A_1083 = arith.constant 0 : i32
    %dma_start3A_1084 = tpu.memref_slice %arg3[%add3A_938, %multiple_of3A_1076, %dma_start3A_1083] : memref<12x2048x2048xf32, #tpu.memory_space<hbm>> -> memref<1x8x2048xf32, #tpu.memory_space<hbm>>
    %dma_start3A_1085 = tpu.memref_squeeze %dma_start3A_1084 : memref<1x8x2048xf32, #tpu.memory_space<hbm>> -> memref<8x2048xf32, #tpu.memory_space<hbm>>
    %dma_start3A_1086 = arith.constant 0 : i32
    %dma_start3A_1087 = arith.constant 768 : i32
    %dma_start3A_1088 = tpu.memref_slice %arg6[%dma_start3A_1086, %dma_start3A_1087] : memref<8x3968xf32, #tpu.memory_space<vmem>> -> memref<8x2048xf32, #tpu.memory_space<vmem>>
    tpu.enqueue_dma source(%dma_start3A_1088 : memref<8x2048xf32, #tpu.memory_space<vmem>>) target(%dma_start3A_1085 : memref<8x2048xf32, #tpu.memory_space<hbm>>) target_semaphore(%arg9 : memref<!tpu.dma_semaphore, #tpu.memory_space<semaphore_mem>>)
    %add3A_1089 = arith.constant 1280 : i32
    %add3A_1090 = arith.addi %add3A_1089, %multiple_of3A : i32
    %multiple_of3A_1091 = tpu.assume_multiple %add3A_1090, 8 : i32
    %dma_start3A_1092 = arith.constant 0 : i32
    %dma_start3A_1093 = arith.constant 640 : i32
    %dma_start3A_1094 = tpu.memref_slice %arg6[%dma_start3A_1092, %dma_start3A_1093] : memref<8x3968xf32, #tpu.memory_space<vmem>> -> memref<8x2048xf32, #tpu.memory_space<vmem>>
    %dma_start3A_1095 = arith.constant 0 : i32
    %dma_start3A_1096 = tpu.memref_slice %arg3[%add3A_938, %multiple_of3A_1091, %dma_start3A_1095] : memref<12x2048x2048xf32, #tpu.memory_space<hbm>> -> memref<1x8x2048xf32, #tpu.memory_space<hbm>>
    %dma_start3A_1097 = tpu.memref_squeeze %dma_start3A_1096 : memref<1x8x2048xf32, #tpu.memory_space<hbm>> -> memref<8x2048xf32, #tpu.memory_space<hbm>>
    %dma_start3A_1098 = arith.constant 0 : i32
    %dma_start3A_1099 = tpu.memref_slice %arg3[%add3A_938, %multiple_of3A_1091, %dma_start3A_1098] : memref<12x2048x2048xf32, #tpu.memory_space<hbm>> -> memref<1x8x2048xf32, #tpu.memory_space<hbm>>
    %dma_start3A_1100 = tpu.memref_squeeze %dma_start3A_1099 : memref<1x8x2048xf32, #tpu.memory_space<hbm>> -> memref<8x2048xf32, #tpu.memory_space<hbm>>
    %dma_start3A_1101 = arith.constant 0 : i32
    %dma_start3A_1102 = arith.constant 640 : i32
    %dma_start3A_1103 = tpu.memref_slice %arg6[%dma_start3A_1101, %dma_start3A_1102] : memref<8x3968xf32, #tpu.memory_space<vmem>> -> memref<8x2048xf32, #tpu.memory_space<vmem>>
    tpu.enqueue_dma source(%dma_start3A_1103 : memref<8x2048xf32, #tpu.memory_space<vmem>>) target(%dma_start3A_1100 : memref<8x2048xf32, #tpu.memory_space<hbm>>) target_semaphore(%arg9 : memref<!tpu.dma_semaphore, #tpu.memory_space<semaphore_mem>>)
    %add3A_1104 = arith.constant 1408 : i32
    %add3A_1105 = arith.addi %add3A_1104, %multiple_of3A : i32
    %multiple_of3A_1106 = tpu.assume_multiple %add3A_1105, 8 : i32
    %dma_start3A_1107 = arith.constant 0 : i32
    %dma_start3A_1108 = arith.constant 512 : i32
    %dma_start3A_1109 = tpu.memref_slice %arg6[%dma_start3A_1107, %dma_start3A_1108] : memref<8x3968xf32, #tpu.memory_space<vmem>> -> memref<8x2048xf32, #tpu.memory_space<vmem>>
    %dma_start3A_1110 = arith.constant 0 : i32
    %dma_start3A_1111 = tpu.memref_slice %arg3[%add3A_938, %multiple_of3A_1106, %dma_start3A_1110] : memref<12x2048x2048xf32, #tpu.memory_space<hbm>> -> memref<1x8x2048xf32, #tpu.memory_space<hbm>>
    %dma_start3A_1112 = tpu.memref_squeeze %dma_start3A_1111 : memref<1x8x2048xf32, #tpu.memory_space<hbm>> -> memref<8x2048xf32, #tpu.memory_space<hbm>>
    %dma_start3A_1113 = arith.constant 0 : i32
    %dma_start3A_1114 = tpu.memref_slice %arg3[%add3A_938, %multiple_of3A_1106, %dma_start3A_1113] : memref<12x2048x2048xf32, #tpu.memory_space<hbm>> -> memref<1x8x2048xf32, #tpu.memory_space<hbm>>
    %dma_start3A_1115 = tpu.memref_squeeze %dma_start3A_1114 : memref<1x8x2048xf32, #tpu.memory_space<hbm>> -> memref<8x2048xf32, #tpu.memory_space<hbm>>
    %dma_start3A_1116 = arith.constant 0 : i32
    %dma_start3A_1117 = arith.constant 512 : i32
    %dma_start3A_1118 = tpu.memref_slice %arg6[%dma_start3A_1116, %dma_start3A_1117] : memref<8x3968xf32, #tpu.memory_space<vmem>> -> memref<8x2048xf32, #tpu.memory_space<vmem>>
    tpu.enqueue_dma source(%dma_start3A_1118 : memref<8x2048xf32, #tpu.memory_space<vmem>>) target(%dma_start3A_1115 : memref<8x2048xf32, #tpu.memory_space<hbm>>) target_semaphore(%arg9 : memref<!tpu.dma_semaphore, #tpu.memory_space<semaphore_mem>>)
    %add3A_1119 = arith.constant 1536 : i32
    %add3A_1120 = arith.addi %add3A_1119, %multiple_of3A : i32
    %multiple_of3A_1121 = tpu.assume_multiple %add3A_1120, 8 : i32
    %dma_start3A_1122 = arith.constant 0 : i32
    %dma_start3A_1123 = arith.constant 384 : i32
    %dma_start3A_1124 = tpu.memref_slice %arg6[%dma_start3A_1122, %dma_start3A_1123] : memref<8x3968xf32, #tpu.memory_space<vmem>> -> memref<8x2048xf32, #tpu.memory_space<vmem>>
    %dma_start3A_1125 = arith.constant 0 : i32
    %dma_start3A_1126 = tpu.memref_slice %arg3[%add3A_938, %multiple_of3A_1121, %dma_start3A_1125] : memref<12x2048x2048xf32, #tpu.memory_space<hbm>> -> memref<1x8x2048xf32, #tpu.memory_space<hbm>>
    %dma_start3A_1127 = tpu.memref_squeeze %dma_start3A_1126 : memref<1x8x2048xf32, #tpu.memory_space<hbm>> -> memref<8x2048xf32, #tpu.memory_space<hbm>>
    %dma_start3A_1128 = arith.constant 0 : i32
    %dma_start3A_1129 = tpu.memref_slice %arg3[%add3A_938, %multiple_of3A_1121, %dma_start3A_1128] : memref<12x2048x2048xf32, #tpu.memory_space<hbm>> -> memref<1x8x2048xf32, #tpu.memory_space<hbm>>
    %dma_start3A_1130 = tpu.memref_squeeze %dma_start3A_1129 : memref<1x8x2048xf32, #tpu.memory_space<hbm>> -> memref<8x2048xf32, #tpu.memory_space<hbm>>
    %dma_start3A_1131 = arith.constant 0 : i32
    %dma_start3A_1132 = arith.constant 384 : i32
    %dma_start3A_1133 = tpu.memref_slice %arg6[%dma_start3A_1131, %dma_start3A_1132] : memref<8x3968xf32, #tpu.memory_space<vmem>> -> memref<8x2048xf32, #tpu.memory_space<vmem>>
    tpu.enqueue_dma source(%dma_start3A_1133 : memref<8x2048xf32, #tpu.memory_space<vmem>>) target(%dma_start3A_1130 : memref<8x2048xf32, #tpu.memory_space<hbm>>) target_semaphore(%arg9 : memref<!tpu.dma_semaphore, #tpu.memory_space<semaphore_mem>>)
    %add3A_1134 = arith.constant 1664 : i32
    %add3A_1135 = arith.addi %add3A_1134, %multiple_of3A : i32
    %multiple_of3A_1136 = tpu.assume_multiple %add3A_1135, 8 : i32
    %dma_start3A_1137 = arith.constant 0 : i32
    %dma_start3A_1138 = arith.constant 256 : i32
    %dma_start3A_1139 = tpu.memref_slice %arg6[%dma_start3A_1137, %dma_start3A_1138] : memref<8x3968xf32, #tpu.memory_space<vmem>> -> memref<8x2048xf32, #tpu.memory_space<vmem>>
    %dma_start3A_1140 = arith.constant 0 : i32
    %dma_start3A_1141 = tpu.memref_slice %arg3[%add3A_938, %multiple_of3A_1136, %dma_start3A_1140] : memref<12x2048x2048xf32, #tpu.memory_space<hbm>> -> memref<1x8x2048xf32, #tpu.memory_space<hbm>>
    %dma_start3A_1142 = tpu.memref_squeeze %dma_start3A_1141 : memref<1x8x2048xf32, #tpu.memory_space<hbm>> -> memref<8x2048xf32, #tpu.memory_space<hbm>>
    %dma_start3A_1143 = arith.constant 0 : i32
    %dma_start3A_1144 = tpu.memref_slice %arg3[%add3A_938, %multiple_of3A_1136, %dma_start3A_1143] : memref<12x2048x2048xf32, #tpu.memory_space<hbm>> -> memref<1x8x2048xf32, #tpu.memory_space<hbm>>
    %dma_start3A_1145 = tpu.memref_squeeze %dma_start3A_1144 : memref<1x8x2048xf32, #tpu.memory_space<hbm>> -> memref<8x2048xf32, #tpu.memory_space<hbm>>
    %dma_start3A_1146 = arith.constant 0 : i32
    %dma_start3A_1147 = arith.constant 256 : i32
    %dma_start3A_1148 = tpu.memref_slice %arg6[%dma_start3A_1146, %dma_start3A_1147] : memref<8x3968xf32, #tpu.memory_space<vmem>> -> memref<8x2048xf32, #tpu.memory_space<vmem>>
    tpu.enqueue_dma source(%dma_start3A_1148 : memref<8x2048xf32, #tpu.memory_space<vmem>>) target(%dma_start3A_1145 : memref<8x2048xf32, #tpu.memory_space<hbm>>) target_semaphore(%arg9 : memref<!tpu.dma_semaphore, #tpu.memory_space<semaphore_mem>>)
    %add3A_1149 = arith.constant 1792 : i32
    %add3A_1150 = arith.addi %add3A_1149, %multiple_of3A : i32
    %multiple_of3A_1151 = tpu.assume_multiple %add3A_1150, 8 : i32
    %dma_start3A_1152 = arith.constant 0 : i32
    %dma_start3A_1153 = arith.constant 128 : i32
    %dma_start3A_1154 = tpu.memref_slice %arg6[%dma_start3A_1152, %dma_start3A_1153] : memref<8x3968xf32, #tpu.memory_space<vmem>> -> memref<8x2048xf32, #tpu.memory_space<vmem>>
    %dma_start3A_1155 = arith.constant 0 : i32
    %dma_start3A_1156 = tpu.memref_slice %arg3[%add3A_938, %multiple_of3A_1151, %dma_start3A_1155] : memref<12x2048x2048xf32, #tpu.memory_space<hbm>> -> memref<1x8x2048xf32, #tpu.memory_space<hbm>>
    %dma_start3A_1157 = tpu.memref_squeeze %dma_start3A_1156 : memref<1x8x2048xf32, #tpu.memory_space<hbm>> -> memref<8x2048xf32, #tpu.memory_space<hbm>>
    %dma_start3A_1158 = arith.constant 0 : i32
    %dma_start3A_1159 = tpu.memref_slice %arg3[%add3A_938, %multiple_of3A_1151, %dma_start3A_1158] : memref<12x2048x2048xf32, #tpu.memory_space<hbm>> -> memref<1x8x2048xf32, #tpu.memory_space<hbm>>
    %dma_start3A_1160 = tpu.memref_squeeze %dma_start3A_1159 : memref<1x8x2048xf32, #tpu.memory_space<hbm>> -> memref<8x2048xf32, #tpu.memory_space<hbm>>
    %dma_start3A_1161 = arith.constant 0 : i32
    %dma_start3A_1162 = arith.constant 128 : i32
    %dma_start3A_1163 = tpu.memref_slice %arg6[%dma_start3A_1161, %dma_start3A_1162] : memref<8x3968xf32, #tpu.memory_space<vmem>> -> memref<8x2048xf32, #tpu.memory_space<vmem>>
    tpu.enqueue_dma source(%dma_start3A_1163 : memref<8x2048xf32, #tpu.memory_space<vmem>>) target(%dma_start3A_1160 : memref<8x2048xf32, #tpu.memory_space<hbm>>) target_semaphore(%arg9 : memref<!tpu.dma_semaphore, #tpu.memory_space<semaphore_mem>>)
    %add3A_1164 = arith.constant 1920 : i32
    %add3A_1165 = arith.addi %add3A_1164, %multiple_of3A : i32
    %multiple_of3A_1166 = tpu.assume_multiple %add3A_1165, 8 : i32
    %dma_start3A_1167 = arith.constant 0 : i32
    %dma_start3A_1168 = arith.constant 0 : i32
    %dma_start3A_1169 = tpu.memref_slice %arg6[%dma_start3A_1167, %dma_start3A_1168] : memref<8x3968xf32, #tpu.memory_space<vmem>> -> memref<8x2048xf32, #tpu.memory_space<vmem>>
    %dma_start3A_1170 = arith.constant 0 : i32
    %dma_start3A_1171 = tpu.memref_slice %arg3[%add3A_938, %multiple_of3A_1166, %dma_start3A_1170] : memref<12x2048x2048xf32, #tpu.memory_space<hbm>> -> memref<1x8x2048xf32, #tpu.memory_space<hbm>>
    %dma_start3A_1172 = tpu.memref_squeeze %dma_start3A_1171 : memref<1x8x2048xf32, #tpu.memory_space<hbm>> -> memref<8x2048xf32, #tpu.memory_space<hbm>>
    %dma_start3A_1173 = arith.constant 0 : i32
    %dma_start3A_1174 = tpu.memref_slice %arg3[%add3A_938, %multiple_of3A_1166, %dma_start3A_1173] : memref<12x2048x2048xf32, #tpu.memory_space<hbm>> -> memref<1x8x2048xf32, #tpu.memory_space<hbm>>
    %dma_start3A_1175 = tpu.memref_squeeze %dma_start3A_1174 : memref<1x8x2048xf32, #tpu.memory_space<hbm>> -> memref<8x2048xf32, #tpu.memory_space<hbm>>
    %dma_start3A_1176 = arith.constant 0 : i32
    %dma_start3A_1177 = arith.constant 0 : i32
    %dma_start3A_1178 = tpu.memref_slice %arg6[%dma_start3A_1176, %dma_start3A_1177] : memref<8x3968xf32, #tpu.memory_space<vmem>> -> memref<8x2048xf32, #tpu.memory_space<vmem>>
    tpu.enqueue_dma source(%dma_start3A_1178 : memref<8x2048xf32, #tpu.memory_space<vmem>>) target(%dma_start3A_1175 : memref<8x2048xf32, #tpu.memory_space<hbm>>) target_semaphore(%arg9 : memref<!tpu.dma_semaphore, #tpu.memory_space<semaphore_mem>>)
    %dma_wait3A_1179 = arith.constant 0 : i32
    %dma_wait3A_1180 = arith.constant 0 : i32
    %dma_wait3A_1181 = arith.constant 0 : i32
    %dma_wait3A_1182 = tpu.memref_slice %arg5[%dma_wait3A_1180, %dma_wait3A_1181] : memref<8x3968xf32, #tpu.memory_space<vmem>> -> memref<8x2048xf32, #tpu.memory_space<vmem>>
    %dma_wait3A_1183 = arith.constant 0 : i32
    %dma_wait3A_1184 = arith.constant 0 : i32
    %dma_wait3A_1185 = tpu.memref_slice %arg3[%dma_wait3A_1179, %dma_wait3A_1183, %dma_wait3A_1184] : memref<12x2048x2048xf32, #tpu.memory_space<hbm>> -> memref<1x8x2048xf32, #tpu.memory_space<hbm>>
    %dma_wait3A_1186 = tpu.memref_squeeze %dma_wait3A_1185 : memref<1x8x2048xf32, #tpu.memory_space<hbm>> -> memref<8x2048xf32, #tpu.memory_space<hbm>>
    %dma_wait3A_1187 = arith.constant 0 : i32
    %dma_wait3A_1188 = arith.constant 0 : i32
    %dma_wait3A_1189 = tpu.memref_slice %arg3[%dma_wait3A_1179, %dma_wait3A_1187, %dma_wait3A_1188] : memref<12x2048x2048xf32, #tpu.memory_space<hbm>> -> memref<1x8x2048xf32, #tpu.memory_space<hbm>>
    %dma_wait3A_1190 = tpu.memref_squeeze %dma_wait3A_1189 : memref<1x8x2048xf32, #tpu.memory_space<hbm>> -> memref<8x2048xf32, #tpu.memory_space<hbm>>
    %dma_wait3A_1191 = arith.constant 0 : i32
    %dma_wait3A_1192 = arith.constant 0 : i32
    %dma_wait3A_1193 = tpu.memref_slice %arg5[%dma_wait3A_1191, %dma_wait3A_1192] : memref<8x3968xf32, #tpu.memory_space<vmem>> -> memref<8x2048xf32, #tpu.memory_space<vmem>>
    tpu.wait_dma2 semaphore(%arg8 : memref<!tpu.dma_semaphore, #tpu.memory_space<semaphore_mem>>) src(%dma_wait3A_1193 : memref<8x2048xf32, #tpu.memory_space<vmem>>) dst(%dma_wait3A_1190 : memref<8x2048xf32, #tpu.memory_space<hbm>>)
    %dma_wait3A_1194 = arith.constant 0 : i32
    %dma_wait3A_1195 = arith.constant 0 : i32
    %dma_wait3A_1196 = arith.constant 0 : i32
    %dma_wait3A_1197 = tpu.memref_slice %arg5[%dma_wait3A_1195, %dma_wait3A_1196] : memref<8x3968xf32, #tpu.memory_space<vmem>> -> memref<8x2048xf32, #tpu.memory_space<vmem>>
    %dma_wait3A_1198 = arith.constant 0 : i32
    %dma_wait3A_1199 = arith.constant 0 : i32
    %dma_wait3A_1200 = tpu.memref_slice %arg3[%dma_wait3A_1194, %dma_wait3A_1198, %dma_wait3A_1199] : memref<12x2048x2048xf32, #tpu.memory_space<hbm>> -> memref<1x8x2048xf32, #tpu.memory_space<hbm>>
    %dma_wait3A_1201 = tpu.memref_squeeze %dma_wait3A_1200 : memref<1x8x2048xf32, #tpu.memory_space<hbm>> -> memref<8x2048xf32, #tpu.memory_space<hbm>>
    %dma_wait3A_1202 = arith.constant 0 : i32
    %dma_wait3A_1203 = arith.constant 0 : i32
    %dma_wait3A_1204 = tpu.memref_slice %arg3[%dma_wait3A_1194, %dma_wait3A_1202, %dma_wait3A_1203] : memref<12x2048x2048xf32, #tpu.memory_space<hbm>> -> memref<1x8x2048xf32, #tpu.memory_space<hbm>>
    %dma_wait3A_1205 = tpu.memref_squeeze %dma_wait3A_1204 : memref<1x8x2048xf32, #tpu.memory_space<hbm>> -> memref<8x2048xf32, #tpu.memory_space<hbm>>
    %dma_wait3A_1206 = arith.constant 0 : i32
    %dma_wait3A_1207 = arith.constant 0 : i32
    %dma_wait3A_1208 = tpu.memref_slice %arg5[%dma_wait3A_1206, %dma_wait3A_1207] : memref<8x3968xf32, #tpu.memory_space<vmem>> -> memref<8x2048xf32, #tpu.memory_space<vmem>>
    tpu.wait_dma2 semaphore(%arg8 : memref<!tpu.dma_semaphore, #tpu.memory_space<semaphore_mem>>) src(%dma_wait3A_1208 : memref<8x2048xf32, #tpu.memory_space<vmem>>) dst(%dma_wait3A_1205 : memref<8x2048xf32, #tpu.memory_space<hbm>>)
    %dma_wait3A_1209 = arith.constant 0 : i32
    %dma_wait3A_1210 = arith.constant 0 : i32
    %dma_wait3A_1211 = arith.constant 0 : i32
    %dma_wait3A_1212 = tpu.memref_slice %arg5[%dma_wait3A_1210, %dma_wait3A_1211] : memref<8x3968xf32, #tpu.memory_space<vmem>> -> memref<8x2048xf32, #tpu.memory_space<vmem>>
    %dma_wait3A_1213 = arith.constant 0 : i32
    %dma_wait3A_1214 = arith.constant 0 : i32
    %dma_wait3A_1215 = tpu.memref_slice %arg3[%dma_wait3A_1209, %dma_wait3A_1213, %dma_wait3A_1214] : memref<12x2048x2048xf32, #tpu.memory_space<hbm>> -> memref<1x8x2048xf32, #tpu.memory_space<hbm>>
    %dma_wait3A_1216 = tpu.memref_squeeze %dma_wait3A_1215 : memref<1x8x2048xf32, #tpu.memory_space<hbm>> -> memref<8x2048xf32, #tpu.memory_space<hbm>>
    %dma_wait3A_1217 = arith.constant 0 : i32
    %dma_wait3A_1218 = arith.constant 0 : i32
    %dma_wait3A_1219 = tpu.memref_slice %arg3[%dma_wait3A_1209, %dma_wait3A_1217, %dma_wait3A_1218] : memref<12x2048x2048xf32, #tpu.memory_space<hbm>> -> memref<1x8x2048xf32, #tpu.memory_space<hbm>>
    %dma_wait3A_1220 = tpu.memref_squeeze %dma_wait3A_1219 : memref<1x8x2048xf32, #tpu.memory_space<hbm>> -> memref<8x2048xf32, #tpu.memory_space<hbm>>
    %dma_wait3A_1221 = arith.constant 0 : i32
    %dma_wait3A_1222 = arith.constant 0 : i32
    %dma_wait3A_1223 = tpu.memref_slice %arg5[%dma_wait3A_1221, %dma_wait3A_1222] : memref<8x3968xf32, #tpu.memory_space<vmem>> -> memref<8x2048xf32, #tpu.memory_space<vmem>>
    tpu.wait_dma2 semaphore(%arg8 : memref<!tpu.dma_semaphore, #tpu.memory_space<semaphore_mem>>) src(%dma_wait3A_1223 : memref<8x2048xf32, #tpu.memory_space<vmem>>) dst(%dma_wait3A_1220 : memref<8x2048xf32, #tpu.memory_space<hbm>>)
    %dma_wait3A_1224 = arith.constant 0 : i32
    %dma_wait3A_1225 = arith.constant 0 : i32
    %dma_wait3A_1226 = arith.constant 0 : i32
    %dma_wait3A_1227 = tpu.memref_slice %arg5[%dma_wait3A_1225, %dma_wait3A_1226] : memref<8x3968xf32, #tpu.memory_space<vmem>> -> memref<8x2048xf32, #tpu.memory_space<vmem>>
    %dma_wait3A_1228 = arith.constant 0 : i32
    %dma_wait3A_1229 = arith.constant 0 : i32
    %dma_wait3A_1230 = tpu.memref_slice %arg3[%dma_wait3A_1224, %dma_wait3A_1228, %dma_wait3A_1229] : memref<12x2048x2048xf32, #tpu.memory_space<hbm>> -> memref<1x8x2048xf32, #tpu.memory_space<hbm>>
    %dma_wait3A_1231 = tpu.memref_squeeze %dma_wait3A_1230 : memref<1x8x2048xf32, #tpu.memory_space<hbm>> -> memref<8x2048xf32, #tpu.memory_space<hbm>>
    %dma_wait3A_1232 = arith.constant 0 : i32
    %dma_wait3A_1233 = arith.constant 0 : i32
    %dma_wait3A_1234 = tpu.memref_slice %arg3[%dma_wait3A_1224, %dma_wait3A_1232, %dma_wait3A_1233] : memref<12x2048x2048xf32, #tpu.memory_space<hbm>> -> memref<1x8x2048xf32, #tpu.memory_space<hbm>>
    %dma_wait3A_1235 = tpu.memref_squeeze %dma_wait3A_1234 : memref<1x8x2048xf32, #tpu.memory_space<hbm>> -> memref<8x2048xf32, #tpu.memory_space<hbm>>
    %dma_wait3A_1236 = arith.constant 0 : i32
    %dma_wait3A_1237 = arith.constant 0 : i32
    %dma_wait3A_1238 = tpu.memref_slice %arg5[%dma_wait3A_1236, %dma_wait3A_1237] : memref<8x3968xf32, #tpu.memory_space<vmem>> -> memref<8x2048xf32, #tpu.memory_space<vmem>>
    tpu.wait_dma2 semaphore(%arg8 : memref<!tpu.dma_semaphore, #tpu.memory_space<semaphore_mem>>) src(%dma_wait3A_1238 : memref<8x2048xf32, #tpu.memory_space<vmem>>) dst(%dma_wait3A_1235 : memref<8x2048xf32, #tpu.memory_space<hbm>>)
    %dma_wait3A_1239 = arith.constant 0 : i32
    %dma_wait3A_1240 = arith.constant 0 : i32
    %dma_wait3A_1241 = arith.constant 0 : i32
    %dma_wait3A_1242 = tpu.memref_slice %arg5[%dma_wait3A_1240, %dma_wait3A_1241] : memref<8x3968xf32, #tpu.memory_space<vmem>> -> memref<8x2048xf32, #tpu.memory_space<vmem>>
    %dma_wait3A_1243 = arith.constant 0 : i32
    %dma_wait3A_1244 = arith.constant 0 : i32
    %dma_wait3A_1245 = tpu.memref_slice %arg3[%dma_wait3A_1239, %dma_wait3A_1243, %dma_wait3A_1244] : memref<12x2048x2048xf32, #tpu.memory_space<hbm>> -> memref<1x8x2048xf32, #tpu.memory_space<hbm>>
    %dma_wait3A_1246 = tpu.memref_squeeze %dma_wait3A_1245 : memref<1x8x2048xf32, #tpu.memory_space<hbm>> -> memref<8x2048xf32, #tpu.memory_space<hbm>>
    %dma_wait3A_1247 = arith.constant 0 : i32
    %dma_wait3A_1248 = arith.constant 0 : i32
    %dma_wait3A_1249 = tpu.memref_slice %arg3[%dma_wait3A_1239, %dma_wait3A_1247, %dma_wait3A_1248] : memref<12x2048x2048xf32, #tpu.memory_space<hbm>> -> memref<1x8x2048xf32, #tpu.memory_space<hbm>>
    %dma_wait3A_1250 = tpu.memref_squeeze %dma_wait3A_1249 : memref<1x8x2048xf32, #tpu.memory_space<hbm>> -> memref<8x2048xf32, #tpu.memory_space<hbm>>
    %dma_wait3A_1251 = arith.constant 0 : i32
    %dma_wait3A_1252 = arith.constant 0 : i32
    %dma_wait3A_1253 = tpu.memref_slice %arg5[%dma_wait3A_1251, %dma_wait3A_1252] : memref<8x3968xf32, #tpu.memory_space<vmem>> -> memref<8x2048xf32, #tpu.memory_space<vmem>>
    tpu.wait_dma2 semaphore(%arg8 : memref<!tpu.dma_semaphore, #tpu.memory_space<semaphore_mem>>) src(%dma_wait3A_1253 : memref<8x2048xf32, #tpu.memory_space<vmem>>) dst(%dma_wait3A_1250 : memref<8x2048xf32, #tpu.memory_space<hbm>>)
    %dma_wait3A_1254 = arith.constant 0 : i32
    %dma_wait3A_1255 = arith.constant 0 : i32
    %dma_wait3A_1256 = arith.constant 0 : i32
    %dma_wait3A_1257 = tpu.memref_slice %arg5[%dma_wait3A_1255, %dma_wait3A_1256] : memref<8x3968xf32, #tpu.memory_space<vmem>> -> memref<8x2048xf32, #tpu.memory_space<vmem>>
    %dma_wait3A_1258 = arith.constant 0 : i32
    %dma_wait3A_1259 = arith.constant 0 : i32
    %dma_wait3A_1260 = tpu.memref_slice %arg3[%dma_wait3A_1254, %dma_wait3A_1258, %dma_wait3A_1259] : memref<12x2048x2048xf32, #tpu.memory_space<hbm>> -> memref<1x8x2048xf32, #tpu.memory_space<hbm>>
    %dma_wait3A_1261 = tpu.memref_squeeze %dma_wait3A_1260 : memref<1x8x2048xf32, #tpu.memory_space<hbm>> -> memref<8x2048xf32, #tpu.memory_space<hbm>>
    %dma_wait3A_1262 = arith.constant 0 : i32
    %dma_wait3A_1263 = arith.constant 0 : i32
    %dma_wait3A_1264 = tpu.memref_slice %arg3[%dma_wait3A_1254, %dma_wait3A_1262, %dma_wait3A_1263] : memref<12x2048x2048xf32, #tpu.memory_space<hbm>> -> memref<1x8x2048xf32, #tpu.memory_space<hbm>>
    %dma_wait3A_1265 = tpu.memref_squeeze %dma_wait3A_1264 : memref<1x8x2048xf32, #tpu.memory_space<hbm>> -> memref<8x2048xf32, #tpu.memory_space<hbm>>
    %dma_wait3A_1266 = arith.constant 0 : i32
    %dma_wait3A_1267 = arith.constant 0 : i32
    %dma_wait3A_1268 = tpu.memref_slice %arg5[%dma_wait3A_1266, %dma_wait3A_1267] : memref<8x3968xf32, #tpu.memory_space<vmem>> -> memref<8x2048xf32, #tpu.memory_space<vmem>>
    tpu.wait_dma2 semaphore(%arg8 : memref<!tpu.dma_semaphore, #tpu.memory_space<semaphore_mem>>) src(%dma_wait3A_1268 : memref<8x2048xf32, #tpu.memory_space<vmem>>) dst(%dma_wait3A_1265 : memref<8x2048xf32, #tpu.memory_space<hbm>>)
    %dma_wait3A_1269 = arith.constant 0 : i32
    %dma_wait3A_1270 = arith.constant 0 : i32
    %dma_wait3A_1271 = arith.constant 0 : i32
    %dma_wait3A_1272 = tpu.memref_slice %arg5[%dma_wait3A_1270, %dma_wait3A_1271] : memref<8x3968xf32, #tpu.memory_space<vmem>> -> memref<8x2048xf32, #tpu.memory_space<vmem>>
    %dma_wait3A_1273 = arith.constant 0 : i32
    %dma_wait3A_1274 = arith.constant 0 : i32
    %dma_wait3A_1275 = tpu.memref_slice %arg3[%dma_wait3A_1269, %dma_wait3A_1273, %dma_wait3A_1274] : memref<12x2048x2048xf32, #tpu.memory_space<hbm>> -> memref<1x8x2048xf32, #tpu.memory_space<hbm>>
    %dma_wait3A_1276 = tpu.memref_squeeze %dma_wait3A_1275 : memref<1x8x2048xf32, #tpu.memory_space<hbm>> -> memref<8x2048xf32, #tpu.memory_space<hbm>>
    %dma_wait3A_1277 = arith.constant 0 : i32
    %dma_wait3A_1278 = arith.constant 0 : i32
    %dma_wait3A_1279 = tpu.memref_slice %arg3[%dma_wait3A_1269, %dma_wait3A_1277, %dma_wait3A_1278] : memref<12x2048x2048xf32, #tpu.memory_space<hbm>> -> memref<1x8x2048xf32, #tpu.memory_space<hbm>>
    %dma_wait3A_1280 = tpu.memref_squeeze %dma_wait3A_1279 : memref<1x8x2048xf32, #tpu.memory_space<hbm>> -> memref<8x2048xf32, #tpu.memory_space<hbm>>
    %dma_wait3A_1281 = arith.constant 0 : i32
    %dma_wait3A_1282 = arith.constant 0 : i32
    %dma_wait3A_1283 = tpu.memref_slice %arg5[%dma_wait3A_1281, %dma_wait3A_1282] : memref<8x3968xf32, #tpu.memory_space<vmem>> -> memref<8x2048xf32, #tpu.memory_space<vmem>>
    tpu.wait_dma2 semaphore(%arg8 : memref<!tpu.dma_semaphore, #tpu.memory_space<semaphore_mem>>) src(%dma_wait3A_1283 : memref<8x2048xf32, #tpu.memory_space<vmem>>) dst(%dma_wait3A_1280 : memref<8x2048xf32, #tpu.memory_space<hbm>>)
    %dma_wait3A_1284 = arith.constant 0 : i32
    %dma_wait3A_1285 = arith.constant 0 : i32
    %dma_wait3A_1286 = arith.constant 0 : i32
    %dma_wait3A_1287 = tpu.memref_slice %arg5[%dma_wait3A_1285, %dma_wait3A_1286] : memref<8x3968xf32, #tpu.memory_space<vmem>> -> memref<8x2048xf32, #tpu.memory_space<vmem>>
    %dma_wait3A_1288 = arith.constant 0 : i32
    %dma_wait3A_1289 = arith.constant 0 : i32
    %dma_wait3A_1290 = tpu.memref_slice %arg3[%dma_wait3A_1284, %dma_wait3A_1288, %dma_wait3A_1289] : memref<12x2048x2048xf32, #tpu.memory_space<hbm>> -> memref<1x8x2048xf32, #tpu.memory_space<hbm>>
    %dma_wait3A_1291 = tpu.memref_squeeze %dma_wait3A_1290 : memref<1x8x2048xf32, #tpu.memory_space<hbm>> -> memref<8x2048xf32, #tpu.memory_space<hbm>>
    %dma_wait3A_1292 = arith.constant 0 : i32
    %dma_wait3A_1293 = arith.constant 0 : i32
    %dma_wait3A_1294 = tpu.memref_slice %arg3[%dma_wait3A_1284, %dma_wait3A_1292, %dma_wait3A_1293] : memref<12x2048x2048xf32, #tpu.memory_space<hbm>> -> memref<1x8x2048xf32, #tpu.memory_space<hbm>>
    %dma_wait3A_1295 = tpu.memref_squeeze %dma_wait3A_1294 : memref<1x8x2048xf32, #tpu.memory_space<hbm>> -> memref<8x2048xf32, #tpu.memory_space<hbm>>
    %dma_wait3A_1296 = arith.constant 0 : i32
    %dma_wait3A_1297 = arith.constant 0 : i32
    %dma_wait3A_1298 = tpu.memref_slice %arg5[%dma_wait3A_1296, %dma_wait3A_1297] : memref<8x3968xf32, #tpu.memory_space<vmem>> -> memref<8x2048xf32, #tpu.memory_space<vmem>>
    tpu.wait_dma2 semaphore(%arg8 : memref<!tpu.dma_semaphore, #tpu.memory_space<semaphore_mem>>) src(%dma_wait3A_1298 : memref<8x2048xf32, #tpu.memory_space<vmem>>) dst(%dma_wait3A_1295 : memref<8x2048xf32, #tpu.memory_space<hbm>>)
    %dma_wait3A_1299 = arith.constant 0 : i32
    %dma_wait3A_1300 = arith.constant 0 : i32
    %dma_wait3A_1301 = arith.constant 0 : i32
    %dma_wait3A_1302 = tpu.memref_slice %arg5[%dma_wait3A_1300, %dma_wait3A_1301] : memref<8x3968xf32, #tpu.memory_space<vmem>> -> memref<8x2048xf32, #tpu.memory_space<vmem>>
    %dma_wait3A_1303 = arith.constant 0 : i32
    %dma_wait3A_1304 = arith.constant 0 : i32
    %dma_wait3A_1305 = tpu.memref_slice %arg3[%dma_wait3A_1299, %dma_wait3A_1303, %dma_wait3A_1304] : memref<12x2048x2048xf32, #tpu.memory_space<hbm>> -> memref<1x8x2048xf32, #tpu.memory_space<hbm>>
    %dma_wait3A_1306 = tpu.memref_squeeze %dma_wait3A_1305 : memref<1x8x2048xf32, #tpu.memory_space<hbm>> -> memref<8x2048xf32, #tpu.memory_space<hbm>>
    %dma_wait3A_1307 = arith.constant 0 : i32
    %dma_wait3A_1308 = arith.constant 0 : i32
    %dma_wait3A_1309 = tpu.memref_slice %arg3[%dma_wait3A_1299, %dma_wait3A_1307, %dma_wait3A_1308] : memref<12x2048x2048xf32, #tpu.memory_space<hbm>> -> memref<1x8x2048xf32, #tpu.memory_space<hbm>>
    %dma_wait3A_1310 = tpu.memref_squeeze %dma_wait3A_1309 : memref<1x8x2048xf32, #tpu.memory_space<hbm>> -> memref<8x2048xf32, #tpu.memory_space<hbm>>
    %dma_wait3A_1311 = arith.constant 0 : i32
    %dma_wait3A_1312 = arith.constant 0 : i32
    %dma_wait3A_1313 = tpu.memref_slice %arg5[%dma_wait3A_1311, %dma_wait3A_1312] : memref<8x3968xf32, #tpu.memory_space<vmem>> -> memref<8x2048xf32, #tpu.memory_space<vmem>>
    tpu.wait_dma2 semaphore(%arg8 : memref<!tpu.dma_semaphore, #tpu.memory_space<semaphore_mem>>) src(%dma_wait3A_1313 : memref<8x2048xf32, #tpu.memory_space<vmem>>) dst(%dma_wait3A_1310 : memref<8x2048xf32, #tpu.memory_space<hbm>>)
    %dma_wait3A_1314 = arith.constant 0 : i32
    %dma_wait3A_1315 = arith.constant 0 : i32
    %dma_wait3A_1316 = arith.constant 0 : i32
    %dma_wait3A_1317 = tpu.memref_slice %arg5[%dma_wait3A_1315, %dma_wait3A_1316] : memref<8x3968xf32, #tpu.memory_space<vmem>> -> memref<8x2048xf32, #tpu.memory_space<vmem>>
    %dma_wait3A_1318 = arith.constant 0 : i32
    %dma_wait3A_1319 = arith.constant 0 : i32
    %dma_wait3A_1320 = tpu.memref_slice %arg3[%dma_wait3A_1314, %dma_wait3A_1318, %dma_wait3A_1319] : memref<12x2048x2048xf32, #tpu.memory_space<hbm>> -> memref<1x8x2048xf32, #tpu.memory_space<hbm>>
    %dma_wait3A_1321 = tpu.memref_squeeze %dma_wait3A_1320 : memref<1x8x2048xf32, #tpu.memory_space<hbm>> -> memref<8x2048xf32, #tpu.memory_space<hbm>>
    %dma_wait3A_1322 = arith.constant 0 : i32
    %dma_wait3A_1323 = arith.constant 0 : i32
    %dma_wait3A_1324 = tpu.memref_slice %arg3[%dma_wait3A_1314, %dma_wait3A_1322, %dma_wait3A_1323] : memref<12x2048x2048xf32, #tpu.memory_space<hbm>> -> memref<1x8x2048xf32, #tpu.memory_space<hbm>>
    %dma_wait3A_1325 = tpu.memref_squeeze %dma_wait3A_1324 : memref<1x8x2048xf32, #tpu.memory_space<hbm>> -> memref<8x2048xf32, #tpu.memory_space<hbm>>
    %dma_wait3A_1326 = arith.constant 0 : i32
    %dma_wait3A_1327 = arith.constant 0 : i32
    %dma_wait3A_1328 = tpu.memref_slice %arg5[%dma_wait3A_1326, %dma_wait3A_1327] : memref<8x3968xf32, #tpu.memory_space<vmem>> -> memref<8x2048xf32, #tpu.memory_space<vmem>>
    tpu.wait_dma2 semaphore(%arg8 : memref<!tpu.dma_semaphore, #tpu.memory_space<semaphore_mem>>) src(%dma_wait3A_1328 : memref<8x2048xf32, #tpu.memory_space<vmem>>) dst(%dma_wait3A_1325 : memref<8x2048xf32, #tpu.memory_space<hbm>>)
    %dma_wait3A_1329 = arith.constant 0 : i32
    %dma_wait3A_1330 = arith.constant 0 : i32
    %dma_wait3A_1331 = arith.constant 0 : i32
    %dma_wait3A_1332 = tpu.memref_slice %arg5[%dma_wait3A_1330, %dma_wait3A_1331] : memref<8x3968xf32, #tpu.memory_space<vmem>> -> memref<8x2048xf32, #tpu.memory_space<vmem>>
    %dma_wait3A_1333 = arith.constant 0 : i32
    %dma_wait3A_1334 = arith.constant 0 : i32
    %dma_wait3A_1335 = tpu.memref_slice %arg3[%dma_wait3A_1329, %dma_wait3A_1333, %dma_wait3A_1334] : memref<12x2048x2048xf32, #tpu.memory_space<hbm>> -> memref<1x8x2048xf32, #tpu.memory_space<hbm>>
    %dma_wait3A_1336 = tpu.memref_squeeze %dma_wait3A_1335 : memref<1x8x2048xf32, #tpu.memory_space<hbm>> -> memref<8x2048xf32, #tpu.memory_space<hbm>>
    %dma_wait3A_1337 = arith.constant 0 : i32
    %dma_wait3A_1338 = arith.constant 0 : i32
    %dma_wait3A_1339 = tpu.memref_slice %arg3[%dma_wait3A_1329, %dma_wait3A_1337, %dma_wait3A_1338] : memref<12x2048x2048xf32, #tpu.memory_space<hbm>> -> memref<1x8x2048xf32, #tpu.memory_space<hbm>>
    %dma_wait3A_1340 = tpu.memref_squeeze %dma_wait3A_1339 : memref<1x8x2048xf32, #tpu.memory_space<hbm>> -> memref<8x2048xf32, #tpu.memory_space<hbm>>
    %dma_wait3A_1341 = arith.constant 0 : i32
    %dma_wait3A_1342 = arith.constant 0 : i32
    %dma_wait3A_1343 = tpu.memref_slice %arg5[%dma_wait3A_1341, %dma_wait3A_1342] : memref<8x3968xf32, #tpu.memory_space<vmem>> -> memref<8x2048xf32, #tpu.memory_space<vmem>>
    tpu.wait_dma2 semaphore(%arg8 : memref<!tpu.dma_semaphore, #tpu.memory_space<semaphore_mem>>) src(%dma_wait3A_1343 : memref<8x2048xf32, #tpu.memory_space<vmem>>) dst(%dma_wait3A_1340 : memref<8x2048xf32, #tpu.memory_space<hbm>>)
    %dma_wait3A_1344 = arith.constant 0 : i32
    %dma_wait3A_1345 = arith.constant 0 : i32
    %dma_wait3A_1346 = arith.constant 0 : i32
    %dma_wait3A_1347 = tpu.memref_slice %arg5[%dma_wait3A_1345, %dma_wait3A_1346] : memref<8x3968xf32, #tpu.memory_space<vmem>> -> memref<8x2048xf32, #tpu.memory_space<vmem>>
    %dma_wait3A_1348 = arith.constant 0 : i32
    %dma_wait3A_1349 = arith.constant 0 : i32
    %dma_wait3A_1350 = tpu.memref_slice %arg3[%dma_wait3A_1344, %dma_wait3A_1348, %dma_wait3A_1349] : memref<12x2048x2048xf32, #tpu.memory_space<hbm>> -> memref<1x8x2048xf32, #tpu.memory_space<hbm>>
    %dma_wait3A_1351 = tpu.memref_squeeze %dma_wait3A_1350 : memref<1x8x2048xf32, #tpu.memory_space<hbm>> -> memref<8x2048xf32, #tpu.memory_space<hbm>>
    %dma_wait3A_1352 = arith.constant 0 : i32
    %dma_wait3A_1353 = arith.constant 0 : i32
    %dma_wait3A_1354 = tpu.memref_slice %arg3[%dma_wait3A_1344, %dma_wait3A_1352, %dma_wait3A_1353] : memref<12x2048x2048xf32, #tpu.memory_space<hbm>> -> memref<1x8x2048xf32, #tpu.memory_space<hbm>>
    %dma_wait3A_1355 = tpu.memref_squeeze %dma_wait3A_1354 : memref<1x8x2048xf32, #tpu.memory_space<hbm>> -> memref<8x2048xf32, #tpu.memory_space<hbm>>
    %dma_wait3A_1356 = arith.constant 0 : i32
    %dma_wait3A_1357 = arith.constant 0 : i32
    %dma_wait3A_1358 = tpu.memref_slice %arg5[%dma_wait3A_1356, %dma_wait3A_1357] : memref<8x3968xf32, #tpu.memory_space<vmem>> -> memref<8x2048xf32, #tpu.memory_space<vmem>>
    tpu.wait_dma2 semaphore(%arg8 : memref<!tpu.dma_semaphore, #tpu.memory_space<semaphore_mem>>) src(%dma_wait3A_1358 : memref<8x2048xf32, #tpu.memory_space<vmem>>) dst(%dma_wait3A_1355 : memref<8x2048xf32, #tpu.memory_space<hbm>>)
    %dma_wait3A_1359 = arith.constant 0 : i32
    %dma_wait3A_1360 = arith.constant 0 : i32
    %dma_wait3A_1361 = arith.constant 0 : i32
    %dma_wait3A_1362 = tpu.memref_slice %arg5[%dma_wait3A_1360, %dma_wait3A_1361] : memref<8x3968xf32, #tpu.memory_space<vmem>> -> memref<8x2048xf32, #tpu.memory_space<vmem>>
    %dma_wait3A_1363 = arith.constant 0 : i32
    %dma_wait3A_1364 = arith.constant 0 : i32
    %dma_wait3A_1365 = tpu.memref_slice %arg3[%dma_wait3A_1359, %dma_wait3A_1363, %dma_wait3A_1364] : memref<12x2048x2048xf32, #tpu.memory_space<hbm>> -> memref<1x8x2048xf32, #tpu.memory_space<hbm>>
    %dma_wait3A_1366 = tpu.memref_squeeze %dma_wait3A_1365 : memref<1x8x2048xf32, #tpu.memory_space<hbm>> -> memref<8x2048xf32, #tpu.memory_space<hbm>>
    %dma_wait3A_1367 = arith.constant 0 : i32
    %dma_wait3A_1368 = arith.constant 0 : i32
    %dma_wait3A_1369 = tpu.memref_slice %arg3[%dma_wait3A_1359, %dma_wait3A_1367, %dma_wait3A_1368] : memref<12x2048x2048xf32, #tpu.memory_space<hbm>> -> memref<1x8x2048xf32, #tpu.memory_space<hbm>>
    %dma_wait3A_1370 = tpu.memref_squeeze %dma_wait3A_1369 : memref<1x8x2048xf32, #tpu.memory_space<hbm>> -> memref<8x2048xf32, #tpu.memory_space<hbm>>
    %dma_wait3A_1371 = arith.constant 0 : i32
    %dma_wait3A_1372 = arith.constant 0 : i32
    %dma_wait3A_1373 = tpu.memref_slice %arg5[%dma_wait3A_1371, %dma_wait3A_1372] : memref<8x3968xf32, #tpu.memory_space<vmem>> -> memref<8x2048xf32, #tpu.memory_space<vmem>>
    tpu.wait_dma2 semaphore(%arg8 : memref<!tpu.dma_semaphore, #tpu.memory_space<semaphore_mem>>) src(%dma_wait3A_1373 : memref<8x2048xf32, #tpu.memory_space<vmem>>) dst(%dma_wait3A_1370 : memref<8x2048xf32, #tpu.memory_space<hbm>>)
    %dma_wait3A_1374 = arith.constant 0 : i32
    %dma_wait3A_1375 = arith.constant 0 : i32
    %dma_wait3A_1376 = arith.constant 0 : i32
    %dma_wait3A_1377 = tpu.memref_slice %arg5[%dma_wait3A_1375, %dma_wait3A_1376] : memref<8x3968xf32, #tpu.memory_space<vmem>> -> memref<8x2048xf32, #tpu.memory_space<vmem>>
    %dma_wait3A_1378 = arith.constant 0 : i32
    %dma_wait3A_1379 = arith.constant 0 : i32
    %dma_wait3A_1380 = tpu.memref_slice %arg3[%dma_wait3A_1374, %dma_wait3A_1378, %dma_wait3A_1379] : memref<12x2048x2048xf32, #tpu.memory_space<hbm>> -> memref<1x8x2048xf32, #tpu.memory_space<hbm>>
    %dma_wait3A_1381 = tpu.memref_squeeze %dma_wait3A_1380 : memref<1x8x2048xf32, #tpu.memory_space<hbm>> -> memref<8x2048xf32, #tpu.memory_space<hbm>>
    %dma_wait3A_1382 = arith.constant 0 : i32
    %dma_wait3A_1383 = arith.constant 0 : i32
    %dma_wait3A_1384 = tpu.memref_slice %arg3[%dma_wait3A_1374, %dma_wait3A_1382, %dma_wait3A_1383] : memref<12x2048x2048xf32, #tpu.memory_space<hbm>> -> memref<1x8x2048xf32, #tpu.memory_space<hbm>>
    %dma_wait3A_1385 = tpu.memref_squeeze %dma_wait3A_1384 : memref<1x8x2048xf32, #tpu.memory_space<hbm>> -> memref<8x2048xf32, #tpu.memory_space<hbm>>
    %dma_wait3A_1386 = arith.constant 0 : i32
    %dma_wait3A_1387 = arith.constant 0 : i32
    %dma_wait3A_1388 = tpu.memref_slice %arg5[%dma_wait3A_1386, %dma_wait3A_1387] : memref<8x3968xf32, #tpu.memory_space<vmem>> -> memref<8x2048xf32, #tpu.memory_space<vmem>>
    tpu.wait_dma2 semaphore(%arg8 : memref<!tpu.dma_semaphore, #tpu.memory_space<semaphore_mem>>) src(%dma_wait3A_1388 : memref<8x2048xf32, #tpu.memory_space<vmem>>) dst(%dma_wait3A_1385 : memref<8x2048xf32, #tpu.memory_space<hbm>>)
    %dma_wait3A_1389 = arith.constant 0 : i32
    %dma_wait3A_1390 = arith.constant 0 : i32
    %dma_wait3A_1391 = arith.constant 0 : i32
    %dma_wait3A_1392 = tpu.memref_slice %arg5[%dma_wait3A_1390, %dma_wait3A_1391] : memref<8x3968xf32, #tpu.memory_space<vmem>> -> memref<8x2048xf32, #tpu.memory_space<vmem>>
    %dma_wait3A_1393 = arith.constant 0 : i32
    %dma_wait3A_1394 = arith.constant 0 : i32
    %dma_wait3A_1395 = tpu.memref_slice %arg3[%dma_wait3A_1389, %dma_wait3A_1393, %dma_wait3A_1394] : memref<12x2048x2048xf32, #tpu.memory_space<hbm>> -> memref<1x8x2048xf32, #tpu.memory_space<hbm>>
    %dma_wait3A_1396 = tpu.memref_squeeze %dma_wait3A_1395 : memref<1x8x2048xf32, #tpu.memory_space<hbm>> -> memref<8x2048xf32, #tpu.memory_space<hbm>>
    %dma_wait3A_1397 = arith.constant 0 : i32
    %dma_wait3A_1398 = arith.constant 0 : i32
    %dma_wait3A_1399 = tpu.memref_slice %arg3[%dma_wait3A_1389, %dma_wait3A_1397, %dma_wait3A_1398] : memref<12x2048x2048xf32, #tpu.memory_space<hbm>> -> memref<1x8x2048xf32, #tpu.memory_space<hbm>>
    %dma_wait3A_1400 = tpu.memref_squeeze %dma_wait3A_1399 : memref<1x8x2048xf32, #tpu.memory_space<hbm>> -> memref<8x2048xf32, #tpu.memory_space<hbm>>
    %dma_wait3A_1401 = arith.constant 0 : i32
    %dma_wait3A_1402 = arith.constant 0 : i32
    %dma_wait3A_1403 = tpu.memref_slice %arg5[%dma_wait3A_1401, %dma_wait3A_1402] : memref<8x3968xf32, #tpu.memory_space<vmem>> -> memref<8x2048xf32, #tpu.memory_space<vmem>>
    tpu.wait_dma2 semaphore(%arg8 : memref<!tpu.dma_semaphore, #tpu.memory_space<semaphore_mem>>) src(%dma_wait3A_1403 : memref<8x2048xf32, #tpu.memory_space<vmem>>) dst(%dma_wait3A_1400 : memref<8x2048xf32, #tpu.memory_space<hbm>>)
    %dma_wait3A_1404 = arith.constant 0 : i32
    %dma_wait3A_1405 = arith.constant 0 : i32
    %dma_wait3A_1406 = arith.constant 0 : i32
    %dma_wait3A_1407 = tpu.memref_slice %arg5[%dma_wait3A_1405, %dma_wait3A_1406] : memref<8x3968xf32, #tpu.memory_space<vmem>> -> memref<8x2048xf32, #tpu.memory_space<vmem>>
    %dma_wait3A_1408 = arith.constant 0 : i32
    %dma_wait3A_1409 = arith.constant 0 : i32
    %dma_wait3A_1410 = tpu.memref_slice %arg3[%dma_wait3A_1404, %dma_wait3A_1408, %dma_wait3A_1409] : memref<12x2048x2048xf32, #tpu.memory_space<hbm>> -> memref<1x8x2048xf32, #tpu.memory_space<hbm>>
    %dma_wait3A_1411 = tpu.memref_squeeze %dma_wait3A_1410 : memref<1x8x2048xf32, #tpu.memory_space<hbm>> -> memref<8x2048xf32, #tpu.memory_space<hbm>>
    %dma_wait3A_1412 = arith.constant 0 : i32
    %dma_wait3A_1413 = arith.constant 0 : i32
    %dma_wait3A_1414 = tpu.memref_slice %arg3[%dma_wait3A_1404, %dma_wait3A_1412, %dma_wait3A_1413] : memref<12x2048x2048xf32, #tpu.memory_space<hbm>> -> memref<1x8x2048xf32, #tpu.memory_space<hbm>>
    %dma_wait3A_1415 = tpu.memref_squeeze %dma_wait3A_1414 : memref<1x8x2048xf32, #tpu.memory_space<hbm>> -> memref<8x2048xf32, #tpu.memory_space<hbm>>
    %dma_wait3A_1416 = arith.constant 0 : i32
    %dma_wait3A_1417 = arith.constant 0 : i32
    %dma_wait3A_1418 = tpu.memref_slice %arg5[%dma_wait3A_1416, %dma_wait3A_1417] : memref<8x3968xf32, #tpu.memory_space<vmem>> -> memref<8x2048xf32, #tpu.memory_space<vmem>>
    tpu.wait_dma2 semaphore(%arg8 : memref<!tpu.dma_semaphore, #tpu.memory_space<semaphore_mem>>) src(%dma_wait3A_1418 : memref<8x2048xf32, #tpu.memory_space<vmem>>) dst(%dma_wait3A_1415 : memref<8x2048xf32, #tpu.memory_space<hbm>>)
    %add3A_1419 = arith.constant 8 : i32
    %add3A_1420 = arith.addi %select_n3A, %add3A_1419 : i32
    %dma_start3A_1421 = arith.constant 0 : i32
    %dma_start3A_1422 = arith.constant 0 : i32
    %dma_start3A_1423 = tpu.memref_slice %arg5[%dma_start3A_1421, %dma_start3A_1422] : memref<8x3968xf32, #tpu.memory_space<vmem>> -> memref<8x2048xf32, #tpu.memory_space<vmem>>
    %dma_start3A_1424 = arith.constant 0 : i32
    %dma_start3A_1425 = tpu.memref_slice %arg2[%add3A_1420, %multiple_of3A, %dma_start3A_1424] : memref<12x128x2048xf32, #tpu.memory_space<hbm>> -> memref<1x8x2048xf32, #tpu.memory_space<hbm>>
    %dma_start3A_1426 = tpu.memref_squeeze %dma_start3A_1425 : memref<1x8x2048xf32, #tpu.memory_space<hbm>> -> memref<8x2048xf32, #tpu.memory_space<hbm>>
    %dma_start3A_1427 = arith.constant 0 : i32
    %dma_start3A_1428 = arith.constant 0 : i32
    %dma_start3A_1429 = tpu.memref_slice %arg5[%dma_start3A_1427, %dma_start3A_1428] : memref<8x3968xf32, #tpu.memory_space<vmem>> -> memref<8x2048xf32, #tpu.memory_space<vmem>>
    %dma_start3A_1430 = arith.constant 0 : i32
    %dma_start3A_1431 = tpu.memref_slice %arg2[%add3A_1420, %multiple_of3A, %dma_start3A_1430] : memref<12x128x2048xf32, #tpu.memory_space<hbm>> -> memref<1x8x2048xf32, #tpu.memory_space<hbm>>
    %dma_start3A_1432 = tpu.memref_squeeze %dma_start3A_1431 : memref<1x8x2048xf32, #tpu.memory_space<hbm>> -> memref<8x2048xf32, #tpu.memory_space<hbm>>
    tpu.enqueue_dma source(%dma_start3A_1432 : memref<8x2048xf32, #tpu.memory_space<hbm>>) target(%dma_start3A_1429 : memref<8x2048xf32, #tpu.memory_space<vmem>>) target_semaphore(%arg8 : memref<!tpu.dma_semaphore, #tpu.memory_space<semaphore_mem>>)
    %dma_start3A_1433 = arith.constant 0 : i32
    %dma_start3A_1434 = arith.constant 2048 : i32
    %dma_start3A_1435 = tpu.memref_slice %arg5[%dma_start3A_1433, %dma_start3A_1434] : memref<8x3968xf32, #tpu.memory_space<vmem>> -> memref<8x1920xf32, #tpu.memory_space<vmem>>
    %dma_start3A_1436 = arith.constant 0 : i32
    %dma_start3A_1437 = tpu.memref_slice %arg2[%add3A_1420, %multiple_of3A, %dma_start3A_1436] : memref<12x128x2048xf32, #tpu.memory_space<hbm>> -> memref<1x8x1920xf32, #tpu.memory_space<hbm>>
    %dma_start3A_1438 = tpu.memref_squeeze %dma_start3A_1437 : memref<1x8x1920xf32, #tpu.memory_space<hbm>> -> memref<8x1920xf32, #tpu.memory_space<hbm>>
    %dma_start3A_1439 = arith.constant 0 : i32
    %dma_start3A_1440 = arith.constant 2048 : i32
    %dma_start3A_1441 = tpu.memref_slice %arg5[%dma_start3A_1439, %dma_start3A_1440] : memref<8x3968xf32, #tpu.memory_space<vmem>> -> memref<8x1920xf32, #tpu.memory_space<vmem>>
    %dma_start3A_1442 = arith.constant 0 : i32
    %dma_start3A_1443 = tpu.memref_slice %arg2[%add3A_1420, %multiple_of3A, %dma_start3A_1442] : memref<12x128x2048xf32, #tpu.memory_space<hbm>> -> memref<1x8x1920xf32, #tpu.memory_space<hbm>>
    %dma_start3A_1444 = tpu.memref_squeeze %dma_start3A_1443 : memref<1x8x1920xf32, #tpu.memory_space<hbm>> -> memref<8x1920xf32, #tpu.memory_space<hbm>>
    tpu.enqueue_dma source(%dma_start3A_1444 : memref<8x1920xf32, #tpu.memory_space<hbm>>) target(%dma_start3A_1441 : memref<8x1920xf32, #tpu.memory_space<vmem>>) target_semaphore(%arg8 : memref<!tpu.dma_semaphore, #tpu.memory_space<semaphore_mem>>)
    %dma_wait3A_1445 = arith.constant 0 : i32
    %dma_wait3A_1446 = arith.constant 0 : i32
    %dma_wait3A_1447 = arith.constant 0 : i32
    %dma_wait3A_1448 = tpu.memref_slice %arg4[%dma_wait3A_1446, %dma_wait3A_1447] : memref<8x3968xf32, #tpu.memory_space<vmem>> -> memref<8x2048xf32, #tpu.memory_space<vmem>>
    %dma_wait3A_1449 = arith.constant 0 : i32
    %dma_wait3A_1450 = arith.constant 0 : i32
    %dma_wait3A_1451 = tpu.memref_slice %arg2[%dma_wait3A_1445, %dma_wait3A_1449, %dma_wait3A_1450] : memref<12x128x2048xf32, #tpu.memory_space<hbm>> -> memref<1x8x2048xf32, #tpu.memory_space<hbm>>
    %dma_wait3A_1452 = tpu.memref_squeeze %dma_wait3A_1451 : memref<1x8x2048xf32, #tpu.memory_space<hbm>> -> memref<8x2048xf32, #tpu.memory_space<hbm>>
    %dma_wait3A_1453 = arith.constant 0 : i32
    %dma_wait3A_1454 = arith.constant 0 : i32
    %dma_wait3A_1455 = tpu.memref_slice %arg4[%dma_wait3A_1453, %dma_wait3A_1454] : memref<8x3968xf32, #tpu.memory_space<vmem>> -> memref<8x2048xf32, #tpu.memory_space<vmem>>
    %dma_wait3A_1456 = arith.constant 0 : i32
    %dma_wait3A_1457 = arith.constant 0 : i32
    %dma_wait3A_1458 = tpu.memref_slice %arg2[%dma_wait3A_1445, %dma_wait3A_1456, %dma_wait3A_1457] : memref<12x128x2048xf32, #tpu.memory_space<hbm>> -> memref<1x8x2048xf32, #tpu.memory_space<hbm>>
    %dma_wait3A_1459 = tpu.memref_squeeze %dma_wait3A_1458 : memref<1x8x2048xf32, #tpu.memory_space<hbm>> -> memref<8x2048xf32, #tpu.memory_space<hbm>>
    tpu.wait_dma2 semaphore(%arg7 : memref<!tpu.dma_semaphore, #tpu.memory_space<semaphore_mem>>) src(%dma_wait3A_1459 : memref<8x2048xf32, #tpu.memory_space<hbm>>) dst(%dma_wait3A_1455 : memref<8x2048xf32, #tpu.memory_space<vmem>>)
    %dma_wait3A_1460 = arith.constant 0 : i32
    %dma_wait3A_1461 = arith.constant 0 : i32
    %dma_wait3A_1462 = arith.constant 2048 : i32
    %dma_wait3A_1463 = tpu.memref_slice %arg4[%dma_wait3A_1461, %dma_wait3A_1462] : memref<8x3968xf32, #tpu.memory_space<vmem>> -> memref<8x1920xf32, #tpu.memory_space<vmem>>
    %dma_wait3A_1464 = arith.constant 0 : i32
    %dma_wait3A_1465 = arith.constant 0 : i32
    %dma_wait3A_1466 = tpu.memref_slice %arg2[%dma_wait3A_1460, %dma_wait3A_1464, %dma_wait3A_1465] : memref<12x128x2048xf32, #tpu.memory_space<hbm>> -> memref<1x8x1920xf32, #tpu.memory_space<hbm>>
    %dma_wait3A_1467 = tpu.memref_squeeze %dma_wait3A_1466 : memref<1x8x1920xf32, #tpu.memory_space<hbm>> -> memref<8x1920xf32, #tpu.memory_space<hbm>>
    %dma_wait3A_1468 = arith.constant 0 : i32
    %dma_wait3A_1469 = arith.constant 2048 : i32
    %dma_wait3A_1470 = tpu.memref_slice %arg4[%dma_wait3A_1468, %dma_wait3A_1469] : memref<8x3968xf32, #tpu.memory_space<vmem>> -> memref<8x1920xf32, #tpu.memory_space<vmem>>
    %dma_wait3A_1471 = arith.constant 0 : i32
    %dma_wait3A_1472 = arith.constant 0 : i32
    %dma_wait3A_1473 = tpu.memref_slice %arg2[%dma_wait3A_1460, %dma_wait3A_1471, %dma_wait3A_1472] : memref<12x128x2048xf32, #tpu.memory_space<hbm>> -> memref<1x8x1920xf32, #tpu.memory_space<hbm>>
    %dma_wait3A_1474 = tpu.memref_squeeze %dma_wait3A_1473 : memref<1x8x1920xf32, #tpu.memory_space<hbm>> -> memref<8x1920xf32, #tpu.memory_space<hbm>>
    tpu.wait_dma2 semaphore(%arg7 : memref<!tpu.dma_semaphore, #tpu.memory_space<semaphore_mem>>) src(%dma_wait3A_1474 : memref<8x1920xf32, #tpu.memory_space<hbm>>) dst(%dma_wait3A_1470 : memref<8x1920xf32, #tpu.memory_space<vmem>>)
    %add3A_1475 = arith.constant 6 : i32
    %add3A_1476 = arith.addi %select_n3A, %add3A_1475 : i32
    %add3A_1477 = arith.constant 0 : i32
    %add3A_1478 = arith.addi %add3A_1477, %multiple_of3A : i32
    %multiple_of3A_1479 = tpu.assume_multiple %add3A_1478, 8 : i32
    %dma_start3A_1480 = arith.constant 0 : i32
    %dma_start3A_1481 = arith.constant 1920 : i32
    %dma_start3A_1482 = tpu.memref_slice %arg4[%dma_start3A_1480, %dma_start3A_1481] : memref<8x3968xf32, #tpu.memory_space<vmem>> -> memref<8x2048xf32, #tpu.memory_space<vmem>>
    %dma_start3A_1483 = arith.constant 0 : i32
    %dma_start3A_1484 = tpu.memref_slice %arg3[%add3A_1476, %multiple_of3A_1479, %dma_start3A_1483] : memref<12x2048x2048xf32, #tpu.memory_space<hbm>> -> memref<1x8x2048xf32, #tpu.memory_space<hbm>>
    %dma_start3A_1485 = tpu.memref_squeeze %dma_start3A_1484 : memref<1x8x2048xf32, #tpu.memory_space<hbm>> -> memref<8x2048xf32, #tpu.memory_space<hbm>>
    %dma_start3A_1486 = arith.constant 0 : i32
    %dma_start3A_1487 = tpu.memref_slice %arg3[%add3A_1476, %multiple_of3A_1479, %dma_start3A_1486] : memref<12x2048x2048xf32, #tpu.memory_space<hbm>> -> memref<1x8x2048xf32, #tpu.memory_space<hbm>>
    %dma_start3A_1488 = tpu.memref_squeeze %dma_start3A_1487 : memref<1x8x2048xf32, #tpu.memory_space<hbm>> -> memref<8x2048xf32, #tpu.memory_space<hbm>>
    %dma_start3A_1489 = arith.constant 0 : i32
    %dma_start3A_1490 = arith.constant 1920 : i32
    %dma_start3A_1491 = tpu.memref_slice %arg4[%dma_start3A_1489, %dma_start3A_1490] : memref<8x3968xf32, #tpu.memory_space<vmem>> -> memref<8x2048xf32, #tpu.memory_space<vmem>>
    tpu.enqueue_dma source(%dma_start3A_1491 : memref<8x2048xf32, #tpu.memory_space<vmem>>) target(%dma_start3A_1488 : memref<8x2048xf32, #tpu.memory_space<hbm>>) target_semaphore(%arg7 : memref<!tpu.dma_semaphore, #tpu.memory_space<semaphore_mem>>)
    %add3A_1492 = arith.constant 128 : i32
    %add3A_1493 = arith.addi %add3A_1492, %multiple_of3A : i32
    %multiple_of3A_1494 = tpu.assume_multiple %add3A_1493, 8 : i32
    %dma_start3A_1495 = arith.constant 0 : i32
    %dma_start3A_1496 = arith.constant 1792 : i32
    %dma_start3A_1497 = tpu.memref_slice %arg4[%dma_start3A_1495, %dma_start3A_1496] : memref<8x3968xf32, #tpu.memory_space<vmem>> -> memref<8x2048xf32, #tpu.memory_space<vmem>>
    %dma_start3A_1498 = arith.constant 0 : i32
    %dma_start3A_1499 = tpu.memref_slice %arg3[%add3A_1476, %multiple_of3A_1494, %dma_start3A_1498] : memref<12x2048x2048xf32, #tpu.memory_space<hbm>> -> memref<1x8x2048xf32, #tpu.memory_space<hbm>>
    %dma_start3A_1500 = tpu.memref_squeeze %dma_start3A_1499 : memref<1x8x2048xf32, #tpu.memory_space<hbm>> -> memref<8x2048xf32, #tpu.memory_space<hbm>>
    %dma_start3A_1501 = arith.constant 0 : i32
    %dma_start3A_1502 = tpu.memref_slice %arg3[%add3A_1476, %multiple_of3A_1494, %dma_start3A_1501] : memref<12x2048x2048xf32, #tpu.memory_space<hbm>> -> memref<1x8x2048xf32, #tpu.memory_space<hbm>>
    %dma_start3A_1503 = tpu.memref_squeeze %dma_start3A_1502 : memref<1x8x2048xf32, #tpu.memory_space<hbm>> -> memref<8x2048xf32, #tpu.memory_space<hbm>>
    %dma_start3A_1504 = arith.constant 0 : i32
    %dma_start3A_1505 = arith.constant 1792 : i32
    %dma_start3A_1506 = tpu.memref_slice %arg4[%dma_start3A_1504, %dma_start3A_1505] : memref<8x3968xf32, #tpu.memory_space<vmem>> -> memref<8x2048xf32, #tpu.memory_space<vmem>>
    tpu.enqueue_dma source(%dma_start3A_1506 : memref<8x2048xf32, #tpu.memory_space<vmem>>) target(%dma_start3A_1503 : memref<8x2048xf32, #tpu.memory_space<hbm>>) target_semaphore(%arg7 : memref<!tpu.dma_semaphore, #tpu.memory_space<semaphore_mem>>)
    %add3A_1507 = arith.constant 256 : i32
    %add3A_1508 = arith.addi %add3A_1507, %multiple_of3A : i32
    %multiple_of3A_1509 = tpu.assume_multiple %add3A_1508, 8 : i32
    %dma_start3A_1510 = arith.constant 0 : i32
    %dma_start3A_1511 = arith.constant 1664 : i32
    %dma_start3A_1512 = tpu.memref_slice %arg4[%dma_start3A_1510, %dma_start3A_1511] : memref<8x3968xf32, #tpu.memory_space<vmem>> -> memref<8x2048xf32, #tpu.memory_space<vmem>>
    %dma_start3A_1513 = arith.constant 0 : i32
    %dma_start3A_1514 = tpu.memref_slice %arg3[%add3A_1476, %multiple_of3A_1509, %dma_start3A_1513] : memref<12x2048x2048xf32, #tpu.memory_space<hbm>> -> memref<1x8x2048xf32, #tpu.memory_space<hbm>>
    %dma_start3A_1515 = tpu.memref_squeeze %dma_start3A_1514 : memref<1x8x2048xf32, #tpu.memory_space<hbm>> -> memref<8x2048xf32, #tpu.memory_space<hbm>>
    %dma_start3A_1516 = arith.constant 0 : i32
    %dma_start3A_1517 = tpu.memref_slice %arg3[%add3A_1476, %multiple_of3A_1509, %dma_start3A_1516] : memref<12x2048x2048xf32, #tpu.memory_space<hbm>> -> memref<1x8x2048xf32, #tpu.memory_space<hbm>>
    %dma_start3A_1518 = tpu.memref_squeeze %dma_start3A_1517 : memref<1x8x2048xf32, #tpu.memory_space<hbm>> -> memref<8x2048xf32, #tpu.memory_space<hbm>>
    %dma_start3A_1519 = arith.constant 0 : i32
    %dma_start3A_1520 = arith.constant 1664 : i32
    %dma_start3A_1521 = tpu.memref_slice %arg4[%dma_start3A_1519, %dma_start3A_1520] : memref<8x3968xf32, #tpu.memory_space<vmem>> -> memref<8x2048xf32, #tpu.memory_space<vmem>>
    tpu.enqueue_dma source(%dma_start3A_1521 : memref<8x2048xf32, #tpu.memory_space<vmem>>) target(%dma_start3A_1518 : memref<8x2048xf32, #tpu.memory_space<hbm>>) target_semaphore(%arg7 : memref<!tpu.dma_semaphore, #tpu.memory_space<semaphore_mem>>)
    %add3A_1522 = arith.constant 384 : i32
    %add3A_1523 = arith.addi %add3A_1522, %multiple_of3A : i32
    %multiple_of3A_1524 = tpu.assume_multiple %add3A_1523, 8 : i32
    %dma_start3A_1525 = arith.constant 0 : i32
    %dma_start3A_1526 = arith.constant 1536 : i32
    %dma_start3A_1527 = tpu.memref_slice %arg4[%dma_start3A_1525, %dma_start3A_1526] : memref<8x3968xf32, #tpu.memory_space<vmem>> -> memref<8x2048xf32, #tpu.memory_space<vmem>>
    %dma_start3A_1528 = arith.constant 0 : i32
    %dma_start3A_1529 = tpu.memref_slice %arg3[%add3A_1476, %multiple_of3A_1524, %dma_start3A_1528] : memref<12x2048x2048xf32, #tpu.memory_space<hbm>> -> memref<1x8x2048xf32, #tpu.memory_space<hbm>>
    %dma_start3A_1530 = tpu.memref_squeeze %dma_start3A_1529 : memref<1x8x2048xf32, #tpu.memory_space<hbm>> -> memref<8x2048xf32, #tpu.memory_space<hbm>>
    %dma_start3A_1531 = arith.constant 0 : i32
    %dma_start3A_1532 = tpu.memref_slice %arg3[%add3A_1476, %multiple_of3A_1524, %dma_start3A_1531] : memref<12x2048x2048xf32, #tpu.memory_space<hbm>> -> memref<1x8x2048xf32, #tpu.memory_space<hbm>>
    %dma_start3A_1533 = tpu.memref_squeeze %dma_start3A_1532 : memref<1x8x2048xf32, #tpu.memory_space<hbm>> -> memref<8x2048xf32, #tpu.memory_space<hbm>>
    %dma_start3A_1534 = arith.constant 0 : i32
    %dma_start3A_1535 = arith.constant 1536 : i32
    %dma_start3A_1536 = tpu.memref_slice %arg4[%dma_start3A_1534, %dma_start3A_1535] : memref<8x3968xf32, #tpu.memory_space<vmem>> -> memref<8x2048xf32, #tpu.memory_space<vmem>>
    tpu.enqueue_dma source(%dma_start3A_1536 : memref<8x2048xf32, #tpu.memory_space<vmem>>) target(%dma_start3A_1533 : memref<8x2048xf32, #tpu.memory_space<hbm>>) target_semaphore(%arg7 : memref<!tpu.dma_semaphore, #tpu.memory_space<semaphore_mem>>)
    %add3A_1537 = arith.constant 512 : i32
    %add3A_1538 = arith.addi %add3A_1537, %multiple_of3A : i32
    %multiple_of3A_1539 = tpu.assume_multiple %add3A_1538, 8 : i32
    %dma_start3A_1540 = arith.constant 0 : i32
    %dma_start3A_1541 = arith.constant 1408 : i32
    %dma_start3A_1542 = tpu.memref_slice %arg4[%dma_start3A_1540, %dma_start3A_1541] : memref<8x3968xf32, #tpu.memory_space<vmem>> -> memref<8x2048xf32, #tpu.memory_space<vmem>>
    %dma_start3A_1543 = arith.constant 0 : i32
    %dma_start3A_1544 = tpu.memref_slice %arg3[%add3A_1476, %multiple_of3A_1539, %dma_start3A_1543] : memref<12x2048x2048xf32, #tpu.memory_space<hbm>> -> memref<1x8x2048xf32, #tpu.memory_space<hbm>>
    %dma_start3A_1545 = tpu.memref_squeeze %dma_start3A_1544 : memref<1x8x2048xf32, #tpu.memory_space<hbm>> -> memref<8x2048xf32, #tpu.memory_space<hbm>>
    %dma_start3A_1546 = arith.constant 0 : i32
    %dma_start3A_1547 = tpu.memref_slice %arg3[%add3A_1476, %multiple_of3A_1539, %dma_start3A_1546] : memref<12x2048x2048xf32, #tpu.memory_space<hbm>> -> memref<1x8x2048xf32, #tpu.memory_space<hbm>>
    %dma_start3A_1548 = tpu.memref_squeeze %dma_start3A_1547 : memref<1x8x2048xf32, #tpu.memory_space<hbm>> -> memref<8x2048xf32, #tpu.memory_space<hbm>>
    %dma_start3A_1549 = arith.constant 0 : i32
    %dma_start3A_1550 = arith.constant 1408 : i32
    %dma_start3A_1551 = tpu.memref_slice %arg4[%dma_start3A_1549, %dma_start3A_1550] : memref<8x3968xf32, #tpu.memory_space<vmem>> -> memref<8x2048xf32, #tpu.memory_space<vmem>>
    tpu.enqueue_dma source(%dma_start3A_1551 : memref<8x2048xf32, #tpu.memory_space<vmem>>) target(%dma_start3A_1548 : memref<8x2048xf32, #tpu.memory_space<hbm>>) target_semaphore(%arg7 : memref<!tpu.dma_semaphore, #tpu.memory_space<semaphore_mem>>)
    %add3A_1552 = arith.constant 640 : i32
    %add3A_1553 = arith.addi %add3A_1552, %multiple_of3A : i32
    %multiple_of3A_1554 = tpu.assume_multiple %add3A_1553, 8 : i32
    %dma_start3A_1555 = arith.constant 0 : i32
    %dma_start3A_1556 = arith.constant 1280 : i32
    %dma_start3A_1557 = tpu.memref_slice %arg4[%dma_start3A_1555, %dma_start3A_1556] : memref<8x3968xf32, #tpu.memory_space<vmem>> -> memref<8x2048xf32, #tpu.memory_space<vmem>>
    %dma_start3A_1558 = arith.constant 0 : i32
    %dma_start3A_1559 = tpu.memref_slice %arg3[%add3A_1476, %multiple_of3A_1554, %dma_start3A_1558] : memref<12x2048x2048xf32, #tpu.memory_space<hbm>> -> memref<1x8x2048xf32, #tpu.memory_space<hbm>>
    %dma_start3A_1560 = tpu.memref_squeeze %dma_start3A_1559 : memref<1x8x2048xf32, #tpu.memory_space<hbm>> -> memref<8x2048xf32, #tpu.memory_space<hbm>>
    %dma_start3A_1561 = arith.constant 0 : i32
    %dma_start3A_1562 = tpu.memref_slice %arg3[%add3A_1476, %multiple_of3A_1554, %dma_start3A_1561] : memref<12x2048x2048xf32, #tpu.memory_space<hbm>> -> memref<1x8x2048xf32, #tpu.memory_space<hbm>>
    %dma_start3A_1563 = tpu.memref_squeeze %dma_start3A_1562 : memref<1x8x2048xf32, #tpu.memory_space<hbm>> -> memref<8x2048xf32, #tpu.memory_space<hbm>>
    %dma_start3A_1564 = arith.constant 0 : i32
    %dma_start3A_1565 = arith.constant 1280 : i32
    %dma_start3A_1566 = tpu.memref_slice %arg4[%dma_start3A_1564, %dma_start3A_1565] : memref<8x3968xf32, #tpu.memory_space<vmem>> -> memref<8x2048xf32, #tpu.memory_space<vmem>>
    tpu.enqueue_dma source(%dma_start3A_1566 : memref<8x2048xf32, #tpu.memory_space<vmem>>) target(%dma_start3A_1563 : memref<8x2048xf32, #tpu.memory_space<hbm>>) target_semaphore(%arg7 : memref<!tpu.dma_semaphore, #tpu.memory_space<semaphore_mem>>)
    %add3A_1567 = arith.constant 768 : i32
    %add3A_1568 = arith.addi %add3A_1567, %multiple_of3A : i32
    %multiple_of3A_1569 = tpu.assume_multiple %add3A_1568, 8 : i32
    %dma_start3A_1570 = arith.constant 0 : i32
    %dma_start3A_1571 = arith.constant 1152 : i32
    %dma_start3A_1572 = tpu.memref_slice %arg4[%dma_start3A_1570, %dma_start3A_1571] : memref<8x3968xf32, #tpu.memory_space<vmem>> -> memref<8x2048xf32, #tpu.memory_space<vmem>>
    %dma_start3A_1573 = arith.constant 0 : i32
    %dma_start3A_1574 = tpu.memref_slice %arg3[%add3A_1476, %multiple_of3A_1569, %dma_start3A_1573] : memref<12x2048x2048xf32, #tpu.memory_space<hbm>> -> memref<1x8x2048xf32, #tpu.memory_space<hbm>>
    %dma_start3A_1575 = tpu.memref_squeeze %dma_start3A_1574 : memref<1x8x2048xf32, #tpu.memory_space<hbm>> -> memref<8x2048xf32, #tpu.memory_space<hbm>>
    %dma_start3A_1576 = arith.constant 0 : i32
    %dma_start3A_1577 = tpu.memref_slice %arg3[%add3A_1476, %multiple_of3A_1569, %dma_start3A_1576] : memref<12x2048x2048xf32, #tpu.memory_space<hbm>> -> memref<1x8x2048xf32, #tpu.memory_space<hbm>>
    %dma_start3A_1578 = tpu.memref_squeeze %dma_start3A_1577 : memref<1x8x2048xf32, #tpu.memory_space<hbm>> -> memref<8x2048xf32, #tpu.memory_space<hbm>>
    %dma_start3A_1579 = arith.constant 0 : i32
    %dma_start3A_1580 = arith.constant 1152 : i32
    %dma_start3A_1581 = tpu.memref_slice %arg4[%dma_start3A_1579, %dma_start3A_1580] : memref<8x3968xf32, #tpu.memory_space<vmem>> -> memref<8x2048xf32, #tpu.memory_space<vmem>>
    tpu.enqueue_dma source(%dma_start3A_1581 : memref<8x2048xf32, #tpu.memory_space<vmem>>) target(%dma_start3A_1578 : memref<8x2048xf32, #tpu.memory_space<hbm>>) target_semaphore(%arg7 : memref<!tpu.dma_semaphore, #tpu.memory_space<semaphore_mem>>)
    %add3A_1582 = arith.constant 896 : i32
    %add3A_1583 = arith.addi %add3A_1582, %multiple_of3A : i32
    %multiple_of3A_1584 = tpu.assume_multiple %add3A_1583, 8 : i32
    %dma_start3A_1585 = arith.constant 0 : i32
    %dma_start3A_1586 = arith.constant 1024 : i32
    %dma_start3A_1587 = tpu.memref_slice %arg4[%dma_start3A_1585, %dma_start3A_1586] : memref<8x3968xf32, #tpu.memory_space<vmem>> -> memref<8x2048xf32, #tpu.memory_space<vmem>>
    %dma_start3A_1588 = arith.constant 0 : i32
    %dma_start3A_1589 = tpu.memref_slice %arg3[%add3A_1476, %multiple_of3A_1584, %dma_start3A_1588] : memref<12x2048x2048xf32, #tpu.memory_space<hbm>> -> memref<1x8x2048xf32, #tpu.memory_space<hbm>>
    %dma_start3A_1590 = tpu.memref_squeeze %dma_start3A_1589 : memref<1x8x2048xf32, #tpu.memory_space<hbm>> -> memref<8x2048xf32, #tpu.memory_space<hbm>>
    %dma_start3A_1591 = arith.constant 0 : i32
    %dma_start3A_1592 = tpu.memref_slice %arg3[%add3A_1476, %multiple_of3A_1584, %dma_start3A_1591] : memref<12x2048x2048xf32, #tpu.memory_space<hbm>> -> memref<1x8x2048xf32, #tpu.memory_space<hbm>>
    %dma_start3A_1593 = tpu.memref_squeeze %dma_start3A_1592 : memref<1x8x2048xf32, #tpu.memory_space<hbm>> -> memref<8x2048xf32, #tpu.memory_space<hbm>>
    %dma_start3A_1594 = arith.constant 0 : i32
    %dma_start3A_1595 = arith.constant 1024 : i32
    %dma_start3A_1596 = tpu.memref_slice %arg4[%dma_start3A_1594, %dma_start3A_1595] : memref<8x3968xf32, #tpu.memory_space<vmem>> -> memref<8x2048xf32, #tpu.memory_space<vmem>>
    tpu.enqueue_dma source(%dma_start3A_1596 : memref<8x2048xf32, #tpu.memory_space<vmem>>) target(%dma_start3A_1593 : memref<8x2048xf32, #tpu.memory_space<hbm>>) target_semaphore(%arg7 : memref<!tpu.dma_semaphore, #tpu.memory_space<semaphore_mem>>)
    %add3A_1597 = arith.constant 1024 : i32
    %add3A_1598 = arith.addi %add3A_1597, %multiple_of3A : i32
    %multiple_of3A_1599 = tpu.assume_multiple %add3A_1598, 8 : i32
    %dma_start3A_1600 = arith.constant 0 : i32
    %dma_start3A_1601 = arith.constant 896 : i32
    %dma_start3A_1602 = tpu.memref_slice %arg4[%dma_start3A_1600, %dma_start3A_1601] : memref<8x3968xf32, #tpu.memory_space<vmem>> -> memref<8x2048xf32, #tpu.memory_space<vmem>>
    %dma_start3A_1603 = arith.constant 0 : i32
    %dma_start3A_1604 = tpu.memref_slice %arg3[%add3A_1476, %multiple_of3A_1599, %dma_start3A_1603] : memref<12x2048x2048xf32, #tpu.memory_space<hbm>> -> memref<1x8x2048xf32, #tpu.memory_space<hbm>>
    %dma_start3A_1605 = tpu.memref_squeeze %dma_start3A_1604 : memref<1x8x2048xf32, #tpu.memory_space<hbm>> -> memref<8x2048xf32, #tpu.memory_space<hbm>>
    %dma_start3A_1606 = arith.constant 0 : i32
    %dma_start3A_1607 = tpu.memref_slice %arg3[%add3A_1476, %multiple_of3A_1599, %dma_start3A_1606] : memref<12x2048x2048xf32, #tpu.memory_space<hbm>> -> memref<1x8x2048xf32, #tpu.memory_space<hbm>>
    %dma_start3A_1608 = tpu.memref_squeeze %dma_start3A_1607 : memref<1x8x2048xf32, #tpu.memory_space<hbm>> -> memref<8x2048xf32, #tpu.memory_space<hbm>>
    %dma_start3A_1609 = arith.constant 0 : i32
    %dma_start3A_1610 = arith.constant 896 : i32
    %dma_start3A_1611 = tpu.memref_slice %arg4[%dma_start3A_1609, %dma_start3A_1610] : memref<8x3968xf32, #tpu.memory_space<vmem>> -> memref<8x2048xf32, #tpu.memory_space<vmem>>
    tpu.enqueue_dma source(%dma_start3A_1611 : memref<8x2048xf32, #tpu.memory_space<vmem>>) target(%dma_start3A_1608 : memref<8x2048xf32, #tpu.memory_space<hbm>>) target_semaphore(%arg7 : memref<!tpu.dma_semaphore, #tpu.memory_space<semaphore_mem>>)
    %add3A_1612 = arith.constant 1152 : i32
    %add3A_1613 = arith.addi %add3A_1612, %multiple_of3A : i32
    %multiple_of3A_1614 = tpu.assume_multiple %add3A_1613, 8 : i32
    %dma_start3A_1615 = arith.constant 0 : i32
    %dma_start3A_1616 = arith.constant 768 : i32
    %dma_start3A_1617 = tpu.memref_slice %arg4[%dma_start3A_1615, %dma_start3A_1616] : memref<8x3968xf32, #tpu.memory_space<vmem>> -> memref<8x2048xf32, #tpu.memory_space<vmem>>
    %dma_start3A_1618 = arith.constant 0 : i32
    %dma_start3A_1619 = tpu.memref_slice %arg3[%add3A_1476, %multiple_of3A_1614, %dma_start3A_1618] : memref<12x2048x2048xf32, #tpu.memory_space<hbm>> -> memref<1x8x2048xf32, #tpu.memory_space<hbm>>
    %dma_start3A_1620 = tpu.memref_squeeze %dma_start3A_1619 : memref<1x8x2048xf32, #tpu.memory_space<hbm>> -> memref<8x2048xf32, #tpu.memory_space<hbm>>
    %dma_start3A_1621 = arith.constant 0 : i32
    %dma_start3A_1622 = tpu.memref_slice %arg3[%add3A_1476, %multiple_of3A_1614, %dma_start3A_1621] : memref<12x2048x2048xf32, #tpu.memory_space<hbm>> -> memref<1x8x2048xf32, #tpu.memory_space<hbm>>
    %dma_start3A_1623 = tpu.memref_squeeze %dma_start3A_1622 : memref<1x8x2048xf32, #tpu.memory_space<hbm>> -> memref<8x2048xf32, #tpu.memory_space<hbm>>
    %dma_start3A_1624 = arith.constant 0 : i32
    %dma_start3A_1625 = arith.constant 768 : i32
    %dma_start3A_1626 = tpu.memref_slice %arg4[%dma_start3A_1624, %dma_start3A_1625] : memref<8x3968xf32, #tpu.memory_space<vmem>> -> memref<8x2048xf32, #tpu.memory_space<vmem>>
    tpu.enqueue_dma source(%dma_start3A_1626 : memref<8x2048xf32, #tpu.memory_space<vmem>>) target(%dma_start3A_1623 : memref<8x2048xf32, #tpu.memory_space<hbm>>) target_semaphore(%arg7 : memref<!tpu.dma_semaphore, #tpu.memory_space<semaphore_mem>>)
    %add3A_1627 = arith.constant 1280 : i32
    %add3A_1628 = arith.addi %add3A_1627, %multiple_of3A : i32
    %multiple_of3A_1629 = tpu.assume_multiple %add3A_1628, 8 : i32
    %dma_start3A_1630 = arith.constant 0 : i32
    %dma_start3A_1631 = arith.constant 640 : i32
    %dma_start3A_1632 = tpu.memref_slice %arg4[%dma_start3A_1630, %dma_start3A_1631] : memref<8x3968xf32, #tpu.memory_space<vmem>> -> memref<8x2048xf32, #tpu.memory_space<vmem>>
    %dma_start3A_1633 = arith.constant 0 : i32
    %dma_start3A_1634 = tpu.memref_slice %arg3[%add3A_1476, %multiple_of3A_1629, %dma_start3A_1633] : memref<12x2048x2048xf32, #tpu.memory_space<hbm>> -> memref<1x8x2048xf32, #tpu.memory_space<hbm>>
    %dma_start3A_1635 = tpu.memref_squeeze %dma_start3A_1634 : memref<1x8x2048xf32, #tpu.memory_space<hbm>> -> memref<8x2048xf32, #tpu.memory_space<hbm>>
    %dma_start3A_1636 = arith.constant 0 : i32
    %dma_start3A_1637 = tpu.memref_slice %arg3[%add3A_1476, %multiple_of3A_1629, %dma_start3A_1636] : memref<12x2048x2048xf32, #tpu.memory_space<hbm>> -> memref<1x8x2048xf32, #tpu.memory_space<hbm>>
    %dma_start3A_1638 = tpu.memref_squeeze %dma_start3A_1637 : memref<1x8x2048xf32, #tpu.memory_space<hbm>> -> memref<8x2048xf32, #tpu.memory_space<hbm>>
    %dma_start3A_1639 = arith.constant 0 : i32
    %dma_start3A_1640 = arith.constant 640 : i32
    %dma_start3A_1641 = tpu.memref_slice %arg4[%dma_start3A_1639, %dma_start3A_1640] : memref<8x3968xf32, #tpu.memory_space<vmem>> -> memref<8x2048xf32, #tpu.memory_space<vmem>>
    tpu.enqueue_dma source(%dma_start3A_1641 : memref<8x2048xf32, #tpu.memory_space<vmem>>) target(%dma_start3A_1638 : memref<8x2048xf32, #tpu.memory_space<hbm>>) target_semaphore(%arg7 : memref<!tpu.dma_semaphore, #tpu.memory_space<semaphore_mem>>)
    %add3A_1642 = arith.constant 1408 : i32
    %add3A_1643 = arith.addi %add3A_1642, %multiple_of3A : i32
    %multiple_of3A_1644 = tpu.assume_multiple %add3A_1643, 8 : i32
    %dma_start3A_1645 = arith.constant 0 : i32
    %dma_start3A_1646 = arith.constant 512 : i32
    %dma_start3A_1647 = tpu.memref_slice %arg4[%dma_start3A_1645, %dma_start3A_1646] : memref<8x3968xf32, #tpu.memory_space<vmem>> -> memref<8x2048xf32, #tpu.memory_space<vmem>>
    %dma_start3A_1648 = arith.constant 0 : i32
    %dma_start3A_1649 = tpu.memref_slice %arg3[%add3A_1476, %multiple_of3A_1644, %dma_start3A_1648] : memref<12x2048x2048xf32, #tpu.memory_space<hbm>> -> memref<1x8x2048xf32, #tpu.memory_space<hbm>>
    %dma_start3A_1650 = tpu.memref_squeeze %dma_start3A_1649 : memref<1x8x2048xf32, #tpu.memory_space<hbm>> -> memref<8x2048xf32, #tpu.memory_space<hbm>>
    %dma_start3A_1651 = arith.constant 0 : i32
    %dma_start3A_1652 = tpu.memref_slice %arg3[%add3A_1476, %multiple_of3A_1644, %dma_start3A_1651] : memref<12x2048x2048xf32, #tpu.memory_space<hbm>> -> memref<1x8x2048xf32, #tpu.memory_space<hbm>>
    %dma_start3A_1653 = tpu.memref_squeeze %dma_start3A_1652 : memref<1x8x2048xf32, #tpu.memory_space<hbm>> -> memref<8x2048xf32, #tpu.memory_space<hbm>>
    %dma_start3A_1654 = arith.constant 0 : i32
    %dma_start3A_1655 = arith.constant 512 : i32
    %dma_start3A_1656 = tpu.memref_slice %arg4[%dma_start3A_1654, %dma_start3A_1655] : memref<8x3968xf32, #tpu.memory_space<vmem>> -> memref<8x2048xf32, #tpu.memory_space<vmem>>
    tpu.enqueue_dma source(%dma_start3A_1656 : memref<8x2048xf32, #tpu.memory_space<vmem>>) target(%dma_start3A_1653 : memref<8x2048xf32, #tpu.memory_space<hbm>>) target_semaphore(%arg7 : memref<!tpu.dma_semaphore, #tpu.memory_space<semaphore_mem>>)
    %add3A_1657 = arith.constant 1536 : i32
    %add3A_1658 = arith.addi %add3A_1657, %multiple_of3A : i32
    %multiple_of3A_1659 = tpu.assume_multiple %add3A_1658, 8 : i32
    %dma_start3A_1660 = arith.constant 0 : i32
    %dma_start3A_1661 = arith.constant 384 : i32
    %dma_start3A_1662 = tpu.memref_slice %arg4[%dma_start3A_1660, %dma_start3A_1661] : memref<8x3968xf32, #tpu.memory_space<vmem>> -> memref<8x2048xf32, #tpu.memory_space<vmem>>
    %dma_start3A_1663 = arith.constant 0 : i32
    %dma_start3A_1664 = tpu.memref_slice %arg3[%add3A_1476, %multiple_of3A_1659, %dma_start3A_1663] : memref<12x2048x2048xf32, #tpu.memory_space<hbm>> -> memref<1x8x2048xf32, #tpu.memory_space<hbm>>
    %dma_start3A_1665 = tpu.memref_squeeze %dma_start3A_1664 : memref<1x8x2048xf32, #tpu.memory_space<hbm>> -> memref<8x2048xf32, #tpu.memory_space<hbm>>
    %dma_start3A_1666 = arith.constant 0 : i32
    %dma_start3A_1667 = tpu.memref_slice %arg3[%add3A_1476, %multiple_of3A_1659, %dma_start3A_1666] : memref<12x2048x2048xf32, #tpu.memory_space<hbm>> -> memref<1x8x2048xf32, #tpu.memory_space<hbm>>
    %dma_start3A_1668 = tpu.memref_squeeze %dma_start3A_1667 : memref<1x8x2048xf32, #tpu.memory_space<hbm>> -> memref<8x2048xf32, #tpu.memory_space<hbm>>
    %dma_start3A_1669 = arith.constant 0 : i32
    %dma_start3A_1670 = arith.constant 384 : i32
    %dma_start3A_1671 = tpu.memref_slice %arg4[%dma_start3A_1669, %dma_start3A_1670] : memref<8x3968xf32, #tpu.memory_space<vmem>> -> memref<8x2048xf32, #tpu.memory_space<vmem>>
    tpu.enqueue_dma source(%dma_start3A_1671 : memref<8x2048xf32, #tpu.memory_space<vmem>>) target(%dma_start3A_1668 : memref<8x2048xf32, #tpu.memory_space<hbm>>) target_semaphore(%arg7 : memref<!tpu.dma_semaphore, #tpu.memory_space<semaphore_mem>>)
    %add3A_1672 = arith.constant 1664 : i32
    %add3A_1673 = arith.addi %add3A_1672, %multiple_of3A : i32
    %multiple_of3A_1674 = tpu.assume_multiple %add3A_1673, 8 : i32
    %dma_start3A_1675 = arith.constant 0 : i32
    %dma_start3A_1676 = arith.constant 256 : i32
    %dma_start3A_1677 = tpu.memref_slice %arg4[%dma_start3A_1675, %dma_start3A_1676] : memref<8x3968xf32, #tpu.memory_space<vmem>> -> memref<8x2048xf32, #tpu.memory_space<vmem>>
    %dma_start3A_1678 = arith.constant 0 : i32
    %dma_start3A_1679 = tpu.memref_slice %arg3[%add3A_1476, %multiple_of3A_1674, %dma_start3A_1678] : memref<12x2048x2048xf32, #tpu.memory_space<hbm>> -> memref<1x8x2048xf32, #tpu.memory_space<hbm>>
    %dma_start3A_1680 = tpu.memref_squeeze %dma_start3A_1679 : memref<1x8x2048xf32, #tpu.memory_space<hbm>> -> memref<8x2048xf32, #tpu.memory_space<hbm>>
    %dma_start3A_1681 = arith.constant 0 : i32
    %dma_start3A_1682 = tpu.memref_slice %arg3[%add3A_1476, %multiple_of3A_1674, %dma_start3A_1681] : memref<12x2048x2048xf32, #tpu.memory_space<hbm>> -> memref<1x8x2048xf32, #tpu.memory_space<hbm>>
    %dma_start3A_1683 = tpu.memref_squeeze %dma_start3A_1682 : memref<1x8x2048xf32, #tpu.memory_space<hbm>> -> memref<8x2048xf32, #tpu.memory_space<hbm>>
    %dma_start3A_1684 = arith.constant 0 : i32
    %dma_start3A_1685 = arith.constant 256 : i32
    %dma_start3A_1686 = tpu.memref_slice %arg4[%dma_start3A_1684, %dma_start3A_1685] : memref<8x3968xf32, #tpu.memory_space<vmem>> -> memref<8x2048xf32, #tpu.memory_space<vmem>>
    tpu.enqueue_dma source(%dma_start3A_1686 : memref<8x2048xf32, #tpu.memory_space<vmem>>) target(%dma_start3A_1683 : memref<8x2048xf32, #tpu.memory_space<hbm>>) target_semaphore(%arg7 : memref<!tpu.dma_semaphore, #tpu.memory_space<semaphore_mem>>)
    %add3A_1687 = arith.constant 1792 : i32
    %add3A_1688 = arith.addi %add3A_1687, %multiple_of3A : i32
    %multiple_of3A_1689 = tpu.assume_multiple %add3A_1688, 8 : i32
    %dma_start3A_1690 = arith.constant 0 : i32
    %dma_start3A_1691 = arith.constant 128 : i32
    %dma_start3A_1692 = tpu.memref_slice %arg4[%dma_start3A_1690, %dma_start3A_1691] : memref<8x3968xf32, #tpu.memory_space<vmem>> -> memref<8x2048xf32, #tpu.memory_space<vmem>>
    %dma_start3A_1693 = arith.constant 0 : i32
    %dma_start3A_1694 = tpu.memref_slice %arg3[%add3A_1476, %multiple_of3A_1689, %dma_start3A_1693] : memref<12x2048x2048xf32, #tpu.memory_space<hbm>> -> memref<1x8x2048xf32, #tpu.memory_space<hbm>>
    %dma_start3A_1695 = tpu.memref_squeeze %dma_start3A_1694 : memref<1x8x2048xf32, #tpu.memory_space<hbm>> -> memref<8x2048xf32, #tpu.memory_space<hbm>>
    %dma_start3A_1696 = arith.constant 0 : i32
    %dma_start3A_1697 = tpu.memref_slice %arg3[%add3A_1476, %multiple_of3A_1689, %dma_start3A_1696] : memref<12x2048x2048xf32, #tpu.memory_space<hbm>> -> memref<1x8x2048xf32, #tpu.memory_space<hbm>>
    %dma_start3A_1698 = tpu.memref_squeeze %dma_start3A_1697 : memref<1x8x2048xf32, #tpu.memory_space<hbm>> -> memref<8x2048xf32, #tpu.memory_space<hbm>>
    %dma_start3A_1699 = arith.constant 0 : i32
    %dma_start3A_1700 = arith.constant 128 : i32
    %dma_start3A_1701 = tpu.memref_slice %arg4[%dma_start3A_1699, %dma_start3A_1700] : memref<8x3968xf32, #tpu.memory_space<vmem>> -> memref<8x2048xf32, #tpu.memory_space<vmem>>
    tpu.enqueue_dma source(%dma_start3A_1701 : memref<8x2048xf32, #tpu.memory_space<vmem>>) target(%dma_start3A_1698 : memref<8x2048xf32, #tpu.memory_space<hbm>>) target_semaphore(%arg7 : memref<!tpu.dma_semaphore, #tpu.memory_space<semaphore_mem>>)
    %add3A_1702 = arith.constant 1920 : i32
    %add3A_1703 = arith.addi %add3A_1702, %multiple_of3A : i32
    %multiple_of3A_1704 = tpu.assume_multiple %add3A_1703, 8 : i32
    %dma_start3A_1705 = arith.constant 0 : i32
    %dma_start3A_1706 = arith.constant 0 : i32
    %dma_start3A_1707 = tpu.memref_slice %arg4[%dma_start3A_1705, %dma_start3A_1706] : memref<8x3968xf32, #tpu.memory_space<vmem>> -> memref<8x2048xf32, #tpu.memory_space<vmem>>
    %dma_start3A_1708 = arith.constant 0 : i32
    %dma_start3A_1709 = tpu.memref_slice %arg3[%add3A_1476, %multiple_of3A_1704, %dma_start3A_1708] : memref<12x2048x2048xf32, #tpu.memory_space<hbm>> -> memref<1x8x2048xf32, #tpu.memory_space<hbm>>
    %dma_start3A_1710 = tpu.memref_squeeze %dma_start3A_1709 : memref<1x8x2048xf32, #tpu.memory_space<hbm>> -> memref<8x2048xf32, #tpu.memory_space<hbm>>
    %dma_start3A_1711 = arith.constant 0 : i32
    %dma_start3A_1712 = tpu.memref_slice %arg3[%add3A_1476, %multiple_of3A_1704, %dma_start3A_1711] : memref<12x2048x2048xf32, #tpu.memory_space<hbm>> -> memref<1x8x2048xf32, #tpu.memory_space<hbm>>
    %dma_start3A_1713 = tpu.memref_squeeze %dma_start3A_1712 : memref<1x8x2048xf32, #tpu.memory_space<hbm>> -> memref<8x2048xf32, #tpu.memory_space<hbm>>
    %dma_start3A_1714 = arith.constant 0 : i32
    %dma_start3A_1715 = arith.constant 0 : i32
    %dma_start3A_1716 = tpu.memref_slice %arg4[%dma_start3A_1714, %dma_start3A_1715] : memref<8x3968xf32, #tpu.memory_space<vmem>> -> memref<8x2048xf32, #tpu.memory_space<vmem>>
    tpu.enqueue_dma source(%dma_start3A_1716 : memref<8x2048xf32, #tpu.memory_space<vmem>>) target(%dma_start3A_1713 : memref<8x2048xf32, #tpu.memory_space<hbm>>) target_semaphore(%arg7 : memref<!tpu.dma_semaphore, #tpu.memory_space<semaphore_mem>>)
    %dma_wait3A_1717 = arith.constant 0 : i32
    %dma_wait3A_1718 = arith.constant 0 : i32
    %dma_wait3A_1719 = arith.constant 0 : i32
    %dma_wait3A_1720 = tpu.memref_slice %arg6[%dma_wait3A_1718, %dma_wait3A_1719] : memref<8x3968xf32, #tpu.memory_space<vmem>> -> memref<8x2048xf32, #tpu.memory_space<vmem>>
    %dma_wait3A_1721 = arith.constant 0 : i32
    %dma_wait3A_1722 = arith.constant 0 : i32
    %dma_wait3A_1723 = tpu.memref_slice %arg3[%dma_wait3A_1717, %dma_wait3A_1721, %dma_wait3A_1722] : memref<12x2048x2048xf32, #tpu.memory_space<hbm>> -> memref<1x8x2048xf32, #tpu.memory_space<hbm>>
    %dma_wait3A_1724 = tpu.memref_squeeze %dma_wait3A_1723 : memref<1x8x2048xf32, #tpu.memory_space<hbm>> -> memref<8x2048xf32, #tpu.memory_space<hbm>>
    %dma_wait3A_1725 = arith.constant 0 : i32
    %dma_wait3A_1726 = arith.constant 0 : i32
    %dma_wait3A_1727 = tpu.memref_slice %arg3[%dma_wait3A_1717, %dma_wait3A_1725, %dma_wait3A_1726] : memref<12x2048x2048xf32, #tpu.memory_space<hbm>> -> memref<1x8x2048xf32, #tpu.memory_space<hbm>>
    %dma_wait3A_1728 = tpu.memref_squeeze %dma_wait3A_1727 : memref<1x8x2048xf32, #tpu.memory_space<hbm>> -> memref<8x2048xf32, #tpu.memory_space<hbm>>
    %dma_wait3A_1729 = arith.constant 0 : i32
    %dma_wait3A_1730 = arith.constant 0 : i32
    %dma_wait3A_1731 = tpu.memref_slice %arg6[%dma_wait3A_1729, %dma_wait3A_1730] : memref<8x3968xf32, #tpu.memory_space<vmem>> -> memref<8x2048xf32, #tpu.memory_space<vmem>>
    tpu.wait_dma2 semaphore(%arg9 : memref<!tpu.dma_semaphore, #tpu.memory_space<semaphore_mem>>) src(%dma_wait3A_1731 : memref<8x2048xf32, #tpu.memory_space<vmem>>) dst(%dma_wait3A_1728 : memref<8x2048xf32, #tpu.memory_space<hbm>>)
    %dma_wait3A_1732 = arith.constant 0 : i32
    %dma_wait3A_1733 = arith.constant 0 : i32
    %dma_wait3A_1734 = arith.constant 0 : i32
    %dma_wait3A_1735 = tpu.memref_slice %arg6[%dma_wait3A_1733, %dma_wait3A_1734] : memref<8x3968xf32, #tpu.memory_space<vmem>> -> memref<8x2048xf32, #tpu.memory_space<vmem>>
    %dma_wait3A_1736 = arith.constant 0 : i32
    %dma_wait3A_1737 = arith.constant 0 : i32
    %dma_wait3A_1738 = tpu.memref_slice %arg3[%dma_wait3A_1732, %dma_wait3A_1736, %dma_wait3A_1737] : memref<12x2048x2048xf32, #tpu.memory_space<hbm>> -> memref<1x8x2048xf32, #tpu.memory_space<hbm>>
    %dma_wait3A_1739 = tpu.memref_squeeze %dma_wait3A_1738 : memref<1x8x2048xf32, #tpu.memory_space<hbm>> -> memref<8x2048xf32, #tpu.memory_space<hbm>>
    %dma_wait3A_1740 = arith.constant 0 : i32
    %dma_wait3A_1741 = arith.constant 0 : i32
    %dma_wait3A_1742 = tpu.memref_slice %arg3[%dma_wait3A_1732, %dma_wait3A_1740, %dma_wait3A_1741] : memref<12x2048x2048xf32, #tpu.memory_space<hbm>> -> memref<1x8x2048xf32, #tpu.memory_space<hbm>>
    %dma_wait3A_1743 = tpu.memref_squeeze %dma_wait3A_1742 : memref<1x8x2048xf32, #tpu.memory_space<hbm>> -> memref<8x2048xf32, #tpu.memory_space<hbm>>
    %dma_wait3A_1744 = arith.constant 0 : i32
    %dma_wait3A_1745 = arith.constant 0 : i32
    %dma_wait3A_1746 = tpu.memref_slice %arg6[%dma_wait3A_1744, %dma_wait3A_1745] : memref<8x3968xf32, #tpu.memory_space<vmem>> -> memref<8x2048xf32, #tpu.memory_space<vmem>>
    tpu.wait_dma2 semaphore(%arg9 : memref<!tpu.dma_semaphore, #tpu.memory_space<semaphore_mem>>) src(%dma_wait3A_1746 : memref<8x2048xf32, #tpu.memory_space<vmem>>) dst(%dma_wait3A_1743 : memref<8x2048xf32, #tpu.memory_space<hbm>>)
    %dma_wait3A_1747 = arith.constant 0 : i32
    %dma_wait3A_1748 = arith.constant 0 : i32
    %dma_wait3A_1749 = arith.constant 0 : i32
    %dma_wait3A_1750 = tpu.memref_slice %arg6[%dma_wait3A_1748, %dma_wait3A_1749] : memref<8x3968xf32, #tpu.memory_space<vmem>> -> memref<8x2048xf32, #tpu.memory_space<vmem>>
    %dma_wait3A_1751 = arith.constant 0 : i32
    %dma_wait3A_1752 = arith.constant 0 : i32
    %dma_wait3A_1753 = tpu.memref_slice %arg3[%dma_wait3A_1747, %dma_wait3A_1751, %dma_wait3A_1752] : memref<12x2048x2048xf32, #tpu.memory_space<hbm>> -> memref<1x8x2048xf32, #tpu.memory_space<hbm>>
    %dma_wait3A_1754 = tpu.memref_squeeze %dma_wait3A_1753 : memref<1x8x2048xf32, #tpu.memory_space<hbm>> -> memref<8x2048xf32, #tpu.memory_space<hbm>>
    %dma_wait3A_1755 = arith.constant 0 : i32
    %dma_wait3A_1756 = arith.constant 0 : i32
    %dma_wait3A_1757 = tpu.memref_slice %arg3[%dma_wait3A_1747, %dma_wait3A_1755, %dma_wait3A_1756] : memref<12x2048x2048xf32, #tpu.memory_space<hbm>> -> memref<1x8x2048xf32, #tpu.memory_space<hbm>>
    %dma_wait3A_1758 = tpu.memref_squeeze %dma_wait3A_1757 : memref<1x8x2048xf32, #tpu.memory_space<hbm>> -> memref<8x2048xf32, #tpu.memory_space<hbm>>
    %dma_wait3A_1759 = arith.constant 0 : i32
    %dma_wait3A_1760 = arith.constant 0 : i32
    %dma_wait3A_1761 = tpu.memref_slice %arg6[%dma_wait3A_1759, %dma_wait3A_1760] : memref<8x3968xf32, #tpu.memory_space<vmem>> -> memref<8x2048xf32, #tpu.memory_space<vmem>>
    tpu.wait_dma2 semaphore(%arg9 : memref<!tpu.dma_semaphore, #tpu.memory_space<semaphore_mem>>) src(%dma_wait3A_1761 : memref<8x2048xf32, #tpu.memory_space<vmem>>) dst(%dma_wait3A_1758 : memref<8x2048xf32, #tpu.memory_space<hbm>>)
    %dma_wait3A_1762 = arith.constant 0 : i32
    %dma_wait3A_1763 = arith.constant 0 : i32
    %dma_wait3A_1764 = arith.constant 0 : i32
    %dma_wait3A_1765 = tpu.memref_slice %arg6[%dma_wait3A_1763, %dma_wait3A_1764] : memref<8x3968xf32, #tpu.memory_space<vmem>> -> memref<8x2048xf32, #tpu.memory_space<vmem>>
    %dma_wait3A_1766 = arith.constant 0 : i32
    %dma_wait3A_1767 = arith.constant 0 : i32
    %dma_wait3A_1768 = tpu.memref_slice %arg3[%dma_wait3A_1762, %dma_wait3A_1766, %dma_wait3A_1767] : memref<12x2048x2048xf32, #tpu.memory_space<hbm>> -> memref<1x8x2048xf32, #tpu.memory_space<hbm>>
    %dma_wait3A_1769 = tpu.memref_squeeze %dma_wait3A_1768 : memref<1x8x2048xf32, #tpu.memory_space<hbm>> -> memref<8x2048xf32, #tpu.memory_space<hbm>>
    %dma_wait3A_1770 = arith.constant 0 : i32
    %dma_wait3A_1771 = arith.constant 0 : i32
    %dma_wait3A_1772 = tpu.memref_slice %arg3[%dma_wait3A_1762, %dma_wait3A_1770, %dma_wait3A_1771] : memref<12x2048x2048xf32, #tpu.memory_space<hbm>> -> memref<1x8x2048xf32, #tpu.memory_space<hbm>>
    %dma_wait3A_1773 = tpu.memref_squeeze %dma_wait3A_1772 : memref<1x8x2048xf32, #tpu.memory_space<hbm>> -> memref<8x2048xf32, #tpu.memory_space<hbm>>
    %dma_wait3A_1774 = arith.constant 0 : i32
    %dma_wait3A_1775 = arith.constant 0 : i32
    %dma_wait3A_1776 = tpu.memref_slice %arg6[%dma_wait3A_1774, %dma_wait3A_1775] : memref<8x3968xf32, #tpu.memory_space<vmem>> -> memref<8x2048xf32, #tpu.memory_space<vmem>>
    tpu.wait_dma2 semaphore(%arg9 : memref<!tpu.dma_semaphore, #tpu.memory_space<semaphore_mem>>) src(%dma_wait3A_1776 : memref<8x2048xf32, #tpu.memory_space<vmem>>) dst(%dma_wait3A_1773 : memref<8x2048xf32, #tpu.memory_space<hbm>>)
    %dma_wait3A_1777 = arith.constant 0 : i32
    %dma_wait3A_1778 = arith.constant 0 : i32
    %dma_wait3A_1779 = arith.constant 0 : i32
    %dma_wait3A_1780 = tpu.memref_slice %arg6[%dma_wait3A_1778, %dma_wait3A_1779] : memref<8x3968xf32, #tpu.memory_space<vmem>> -> memref<8x2048xf32, #tpu.memory_space<vmem>>
    %dma_wait3A_1781 = arith.constant 0 : i32
    %dma_wait3A_1782 = arith.constant 0 : i32
    %dma_wait3A_1783 = tpu.memref_slice %arg3[%dma_wait3A_1777, %dma_wait3A_1781, %dma_wait3A_1782] : memref<12x2048x2048xf32, #tpu.memory_space<hbm>> -> memref<1x8x2048xf32, #tpu.memory_space<hbm>>
    %dma_wait3A_1784 = tpu.memref_squeeze %dma_wait3A_1783 : memref<1x8x2048xf32, #tpu.memory_space<hbm>> -> memref<8x2048xf32, #tpu.memory_space<hbm>>
    %dma_wait3A_1785 = arith.constant 0 : i32
    %dma_wait3A_1786 = arith.constant 0 : i32
    %dma_wait3A_1787 = tpu.memref_slice %arg3[%dma_wait3A_1777, %dma_wait3A_1785, %dma_wait3A_1786] : memref<12x2048x2048xf32, #tpu.memory_space<hbm>> -> memref<1x8x2048xf32, #tpu.memory_space<hbm>>
    %dma_wait3A_1788 = tpu.memref_squeeze %dma_wait3A_1787 : memref<1x8x2048xf32, #tpu.memory_space<hbm>> -> memref<8x2048xf32, #tpu.memory_space<hbm>>
    %dma_wait3A_1789 = arith.constant 0 : i32
    %dma_wait3A_1790 = arith.constant 0 : i32
    %dma_wait3A_1791 = tpu.memref_slice %arg6[%dma_wait3A_1789, %dma_wait3A_1790] : memref<8x3968xf32, #tpu.memory_space<vmem>> -> memref<8x2048xf32, #tpu.memory_space<vmem>>
    tpu.wait_dma2 semaphore(%arg9 : memref<!tpu.dma_semaphore, #tpu.memory_space<semaphore_mem>>) src(%dma_wait3A_1791 : memref<8x2048xf32, #tpu.memory_space<vmem>>) dst(%dma_wait3A_1788 : memref<8x2048xf32, #tpu.memory_space<hbm>>)
    %dma_wait3A_1792 = arith.constant 0 : i32
    %dma_wait3A_1793 = arith.constant 0 : i32
    %dma_wait3A_1794 = arith.constant 0 : i32
    %dma_wait3A_1795 = tpu.memref_slice %arg6[%dma_wait3A_1793, %dma_wait3A_1794] : memref<8x3968xf32, #tpu.memory_space<vmem>> -> memref<8x2048xf32, #tpu.memory_space<vmem>>
    %dma_wait3A_1796 = arith.constant 0 : i32
    %dma_wait3A_1797 = arith.constant 0 : i32
    %dma_wait3A_1798 = tpu.memref_slice %arg3[%dma_wait3A_1792, %dma_wait3A_1796, %dma_wait3A_1797] : memref<12x2048x2048xf32, #tpu.memory_space<hbm>> -> memref<1x8x2048xf32, #tpu.memory_space<hbm>>
    %dma_wait3A_1799 = tpu.memref_squeeze %dma_wait3A_1798 : memref<1x8x2048xf32, #tpu.memory_space<hbm>> -> memref<8x2048xf32, #tpu.memory_space<hbm>>
    %dma_wait3A_1800 = arith.constant 0 : i32
    %dma_wait3A_1801 = arith.constant 0 : i32
    %dma_wait3A_1802 = tpu.memref_slice %arg3[%dma_wait3A_1792, %dma_wait3A_1800, %dma_wait3A_1801] : memref<12x2048x2048xf32, #tpu.memory_space<hbm>> -> memref<1x8x2048xf32, #tpu.memory_space<hbm>>
    %dma_wait3A_1803 = tpu.memref_squeeze %dma_wait3A_1802 : memref<1x8x2048xf32, #tpu.memory_space<hbm>> -> memref<8x2048xf32, #tpu.memory_space<hbm>>
    %dma_wait3A_1804 = arith.constant 0 : i32
    %dma_wait3A_1805 = arith.constant 0 : i32
    %dma_wait3A_1806 = tpu.memref_slice %arg6[%dma_wait3A_1804, %dma_wait3A_1805] : memref<8x3968xf32, #tpu.memory_space<vmem>> -> memref<8x2048xf32, #tpu.memory_space<vmem>>
    tpu.wait_dma2 semaphore(%arg9 : memref<!tpu.dma_semaphore, #tpu.memory_space<semaphore_mem>>) src(%dma_wait3A_1806 : memref<8x2048xf32, #tpu.memory_space<vmem>>) dst(%dma_wait3A_1803 : memref<8x2048xf32, #tpu.memory_space<hbm>>)
    %dma_wait3A_1807 = arith.constant 0 : i32
    %dma_wait3A_1808 = arith.constant 0 : i32
    %dma_wait3A_1809 = arith.constant 0 : i32
    %dma_wait3A_1810 = tpu.memref_slice %arg6[%dma_wait3A_1808, %dma_wait3A_1809] : memref<8x3968xf32, #tpu.memory_space<vmem>> -> memref<8x2048xf32, #tpu.memory_space<vmem>>
    %dma_wait3A_1811 = arith.constant 0 : i32
    %dma_wait3A_1812 = arith.constant 0 : i32
    %dma_wait3A_1813 = tpu.memref_slice %arg3[%dma_wait3A_1807, %dma_wait3A_1811, %dma_wait3A_1812] : memref<12x2048x2048xf32, #tpu.memory_space<hbm>> -> memref<1x8x2048xf32, #tpu.memory_space<hbm>>
    %dma_wait3A_1814 = tpu.memref_squeeze %dma_wait3A_1813 : memref<1x8x2048xf32, #tpu.memory_space<hbm>> -> memref<8x2048xf32, #tpu.memory_space<hbm>>
    %dma_wait3A_1815 = arith.constant 0 : i32
    %dma_wait3A_1816 = arith.constant 0 : i32
    %dma_wait3A_1817 = tpu.memref_slice %arg3[%dma_wait3A_1807, %dma_wait3A_1815, %dma_wait3A_1816] : memref<12x2048x2048xf32, #tpu.memory_space<hbm>> -> memref<1x8x2048xf32, #tpu.memory_space<hbm>>
    %dma_wait3A_1818 = tpu.memref_squeeze %dma_wait3A_1817 : memref<1x8x2048xf32, #tpu.memory_space<hbm>> -> memref<8x2048xf32, #tpu.memory_space<hbm>>
    %dma_wait3A_1819 = arith.constant 0 : i32
    %dma_wait3A_1820 = arith.constant 0 : i32
    %dma_wait3A_1821 = tpu.memref_slice %arg6[%dma_wait3A_1819, %dma_wait3A_1820] : memref<8x3968xf32, #tpu.memory_space<vmem>> -> memref<8x2048xf32, #tpu.memory_space<vmem>>
    tpu.wait_dma2 semaphore(%arg9 : memref<!tpu.dma_semaphore, #tpu.memory_space<semaphore_mem>>) src(%dma_wait3A_1821 : memref<8x2048xf32, #tpu.memory_space<vmem>>) dst(%dma_wait3A_1818 : memref<8x2048xf32, #tpu.memory_space<hbm>>)
    %dma_wait3A_1822 = arith.constant 0 : i32
    %dma_wait3A_1823 = arith.constant 0 : i32
    %dma_wait3A_1824 = arith.constant 0 : i32
    %dma_wait3A_1825 = tpu.memref_slice %arg6[%dma_wait3A_1823, %dma_wait3A_1824] : memref<8x3968xf32, #tpu.memory_space<vmem>> -> memref<8x2048xf32, #tpu.memory_space<vmem>>
    %dma_wait3A_1826 = arith.constant 0 : i32
    %dma_wait3A_1827 = arith.constant 0 : i32
    %dma_wait3A_1828 = tpu.memref_slice %arg3[%dma_wait3A_1822, %dma_wait3A_1826, %dma_wait3A_1827] : memref<12x2048x2048xf32, #tpu.memory_space<hbm>> -> memref<1x8x2048xf32, #tpu.memory_space<hbm>>
    %dma_wait3A_1829 = tpu.memref_squeeze %dma_wait3A_1828 : memref<1x8x2048xf32, #tpu.memory_space<hbm>> -> memref<8x2048xf32, #tpu.memory_space<hbm>>
    %dma_wait3A_1830 = arith.constant 0 : i32
    %dma_wait3A_1831 = arith.constant 0 : i32
    %dma_wait3A_1832 = tpu.memref_slice %arg3[%dma_wait3A_1822, %dma_wait3A_1830, %dma_wait3A_1831] : memref<12x2048x2048xf32, #tpu.memory_space<hbm>> -> memref<1x8x2048xf32, #tpu.memory_space<hbm>>
    %dma_wait3A_1833 = tpu.memref_squeeze %dma_wait3A_1832 : memref<1x8x2048xf32, #tpu.memory_space<hbm>> -> memref<8x2048xf32, #tpu.memory_space<hbm>>
    %dma_wait3A_1834 = arith.constant 0 : i32
    %dma_wait3A_1835 = arith.constant 0 : i32
    %dma_wait3A_1836 = tpu.memref_slice %arg6[%dma_wait3A_1834, %dma_wait3A_1835] : memref<8x3968xf32, #tpu.memory_space<vmem>> -> memref<8x2048xf32, #tpu.memory_space<vmem>>
    tpu.wait_dma2 semaphore(%arg9 : memref<!tpu.dma_semaphore, #tpu.memory_space<semaphore_mem>>) src(%dma_wait3A_1836 : memref<8x2048xf32, #tpu.memory_space<vmem>>) dst(%dma_wait3A_1833 : memref<8x2048xf32, #tpu.memory_space<hbm>>)
    %dma_wait3A_1837 = arith.constant 0 : i32
    %dma_wait3A_1838 = arith.constant 0 : i32
    %dma_wait3A_1839 = arith.constant 0 : i32
    %dma_wait3A_1840 = tpu.memref_slice %arg6[%dma_wait3A_1838, %dma_wait3A_1839] : memref<8x3968xf32, #tpu.memory_space<vmem>> -> memref<8x2048xf32, #tpu.memory_space<vmem>>
    %dma_wait3A_1841 = arith.constant 0 : i32
    %dma_wait3A_1842 = arith.constant 0 : i32
    %dma_wait3A_1843 = tpu.memref_slice %arg3[%dma_wait3A_1837, %dma_wait3A_1841, %dma_wait3A_1842] : memref<12x2048x2048xf32, #tpu.memory_space<hbm>> -> memref<1x8x2048xf32, #tpu.memory_space<hbm>>
    %dma_wait3A_1844 = tpu.memref_squeeze %dma_wait3A_1843 : memref<1x8x2048xf32, #tpu.memory_space<hbm>> -> memref<8x2048xf32, #tpu.memory_space<hbm>>
    %dma_wait3A_1845 = arith.constant 0 : i32
    %dma_wait3A_1846 = arith.constant 0 : i32
    %dma_wait3A_1847 = tpu.memref_slice %arg3[%dma_wait3A_1837, %dma_wait3A_1845, %dma_wait3A_1846] : memref<12x2048x2048xf32, #tpu.memory_space<hbm>> -> memref<1x8x2048xf32, #tpu.memory_space<hbm>>
    %dma_wait3A_1848 = tpu.memref_squeeze %dma_wait3A_1847 : memref<1x8x2048xf32, #tpu.memory_space<hbm>> -> memref<8x2048xf32, #tpu.memory_space<hbm>>
    %dma_wait3A_1849 = arith.constant 0 : i32
    %dma_wait3A_1850 = arith.constant 0 : i32
    %dma_wait3A_1851 = tpu.memref_slice %arg6[%dma_wait3A_1849, %dma_wait3A_1850] : memref<8x3968xf32, #tpu.memory_space<vmem>> -> memref<8x2048xf32, #tpu.memory_space<vmem>>
    tpu.wait_dma2 semaphore(%arg9 : memref<!tpu.dma_semaphore, #tpu.memory_space<semaphore_mem>>) src(%dma_wait3A_1851 : memref<8x2048xf32, #tpu.memory_space<vmem>>) dst(%dma_wait3A_1848 : memref<8x2048xf32, #tpu.memory_space<hbm>>)
    %dma_wait3A_1852 = arith.constant 0 : i32
    %dma_wait3A_1853 = arith.constant 0 : i32
    %dma_wait3A_1854 = arith.constant 0 : i32
    %dma_wait3A_1855 = tpu.memref_slice %arg6[%dma_wait3A_1853, %dma_wait3A_1854] : memref<8x3968xf32, #tpu.memory_space<vmem>> -> memref<8x2048xf32, #tpu.memory_space<vmem>>
    %dma_wait3A_1856 = arith.constant 0 : i32
    %dma_wait3A_1857 = arith.constant 0 : i32
    %dma_wait3A_1858 = tpu.memref_slice %arg3[%dma_wait3A_1852, %dma_wait3A_1856, %dma_wait3A_1857] : memref<12x2048x2048xf32, #tpu.memory_space<hbm>> -> memref<1x8x2048xf32, #tpu.memory_space<hbm>>
    %dma_wait3A_1859 = tpu.memref_squeeze %dma_wait3A_1858 : memref<1x8x2048xf32, #tpu.memory_space<hbm>> -> memref<8x2048xf32, #tpu.memory_space<hbm>>
    %dma_wait3A_1860 = arith.constant 0 : i32
    %dma_wait3A_1861 = arith.constant 0 : i32
    %dma_wait3A_1862 = tpu.memref_slice %arg3[%dma_wait3A_1852, %dma_wait3A_1860, %dma_wait3A_1861] : memref<12x2048x2048xf32, #tpu.memory_space<hbm>> -> memref<1x8x2048xf32, #tpu.memory_space<hbm>>
    %dma_wait3A_1863 = tpu.memref_squeeze %dma_wait3A_1862 : memref<1x8x2048xf32, #tpu.memory_space<hbm>> -> memref<8x2048xf32, #tpu.memory_space<hbm>>
    %dma_wait3A_1864 = arith.constant 0 : i32
    %dma_wait3A_1865 = arith.constant 0 : i32
    %dma_wait3A_1866 = tpu.memref_slice %arg6[%dma_wait3A_1864, %dma_wait3A_1865] : memref<8x3968xf32, #tpu.memory_space<vmem>> -> memref<8x2048xf32, #tpu.memory_space<vmem>>
    tpu.wait_dma2 semaphore(%arg9 : memref<!tpu.dma_semaphore, #tpu.memory_space<semaphore_mem>>) src(%dma_wait3A_1866 : memref<8x2048xf32, #tpu.memory_space<vmem>>) dst(%dma_wait3A_1863 : memref<8x2048xf32, #tpu.memory_space<hbm>>)
    %dma_wait3A_1867 = arith.constant 0 : i32
    %dma_wait3A_1868 = arith.constant 0 : i32
    %dma_wait3A_1869 = arith.constant 0 : i32
    %dma_wait3A_1870 = tpu.memref_slice %arg6[%dma_wait3A_1868, %dma_wait3A_1869] : memref<8x3968xf32, #tpu.memory_space<vmem>> -> memref<8x2048xf32, #tpu.memory_space<vmem>>
    %dma_wait3A_1871 = arith.constant 0 : i32
    %dma_wait3A_1872 = arith.constant 0 : i32
    %dma_wait3A_1873 = tpu.memref_slice %arg3[%dma_wait3A_1867, %dma_wait3A_1871, %dma_wait3A_1872] : memref<12x2048x2048xf32, #tpu.memory_space<hbm>> -> memref<1x8x2048xf32, #tpu.memory_space<hbm>>
    %dma_wait3A_1874 = tpu.memref_squeeze %dma_wait3A_1873 : memref<1x8x2048xf32, #tpu.memory_space<hbm>> -> memref<8x2048xf32, #tpu.memory_space<hbm>>
    %dma_wait3A_1875 = arith.constant 0 : i32
    %dma_wait3A_1876 = arith.constant 0 : i32
    %dma_wait3A_1877 = tpu.memref_slice %arg3[%dma_wait3A_1867, %dma_wait3A_1875, %dma_wait3A_1876] : memref<12x2048x2048xf32, #tpu.memory_space<hbm>> -> memref<1x8x2048xf32, #tpu.memory_space<hbm>>
    %dma_wait3A_1878 = tpu.memref_squeeze %dma_wait3A_1877 : memref<1x8x2048xf32, #tpu.memory_space<hbm>> -> memref<8x2048xf32, #tpu.memory_space<hbm>>
    %dma_wait3A_1879 = arith.constant 0 : i32
    %dma_wait3A_1880 = arith.constant 0 : i32
    %dma_wait3A_1881 = tpu.memref_slice %arg6[%dma_wait3A_1879, %dma_wait3A_1880] : memref<8x3968xf32, #tpu.memory_space<vmem>> -> memref<8x2048xf32, #tpu.memory_space<vmem>>
    tpu.wait_dma2 semaphore(%arg9 : memref<!tpu.dma_semaphore, #tpu.memory_space<semaphore_mem>>) src(%dma_wait3A_1881 : memref<8x2048xf32, #tpu.memory_space<vmem>>) dst(%dma_wait3A_1878 : memref<8x2048xf32, #tpu.memory_space<hbm>>)
    %dma_wait3A_1882 = arith.constant 0 : i32
    %dma_wait3A_1883 = arith.constant 0 : i32
    %dma_wait3A_1884 = arith.constant 0 : i32
    %dma_wait3A_1885 = tpu.memref_slice %arg6[%dma_wait3A_1883, %dma_wait3A_1884] : memref<8x3968xf32, #tpu.memory_space<vmem>> -> memref<8x2048xf32, #tpu.memory_space<vmem>>
    %dma_wait3A_1886 = arith.constant 0 : i32
    %dma_wait3A_1887 = arith.constant 0 : i32
    %dma_wait3A_1888 = tpu.memref_slice %arg3[%dma_wait3A_1882, %dma_wait3A_1886, %dma_wait3A_1887] : memref<12x2048x2048xf32, #tpu.memory_space<hbm>> -> memref<1x8x2048xf32, #tpu.memory_space<hbm>>
    %dma_wait3A_1889 = tpu.memref_squeeze %dma_wait3A_1888 : memref<1x8x2048xf32, #tpu.memory_space<hbm>> -> memref<8x2048xf32, #tpu.memory_space<hbm>>
    %dma_wait3A_1890 = arith.constant 0 : i32
    %dma_wait3A_1891 = arith.constant 0 : i32
    %dma_wait3A_1892 = tpu.memref_slice %arg3[%dma_wait3A_1882, %dma_wait3A_1890, %dma_wait3A_1891] : memref<12x2048x2048xf32, #tpu.memory_space<hbm>> -> memref<1x8x2048xf32, #tpu.memory_space<hbm>>
    %dma_wait3A_1893 = tpu.memref_squeeze %dma_wait3A_1892 : memref<1x8x2048xf32, #tpu.memory_space<hbm>> -> memref<8x2048xf32, #tpu.memory_space<hbm>>
    %dma_wait3A_1894 = arith.constant 0 : i32
    %dma_wait3A_1895 = arith.constant 0 : i32
    %dma_wait3A_1896 = tpu.memref_slice %arg6[%dma_wait3A_1894, %dma_wait3A_1895] : memref<8x3968xf32, #tpu.memory_space<vmem>> -> memref<8x2048xf32, #tpu.memory_space<vmem>>
    tpu.wait_dma2 semaphore(%arg9 : memref<!tpu.dma_semaphore, #tpu.memory_space<semaphore_mem>>) src(%dma_wait3A_1896 : memref<8x2048xf32, #tpu.memory_space<vmem>>) dst(%dma_wait3A_1893 : memref<8x2048xf32, #tpu.memory_space<hbm>>)
    %dma_wait3A_1897 = arith.constant 0 : i32
    %dma_wait3A_1898 = arith.constant 0 : i32
    %dma_wait3A_1899 = arith.constant 0 : i32
    %dma_wait3A_1900 = tpu.memref_slice %arg6[%dma_wait3A_1898, %dma_wait3A_1899] : memref<8x3968xf32, #tpu.memory_space<vmem>> -> memref<8x2048xf32, #tpu.memory_space<vmem>>
    %dma_wait3A_1901 = arith.constant 0 : i32
    %dma_wait3A_1902 = arith.constant 0 : i32
    %dma_wait3A_1903 = tpu.memref_slice %arg3[%dma_wait3A_1897, %dma_wait3A_1901, %dma_wait3A_1902] : memref<12x2048x2048xf32, #tpu.memory_space<hbm>> -> memref<1x8x2048xf32, #tpu.memory_space<hbm>>
    %dma_wait3A_1904 = tpu.memref_squeeze %dma_wait3A_1903 : memref<1x8x2048xf32, #tpu.memory_space<hbm>> -> memref<8x2048xf32, #tpu.memory_space<hbm>>
    %dma_wait3A_1905 = arith.constant 0 : i32
    %dma_wait3A_1906 = arith.constant 0 : i32
    %dma_wait3A_1907 = tpu.memref_slice %arg3[%dma_wait3A_1897, %dma_wait3A_1905, %dma_wait3A_1906] : memref<12x2048x2048xf32, #tpu.memory_space<hbm>> -> memref<1x8x2048xf32, #tpu.memory_space<hbm>>
    %dma_wait3A_1908 = tpu.memref_squeeze %dma_wait3A_1907 : memref<1x8x2048xf32, #tpu.memory_space<hbm>> -> memref<8x2048xf32, #tpu.memory_space<hbm>>
    %dma_wait3A_1909 = arith.constant 0 : i32
    %dma_wait3A_1910 = arith.constant 0 : i32
    %dma_wait3A_1911 = tpu.memref_slice %arg6[%dma_wait3A_1909, %dma_wait3A_1910] : memref<8x3968xf32, #tpu.memory_space<vmem>> -> memref<8x2048xf32, #tpu.memory_space<vmem>>
    tpu.wait_dma2 semaphore(%arg9 : memref<!tpu.dma_semaphore, #tpu.memory_space<semaphore_mem>>) src(%dma_wait3A_1911 : memref<8x2048xf32, #tpu.memory_space<vmem>>) dst(%dma_wait3A_1908 : memref<8x2048xf32, #tpu.memory_space<hbm>>)
    %dma_wait3A_1912 = arith.constant 0 : i32
    %dma_wait3A_1913 = arith.constant 0 : i32
    %dma_wait3A_1914 = arith.constant 0 : i32
    %dma_wait3A_1915 = tpu.memref_slice %arg6[%dma_wait3A_1913, %dma_wait3A_1914] : memref<8x3968xf32, #tpu.memory_space<vmem>> -> memref<8x2048xf32, #tpu.memory_space<vmem>>
    %dma_wait3A_1916 = arith.constant 0 : i32
    %dma_wait3A_1917 = arith.constant 0 : i32
    %dma_wait3A_1918 = tpu.memref_slice %arg3[%dma_wait3A_1912, %dma_wait3A_1916, %dma_wait3A_1917] : memref<12x2048x2048xf32, #tpu.memory_space<hbm>> -> memref<1x8x2048xf32, #tpu.memory_space<hbm>>
    %dma_wait3A_1919 = tpu.memref_squeeze %dma_wait3A_1918 : memref<1x8x2048xf32, #tpu.memory_space<hbm>> -> memref<8x2048xf32, #tpu.memory_space<hbm>>
    %dma_wait3A_1920 = arith.constant 0 : i32
    %dma_wait3A_1921 = arith.constant 0 : i32
    %dma_wait3A_1922 = tpu.memref_slice %arg3[%dma_wait3A_1912, %dma_wait3A_1920, %dma_wait3A_1921] : memref<12x2048x2048xf32, #tpu.memory_space<hbm>> -> memref<1x8x2048xf32, #tpu.memory_space<hbm>>
    %dma_wait3A_1923 = tpu.memref_squeeze %dma_wait3A_1922 : memref<1x8x2048xf32, #tpu.memory_space<hbm>> -> memref<8x2048xf32, #tpu.memory_space<hbm>>
    %dma_wait3A_1924 = arith.constant 0 : i32
    %dma_wait3A_1925 = arith.constant 0 : i32
    %dma_wait3A_1926 = tpu.memref_slice %arg6[%dma_wait3A_1924, %dma_wait3A_1925] : memref<8x3968xf32, #tpu.memory_space<vmem>> -> memref<8x2048xf32, #tpu.memory_space<vmem>>
    tpu.wait_dma2 semaphore(%arg9 : memref<!tpu.dma_semaphore, #tpu.memory_space<semaphore_mem>>) src(%dma_wait3A_1926 : memref<8x2048xf32, #tpu.memory_space<vmem>>) dst(%dma_wait3A_1923 : memref<8x2048xf32, #tpu.memory_space<hbm>>)
    %dma_wait3A_1927 = arith.constant 0 : i32
    %dma_wait3A_1928 = arith.constant 0 : i32
    %dma_wait3A_1929 = arith.constant 0 : i32
    %dma_wait3A_1930 = tpu.memref_slice %arg6[%dma_wait3A_1928, %dma_wait3A_1929] : memref<8x3968xf32, #tpu.memory_space<vmem>> -> memref<8x2048xf32, #tpu.memory_space<vmem>>
    %dma_wait3A_1931 = arith.constant 0 : i32
    %dma_wait3A_1932 = arith.constant 0 : i32
    %dma_wait3A_1933 = tpu.memref_slice %arg3[%dma_wait3A_1927, %dma_wait3A_1931, %dma_wait3A_1932] : memref<12x2048x2048xf32, #tpu.memory_space<hbm>> -> memref<1x8x2048xf32, #tpu.memory_space<hbm>>
    %dma_wait3A_1934 = tpu.memref_squeeze %dma_wait3A_1933 : memref<1x8x2048xf32, #tpu.memory_space<hbm>> -> memref<8x2048xf32, #tpu.memory_space<hbm>>
    %dma_wait3A_1935 = arith.constant 0 : i32
    %dma_wait3A_1936 = arith.constant 0 : i32
    %dma_wait3A_1937 = tpu.memref_slice %arg3[%dma_wait3A_1927, %dma_wait3A_1935, %dma_wait3A_1936] : memref<12x2048x2048xf32, #tpu.memory_space<hbm>> -> memref<1x8x2048xf32, #tpu.memory_space<hbm>>
    %dma_wait3A_1938 = tpu.memref_squeeze %dma_wait3A_1937 : memref<1x8x2048xf32, #tpu.memory_space<hbm>> -> memref<8x2048xf32, #tpu.memory_space<hbm>>
    %dma_wait3A_1939 = arith.constant 0 : i32
    %dma_wait3A_1940 = arith.constant 0 : i32
    %dma_wait3A_1941 = tpu.memref_slice %arg6[%dma_wait3A_1939, %dma_wait3A_1940] : memref<8x3968xf32, #tpu.memory_space<vmem>> -> memref<8x2048xf32, #tpu.memory_space<vmem>>
    tpu.wait_dma2 semaphore(%arg9 : memref<!tpu.dma_semaphore, #tpu.memory_space<semaphore_mem>>) src(%dma_wait3A_1941 : memref<8x2048xf32, #tpu.memory_space<vmem>>) dst(%dma_wait3A_1938 : memref<8x2048xf32, #tpu.memory_space<hbm>>)
    %dma_wait3A_1942 = arith.constant 0 : i32
    %dma_wait3A_1943 = arith.constant 0 : i32
    %dma_wait3A_1944 = arith.constant 0 : i32
    %dma_wait3A_1945 = tpu.memref_slice %arg6[%dma_wait3A_1943, %dma_wait3A_1944] : memref<8x3968xf32, #tpu.memory_space<vmem>> -> memref<8x2048xf32, #tpu.memory_space<vmem>>
    %dma_wait3A_1946 = arith.constant 0 : i32
    %dma_wait3A_1947 = arith.constant 0 : i32
    %dma_wait3A_1948 = tpu.memref_slice %arg3[%dma_wait3A_1942, %dma_wait3A_1946, %dma_wait3A_1947] : memref<12x2048x2048xf32, #tpu.memory_space<hbm>> -> memref<1x8x2048xf32, #tpu.memory_space<hbm>>
    %dma_wait3A_1949 = tpu.memref_squeeze %dma_wait3A_1948 : memref<1x8x2048xf32, #tpu.memory_space<hbm>> -> memref<8x2048xf32, #tpu.memory_space<hbm>>
    %dma_wait3A_1950 = arith.constant 0 : i32
    %dma_wait3A_1951 = arith.constant 0 : i32
    %dma_wait3A_1952 = tpu.memref_slice %arg3[%dma_wait3A_1942, %dma_wait3A_1950, %dma_wait3A_1951] : memref<12x2048x2048xf32, #tpu.memory_space<hbm>> -> memref<1x8x2048xf32, #tpu.memory_space<hbm>>
    %dma_wait3A_1953 = tpu.memref_squeeze %dma_wait3A_1952 : memref<1x8x2048xf32, #tpu.memory_space<hbm>> -> memref<8x2048xf32, #tpu.memory_space<hbm>>
    %dma_wait3A_1954 = arith.constant 0 : i32
    %dma_wait3A_1955 = arith.constant 0 : i32
    %dma_wait3A_1956 = tpu.memref_slice %arg6[%dma_wait3A_1954, %dma_wait3A_1955] : memref<8x3968xf32, #tpu.memory_space<vmem>> -> memref<8x2048xf32, #tpu.memory_space<vmem>>
    tpu.wait_dma2 semaphore(%arg9 : memref<!tpu.dma_semaphore, #tpu.memory_space<semaphore_mem>>) src(%dma_wait3A_1956 : memref<8x2048xf32, #tpu.memory_space<vmem>>) dst(%dma_wait3A_1953 : memref<8x2048xf32, #tpu.memory_space<hbm>>)
    %add3A_1957 = arith.constant 10 : i32
    %add3A_1958 = arith.addi %select_n3A, %add3A_1957 : i32
    %dma_start3A_1959 = arith.constant 0 : i32
    %dma_start3A_1960 = arith.constant 0 : i32
    %dma_start3A_1961 = tpu.memref_slice %arg6[%dma_start3A_1959, %dma_start3A_1960] : memref<8x3968xf32, #tpu.memory_space<vmem>> -> memref<8x2048xf32, #tpu.memory_space<vmem>>
    %dma_start3A_1962 = arith.constant 0 : i32
    %dma_start3A_1963 = tpu.memref_slice %arg2[%add3A_1958, %multiple_of3A, %dma_start3A_1962] : memref<12x128x2048xf32, #tpu.memory_space<hbm>> -> memref<1x8x2048xf32, #tpu.memory_space<hbm>>
    %dma_start3A_1964 = tpu.memref_squeeze %dma_start3A_1963 : memref<1x8x2048xf32, #tpu.memory_space<hbm>> -> memref<8x2048xf32, #tpu.memory_space<hbm>>
    %dma_start3A_1965 = arith.constant 0 : i32
    %dma_start3A_1966 = arith.constant 0 : i32
    %dma_start3A_1967 = tpu.memref_slice %arg6[%dma_start3A_1965, %dma_start3A_1966] : memref<8x3968xf32, #tpu.memory_space<vmem>> -> memref<8x2048xf32, #tpu.memory_space<vmem>>
    %dma_start3A_1968 = arith.constant 0 : i32
    %dma_start3A_1969 = tpu.memref_slice %arg2[%add3A_1958, %multiple_of3A, %dma_start3A_1968] : memref<12x128x2048xf32, #tpu.memory_space<hbm>> -> memref<1x8x2048xf32, #tpu.memory_space<hbm>>
    %dma_start3A_1970 = tpu.memref_squeeze %dma_start3A_1969 : memref<1x8x2048xf32, #tpu.memory_space<hbm>> -> memref<8x2048xf32, #tpu.memory_space<hbm>>
    tpu.enqueue_dma source(%dma_start3A_1970 : memref<8x2048xf32, #tpu.memory_space<hbm>>) target(%dma_start3A_1967 : memref<8x2048xf32, #tpu.memory_space<vmem>>) target_semaphore(%arg9 : memref<!tpu.dma_semaphore, #tpu.memory_space<semaphore_mem>>)
    %dma_start3A_1971 = arith.constant 0 : i32
    %dma_start3A_1972 = arith.constant 2048 : i32
    %dma_start3A_1973 = tpu.memref_slice %arg6[%dma_start3A_1971, %dma_start3A_1972] : memref<8x3968xf32, #tpu.memory_space<vmem>> -> memref<8x1920xf32, #tpu.memory_space<vmem>>
    %dma_start3A_1974 = arith.constant 0 : i32
    %dma_start3A_1975 = tpu.memref_slice %arg2[%add3A_1958, %multiple_of3A, %dma_start3A_1974] : memref<12x128x2048xf32, #tpu.memory_space<hbm>> -> memref<1x8x1920xf32, #tpu.memory_space<hbm>>
    %dma_start3A_1976 = tpu.memref_squeeze %dma_start3A_1975 : memref<1x8x1920xf32, #tpu.memory_space<hbm>> -> memref<8x1920xf32, #tpu.memory_space<hbm>>
    %dma_start3A_1977 = arith.constant 0 : i32
    %dma_start3A_1978 = arith.constant 2048 : i32
    %dma_start3A_1979 = tpu.memref_slice %arg6[%dma_start3A_1977, %dma_start3A_1978] : memref<8x3968xf32, #tpu.memory_space<vmem>> -> memref<8x1920xf32, #tpu.memory_space<vmem>>
    %dma_start3A_1980 = arith.constant 0 : i32
    %dma_start3A_1981 = tpu.memref_slice %arg2[%add3A_1958, %multiple_of3A, %dma_start3A_1980] : memref<12x128x2048xf32, #tpu.memory_space<hbm>> -> memref<1x8x1920xf32, #tpu.memory_space<hbm>>
    %dma_start3A_1982 = tpu.memref_squeeze %dma_start3A_1981 : memref<1x8x1920xf32, #tpu.memory_space<hbm>> -> memref<8x1920xf32, #tpu.memory_space<hbm>>
    tpu.enqueue_dma source(%dma_start3A_1982 : memref<8x1920xf32, #tpu.memory_space<hbm>>) target(%dma_start3A_1979 : memref<8x1920xf32, #tpu.memory_space<vmem>>) target_semaphore(%arg9 : memref<!tpu.dma_semaphore, #tpu.memory_space<semaphore_mem>>)
    %dma_wait3A_1983 = arith.constant 0 : i32
    %dma_wait3A_1984 = arith.constant 0 : i32
    %dma_wait3A_1985 = arith.constant 0 : i32
    %dma_wait3A_1986 = tpu.memref_slice %arg5[%dma_wait3A_1984, %dma_wait3A_1985] : memref<8x3968xf32, #tpu.memory_space<vmem>> -> memref<8x2048xf32, #tpu.memory_space<vmem>>
    %dma_wait3A_1987 = arith.constant 0 : i32
    %dma_wait3A_1988 = arith.constant 0 : i32
    %dma_wait3A_1989 = tpu.memref_slice %arg2[%dma_wait3A_1983, %dma_wait3A_1987, %dma_wait3A_1988] : memref<12x128x2048xf32, #tpu.memory_space<hbm>> -> memref<1x8x2048xf32, #tpu.memory_space<hbm>>
    %dma_wait3A_1990 = tpu.memref_squeeze %dma_wait3A_1989 : memref<1x8x2048xf32, #tpu.memory_space<hbm>> -> memref<8x2048xf32, #tpu.memory_space<hbm>>
    %dma_wait3A_1991 = arith.constant 0 : i32
    %dma_wait3A_1992 = arith.constant 0 : i32
    %dma_wait3A_1993 = tpu.memref_slice %arg5[%dma_wait3A_1991, %dma_wait3A_1992] : memref<8x3968xf32, #tpu.memory_space<vmem>> -> memref<8x2048xf32, #tpu.memory_space<vmem>>
    %dma_wait3A_1994 = arith.constant 0 : i32
    %dma_wait3A_1995 = arith.constant 0 : i32
    %dma_wait3A_1996 = tpu.memref_slice %arg2[%dma_wait3A_1983, %dma_wait3A_1994, %dma_wait3A_1995] : memref<12x128x2048xf32, #tpu.memory_space<hbm>> -> memref<1x8x2048xf32, #tpu.memory_space<hbm>>
    %dma_wait3A_1997 = tpu.memref_squeeze %dma_wait3A_1996 : memref<1x8x2048xf32, #tpu.memory_space<hbm>> -> memref<8x2048xf32, #tpu.memory_space<hbm>>
    tpu.wait_dma2 semaphore(%arg8 : memref<!tpu.dma_semaphore, #tpu.memory_space<semaphore_mem>>) src(%dma_wait3A_1997 : memref<8x2048xf32, #tpu.memory_space<hbm>>) dst(%dma_wait3A_1993 : memref<8x2048xf32, #tpu.memory_space<vmem>>)
    %dma_wait3A_1998 = arith.constant 0 : i32
    %dma_wait3A_1999 = arith.constant 0 : i32
    %dma_wait3A_2000 = arith.constant 2048 : i32
    %dma_wait3A_2001 = tpu.memref_slice %arg5[%dma_wait3A_1999, %dma_wait3A_2000] : memref<8x3968xf32, #tpu.memory_space<vmem>> -> memref<8x1920xf32, #tpu.memory_space<vmem>>
    %dma_wait3A_2002 = arith.constant 0 : i32
    %dma_wait3A_2003 = arith.constant 0 : i32
    %dma_wait3A_2004 = tpu.memref_slice %arg2[%dma_wait3A_1998, %dma_wait3A_2002, %dma_wait3A_2003] : memref<12x128x2048xf32, #tpu.memory_space<hbm>> -> memref<1x8x1920xf32, #tpu.memory_space<hbm>>
    %dma_wait3A_2005 = tpu.memref_squeeze %dma_wait3A_2004 : memref<1x8x1920xf32, #tpu.memory_space<hbm>> -> memref<8x1920xf32, #tpu.memory_space<hbm>>
    %dma_wait3A_2006 = arith.constant 0 : i32
    %dma_wait3A_2007 = arith.constant 2048 : i32
    %dma_wait3A_2008 = tpu.memref_slice %arg5[%dma_wait3A_2006, %dma_wait3A_2007] : memref<8x3968xf32, #tpu.memory_space<vmem>> -> memref<8x1920xf32, #tpu.memory_space<vmem>>
    %dma_wait3A_2009 = arith.constant 0 : i32
    %dma_wait3A_2010 = arith.constant 0 : i32
    %dma_wait3A_2011 = tpu.memref_slice %arg2[%dma_wait3A_1998, %dma_wait3A_2009, %dma_wait3A_2010] : memref<12x128x2048xf32, #tpu.memory_space<hbm>> -> memref<1x8x1920xf32, #tpu.memory_space<hbm>>
    %dma_wait3A_2012 = tpu.memref_squeeze %dma_wait3A_2011 : memref<1x8x1920xf32, #tpu.memory_space<hbm>> -> memref<8x1920xf32, #tpu.memory_space<hbm>>
    tpu.wait_dma2 semaphore(%arg8 : memref<!tpu.dma_semaphore, #tpu.memory_space<semaphore_mem>>) src(%dma_wait3A_2012 : memref<8x1920xf32, #tpu.memory_space<hbm>>) dst(%dma_wait3A_2008 : memref<8x1920xf32, #tpu.memory_space<vmem>>)
    %add3A_2013 = arith.constant 8 : i32
    %add3A_2014 = arith.addi %select_n3A, %add3A_2013 : i32
    %add3A_2015 = arith.constant 0 : i32
    %add3A_2016 = arith.addi %add3A_2015, %multiple_of3A : i32
    %multiple_of3A_2017 = tpu.assume_multiple %add3A_2016, 8 : i32
    %dma_start3A_2018 = arith.constant 0 : i32
    %dma_start3A_2019 = arith.constant 1920 : i32
    %dma_start3A_2020 = tpu.memref_slice %arg5[%dma_start3A_2018, %dma_start3A_2019] : memref<8x3968xf32, #tpu.memory_space<vmem>> -> memref<8x2048xf32, #tpu.memory_space<vmem>>
    %dma_start3A_2021 = arith.constant 0 : i32
    %dma_start3A_2022 = tpu.memref_slice %arg3[%add3A_2014, %multiple_of3A_2017, %dma_start3A_2021] : memref<12x2048x2048xf32, #tpu.memory_space<hbm>> -> memref<1x8x2048xf32, #tpu.memory_space<hbm>>
    %dma_start3A_2023 = tpu.memref_squeeze %dma_start3A_2022 : memref<1x8x2048xf32, #tpu.memory_space<hbm>> -> memref<8x2048xf32, #tpu.memory_space<hbm>>
    %dma_start3A_2024 = arith.constant 0 : i32
    %dma_start3A_2025 = tpu.memref_slice %arg3[%add3A_2014, %multiple_of3A_2017, %dma_start3A_2024] : memref<12x2048x2048xf32, #tpu.memory_space<hbm>> -> memref<1x8x2048xf32, #tpu.memory_space<hbm>>
    %dma_start3A_2026 = tpu.memref_squeeze %dma_start3A_2025 : memref<1x8x2048xf32, #tpu.memory_space<hbm>> -> memref<8x2048xf32, #tpu.memory_space<hbm>>
    %dma_start3A_2027 = arith.constant 0 : i32
    %dma_start3A_2028 = arith.constant 1920 : i32
    %dma_start3A_2029 = tpu.memref_slice %arg5[%dma_start3A_2027, %dma_start3A_2028] : memref<8x3968xf32, #tpu.memory_space<vmem>> -> memref<8x2048xf32, #tpu.memory_space<vmem>>
    tpu.enqueue_dma source(%dma_start3A_2029 : memref<8x2048xf32, #tpu.memory_space<vmem>>) target(%dma_start3A_2026 : memref<8x2048xf32, #tpu.memory_space<hbm>>) target_semaphore(%arg8 : memref<!tpu.dma_semaphore, #tpu.memory_space<semaphore_mem>>)
    %add3A_2030 = arith.constant 128 : i32
    %add3A_2031 = arith.addi %add3A_2030, %multiple_of3A : i32
    %multiple_of3A_2032 = tpu.assume_multiple %add3A_2031, 8 : i32
    %dma_start3A_2033 = arith.constant 0 : i32
    %dma_start3A_2034 = arith.constant 1792 : i32
    %dma_start3A_2035 = tpu.memref_slice %arg5[%dma_start3A_2033, %dma_start3A_2034] : memref<8x3968xf32, #tpu.memory_space<vmem>> -> memref<8x2048xf32, #tpu.memory_space<vmem>>
    %dma_start3A_2036 = arith.constant 0 : i32
    %dma_start3A_2037 = tpu.memref_slice %arg3[%add3A_2014, %multiple_of3A_2032, %dma_start3A_2036] : memref<12x2048x2048xf32, #tpu.memory_space<hbm>> -> memref<1x8x2048xf32, #tpu.memory_space<hbm>>
    %dma_start3A_2038 = tpu.memref_squeeze %dma_start3A_2037 : memref<1x8x2048xf32, #tpu.memory_space<hbm>> -> memref<8x2048xf32, #tpu.memory_space<hbm>>
    %dma_start3A_2039 = arith.constant 0 : i32
    %dma_start3A_2040 = tpu.memref_slice %arg3[%add3A_2014, %multiple_of3A_2032, %dma_start3A_2039] : memref<12x2048x2048xf32, #tpu.memory_space<hbm>> -> memref<1x8x2048xf32, #tpu.memory_space<hbm>>
    %dma_start3A_2041 = tpu.memref_squeeze %dma_start3A_2040 : memref<1x8x2048xf32, #tpu.memory_space<hbm>> -> memref<8x2048xf32, #tpu.memory_space<hbm>>
    %dma_start3A_2042 = arith.constant 0 : i32
    %dma_start3A_2043 = arith.constant 1792 : i32
    %dma_start3A_2044 = tpu.memref_slice %arg5[%dma_start3A_2042, %dma_start3A_2043] : memref<8x3968xf32, #tpu.memory_space<vmem>> -> memref<8x2048xf32, #tpu.memory_space<vmem>>
    tpu.enqueue_dma source(%dma_start3A_2044 : memref<8x2048xf32, #tpu.memory_space<vmem>>) target(%dma_start3A_2041 : memref<8x2048xf32, #tpu.memory_space<hbm>>) target_semaphore(%arg8 : memref<!tpu.dma_semaphore, #tpu.memory_space<semaphore_mem>>)
    %add3A_2045 = arith.constant 256 : i32
    %add3A_2046 = arith.addi %add3A_2045, %multiple_of3A : i32
    %multiple_of3A_2047 = tpu.assume_multiple %add3A_2046, 8 : i32
    %dma_start3A_2048 = arith.constant 0 : i32
    %dma_start3A_2049 = arith.constant 1664 : i32
    %dma_start3A_2050 = tpu.memref_slice %arg5[%dma_start3A_2048, %dma_start3A_2049] : memref<8x3968xf32, #tpu.memory_space<vmem>> -> memref<8x2048xf32, #tpu.memory_space<vmem>>
    %dma_start3A_2051 = arith.constant 0 : i32
    %dma_start3A_2052 = tpu.memref_slice %arg3[%add3A_2014, %multiple_of3A_2047, %dma_start3A_2051] : memref<12x2048x2048xf32, #tpu.memory_space<hbm>> -> memref<1x8x2048xf32, #tpu.memory_space<hbm>>
    %dma_start3A_2053 = tpu.memref_squeeze %dma_start3A_2052 : memref<1x8x2048xf32, #tpu.memory_space<hbm>> -> memref<8x2048xf32, #tpu.memory_space<hbm>>
    %dma_start3A_2054 = arith.constant 0 : i32
    %dma_start3A_2055 = tpu.memref_slice %arg3[%add3A_2014, %multiple_of3A_2047, %dma_start3A_2054] : memref<12x2048x2048xf32, #tpu.memory_space<hbm>> -> memref<1x8x2048xf32, #tpu.memory_space<hbm>>
    %dma_start3A_2056 = tpu.memref_squeeze %dma_start3A_2055 : memref<1x8x2048xf32, #tpu.memory_space<hbm>> -> memref<8x2048xf32, #tpu.memory_space<hbm>>
    %dma_start3A_2057 = arith.constant 0 : i32
    %dma_start3A_2058 = arith.constant 1664 : i32
    %dma_start3A_2059 = tpu.memref_slice %arg5[%dma_start3A_2057, %dma_start3A_2058] : memref<8x3968xf32, #tpu.memory_space<vmem>> -> memref<8x2048xf32, #tpu.memory_space<vmem>>
    tpu.enqueue_dma source(%dma_start3A_2059 : memref<8x2048xf32, #tpu.memory_space<vmem>>) target(%dma_start3A_2056 : memref<8x2048xf32, #tpu.memory_space<hbm>>) target_semaphore(%arg8 : memref<!tpu.dma_semaphore, #tpu.memory_space<semaphore_mem>>)
    %add3A_2060 = arith.constant 384 : i32
    %add3A_2061 = arith.addi %add3A_2060, %multiple_of3A : i32
    %multiple_of3A_2062 = tpu.assume_multiple %add3A_2061, 8 : i32
    %dma_start3A_2063 = arith.constant 0 : i32
    %dma_start3A_2064 = arith.constant 1536 : i32
    %dma_start3A_2065 = tpu.memref_slice %arg5[%dma_start3A_2063, %dma_start3A_2064] : memref<8x3968xf32, #tpu.memory_space<vmem>> -> memref<8x2048xf32, #tpu.memory_space<vmem>>
    %dma_start3A_2066 = arith.constant 0 : i32
    %dma_start3A_2067 = tpu.memref_slice %arg3[%add3A_2014, %multiple_of3A_2062, %dma_start3A_2066] : memref<12x2048x2048xf32, #tpu.memory_space<hbm>> -> memref<1x8x2048xf32, #tpu.memory_space<hbm>>
    %dma_start3A_2068 = tpu.memref_squeeze %dma_start3A_2067 : memref<1x8x2048xf32, #tpu.memory_space<hbm>> -> memref<8x2048xf32, #tpu.memory_space<hbm>>
    %dma_start3A_2069 = arith.constant 0 : i32
    %dma_start3A_2070 = tpu.memref_slice %arg3[%add3A_2014, %multiple_of3A_2062, %dma_start3A_2069] : memref<12x2048x2048xf32, #tpu.memory_space<hbm>> -> memref<1x8x2048xf32, #tpu.memory_space<hbm>>
    %dma_start3A_2071 = tpu.memref_squeeze %dma_start3A_2070 : memref<1x8x2048xf32, #tpu.memory_space<hbm>> -> memref<8x2048xf32, #tpu.memory_space<hbm>>
    %dma_start3A_2072 = arith.constant 0 : i32
    %dma_start3A_2073 = arith.constant 1536 : i32
    %dma_start3A_2074 = tpu.memref_slice %arg5[%dma_start3A_2072, %dma_start3A_2073] : memref<8x3968xf32, #tpu.memory_space<vmem>> -> memref<8x2048xf32, #tpu.memory_space<vmem>>
    tpu.enqueue_dma source(%dma_start3A_2074 : memref<8x2048xf32, #tpu.memory_space<vmem>>) target(%dma_start3A_2071 : memref<8x2048xf32, #tpu.memory_space<hbm>>) target_semaphore(%arg8 : memref<!tpu.dma_semaphore, #tpu.memory_space<semaphore_mem>>)
    %add3A_2075 = arith.constant 512 : i32
    %add3A_2076 = arith.addi %add3A_2075, %multiple_of3A : i32
    %multiple_of3A_2077 = tpu.assume_multiple %add3A_2076, 8 : i32
    %dma_start3A_2078 = arith.constant 0 : i32
    %dma_start3A_2079 = arith.constant 1408 : i32
    %dma_start3A_2080 = tpu.memref_slice %arg5[%dma_start3A_2078, %dma_start3A_2079] : memref<8x3968xf32, #tpu.memory_space<vmem>> -> memref<8x2048xf32, #tpu.memory_space<vmem>>
    %dma_start3A_2081 = arith.constant 0 : i32
    %dma_start3A_2082 = tpu.memref_slice %arg3[%add3A_2014, %multiple_of3A_2077, %dma_start3A_2081] : memref<12x2048x2048xf32, #tpu.memory_space<hbm>> -> memref<1x8x2048xf32, #tpu.memory_space<hbm>>
    %dma_start3A_2083 = tpu.memref_squeeze %dma_start3A_2082 : memref<1x8x2048xf32, #tpu.memory_space<hbm>> -> memref<8x2048xf32, #tpu.memory_space<hbm>>
    %dma_start3A_2084 = arith.constant 0 : i32
    %dma_start3A_2085 = tpu.memref_slice %arg3[%add3A_2014, %multiple_of3A_2077, %dma_start3A_2084] : memref<12x2048x2048xf32, #tpu.memory_space<hbm>> -> memref<1x8x2048xf32, #tpu.memory_space<hbm>>
    %dma_start3A_2086 = tpu.memref_squeeze %dma_start3A_2085 : memref<1x8x2048xf32, #tpu.memory_space<hbm>> -> memref<8x2048xf32, #tpu.memory_space<hbm>>
    %dma_start3A_2087 = arith.constant 0 : i32
    %dma_start3A_2088 = arith.constant 1408 : i32
    %dma_start3A_2089 = tpu.memref_slice %arg5[%dma_start3A_2087, %dma_start3A_2088] : memref<8x3968xf32, #tpu.memory_space<vmem>> -> memref<8x2048xf32, #tpu.memory_space<vmem>>
    tpu.enqueue_dma source(%dma_start3A_2089 : memref<8x2048xf32, #tpu.memory_space<vmem>>) target(%dma_start3A_2086 : memref<8x2048xf32, #tpu.memory_space<hbm>>) target_semaphore(%arg8 : memref<!tpu.dma_semaphore, #tpu.memory_space<semaphore_mem>>)
    %add3A_2090 = arith.constant 640 : i32
    %add3A_2091 = arith.addi %add3A_2090, %multiple_of3A : i32
    %multiple_of3A_2092 = tpu.assume_multiple %add3A_2091, 8 : i32
    %dma_start3A_2093 = arith.constant 0 : i32
    %dma_start3A_2094 = arith.constant 1280 : i32
    %dma_start3A_2095 = tpu.memref_slice %arg5[%dma_start3A_2093, %dma_start3A_2094] : memref<8x3968xf32, #tpu.memory_space<vmem>> -> memref<8x2048xf32, #tpu.memory_space<vmem>>
    %dma_start3A_2096 = arith.constant 0 : i32
    %dma_start3A_2097 = tpu.memref_slice %arg3[%add3A_2014, %multiple_of3A_2092, %dma_start3A_2096] : memref<12x2048x2048xf32, #tpu.memory_space<hbm>> -> memref<1x8x2048xf32, #tpu.memory_space<hbm>>
    %dma_start3A_2098 = tpu.memref_squeeze %dma_start3A_2097 : memref<1x8x2048xf32, #tpu.memory_space<hbm>> -> memref<8x2048xf32, #tpu.memory_space<hbm>>
    %dma_start3A_2099 = arith.constant 0 : i32
    %dma_start3A_2100 = tpu.memref_slice %arg3[%add3A_2014, %multiple_of3A_2092, %dma_start3A_2099] : memref<12x2048x2048xf32, #tpu.memory_space<hbm>> -> memref<1x8x2048xf32, #tpu.memory_space<hbm>>
    %dma_start3A_2101 = tpu.memref_squeeze %dma_start3A_2100 : memref<1x8x2048xf32, #tpu.memory_space<hbm>> -> memref<8x2048xf32, #tpu.memory_space<hbm>>
    %dma_start3A_2102 = arith.constant 0 : i32
    %dma_start3A_2103 = arith.constant 1280 : i32
    %dma_start3A_2104 = tpu.memref_slice %arg5[%dma_start3A_2102, %dma_start3A_2103] : memref<8x3968xf32, #tpu.memory_space<vmem>> -> memref<8x2048xf32, #tpu.memory_space<vmem>>
    tpu.enqueue_dma source(%dma_start3A_2104 : memref<8x2048xf32, #tpu.memory_space<vmem>>) target(%dma_start3A_2101 : memref<8x2048xf32, #tpu.memory_space<hbm>>) target_semaphore(%arg8 : memref<!tpu.dma_semaphore, #tpu.memory_space<semaphore_mem>>)
    %add3A_2105 = arith.constant 768 : i32
    %add3A_2106 = arith.addi %add3A_2105, %multiple_of3A : i32
    %multiple_of3A_2107 = tpu.assume_multiple %add3A_2106, 8 : i32
    %dma_start3A_2108 = arith.constant 0 : i32
    %dma_start3A_2109 = arith.constant 1152 : i32
    %dma_start3A_2110 = tpu.memref_slice %arg5[%dma_start3A_2108, %dma_start3A_2109] : memref<8x3968xf32, #tpu.memory_space<vmem>> -> memref<8x2048xf32, #tpu.memory_space<vmem>>
    %dma_start3A_2111 = arith.constant 0 : i32
    %dma_start3A_2112 = tpu.memref_slice %arg3[%add3A_2014, %multiple_of3A_2107, %dma_start3A_2111] : memref<12x2048x2048xf32, #tpu.memory_space<hbm>> -> memref<1x8x2048xf32, #tpu.memory_space<hbm>>
    %dma_start3A_2113 = tpu.memref_squeeze %dma_start3A_2112 : memref<1x8x2048xf32, #tpu.memory_space<hbm>> -> memref<8x2048xf32, #tpu.memory_space<hbm>>
    %dma_start3A_2114 = arith.constant 0 : i32
    %dma_start3A_2115 = tpu.memref_slice %arg3[%add3A_2014, %multiple_of3A_2107, %dma_start3A_2114] : memref<12x2048x2048xf32, #tpu.memory_space<hbm>> -> memref<1x8x2048xf32, #tpu.memory_space<hbm>>
    %dma_start3A_2116 = tpu.memref_squeeze %dma_start3A_2115 : memref<1x8x2048xf32, #tpu.memory_space<hbm>> -> memref<8x2048xf32, #tpu.memory_space<hbm>>
    %dma_start3A_2117 = arith.constant 0 : i32
    %dma_start3A_2118 = arith.constant 1152 : i32
    %dma_start3A_2119 = tpu.memref_slice %arg5[%dma_start3A_2117, %dma_start3A_2118] : memref<8x3968xf32, #tpu.memory_space<vmem>> -> memref<8x2048xf32, #tpu.memory_space<vmem>>
    tpu.enqueue_dma source(%dma_start3A_2119 : memref<8x2048xf32, #tpu.memory_space<vmem>>) target(%dma_start3A_2116 : memref<8x2048xf32, #tpu.memory_space<hbm>>) target_semaphore(%arg8 : memref<!tpu.dma_semaphore, #tpu.memory_space<semaphore_mem>>)
    %add3A_2120 = arith.constant 896 : i32
    %add3A_2121 = arith.addi %add3A_2120, %multiple_of3A : i32
    %multiple_of3A_2122 = tpu.assume_multiple %add3A_2121, 8 : i32
    %dma_start3A_2123 = arith.constant 0 : i32
    %dma_start3A_2124 = arith.constant 1024 : i32
    %dma_start3A_2125 = tpu.memref_slice %arg5[%dma_start3A_2123, %dma_start3A_2124] : memref<8x3968xf32, #tpu.memory_space<vmem>> -> memref<8x2048xf32, #tpu.memory_space<vmem>>
    %dma_start3A_2126 = arith.constant 0 : i32
    %dma_start3A_2127 = tpu.memref_slice %arg3[%add3A_2014, %multiple_of3A_2122, %dma_start3A_2126] : memref<12x2048x2048xf32, #tpu.memory_space<hbm>> -> memref<1x8x2048xf32, #tpu.memory_space<hbm>>
    %dma_start3A_2128 = tpu.memref_squeeze %dma_start3A_2127 : memref<1x8x2048xf32, #tpu.memory_space<hbm>> -> memref<8x2048xf32, #tpu.memory_space<hbm>>
    %dma_start3A_2129 = arith.constant 0 : i32
    %dma_start3A_2130 = tpu.memref_slice %arg3[%add3A_2014, %multiple_of3A_2122, %dma_start3A_2129] : memref<12x2048x2048xf32, #tpu.memory_space<hbm>> -> memref<1x8x2048xf32, #tpu.memory_space<hbm>>
    %dma_start3A_2131 = tpu.memref_squeeze %dma_start3A_2130 : memref<1x8x2048xf32, #tpu.memory_space<hbm>> -> memref<8x2048xf32, #tpu.memory_space<hbm>>
    %dma_start3A_2132 = arith.constant 0 : i32
    %dma_start3A_2133 = arith.constant 1024 : i32
    %dma_start3A_2134 = tpu.memref_slice %arg5[%dma_start3A_2132, %dma_start3A_2133] : memref<8x3968xf32, #tpu.memory_space<vmem>> -> memref<8x2048xf32, #tpu.memory_space<vmem>>
    tpu.enqueue_dma source(%dma_start3A_2134 : memref<8x2048xf32, #tpu.memory_space<vmem>>) target(%dma_start3A_2131 : memref<8x2048xf32, #tpu.memory_space<hbm>>) target_semaphore(%arg8 : memref<!tpu.dma_semaphore, #tpu.memory_space<semaphore_mem>>)
    %add3A_2135 = arith.constant 1024 : i32
    %add3A_2136 = arith.addi %add3A_2135, %multiple_of3A : i32
    %multiple_of3A_2137 = tpu.assume_multiple %add3A_2136, 8 : i32
    %dma_start3A_2138 = arith.constant 0 : i32
    %dma_start3A_2139 = arith.constant 896 : i32
    %dma_start3A_2140 = tpu.memref_slice %arg5[%dma_start3A_2138, %dma_start3A_2139] : memref<8x3968xf32, #tpu.memory_space<vmem>> -> memref<8x2048xf32, #tpu.memory_space<vmem>>
    %dma_start3A_2141 = arith.constant 0 : i32
    %dma_start3A_2142 = tpu.memref_slice %arg3[%add3A_2014, %multiple_of3A_2137, %dma_start3A_2141] : memref<12x2048x2048xf32, #tpu.memory_space<hbm>> -> memref<1x8x2048xf32, #tpu.memory_space<hbm>>
    %dma_start3A_2143 = tpu.memref_squeeze %dma_start3A_2142 : memref<1x8x2048xf32, #tpu.memory_space<hbm>> -> memref<8x2048xf32, #tpu.memory_space<hbm>>
    %dma_start3A_2144 = arith.constant 0 : i32
    %dma_start3A_2145 = tpu.memref_slice %arg3[%add3A_2014, %multiple_of3A_2137, %dma_start3A_2144] : memref<12x2048x2048xf32, #tpu.memory_space<hbm>> -> memref<1x8x2048xf32, #tpu.memory_space<hbm>>
    %dma_start3A_2146 = tpu.memref_squeeze %dma_start3A_2145 : memref<1x8x2048xf32, #tpu.memory_space<hbm>> -> memref<8x2048xf32, #tpu.memory_space<hbm>>
    %dma_start3A_2147 = arith.constant 0 : i32
    %dma_start3A_2148 = arith.constant 896 : i32
    %dma_start3A_2149 = tpu.memref_slice %arg5[%dma_start3A_2147, %dma_start3A_2148] : memref<8x3968xf32, #tpu.memory_space<vmem>> -> memref<8x2048xf32, #tpu.memory_space<vmem>>
    tpu.enqueue_dma source(%dma_start3A_2149 : memref<8x2048xf32, #tpu.memory_space<vmem>>) target(%dma_start3A_2146 : memref<8x2048xf32, #tpu.memory_space<hbm>>) target_semaphore(%arg8 : memref<!tpu.dma_semaphore, #tpu.memory_space<semaphore_mem>>)
    %add3A_2150 = arith.constant 1152 : i32
    %add3A_2151 = arith.addi %add3A_2150, %multiple_of3A : i32
    %multiple_of3A_2152 = tpu.assume_multiple %add3A_2151, 8 : i32
    %dma_start3A_2153 = arith.constant 0 : i32
    %dma_start3A_2154 = arith.constant 768 : i32
    %dma_start3A_2155 = tpu.memref_slice %arg5[%dma_start3A_2153, %dma_start3A_2154] : memref<8x3968xf32, #tpu.memory_space<vmem>> -> memref<8x2048xf32, #tpu.memory_space<vmem>>
    %dma_start3A_2156 = arith.constant 0 : i32
    %dma_start3A_2157 = tpu.memref_slice %arg3[%add3A_2014, %multiple_of3A_2152, %dma_start3A_2156] : memref<12x2048x2048xf32, #tpu.memory_space<hbm>> -> memref<1x8x2048xf32, #tpu.memory_space<hbm>>
    %dma_start3A_2158 = tpu.memref_squeeze %dma_start3A_2157 : memref<1x8x2048xf32, #tpu.memory_space<hbm>> -> memref<8x2048xf32, #tpu.memory_space<hbm>>
    %dma_start3A_2159 = arith.constant 0 : i32
    %dma_start3A_2160 = tpu.memref_slice %arg3[%add3A_2014, %multiple_of3A_2152, %dma_start3A_2159] : memref<12x2048x2048xf32, #tpu.memory_space<hbm>> -> memref<1x8x2048xf32, #tpu.memory_space<hbm>>
    %dma_start3A_2161 = tpu.memref_squeeze %dma_start3A_2160 : memref<1x8x2048xf32, #tpu.memory_space<hbm>> -> memref<8x2048xf32, #tpu.memory_space<hbm>>
    %dma_start3A_2162 = arith.constant 0 : i32
    %dma_start3A_2163 = arith.constant 768 : i32
    %dma_start3A_2164 = tpu.memref_slice %arg5[%dma_start3A_2162, %dma_start3A_2163] : memref<8x3968xf32, #tpu.memory_space<vmem>> -> memref<8x2048xf32, #tpu.memory_space<vmem>>
    tpu.enqueue_dma source(%dma_start3A_2164 : memref<8x2048xf32, #tpu.memory_space<vmem>>) target(%dma_start3A_2161 : memref<8x2048xf32, #tpu.memory_space<hbm>>) target_semaphore(%arg8 : memref<!tpu.dma_semaphore, #tpu.memory_space<semaphore_mem>>)
    %add3A_2165 = arith.constant 1280 : i32
    %add3A_2166 = arith.addi %add3A_2165, %multiple_of3A : i32
    %multiple_of3A_2167 = tpu.assume_multiple %add3A_2166, 8 : i32
    %dma_start3A_2168 = arith.constant 0 : i32
    %dma_start3A_2169 = arith.constant 640 : i32
    %dma_start3A_2170 = tpu.memref_slice %arg5[%dma_start3A_2168, %dma_start3A_2169] : memref<8x3968xf32, #tpu.memory_space<vmem>> -> memref<8x2048xf32, #tpu.memory_space<vmem>>
    %dma_start3A_2171 = arith.constant 0 : i32
    %dma_start3A_2172 = tpu.memref_slice %arg3[%add3A_2014, %multiple_of3A_2167, %dma_start3A_2171] : memref<12x2048x2048xf32, #tpu.memory_space<hbm>> -> memref<1x8x2048xf32, #tpu.memory_space<hbm>>
    %dma_start3A_2173 = tpu.memref_squeeze %dma_start3A_2172 : memref<1x8x2048xf32, #tpu.memory_space<hbm>> -> memref<8x2048xf32, #tpu.memory_space<hbm>>
    %dma_start3A_2174 = arith.constant 0 : i32
    %dma_start3A_2175 = tpu.memref_slice %arg3[%add3A_2014, %multiple_of3A_2167, %dma_start3A_2174] : memref<12x2048x2048xf32, #tpu.memory_space<hbm>> -> memref<1x8x2048xf32, #tpu.memory_space<hbm>>
    %dma_start3A_2176 = tpu.memref_squeeze %dma_start3A_2175 : memref<1x8x2048xf32, #tpu.memory_space<hbm>> -> memref<8x2048xf32, #tpu.memory_space<hbm>>
    %dma_start3A_2177 = arith.constant 0 : i32
    %dma_start3A_2178 = arith.constant 640 : i32
    %dma_start3A_2179 = tpu.memref_slice %arg5[%dma_start3A_2177, %dma_start3A_2178] : memref<8x3968xf32, #tpu.memory_space<vmem>> -> memref<8x2048xf32, #tpu.memory_space<vmem>>
    tpu.enqueue_dma source(%dma_start3A_2179 : memref<8x2048xf32, #tpu.memory_space<vmem>>) target(%dma_start3A_2176 : memref<8x2048xf32, #tpu.memory_space<hbm>>) target_semaphore(%arg8 : memref<!tpu.dma_semaphore, #tpu.memory_space<semaphore_mem>>)
    %add3A_2180 = arith.constant 1408 : i32
    %add3A_2181 = arith.addi %add3A_2180, %multiple_of3A : i32
    %multiple_of3A_2182 = tpu.assume_multiple %add3A_2181, 8 : i32
    %dma_start3A_2183 = arith.constant 0 : i32
    %dma_start3A_2184 = arith.constant 512 : i32
    %dma_start3A_2185 = tpu.memref_slice %arg5[%dma_start3A_2183, %dma_start3A_2184] : memref<8x3968xf32, #tpu.memory_space<vmem>> -> memref<8x2048xf32, #tpu.memory_space<vmem>>
    %dma_start3A_2186 = arith.constant 0 : i32
    %dma_start3A_2187 = tpu.memref_slice %arg3[%add3A_2014, %multiple_of3A_2182, %dma_start3A_2186] : memref<12x2048x2048xf32, #tpu.memory_space<hbm>> -> memref<1x8x2048xf32, #tpu.memory_space<hbm>>
    %dma_start3A_2188 = tpu.memref_squeeze %dma_start3A_2187 : memref<1x8x2048xf32, #tpu.memory_space<hbm>> -> memref<8x2048xf32, #tpu.memory_space<hbm>>
    %dma_start3A_2189 = arith.constant 0 : i32
    %dma_start3A_2190 = tpu.memref_slice %arg3[%add3A_2014, %multiple_of3A_2182, %dma_start3A_2189] : memref<12x2048x2048xf32, #tpu.memory_space<hbm>> -> memref<1x8x2048xf32, #tpu.memory_space<hbm>>
    %dma_start3A_2191 = tpu.memref_squeeze %dma_start3A_2190 : memref<1x8x2048xf32, #tpu.memory_space<hbm>> -> memref<8x2048xf32, #tpu.memory_space<hbm>>
    %dma_start3A_2192 = arith.constant 0 : i32
    %dma_start3A_2193 = arith.constant 512 : i32
    %dma_start3A_2194 = tpu.memref_slice %arg5[%dma_start3A_2192, %dma_start3A_2193] : memref<8x3968xf32, #tpu.memory_space<vmem>> -> memref<8x2048xf32, #tpu.memory_space<vmem>>
    tpu.enqueue_dma source(%dma_start3A_2194 : memref<8x2048xf32, #tpu.memory_space<vmem>>) target(%dma_start3A_2191 : memref<8x2048xf32, #tpu.memory_space<hbm>>) target_semaphore(%arg8 : memref<!tpu.dma_semaphore, #tpu.memory_space<semaphore_mem>>)
    %add3A_2195 = arith.constant 1536 : i32
    %add3A_2196 = arith.addi %add3A_2195, %multiple_of3A : i32
    %multiple_of3A_2197 = tpu.assume_multiple %add3A_2196, 8 : i32
    %dma_start3A_2198 = arith.constant 0 : i32
    %dma_start3A_2199 = arith.constant 384 : i32
    %dma_start3A_2200 = tpu.memref_slice %arg5[%dma_start3A_2198, %dma_start3A_2199] : memref<8x3968xf32, #tpu.memory_space<vmem>> -> memref<8x2048xf32, #tpu.memory_space<vmem>>
    %dma_start3A_2201 = arith.constant 0 : i32
    %dma_start3A_2202 = tpu.memref_slice %arg3[%add3A_2014, %multiple_of3A_2197, %dma_start3A_2201] : memref<12x2048x2048xf32, #tpu.memory_space<hbm>> -> memref<1x8x2048xf32, #tpu.memory_space<hbm>>
    %dma_start3A_2203 = tpu.memref_squeeze %dma_start3A_2202 : memref<1x8x2048xf32, #tpu.memory_space<hbm>> -> memref<8x2048xf32, #tpu.memory_space<hbm>>
    %dma_start3A_2204 = arith.constant 0 : i32
    %dma_start3A_2205 = tpu.memref_slice %arg3[%add3A_2014, %multiple_of3A_2197, %dma_start3A_2204] : memref<12x2048x2048xf32, #tpu.memory_space<hbm>> -> memref<1x8x2048xf32, #tpu.memory_space<hbm>>
    %dma_start3A_2206 = tpu.memref_squeeze %dma_start3A_2205 : memref<1x8x2048xf32, #tpu.memory_space<hbm>> -> memref<8x2048xf32, #tpu.memory_space<hbm>>
    %dma_start3A_2207 = arith.constant 0 : i32
    %dma_start3A_2208 = arith.constant 384 : i32
    %dma_start3A_2209 = tpu.memref_slice %arg5[%dma_start3A_2207, %dma_start3A_2208] : memref<8x3968xf32, #tpu.memory_space<vmem>> -> memref<8x2048xf32, #tpu.memory_space<vmem>>
    tpu.enqueue_dma source(%dma_start3A_2209 : memref<8x2048xf32, #tpu.memory_space<vmem>>) target(%dma_start3A_2206 : memref<8x2048xf32, #tpu.memory_space<hbm>>) target_semaphore(%arg8 : memref<!tpu.dma_semaphore, #tpu.memory_space<semaphore_mem>>)
    %add3A_2210 = arith.constant 1664 : i32
    %add3A_2211 = arith.addi %add3A_2210, %multiple_of3A : i32
    %multiple_of3A_2212 = tpu.assume_multiple %add3A_2211, 8 : i32
    %dma_start3A_2213 = arith.constant 0 : i32
    %dma_start3A_2214 = arith.constant 256 : i32
    %dma_start3A_2215 = tpu.memref_slice %arg5[%dma_start3A_2213, %dma_start3A_2214] : memref<8x3968xf32, #tpu.memory_space<vmem>> -> memref<8x2048xf32, #tpu.memory_space<vmem>>
    %dma_start3A_2216 = arith.constant 0 : i32
    %dma_start3A_2217 = tpu.memref_slice %arg3[%add3A_2014, %multiple_of3A_2212, %dma_start3A_2216] : memref<12x2048x2048xf32, #tpu.memory_space<hbm>> -> memref<1x8x2048xf32, #tpu.memory_space<hbm>>
    %dma_start3A_2218 = tpu.memref_squeeze %dma_start3A_2217 : memref<1x8x2048xf32, #tpu.memory_space<hbm>> -> memref<8x2048xf32, #tpu.memory_space<hbm>>
    %dma_start3A_2219 = arith.constant 0 : i32
    %dma_start3A_2220 = tpu.memref_slice %arg3[%add3A_2014, %multiple_of3A_2212, %dma_start3A_2219] : memref<12x2048x2048xf32, #tpu.memory_space<hbm>> -> memref<1x8x2048xf32, #tpu.memory_space<hbm>>
    %dma_start3A_2221 = tpu.memref_squeeze %dma_start3A_2220 : memref<1x8x2048xf32, #tpu.memory_space<hbm>> -> memref<8x2048xf32, #tpu.memory_space<hbm>>
    %dma_start3A_2222 = arith.constant 0 : i32
    %dma_start3A_2223 = arith.constant 256 : i32
    %dma_start3A_2224 = tpu.memref_slice %arg5[%dma_start3A_2222, %dma_start3A_2223] : memref<8x3968xf32, #tpu.memory_space<vmem>> -> memref<8x2048xf32, #tpu.memory_space<vmem>>
    tpu.enqueue_dma source(%dma_start3A_2224 : memref<8x2048xf32, #tpu.memory_space<vmem>>) target(%dma_start3A_2221 : memref<8x2048xf32, #tpu.memory_space<hbm>>) target_semaphore(%arg8 : memref<!tpu.dma_semaphore, #tpu.memory_space<semaphore_mem>>)
    %add3A_2225 = arith.constant 1792 : i32
    %add3A_2226 = arith.addi %add3A_2225, %multiple_of3A : i32
    %multiple_of3A_2227 = tpu.assume_multiple %add3A_2226, 8 : i32
    %dma_start3A_2228 = arith.constant 0 : i32
    %dma_start3A_2229 = arith.constant 128 : i32
    %dma_start3A_2230 = tpu.memref_slice %arg5[%dma_start3A_2228, %dma_start3A_2229] : memref<8x3968xf32, #tpu.memory_space<vmem>> -> memref<8x2048xf32, #tpu.memory_space<vmem>>
    %dma_start3A_2231 = arith.constant 0 : i32
    %dma_start3A_2232 = tpu.memref_slice %arg3[%add3A_2014, %multiple_of3A_2227, %dma_start3A_2231] : memref<12x2048x2048xf32, #tpu.memory_space<hbm>> -> memref<1x8x2048xf32, #tpu.memory_space<hbm>>
    %dma_start3A_2233 = tpu.memref_squeeze %dma_start3A_2232 : memref<1x8x2048xf32, #tpu.memory_space<hbm>> -> memref<8x2048xf32, #tpu.memory_space<hbm>>
    %dma_start3A_2234 = arith.constant 0 : i32
    %dma_start3A_2235 = tpu.memref_slice %arg3[%add3A_2014, %multiple_of3A_2227, %dma_start3A_2234] : memref<12x2048x2048xf32, #tpu.memory_space<hbm>> -> memref<1x8x2048xf32, #tpu.memory_space<hbm>>
    %dma_start3A_2236 = tpu.memref_squeeze %dma_start3A_2235 : memref<1x8x2048xf32, #tpu.memory_space<hbm>> -> memref<8x2048xf32, #tpu.memory_space<hbm>>
    %dma_start3A_2237 = arith.constant 0 : i32
    %dma_start3A_2238 = arith.constant 128 : i32
    %dma_start3A_2239 = tpu.memref_slice %arg5[%dma_start3A_2237, %dma_start3A_2238] : memref<8x3968xf32, #tpu.memory_space<vmem>> -> memref<8x2048xf32, #tpu.memory_space<vmem>>
    tpu.enqueue_dma source(%dma_start3A_2239 : memref<8x2048xf32, #tpu.memory_space<vmem>>) target(%dma_start3A_2236 : memref<8x2048xf32, #tpu.memory_space<hbm>>) target_semaphore(%arg8 : memref<!tpu.dma_semaphore, #tpu.memory_space<semaphore_mem>>)
    %add3A_2240 = arith.constant 1920 : i32
    %add3A_2241 = arith.addi %add3A_2240, %multiple_of3A : i32
    %multiple_of3A_2242 = tpu.assume_multiple %add3A_2241, 8 : i32
    %dma_start3A_2243 = arith.constant 0 : i32
    %dma_start3A_2244 = arith.constant 0 : i32
    %dma_start3A_2245 = tpu.memref_slice %arg5[%dma_start3A_2243, %dma_start3A_2244] : memref<8x3968xf32, #tpu.memory_space<vmem>> -> memref<8x2048xf32, #tpu.memory_space<vmem>>
    %dma_start3A_2246 = arith.constant 0 : i32
    %dma_start3A_2247 = tpu.memref_slice %arg3[%add3A_2014, %multiple_of3A_2242, %dma_start3A_2246] : memref<12x2048x2048xf32, #tpu.memory_space<hbm>> -> memref<1x8x2048xf32, #tpu.memory_space<hbm>>
    %dma_start3A_2248 = tpu.memref_squeeze %dma_start3A_2247 : memref<1x8x2048xf32, #tpu.memory_space<hbm>> -> memref<8x2048xf32, #tpu.memory_space<hbm>>
    %dma_start3A_2249 = arith.constant 0 : i32
    %dma_start3A_2250 = tpu.memref_slice %arg3[%add3A_2014, %multiple_of3A_2242, %dma_start3A_2249] : memref<12x2048x2048xf32, #tpu.memory_space<hbm>> -> memref<1x8x2048xf32, #tpu.memory_space<hbm>>
    %dma_start3A_2251 = tpu.memref_squeeze %dma_start3A_2250 : memref<1x8x2048xf32, #tpu.memory_space<hbm>> -> memref<8x2048xf32, #tpu.memory_space<hbm>>
    %dma_start3A_2252 = arith.constant 0 : i32
    %dma_start3A_2253 = arith.constant 0 : i32
    %dma_start3A_2254 = tpu.memref_slice %arg5[%dma_start3A_2252, %dma_start3A_2253] : memref<8x3968xf32, #tpu.memory_space<vmem>> -> memref<8x2048xf32, #tpu.memory_space<vmem>>
    tpu.enqueue_dma source(%dma_start3A_2254 : memref<8x2048xf32, #tpu.memory_space<vmem>>) target(%dma_start3A_2251 : memref<8x2048xf32, #tpu.memory_space<hbm>>) target_semaphore(%arg8 : memref<!tpu.dma_semaphore, #tpu.memory_space<semaphore_mem>>)
    %dma_wait3A_2255 = arith.constant 0 : i32
    %dma_wait3A_2256 = arith.constant 0 : i32
    %dma_wait3A_2257 = arith.constant 0 : i32
    %dma_wait3A_2258 = tpu.memref_slice %arg6[%dma_wait3A_2256, %dma_wait3A_2257] : memref<8x3968xf32, #tpu.memory_space<vmem>> -> memref<8x2048xf32, #tpu.memory_space<vmem>>
    %dma_wait3A_2259 = arith.constant 0 : i32
    %dma_wait3A_2260 = arith.constant 0 : i32
    %dma_wait3A_2261 = tpu.memref_slice %arg2[%dma_wait3A_2255, %dma_wait3A_2259, %dma_wait3A_2260] : memref<12x128x2048xf32, #tpu.memory_space<hbm>> -> memref<1x8x2048xf32, #tpu.memory_space<hbm>>
    %dma_wait3A_2262 = tpu.memref_squeeze %dma_wait3A_2261 : memref<1x8x2048xf32, #tpu.memory_space<hbm>> -> memref<8x2048xf32, #tpu.memory_space<hbm>>
    %dma_wait3A_2263 = arith.constant 0 : i32
    %dma_wait3A_2264 = arith.constant 0 : i32
    %dma_wait3A_2265 = tpu.memref_slice %arg6[%dma_wait3A_2263, %dma_wait3A_2264] : memref<8x3968xf32, #tpu.memory_space<vmem>> -> memref<8x2048xf32, #tpu.memory_space<vmem>>
    %dma_wait3A_2266 = arith.constant 0 : i32
    %dma_wait3A_2267 = arith.constant 0 : i32
    %dma_wait3A_2268 = tpu.memref_slice %arg2[%dma_wait3A_2255, %dma_wait3A_2266, %dma_wait3A_2267] : memref<12x128x2048xf32, #tpu.memory_space<hbm>> -> memref<1x8x2048xf32, #tpu.memory_space<hbm>>
    %dma_wait3A_2269 = tpu.memref_squeeze %dma_wait3A_2268 : memref<1x8x2048xf32, #tpu.memory_space<hbm>> -> memref<8x2048xf32, #tpu.memory_space<hbm>>
    tpu.wait_dma2 semaphore(%arg9 : memref<!tpu.dma_semaphore, #tpu.memory_space<semaphore_mem>>) src(%dma_wait3A_2269 : memref<8x2048xf32, #tpu.memory_space<hbm>>) dst(%dma_wait3A_2265 : memref<8x2048xf32, #tpu.memory_space<vmem>>)
    %dma_wait3A_2270 = arith.constant 0 : i32
    %dma_wait3A_2271 = arith.constant 0 : i32
    %dma_wait3A_2272 = arith.constant 2048 : i32
    %dma_wait3A_2273 = tpu.memref_slice %arg6[%dma_wait3A_2271, %dma_wait3A_2272] : memref<8x3968xf32, #tpu.memory_space<vmem>> -> memref<8x1920xf32, #tpu.memory_space<vmem>>
    %dma_wait3A_2274 = arith.constant 0 : i32
    %dma_wait3A_2275 = arith.constant 0 : i32
    %dma_wait3A_2276 = tpu.memref_slice %arg2[%dma_wait3A_2270, %dma_wait3A_2274, %dma_wait3A_2275] : memref<12x128x2048xf32, #tpu.memory_space<hbm>> -> memref<1x8x1920xf32, #tpu.memory_space<hbm>>
    %dma_wait3A_2277 = tpu.memref_squeeze %dma_wait3A_2276 : memref<1x8x1920xf32, #tpu.memory_space<hbm>> -> memref<8x1920xf32, #tpu.memory_space<hbm>>
    %dma_wait3A_2278 = arith.constant 0 : i32
    %dma_wait3A_2279 = arith.constant 2048 : i32
    %dma_wait3A_2280 = tpu.memref_slice %arg6[%dma_wait3A_2278, %dma_wait3A_2279] : memref<8x3968xf32, #tpu.memory_space<vmem>> -> memref<8x1920xf32, #tpu.memory_space<vmem>>
    %dma_wait3A_2281 = arith.constant 0 : i32
    %dma_wait3A_2282 = arith.constant 0 : i32
    %dma_wait3A_2283 = tpu.memref_slice %arg2[%dma_wait3A_2270, %dma_wait3A_2281, %dma_wait3A_2282] : memref<12x128x2048xf32, #tpu.memory_space<hbm>> -> memref<1x8x1920xf32, #tpu.memory_space<hbm>>
    %dma_wait3A_2284 = tpu.memref_squeeze %dma_wait3A_2283 : memref<1x8x1920xf32, #tpu.memory_space<hbm>> -> memref<8x1920xf32, #tpu.memory_space<hbm>>
    tpu.wait_dma2 semaphore(%arg9 : memref<!tpu.dma_semaphore, #tpu.memory_space<semaphore_mem>>) src(%dma_wait3A_2284 : memref<8x1920xf32, #tpu.memory_space<hbm>>) dst(%dma_wait3A_2280 : memref<8x1920xf32, #tpu.memory_space<vmem>>)
    %add3A_2285 = arith.constant 10 : i32
    %add3A_2286 = arith.addi %select_n3A, %add3A_2285 : i32
    %add3A_2287 = arith.constant 0 : i32
    %add3A_2288 = arith.addi %add3A_2287, %multiple_of3A : i32
    %multiple_of3A_2289 = tpu.assume_multiple %add3A_2288, 8 : i32
    %dma_start3A_2290 = arith.constant 0 : i32
    %dma_start3A_2291 = arith.constant 1920 : i32
    %dma_start3A_2292 = tpu.memref_slice %arg6[%dma_start3A_2290, %dma_start3A_2291] : memref<8x3968xf32, #tpu.memory_space<vmem>> -> memref<8x2048xf32, #tpu.memory_space<vmem>>
    %dma_start3A_2293 = arith.constant 0 : i32
    %dma_start3A_2294 = tpu.memref_slice %arg3[%add3A_2286, %multiple_of3A_2289, %dma_start3A_2293] : memref<12x2048x2048xf32, #tpu.memory_space<hbm>> -> memref<1x8x2048xf32, #tpu.memory_space<hbm>>
    %dma_start3A_2295 = tpu.memref_squeeze %dma_start3A_2294 : memref<1x8x2048xf32, #tpu.memory_space<hbm>> -> memref<8x2048xf32, #tpu.memory_space<hbm>>
    %dma_start3A_2296 = arith.constant 0 : i32
    %dma_start3A_2297 = tpu.memref_slice %arg3[%add3A_2286, %multiple_of3A_2289, %dma_start3A_2296] : memref<12x2048x2048xf32, #tpu.memory_space<hbm>> -> memref<1x8x2048xf32, #tpu.memory_space<hbm>>
    %dma_start3A_2298 = tpu.memref_squeeze %dma_start3A_2297 : memref<1x8x2048xf32, #tpu.memory_space<hbm>> -> memref<8x2048xf32, #tpu.memory_space<hbm>>
    %dma_start3A_2299 = arith.constant 0 : i32
    %dma_start3A_2300 = arith.constant 1920 : i32
    %dma_start3A_2301 = tpu.memref_slice %arg6[%dma_start3A_2299, %dma_start3A_2300] : memref<8x3968xf32, #tpu.memory_space<vmem>> -> memref<8x2048xf32, #tpu.memory_space<vmem>>
    tpu.enqueue_dma source(%dma_start3A_2301 : memref<8x2048xf32, #tpu.memory_space<vmem>>) target(%dma_start3A_2298 : memref<8x2048xf32, #tpu.memory_space<hbm>>) target_semaphore(%arg9 : memref<!tpu.dma_semaphore, #tpu.memory_space<semaphore_mem>>)
    %add3A_2302 = arith.constant 128 : i32
    %add3A_2303 = arith.addi %add3A_2302, %multiple_of3A : i32
    %multiple_of3A_2304 = tpu.assume_multiple %add3A_2303, 8 : i32
    %dma_start3A_2305 = arith.constant 0 : i32
    %dma_start3A_2306 = arith.constant 1792 : i32
    %dma_start3A_2307 = tpu.memref_slice %arg6[%dma_start3A_2305, %dma_start3A_2306] : memref<8x3968xf32, #tpu.memory_space<vmem>> -> memref<8x2048xf32, #tpu.memory_space<vmem>>
    %dma_start3A_2308 = arith.constant 0 : i32
    %dma_start3A_2309 = tpu.memref_slice %arg3[%add3A_2286, %multiple_of3A_2304, %dma_start3A_2308] : memref<12x2048x2048xf32, #tpu.memory_space<hbm>> -> memref<1x8x2048xf32, #tpu.memory_space<hbm>>
    %dma_start3A_2310 = tpu.memref_squeeze %dma_start3A_2309 : memref<1x8x2048xf32, #tpu.memory_space<hbm>> -> memref<8x2048xf32, #tpu.memory_space<hbm>>
    %dma_start3A_2311 = arith.constant 0 : i32
    %dma_start3A_2312 = tpu.memref_slice %arg3[%add3A_2286, %multiple_of3A_2304, %dma_start3A_2311] : memref<12x2048x2048xf32, #tpu.memory_space<hbm>> -> memref<1x8x2048xf32, #tpu.memory_space<hbm>>
    %dma_start3A_2313 = tpu.memref_squeeze %dma_start3A_2312 : memref<1x8x2048xf32, #tpu.memory_space<hbm>> -> memref<8x2048xf32, #tpu.memory_space<hbm>>
    %dma_start3A_2314 = arith.constant 0 : i32
    %dma_start3A_2315 = arith.constant 1792 : i32
    %dma_start3A_2316 = tpu.memref_slice %arg6[%dma_start3A_2314, %dma_start3A_2315] : memref<8x3968xf32, #tpu.memory_space<vmem>> -> memref<8x2048xf32, #tpu.memory_space<vmem>>
    tpu.enqueue_dma source(%dma_start3A_2316 : memref<8x2048xf32, #tpu.memory_space<vmem>>) target(%dma_start3A_2313 : memref<8x2048xf32, #tpu.memory_space<hbm>>) target_semaphore(%arg9 : memref<!tpu.dma_semaphore, #tpu.memory_space<semaphore_mem>>)
    %add3A_2317 = arith.constant 256 : i32
    %add3A_2318 = arith.addi %add3A_2317, %multiple_of3A : i32
    %multiple_of3A_2319 = tpu.assume_multiple %add3A_2318, 8 : i32
    %dma_start3A_2320 = arith.constant 0 : i32
    %dma_start3A_2321 = arith.constant 1664 : i32
    %dma_start3A_2322 = tpu.memref_slice %arg6[%dma_start3A_2320, %dma_start3A_2321] : memref<8x3968xf32, #tpu.memory_space<vmem>> -> memref<8x2048xf32, #tpu.memory_space<vmem>>
    %dma_start3A_2323 = arith.constant 0 : i32
    %dma_start3A_2324 = tpu.memref_slice %arg3[%add3A_2286, %multiple_of3A_2319, %dma_start3A_2323] : memref<12x2048x2048xf32, #tpu.memory_space<hbm>> -> memref<1x8x2048xf32, #tpu.memory_space<hbm>>
    %dma_start3A_2325 = tpu.memref_squeeze %dma_start3A_2324 : memref<1x8x2048xf32, #tpu.memory_space<hbm>> -> memref<8x2048xf32, #tpu.memory_space<hbm>>
    %dma_start3A_2326 = arith.constant 0 : i32
    %dma_start3A_2327 = tpu.memref_slice %arg3[%add3A_2286, %multiple_of3A_2319, %dma_start3A_2326] : memref<12x2048x2048xf32, #tpu.memory_space<hbm>> -> memref<1x8x2048xf32, #tpu.memory_space<hbm>>
    %dma_start3A_2328 = tpu.memref_squeeze %dma_start3A_2327 : memref<1x8x2048xf32, #tpu.memory_space<hbm>> -> memref<8x2048xf32, #tpu.memory_space<hbm>>
    %dma_start3A_2329 = arith.constant 0 : i32
    %dma_start3A_2330 = arith.constant 1664 : i32
    %dma_start3A_2331 = tpu.memref_slice %arg6[%dma_start3A_2329, %dma_start3A_2330] : memref<8x3968xf32, #tpu.memory_space<vmem>> -> memref<8x2048xf32, #tpu.memory_space<vmem>>
    tpu.enqueue_dma source(%dma_start3A_2331 : memref<8x2048xf32, #tpu.memory_space<vmem>>) target(%dma_start3A_2328 : memref<8x2048xf32, #tpu.memory_space<hbm>>) target_semaphore(%arg9 : memref<!tpu.dma_semaphore, #tpu.memory_space<semaphore_mem>>)
    %add3A_2332 = arith.constant 384 : i32
    %add3A_2333 = arith.addi %add3A_2332, %multiple_of3A : i32
    %multiple_of3A_2334 = tpu.assume_multiple %add3A_2333, 8 : i32
    %dma_start3A_2335 = arith.constant 0 : i32
    %dma_start3A_2336 = arith.constant 1536 : i32
    %dma_start3A_2337 = tpu.memref_slice %arg6[%dma_start3A_2335, %dma_start3A_2336] : memref<8x3968xf32, #tpu.memory_space<vmem>> -> memref<8x2048xf32, #tpu.memory_space<vmem>>
    %dma_start3A_2338 = arith.constant 0 : i32
    %dma_start3A_2339 = tpu.memref_slice %arg3[%add3A_2286, %multiple_of3A_2334, %dma_start3A_2338] : memref<12x2048x2048xf32, #tpu.memory_space<hbm>> -> memref<1x8x2048xf32, #tpu.memory_space<hbm>>
    %dma_start3A_2340 = tpu.memref_squeeze %dma_start3A_2339 : memref<1x8x2048xf32, #tpu.memory_space<hbm>> -> memref<8x2048xf32, #tpu.memory_space<hbm>>
    %dma_start3A_2341 = arith.constant 0 : i32
    %dma_start3A_2342 = tpu.memref_slice %arg3[%add3A_2286, %multiple_of3A_2334, %dma_start3A_2341] : memref<12x2048x2048xf32, #tpu.memory_space<hbm>> -> memref<1x8x2048xf32, #tpu.memory_space<hbm>>
    %dma_start3A_2343 = tpu.memref_squeeze %dma_start3A_2342 : memref<1x8x2048xf32, #tpu.memory_space<hbm>> -> memref<8x2048xf32, #tpu.memory_space<hbm>>
    %dma_start3A_2344 = arith.constant 0 : i32
    %dma_start3A_2345 = arith.constant 1536 : i32
    %dma_start3A_2346 = tpu.memref_slice %arg6[%dma_start3A_2344, %dma_start3A_2345] : memref<8x3968xf32, #tpu.memory_space<vmem>> -> memref<8x2048xf32, #tpu.memory_space<vmem>>
    tpu.enqueue_dma source(%dma_start3A_2346 : memref<8x2048xf32, #tpu.memory_space<vmem>>) target(%dma_start3A_2343 : memref<8x2048xf32, #tpu.memory_space<hbm>>) target_semaphore(%arg9 : memref<!tpu.dma_semaphore, #tpu.memory_space<semaphore_mem>>)
    %add3A_2347 = arith.constant 512 : i32
    %add3A_2348 = arith.addi %add3A_2347, %multiple_of3A : i32
    %multiple_of3A_2349 = tpu.assume_multiple %add3A_2348, 8 : i32
    %dma_start3A_2350 = arith.constant 0 : i32
    %dma_start3A_2351 = arith.constant 1408 : i32
    %dma_start3A_2352 = tpu.memref_slice %arg6[%dma_start3A_2350, %dma_start3A_2351] : memref<8x3968xf32, #tpu.memory_space<vmem>> -> memref<8x2048xf32, #tpu.memory_space<vmem>>
    %dma_start3A_2353 = arith.constant 0 : i32
    %dma_start3A_2354 = tpu.memref_slice %arg3[%add3A_2286, %multiple_of3A_2349, %dma_start3A_2353] : memref<12x2048x2048xf32, #tpu.memory_space<hbm>> -> memref<1x8x2048xf32, #tpu.memory_space<hbm>>
    %dma_start3A_2355 = tpu.memref_squeeze %dma_start3A_2354 : memref<1x8x2048xf32, #tpu.memory_space<hbm>> -> memref<8x2048xf32, #tpu.memory_space<hbm>>
    %dma_start3A_2356 = arith.constant 0 : i32
    %dma_start3A_2357 = tpu.memref_slice %arg3[%add3A_2286, %multiple_of3A_2349, %dma_start3A_2356] : memref<12x2048x2048xf32, #tpu.memory_space<hbm>> -> memref<1x8x2048xf32, #tpu.memory_space<hbm>>
    %dma_start3A_2358 = tpu.memref_squeeze %dma_start3A_2357 : memref<1x8x2048xf32, #tpu.memory_space<hbm>> -> memref<8x2048xf32, #tpu.memory_space<hbm>>
    %dma_start3A_2359 = arith.constant 0 : i32
    %dma_start3A_2360 = arith.constant 1408 : i32
    %dma_start3A_2361 = tpu.memref_slice %arg6[%dma_start3A_2359, %dma_start3A_2360] : memref<8x3968xf32, #tpu.memory_space<vmem>> -> memref<8x2048xf32, #tpu.memory_space<vmem>>
    tpu.enqueue_dma source(%dma_start3A_2361 : memref<8x2048xf32, #tpu.memory_space<vmem>>) target(%dma_start3A_2358 : memref<8x2048xf32, #tpu.memory_space<hbm>>) target_semaphore(%arg9 : memref<!tpu.dma_semaphore, #tpu.memory_space<semaphore_mem>>)
    %add3A_2362 = arith.constant 640 : i32
    %add3A_2363 = arith.addi %add3A_2362, %multiple_of3A : i32
    %multiple_of3A_2364 = tpu.assume_multiple %add3A_2363, 8 : i32
    %dma_start3A_2365 = arith.constant 0 : i32
    %dma_start3A_2366 = arith.constant 1280 : i32
    %dma_start3A_2367 = tpu.memref_slice %arg6[%dma_start3A_2365, %dma_start3A_2366] : memref<8x3968xf32, #tpu.memory_space<vmem>> -> memref<8x2048xf32, #tpu.memory_space<vmem>>
    %dma_start3A_2368 = arith.constant 0 : i32
    %dma_start3A_2369 = tpu.memref_slice %arg3[%add3A_2286, %multiple_of3A_2364, %dma_start3A_2368] : memref<12x2048x2048xf32, #tpu.memory_space<hbm>> -> memref<1x8x2048xf32, #tpu.memory_space<hbm>>
    %dma_start3A_2370 = tpu.memref_squeeze %dma_start3A_2369 : memref<1x8x2048xf32, #tpu.memory_space<hbm>> -> memref<8x2048xf32, #tpu.memory_space<hbm>>
    %dma_start3A_2371 = arith.constant 0 : i32
    %dma_start3A_2372 = tpu.memref_slice %arg3[%add3A_2286, %multiple_of3A_2364, %dma_start3A_2371] : memref<12x2048x2048xf32, #tpu.memory_space<hbm>> -> memref<1x8x2048xf32, #tpu.memory_space<hbm>>
    %dma_start3A_2373 = tpu.memref_squeeze %dma_start3A_2372 : memref<1x8x2048xf32, #tpu.memory_space<hbm>> -> memref<8x2048xf32, #tpu.memory_space<hbm>>
    %dma_start3A_2374 = arith.constant 0 : i32
    %dma_start3A_2375 = arith.constant 1280 : i32
    %dma_start3A_2376 = tpu.memref_slice %arg6[%dma_start3A_2374, %dma_start3A_2375] : memref<8x3968xf32, #tpu.memory_space<vmem>> -> memref<8x2048xf32, #tpu.memory_space<vmem>>
    tpu.enqueue_dma source(%dma_start3A_2376 : memref<8x2048xf32, #tpu.memory_space<vmem>>) target(%dma_start3A_2373 : memref<8x2048xf32, #tpu.memory_space<hbm>>) target_semaphore(%arg9 : memref<!tpu.dma_semaphore, #tpu.memory_space<semaphore_mem>>)
    %add3A_2377 = arith.constant 768 : i32
    %add3A_2378 = arith.addi %add3A_2377, %multiple_of3A : i32
    %multiple_of3A_2379 = tpu.assume_multiple %add3A_2378, 8 : i32
    %dma_start3A_2380 = arith.constant 0 : i32
    %dma_start3A_2381 = arith.constant 1152 : i32
    %dma_start3A_2382 = tpu.memref_slice %arg6[%dma_start3A_2380, %dma_start3A_2381] : memref<8x3968xf32, #tpu.memory_space<vmem>> -> memref<8x2048xf32, #tpu.memory_space<vmem>>
    %dma_start3A_2383 = arith.constant 0 : i32
    %dma_start3A_2384 = tpu.memref_slice %arg3[%add3A_2286, %multiple_of3A_2379, %dma_start3A_2383] : memref<12x2048x2048xf32, #tpu.memory_space<hbm>> -> memref<1x8x2048xf32, #tpu.memory_space<hbm>>
    %dma_start3A_2385 = tpu.memref_squeeze %dma_start3A_2384 : memref<1x8x2048xf32, #tpu.memory_space<hbm>> -> memref<8x2048xf32, #tpu.memory_space<hbm>>
    %dma_start3A_2386 = arith.constant 0 : i32
    %dma_start3A_2387 = tpu.memref_slice %arg3[%add3A_2286, %multiple_of3A_2379, %dma_start3A_2386] : memref<12x2048x2048xf32, #tpu.memory_space<hbm>> -> memref<1x8x2048xf32, #tpu.memory_space<hbm>>
    %dma_start3A_2388 = tpu.memref_squeeze %dma_start3A_2387 : memref<1x8x2048xf32, #tpu.memory_space<hbm>> -> memref<8x2048xf32, #tpu.memory_space<hbm>>
    %dma_start3A_2389 = arith.constant 0 : i32
    %dma_start3A_2390 = arith.constant 1152 : i32
    %dma_start3A_2391 = tpu.memref_slice %arg6[%dma_start3A_2389, %dma_start3A_2390] : memref<8x3968xf32, #tpu.memory_space<vmem>> -> memref<8x2048xf32, #tpu.memory_space<vmem>>
    tpu.enqueue_dma source(%dma_start3A_2391 : memref<8x2048xf32, #tpu.memory_space<vmem>>) target(%dma_start3A_2388 : memref<8x2048xf32, #tpu.memory_space<hbm>>) target_semaphore(%arg9 : memref<!tpu.dma_semaphore, #tpu.memory_space<semaphore_mem>>)
    %add3A_2392 = arith.constant 896 : i32
    %add3A_2393 = arith.addi %add3A_2392, %multiple_of3A : i32
    %multiple_of3A_2394 = tpu.assume_multiple %add3A_2393, 8 : i32
    %dma_start3A_2395 = arith.constant 0 : i32
    %dma_start3A_2396 = arith.constant 1024 : i32
    %dma_start3A_2397 = tpu.memref_slice %arg6[%dma_start3A_2395, %dma_start3A_2396] : memref<8x3968xf32, #tpu.memory_space<vmem>> -> memref<8x2048xf32, #tpu.memory_space<vmem>>
    %dma_start3A_2398 = arith.constant 0 : i32
    %dma_start3A_2399 = tpu.memref_slice %arg3[%add3A_2286, %multiple_of3A_2394, %dma_start3A_2398] : memref<12x2048x2048xf32, #tpu.memory_space<hbm>> -> memref<1x8x2048xf32, #tpu.memory_space<hbm>>
    %dma_start3A_2400 = tpu.memref_squeeze %dma_start3A_2399 : memref<1x8x2048xf32, #tpu.memory_space<hbm>> -> memref<8x2048xf32, #tpu.memory_space<hbm>>
    %dma_start3A_2401 = arith.constant 0 : i32
    %dma_start3A_2402 = tpu.memref_slice %arg3[%add3A_2286, %multiple_of3A_2394, %dma_start3A_2401] : memref<12x2048x2048xf32, #tpu.memory_space<hbm>> -> memref<1x8x2048xf32, #tpu.memory_space<hbm>>
    %dma_start3A_2403 = tpu.memref_squeeze %dma_start3A_2402 : memref<1x8x2048xf32, #tpu.memory_space<hbm>> -> memref<8x2048xf32, #tpu.memory_space<hbm>>
    %dma_start3A_2404 = arith.constant 0 : i32
    %dma_start3A_2405 = arith.constant 1024 : i32
    %dma_start3A_2406 = tpu.memref_slice %arg6[%dma_start3A_2404, %dma_start3A_2405] : memref<8x3968xf32, #tpu.memory_space<vmem>> -> memref<8x2048xf32, #tpu.memory_space<vmem>>
    tpu.enqueue_dma source(%dma_start3A_2406 : memref<8x2048xf32, #tpu.memory_space<vmem>>) target(%dma_start3A_2403 : memref<8x2048xf32, #tpu.memory_space<hbm>>) target_semaphore(%arg9 : memref<!tpu.dma_semaphore, #tpu.memory_space<semaphore_mem>>)
    %add3A_2407 = arith.constant 1024 : i32
    %add3A_2408 = arith.addi %add3A_2407, %multiple_of3A : i32
    %multiple_of3A_2409 = tpu.assume_multiple %add3A_2408, 8 : i32
    %dma_start3A_2410 = arith.constant 0 : i32
    %dma_start3A_2411 = arith.constant 896 : i32
    %dma_start3A_2412 = tpu.memref_slice %arg6[%dma_start3A_2410, %dma_start3A_2411] : memref<8x3968xf32, #tpu.memory_space<vmem>> -> memref<8x2048xf32, #tpu.memory_space<vmem>>
    %dma_start3A_2413 = arith.constant 0 : i32
    %dma_start3A_2414 = tpu.memref_slice %arg3[%add3A_2286, %multiple_of3A_2409, %dma_start3A_2413] : memref<12x2048x2048xf32, #tpu.memory_space<hbm>> -> memref<1x8x2048xf32, #tpu.memory_space<hbm>>
    %dma_start3A_2415 = tpu.memref_squeeze %dma_start3A_2414 : memref<1x8x2048xf32, #tpu.memory_space<hbm>> -> memref<8x2048xf32, #tpu.memory_space<hbm>>
    %dma_start3A_2416 = arith.constant 0 : i32
    %dma_start3A_2417 = tpu.memref_slice %arg3[%add3A_2286, %multiple_of3A_2409, %dma_start3A_2416] : memref<12x2048x2048xf32, #tpu.memory_space<hbm>> -> memref<1x8x2048xf32, #tpu.memory_space<hbm>>
    %dma_start3A_2418 = tpu.memref_squeeze %dma_start3A_2417 : memref<1x8x2048xf32, #tpu.memory_space<hbm>> -> memref<8x2048xf32, #tpu.memory_space<hbm>>
    %dma_start3A_2419 = arith.constant 0 : i32
    %dma_start3A_2420 = arith.constant 896 : i32
    %dma_start3A_2421 = tpu.memref_slice %arg6[%dma_start3A_2419, %dma_start3A_2420] : memref<8x3968xf32, #tpu.memory_space<vmem>> -> memref<8x2048xf32, #tpu.memory_space<vmem>>
    tpu.enqueue_dma source(%dma_start3A_2421 : memref<8x2048xf32, #tpu.memory_space<vmem>>) target(%dma_start3A_2418 : memref<8x2048xf32, #tpu.memory_space<hbm>>) target_semaphore(%arg9 : memref<!tpu.dma_semaphore, #tpu.memory_space<semaphore_mem>>)
    %add3A_2422 = arith.constant 1152 : i32
    %add3A_2423 = arith.addi %add3A_2422, %multiple_of3A : i32
    %multiple_of3A_2424 = tpu.assume_multiple %add3A_2423, 8 : i32
    %dma_start3A_2425 = arith.constant 0 : i32
    %dma_start3A_2426 = arith.constant 768 : i32
    %dma_start3A_2427 = tpu.memref_slice %arg6[%dma_start3A_2425, %dma_start3A_2426] : memref<8x3968xf32, #tpu.memory_space<vmem>> -> memref<8x2048xf32, #tpu.memory_space<vmem>>
    %dma_start3A_2428 = arith.constant 0 : i32
    %dma_start3A_2429 = tpu.memref_slice %arg3[%add3A_2286, %multiple_of3A_2424, %dma_start3A_2428] : memref<12x2048x2048xf32, #tpu.memory_space<hbm>> -> memref<1x8x2048xf32, #tpu.memory_space<hbm>>
    %dma_start3A_2430 = tpu.memref_squeeze %dma_start3A_2429 : memref<1x8x2048xf32, #tpu.memory_space<hbm>> -> memref<8x2048xf32, #tpu.memory_space<hbm>>
    %dma_start3A_2431 = arith.constant 0 : i32
    %dma_start3A_2432 = tpu.memref_slice %arg3[%add3A_2286, %multiple_of3A_2424, %dma_start3A_2431] : memref<12x2048x2048xf32, #tpu.memory_space<hbm>> -> memref<1x8x2048xf32, #tpu.memory_space<hbm>>
    %dma_start3A_2433 = tpu.memref_squeeze %dma_start3A_2432 : memref<1x8x2048xf32, #tpu.memory_space<hbm>> -> memref<8x2048xf32, #tpu.memory_space<hbm>>
    %dma_start3A_2434 = arith.constant 0 : i32
    %dma_start3A_2435 = arith.constant 768 : i32
    %dma_start3A_2436 = tpu.memref_slice %arg6[%dma_start3A_2434, %dma_start3A_2435] : memref<8x3968xf32, #tpu.memory_space<vmem>> -> memref<8x2048xf32, #tpu.memory_space<vmem>>
    tpu.enqueue_dma source(%dma_start3A_2436 : memref<8x2048xf32, #tpu.memory_space<vmem>>) target(%dma_start3A_2433 : memref<8x2048xf32, #tpu.memory_space<hbm>>) target_semaphore(%arg9 : memref<!tpu.dma_semaphore, #tpu.memory_space<semaphore_mem>>)
    %add3A_2437 = arith.constant 1280 : i32
    %add3A_2438 = arith.addi %add3A_2437, %multiple_of3A : i32
    %multiple_of3A_2439 = tpu.assume_multiple %add3A_2438, 8 : i32
    %dma_start3A_2440 = arith.constant 0 : i32
    %dma_start3A_2441 = arith.constant 640 : i32
    %dma_start3A_2442 = tpu.memref_slice %arg6[%dma_start3A_2440, %dma_start3A_2441] : memref<8x3968xf32, #tpu.memory_space<vmem>> -> memref<8x2048xf32, #tpu.memory_space<vmem>>
    %dma_start3A_2443 = arith.constant 0 : i32
    %dma_start3A_2444 = tpu.memref_slice %arg3[%add3A_2286, %multiple_of3A_2439, %dma_start3A_2443] : memref<12x2048x2048xf32, #tpu.memory_space<hbm>> -> memref<1x8x2048xf32, #tpu.memory_space<hbm>>
    %dma_start3A_2445 = tpu.memref_squeeze %dma_start3A_2444 : memref<1x8x2048xf32, #tpu.memory_space<hbm>> -> memref<8x2048xf32, #tpu.memory_space<hbm>>
    %dma_start3A_2446 = arith.constant 0 : i32
    %dma_start3A_2447 = tpu.memref_slice %arg3[%add3A_2286, %multiple_of3A_2439, %dma_start3A_2446] : memref<12x2048x2048xf32, #tpu.memory_space<hbm>> -> memref<1x8x2048xf32, #tpu.memory_space<hbm>>
    %dma_start3A_2448 = tpu.memref_squeeze %dma_start3A_2447 : memref<1x8x2048xf32, #tpu.memory_space<hbm>> -> memref<8x2048xf32, #tpu.memory_space<hbm>>
    %dma_start3A_2449 = arith.constant 0 : i32
    %dma_start3A_2450 = arith.constant 640 : i32
    %dma_start3A_2451 = tpu.memref_slice %arg6[%dma_start3A_2449, %dma_start3A_2450] : memref<8x3968xf32, #tpu.memory_space<vmem>> -> memref<8x2048xf32, #tpu.memory_space<vmem>>
    tpu.enqueue_dma source(%dma_start3A_2451 : memref<8x2048xf32, #tpu.memory_space<vmem>>) target(%dma_start3A_2448 : memref<8x2048xf32, #tpu.memory_space<hbm>>) target_semaphore(%arg9 : memref<!tpu.dma_semaphore, #tpu.memory_space<semaphore_mem>>)
    %add3A_2452 = arith.constant 1408 : i32
    %add3A_2453 = arith.addi %add3A_2452, %multiple_of3A : i32
    %multiple_of3A_2454 = tpu.assume_multiple %add3A_2453, 8 : i32
    %dma_start3A_2455 = arith.constant 0 : i32
    %dma_start3A_2456 = arith.constant 512 : i32
    %dma_start3A_2457 = tpu.memref_slice %arg6[%dma_start3A_2455, %dma_start3A_2456] : memref<8x3968xf32, #tpu.memory_space<vmem>> -> memref<8x2048xf32, #tpu.memory_space<vmem>>
    %dma_start3A_2458 = arith.constant 0 : i32
    %dma_start3A_2459 = tpu.memref_slice %arg3[%add3A_2286, %multiple_of3A_2454, %dma_start3A_2458] : memref<12x2048x2048xf32, #tpu.memory_space<hbm>> -> memref<1x8x2048xf32, #tpu.memory_space<hbm>>
    %dma_start3A_2460 = tpu.memref_squeeze %dma_start3A_2459 : memref<1x8x2048xf32, #tpu.memory_space<hbm>> -> memref<8x2048xf32, #tpu.memory_space<hbm>>
    %dma_start3A_2461 = arith.constant 0 : i32
    %dma_start3A_2462 = tpu.memref_slice %arg3[%add3A_2286, %multiple_of3A_2454, %dma_start3A_2461] : memref<12x2048x2048xf32, #tpu.memory_space<hbm>> -> memref<1x8x2048xf32, #tpu.memory_space<hbm>>
    %dma_start3A_2463 = tpu.memref_squeeze %dma_start3A_2462 : memref<1x8x2048xf32, #tpu.memory_space<hbm>> -> memref<8x2048xf32, #tpu.memory_space<hbm>>
    %dma_start3A_2464 = arith.constant 0 : i32
    %dma_start3A_2465 = arith.constant 512 : i32
    %dma_start3A_2466 = tpu.memref_slice %arg6[%dma_start3A_2464, %dma_start3A_2465] : memref<8x3968xf32, #tpu.memory_space<vmem>> -> memref<8x2048xf32, #tpu.memory_space<vmem>>
    tpu.enqueue_dma source(%dma_start3A_2466 : memref<8x2048xf32, #tpu.memory_space<vmem>>) target(%dma_start3A_2463 : memref<8x2048xf32, #tpu.memory_space<hbm>>) target_semaphore(%arg9 : memref<!tpu.dma_semaphore, #tpu.memory_space<semaphore_mem>>)
    %add3A_2467 = arith.constant 1536 : i32
    %add3A_2468 = arith.addi %add3A_2467, %multiple_of3A : i32
    %multiple_of3A_2469 = tpu.assume_multiple %add3A_2468, 8 : i32
    %dma_start3A_2470 = arith.constant 0 : i32
    %dma_start3A_2471 = arith.constant 384 : i32
    %dma_start3A_2472 = tpu.memref_slice %arg6[%dma_start3A_2470, %dma_start3A_2471] : memref<8x3968xf32, #tpu.memory_space<vmem>> -> memref<8x2048xf32, #tpu.memory_space<vmem>>
    %dma_start3A_2473 = arith.constant 0 : i32
    %dma_start3A_2474 = tpu.memref_slice %arg3[%add3A_2286, %multiple_of3A_2469, %dma_start3A_2473] : memref<12x2048x2048xf32, #tpu.memory_space<hbm>> -> memref<1x8x2048xf32, #tpu.memory_space<hbm>>
    %dma_start3A_2475 = tpu.memref_squeeze %dma_start3A_2474 : memref<1x8x2048xf32, #tpu.memory_space<hbm>> -> memref<8x2048xf32, #tpu.memory_space<hbm>>
    %dma_start3A_2476 = arith.constant 0 : i32
    %dma_start3A_2477 = tpu.memref_slice %arg3[%add3A_2286, %multiple_of3A_2469, %dma_start3A_2476] : memref<12x2048x2048xf32, #tpu.memory_space<hbm>> -> memref<1x8x2048xf32, #tpu.memory_space<hbm>>
    %dma_start3A_2478 = tpu.memref_squeeze %dma_start3A_2477 : memref<1x8x2048xf32, #tpu.memory_space<hbm>> -> memref<8x2048xf32, #tpu.memory_space<hbm>>
    %dma_start3A_2479 = arith.constant 0 : i32
    %dma_start3A_2480 = arith.constant 384 : i32
    %dma_start3A_2481 = tpu.memref_slice %arg6[%dma_start3A_2479, %dma_start3A_2480] : memref<8x3968xf32, #tpu.memory_space<vmem>> -> memref<8x2048xf32, #tpu.memory_space<vmem>>
    tpu.enqueue_dma source(%dma_start3A_2481 : memref<8x2048xf32, #tpu.memory_space<vmem>>) target(%dma_start3A_2478 : memref<8x2048xf32, #tpu.memory_space<hbm>>) target_semaphore(%arg9 : memref<!tpu.dma_semaphore, #tpu.memory_space<semaphore_mem>>)
    %add3A_2482 = arith.constant 1664 : i32
    %add3A_2483 = arith.addi %add3A_2482, %multiple_of3A : i32
    %multiple_of3A_2484 = tpu.assume_multiple %add3A_2483, 8 : i32
    %dma_start3A_2485 = arith.constant 0 : i32
    %dma_start3A_2486 = arith.constant 256 : i32
    %dma_start3A_2487 = tpu.memref_slice %arg6[%dma_start3A_2485, %dma_start3A_2486] : memref<8x3968xf32, #tpu.memory_space<vmem>> -> memref<8x2048xf32, #tpu.memory_space<vmem>>
    %dma_start3A_2488 = arith.constant 0 : i32
    %dma_start3A_2489 = tpu.memref_slice %arg3[%add3A_2286, %multiple_of3A_2484, %dma_start3A_2488] : memref<12x2048x2048xf32, #tpu.memory_space<hbm>> -> memref<1x8x2048xf32, #tpu.memory_space<hbm>>
    %dma_start3A_2490 = tpu.memref_squeeze %dma_start3A_2489 : memref<1x8x2048xf32, #tpu.memory_space<hbm>> -> memref<8x2048xf32, #tpu.memory_space<hbm>>
    %dma_start3A_2491 = arith.constant 0 : i32
    %dma_start3A_2492 = tpu.memref_slice %arg3[%add3A_2286, %multiple_of3A_2484, %dma_start3A_2491] : memref<12x2048x2048xf32, #tpu.memory_space<hbm>> -> memref<1x8x2048xf32, #tpu.memory_space<hbm>>
    %dma_start3A_2493 = tpu.memref_squeeze %dma_start3A_2492 : memref<1x8x2048xf32, #tpu.memory_space<hbm>> -> memref<8x2048xf32, #tpu.memory_space<hbm>>
    %dma_start3A_2494 = arith.constant 0 : i32
    %dma_start3A_2495 = arith.constant 256 : i32
    %dma_start3A_2496 = tpu.memref_slice %arg6[%dma_start3A_2494, %dma_start3A_2495] : memref<8x3968xf32, #tpu.memory_space<vmem>> -> memref<8x2048xf32, #tpu.memory_space<vmem>>
    tpu.enqueue_dma source(%dma_start3A_2496 : memref<8x2048xf32, #tpu.memory_space<vmem>>) target(%dma_start3A_2493 : memref<8x2048xf32, #tpu.memory_space<hbm>>) target_semaphore(%arg9 : memref<!tpu.dma_semaphore, #tpu.memory_space<semaphore_mem>>)
    %add3A_2497 = arith.constant 1792 : i32
    %add3A_2498 = arith.addi %add3A_2497, %multiple_of3A : i32
    %multiple_of3A_2499 = tpu.assume_multiple %add3A_2498, 8 : i32
    %dma_start3A_2500 = arith.constant 0 : i32
    %dma_start3A_2501 = arith.constant 128 : i32
    %dma_start3A_2502 = tpu.memref_slice %arg6[%dma_start3A_2500, %dma_start3A_2501] : memref<8x3968xf32, #tpu.memory_space<vmem>> -> memref<8x2048xf32, #tpu.memory_space<vmem>>
    %dma_start3A_2503 = arith.constant 0 : i32
    %dma_start3A_2504 = tpu.memref_slice %arg3[%add3A_2286, %multiple_of3A_2499, %dma_start3A_2503] : memref<12x2048x2048xf32, #tpu.memory_space<hbm>> -> memref<1x8x2048xf32, #tpu.memory_space<hbm>>
    %dma_start3A_2505 = tpu.memref_squeeze %dma_start3A_2504 : memref<1x8x2048xf32, #tpu.memory_space<hbm>> -> memref<8x2048xf32, #tpu.memory_space<hbm>>
    %dma_start3A_2506 = arith.constant 0 : i32
    %dma_start3A_2507 = tpu.memref_slice %arg3[%add3A_2286, %multiple_of3A_2499, %dma_start3A_2506] : memref<12x2048x2048xf32, #tpu.memory_space<hbm>> -> memref<1x8x2048xf32, #tpu.memory_space<hbm>>
    %dma_start3A_2508 = tpu.memref_squeeze %dma_start3A_2507 : memref<1x8x2048xf32, #tpu.memory_space<hbm>> -> memref<8x2048xf32, #tpu.memory_space<hbm>>
    %dma_start3A_2509 = arith.constant 0 : i32
    %dma_start3A_2510 = arith.constant 128 : i32
    %dma_start3A_2511 = tpu.memref_slice %arg6[%dma_start3A_2509, %dma_start3A_2510] : memref<8x3968xf32, #tpu.memory_space<vmem>> -> memref<8x2048xf32, #tpu.memory_space<vmem>>
    tpu.enqueue_dma source(%dma_start3A_2511 : memref<8x2048xf32, #tpu.memory_space<vmem>>) target(%dma_start3A_2508 : memref<8x2048xf32, #tpu.memory_space<hbm>>) target_semaphore(%arg9 : memref<!tpu.dma_semaphore, #tpu.memory_space<semaphore_mem>>)
    %add3A_2512 = arith.constant 1920 : i32
    %add3A_2513 = arith.addi %add3A_2512, %multiple_of3A : i32
    %multiple_of3A_2514 = tpu.assume_multiple %add3A_2513, 8 : i32
    %dma_start3A_2515 = arith.constant 0 : i32
    %dma_start3A_2516 = arith.constant 0 : i32
    %dma_start3A_2517 = tpu.memref_slice %arg6[%dma_start3A_2515, %dma_start3A_2516] : memref<8x3968xf32, #tpu.memory_space<vmem>> -> memref<8x2048xf32, #tpu.memory_space<vmem>>
    %dma_start3A_2518 = arith.constant 0 : i32
    %dma_start3A_2519 = tpu.memref_slice %arg3[%add3A_2286, %multiple_of3A_2514, %dma_start3A_2518] : memref<12x2048x2048xf32, #tpu.memory_space<hbm>> -> memref<1x8x2048xf32, #tpu.memory_space<hbm>>
    %dma_start3A_2520 = tpu.memref_squeeze %dma_start3A_2519 : memref<1x8x2048xf32, #tpu.memory_space<hbm>> -> memref<8x2048xf32, #tpu.memory_space<hbm>>
    %dma_start3A_2521 = arith.constant 0 : i32
    %dma_start3A_2522 = tpu.memref_slice %arg3[%add3A_2286, %multiple_of3A_2514, %dma_start3A_2521] : memref<12x2048x2048xf32, #tpu.memory_space<hbm>> -> memref<1x8x2048xf32, #tpu.memory_space<hbm>>
    %dma_start3A_2523 = tpu.memref_squeeze %dma_start3A_2522 : memref<1x8x2048xf32, #tpu.memory_space<hbm>> -> memref<8x2048xf32, #tpu.memory_space<hbm>>
    %dma_start3A_2524 = arith.constant 0 : i32
    %dma_start3A_2525 = arith.constant 0 : i32
    %dma_start3A_2526 = tpu.memref_slice %arg6[%dma_start3A_2524, %dma_start3A_2525] : memref<8x3968xf32, #tpu.memory_space<vmem>> -> memref<8x2048xf32, #tpu.memory_space<vmem>>
    tpu.enqueue_dma source(%dma_start3A_2526 : memref<8x2048xf32, #tpu.memory_space<vmem>>) target(%dma_start3A_2523 : memref<8x2048xf32, #tpu.memory_space<hbm>>) target_semaphore(%arg9 : memref<!tpu.dma_semaphore, #tpu.memory_space<semaphore_mem>>)
    %dma_wait3A_2527 = arith.constant 0 : i32
    %dma_wait3A_2528 = arith.constant 0 : i32
    %dma_wait3A_2529 = arith.constant 0 : i32
    %dma_wait3A_2530 = tpu.memref_slice %arg4[%dma_wait3A_2528, %dma_wait3A_2529] : memref<8x3968xf32, #tpu.memory_space<vmem>> -> memref<8x2048xf32, #tpu.memory_space<vmem>>
    %dma_wait3A_2531 = arith.constant 0 : i32
    %dma_wait3A_2532 = arith.constant 0 : i32
    %dma_wait3A_2533 = tpu.memref_slice %arg3[%dma_wait3A_2527, %dma_wait3A_2531, %dma_wait3A_2532] : memref<12x2048x2048xf32, #tpu.memory_space<hbm>> -> memref<1x8x2048xf32, #tpu.memory_space<hbm>>
    %dma_wait3A_2534 = tpu.memref_squeeze %dma_wait3A_2533 : memref<1x8x2048xf32, #tpu.memory_space<hbm>> -> memref<8x2048xf32, #tpu.memory_space<hbm>>
    %dma_wait3A_2535 = arith.constant 0 : i32
    %dma_wait3A_2536 = arith.constant 0 : i32
    %dma_wait3A_2537 = tpu.memref_slice %arg3[%dma_wait3A_2527, %dma_wait3A_2535, %dma_wait3A_2536] : memref<12x2048x2048xf32, #tpu.memory_space<hbm>> -> memref<1x8x2048xf32, #tpu.memory_space<hbm>>
    %dma_wait3A_2538 = tpu.memref_squeeze %dma_wait3A_2537 : memref<1x8x2048xf32, #tpu.memory_space<hbm>> -> memref<8x2048xf32, #tpu.memory_space<hbm>>
    %dma_wait3A_2539 = arith.constant 0 : i32
    %dma_wait3A_2540 = arith.constant 0 : i32
    %dma_wait3A_2541 = tpu.memref_slice %arg4[%dma_wait3A_2539, %dma_wait3A_2540] : memref<8x3968xf32, #tpu.memory_space<vmem>> -> memref<8x2048xf32, #tpu.memory_space<vmem>>
    tpu.wait_dma2 semaphore(%arg7 : memref<!tpu.dma_semaphore, #tpu.memory_space<semaphore_mem>>) src(%dma_wait3A_2541 : memref<8x2048xf32, #tpu.memory_space<vmem>>) dst(%dma_wait3A_2538 : memref<8x2048xf32, #tpu.memory_space<hbm>>)
    %dma_wait3A_2542 = arith.constant 0 : i32
    %dma_wait3A_2543 = arith.constant 0 : i32
    %dma_wait3A_2544 = arith.constant 0 : i32
    %dma_wait3A_2545 = tpu.memref_slice %arg4[%dma_wait3A_2543, %dma_wait3A_2544] : memref<8x3968xf32, #tpu.memory_space<vmem>> -> memref<8x2048xf32, #tpu.memory_space<vmem>>
    %dma_wait3A_2546 = arith.constant 0 : i32
    %dma_wait3A_2547 = arith.constant 0 : i32
    %dma_wait3A_2548 = tpu.memref_slice %arg3[%dma_wait3A_2542, %dma_wait3A_2546, %dma_wait3A_2547] : memref<12x2048x2048xf32, #tpu.memory_space<hbm>> -> memref<1x8x2048xf32, #tpu.memory_space<hbm>>
    %dma_wait3A_2549 = tpu.memref_squeeze %dma_wait3A_2548 : memref<1x8x2048xf32, #tpu.memory_space<hbm>> -> memref<8x2048xf32, #tpu.memory_space<hbm>>
    %dma_wait3A_2550 = arith.constant 0 : i32
    %dma_wait3A_2551 = arith.constant 0 : i32
    %dma_wait3A_2552 = tpu.memref_slice %arg3[%dma_wait3A_2542, %dma_wait3A_2550, %dma_wait3A_2551] : memref<12x2048x2048xf32, #tpu.memory_space<hbm>> -> memref<1x8x2048xf32, #tpu.memory_space<hbm>>
    %dma_wait3A_2553 = tpu.memref_squeeze %dma_wait3A_2552 : memref<1x8x2048xf32, #tpu.memory_space<hbm>> -> memref<8x2048xf32, #tpu.memory_space<hbm>>
    %dma_wait3A_2554 = arith.constant 0 : i32
    %dma_wait3A_2555 = arith.constant 0 : i32
    %dma_wait3A_2556 = tpu.memref_slice %arg4[%dma_wait3A_2554, %dma_wait3A_2555] : memref<8x3968xf32, #tpu.memory_space<vmem>> -> memref<8x2048xf32, #tpu.memory_space<vmem>>
    tpu.wait_dma2 semaphore(%arg7 : memref<!tpu.dma_semaphore, #tpu.memory_space<semaphore_mem>>) src(%dma_wait3A_2556 : memref<8x2048xf32, #tpu.memory_space<vmem>>) dst(%dma_wait3A_2553 : memref<8x2048xf32, #tpu.memory_space<hbm>>)
    %dma_wait3A_2557 = arith.constant 0 : i32
    %dma_wait3A_2558 = arith.constant 0 : i32
    %dma_wait3A_2559 = arith.constant 0 : i32
    %dma_wait3A_2560 = tpu.memref_slice %arg4[%dma_wait3A_2558, %dma_wait3A_2559] : memref<8x3968xf32, #tpu.memory_space<vmem>> -> memref<8x2048xf32, #tpu.memory_space<vmem>>
    %dma_wait3A_2561 = arith.constant 0 : i32
    %dma_wait3A_2562 = arith.constant 0 : i32
    %dma_wait3A_2563 = tpu.memref_slice %arg3[%dma_wait3A_2557, %dma_wait3A_2561, %dma_wait3A_2562] : memref<12x2048x2048xf32, #tpu.memory_space<hbm>> -> memref<1x8x2048xf32, #tpu.memory_space<hbm>>
    %dma_wait3A_2564 = tpu.memref_squeeze %dma_wait3A_2563 : memref<1x8x2048xf32, #tpu.memory_space<hbm>> -> memref<8x2048xf32, #tpu.memory_space<hbm>>
    %dma_wait3A_2565 = arith.constant 0 : i32
    %dma_wait3A_2566 = arith.constant 0 : i32
    %dma_wait3A_2567 = tpu.memref_slice %arg3[%dma_wait3A_2557, %dma_wait3A_2565, %dma_wait3A_2566] : memref<12x2048x2048xf32, #tpu.memory_space<hbm>> -> memref<1x8x2048xf32, #tpu.memory_space<hbm>>
    %dma_wait3A_2568 = tpu.memref_squeeze %dma_wait3A_2567 : memref<1x8x2048xf32, #tpu.memory_space<hbm>> -> memref<8x2048xf32, #tpu.memory_space<hbm>>
    %dma_wait3A_2569 = arith.constant 0 : i32
    %dma_wait3A_2570 = arith.constant 0 : i32
    %dma_wait3A_2571 = tpu.memref_slice %arg4[%dma_wait3A_2569, %dma_wait3A_2570] : memref<8x3968xf32, #tpu.memory_space<vmem>> -> memref<8x2048xf32, #tpu.memory_space<vmem>>
    tpu.wait_dma2 semaphore(%arg7 : memref<!tpu.dma_semaphore, #tpu.memory_space<semaphore_mem>>) src(%dma_wait3A_2571 : memref<8x2048xf32, #tpu.memory_space<vmem>>) dst(%dma_wait3A_2568 : memref<8x2048xf32, #tpu.memory_space<hbm>>)
    %dma_wait3A_2572 = arith.constant 0 : i32
    %dma_wait3A_2573 = arith.constant 0 : i32
    %dma_wait3A_2574 = arith.constant 0 : i32
    %dma_wait3A_2575 = tpu.memref_slice %arg4[%dma_wait3A_2573, %dma_wait3A_2574] : memref<8x3968xf32, #tpu.memory_space<vmem>> -> memref<8x2048xf32, #tpu.memory_space<vmem>>
    %dma_wait3A_2576 = arith.constant 0 : i32
    %dma_wait3A_2577 = arith.constant 0 : i32
    %dma_wait3A_2578 = tpu.memref_slice %arg3[%dma_wait3A_2572, %dma_wait3A_2576, %dma_wait3A_2577] : memref<12x2048x2048xf32, #tpu.memory_space<hbm>> -> memref<1x8x2048xf32, #tpu.memory_space<hbm>>
    %dma_wait3A_2579 = tpu.memref_squeeze %dma_wait3A_2578 : memref<1x8x2048xf32, #tpu.memory_space<hbm>> -> memref<8x2048xf32, #tpu.memory_space<hbm>>
    %dma_wait3A_2580 = arith.constant 0 : i32
    %dma_wait3A_2581 = arith.constant 0 : i32
    %dma_wait3A_2582 = tpu.memref_slice %arg3[%dma_wait3A_2572, %dma_wait3A_2580, %dma_wait3A_2581] : memref<12x2048x2048xf32, #tpu.memory_space<hbm>> -> memref<1x8x2048xf32, #tpu.memory_space<hbm>>
    %dma_wait3A_2583 = tpu.memref_squeeze %dma_wait3A_2582 : memref<1x8x2048xf32, #tpu.memory_space<hbm>> -> memref<8x2048xf32, #tpu.memory_space<hbm>>
    %dma_wait3A_2584 = arith.constant 0 : i32
    %dma_wait3A_2585 = arith.constant 0 : i32
    %dma_wait3A_2586 = tpu.memref_slice %arg4[%dma_wait3A_2584, %dma_wait3A_2585] : memref<8x3968xf32, #tpu.memory_space<vmem>> -> memref<8x2048xf32, #tpu.memory_space<vmem>>
    tpu.wait_dma2 semaphore(%arg7 : memref<!tpu.dma_semaphore, #tpu.memory_space<semaphore_mem>>) src(%dma_wait3A_2586 : memref<8x2048xf32, #tpu.memory_space<vmem>>) dst(%dma_wait3A_2583 : memref<8x2048xf32, #tpu.memory_space<hbm>>)
    %dma_wait3A_2587 = arith.constant 0 : i32
    %dma_wait3A_2588 = arith.constant 0 : i32
    %dma_wait3A_2589 = arith.constant 0 : i32
    %dma_wait3A_2590 = tpu.memref_slice %arg4[%dma_wait3A_2588, %dma_wait3A_2589] : memref<8x3968xf32, #tpu.memory_space<vmem>> -> memref<8x2048xf32, #tpu.memory_space<vmem>>
    %dma_wait3A_2591 = arith.constant 0 : i32
    %dma_wait3A_2592 = arith.constant 0 : i32
    %dma_wait3A_2593 = tpu.memref_slice %arg3[%dma_wait3A_2587, %dma_wait3A_2591, %dma_wait3A_2592] : memref<12x2048x2048xf32, #tpu.memory_space<hbm>> -> memref<1x8x2048xf32, #tpu.memory_space<hbm>>
    %dma_wait3A_2594 = tpu.memref_squeeze %dma_wait3A_2593 : memref<1x8x2048xf32, #tpu.memory_space<hbm>> -> memref<8x2048xf32, #tpu.memory_space<hbm>>
    %dma_wait3A_2595 = arith.constant 0 : i32
    %dma_wait3A_2596 = arith.constant 0 : i32
    %dma_wait3A_2597 = tpu.memref_slice %arg3[%dma_wait3A_2587, %dma_wait3A_2595, %dma_wait3A_2596] : memref<12x2048x2048xf32, #tpu.memory_space<hbm>> -> memref<1x8x2048xf32, #tpu.memory_space<hbm>>
    %dma_wait3A_2598 = tpu.memref_squeeze %dma_wait3A_2597 : memref<1x8x2048xf32, #tpu.memory_space<hbm>> -> memref<8x2048xf32, #tpu.memory_space<hbm>>
    %dma_wait3A_2599 = arith.constant 0 : i32
    %dma_wait3A_2600 = arith.constant 0 : i32
    %dma_wait3A_2601 = tpu.memref_slice %arg4[%dma_wait3A_2599, %dma_wait3A_2600] : memref<8x3968xf32, #tpu.memory_space<vmem>> -> memref<8x2048xf32, #tpu.memory_space<vmem>>
    tpu.wait_dma2 semaphore(%arg7 : memref<!tpu.dma_semaphore, #tpu.memory_space<semaphore_mem>>) src(%dma_wait3A_2601 : memref<8x2048xf32, #tpu.memory_space<vmem>>) dst(%dma_wait3A_2598 : memref<8x2048xf32, #tpu.memory_space<hbm>>)
    %dma_wait3A_2602 = arith.constant 0 : i32
    %dma_wait3A_2603 = arith.constant 0 : i32
    %dma_wait3A_2604 = arith.constant 0 : i32
    %dma_wait3A_2605 = tpu.memref_slice %arg4[%dma_wait3A_2603, %dma_wait3A_2604] : memref<8x3968xf32, #tpu.memory_space<vmem>> -> memref<8x2048xf32, #tpu.memory_space<vmem>>
    %dma_wait3A_2606 = arith.constant 0 : i32
    %dma_wait3A_2607 = arith.constant 0 : i32
    %dma_wait3A_2608 = tpu.memref_slice %arg3[%dma_wait3A_2602, %dma_wait3A_2606, %dma_wait3A_2607] : memref<12x2048x2048xf32, #tpu.memory_space<hbm>> -> memref<1x8x2048xf32, #tpu.memory_space<hbm>>
    %dma_wait3A_2609 = tpu.memref_squeeze %dma_wait3A_2608 : memref<1x8x2048xf32, #tpu.memory_space<hbm>> -> memref<8x2048xf32, #tpu.memory_space<hbm>>
    %dma_wait3A_2610 = arith.constant 0 : i32
    %dma_wait3A_2611 = arith.constant 0 : i32
    %dma_wait3A_2612 = tpu.memref_slice %arg3[%dma_wait3A_2602, %dma_wait3A_2610, %dma_wait3A_2611] : memref<12x2048x2048xf32, #tpu.memory_space<hbm>> -> memref<1x8x2048xf32, #tpu.memory_space<hbm>>
    %dma_wait3A_2613 = tpu.memref_squeeze %dma_wait3A_2612 : memref<1x8x2048xf32, #tpu.memory_space<hbm>> -> memref<8x2048xf32, #tpu.memory_space<hbm>>
    %dma_wait3A_2614 = arith.constant 0 : i32
    %dma_wait3A_2615 = arith.constant 0 : i32
    %dma_wait3A_2616 = tpu.memref_slice %arg4[%dma_wait3A_2614, %dma_wait3A_2615] : memref<8x3968xf32, #tpu.memory_space<vmem>> -> memref<8x2048xf32, #tpu.memory_space<vmem>>
    tpu.wait_dma2 semaphore(%arg7 : memref<!tpu.dma_semaphore, #tpu.memory_space<semaphore_mem>>) src(%dma_wait3A_2616 : memref<8x2048xf32, #tpu.memory_space<vmem>>) dst(%dma_wait3A_2613 : memref<8x2048xf32, #tpu.memory_space<hbm>>)
    %dma_wait3A_2617 = arith.constant 0 : i32
    %dma_wait3A_2618 = arith.constant 0 : i32
    %dma_wait3A_2619 = arith.constant 0 : i32
    %dma_wait3A_2620 = tpu.memref_slice %arg4[%dma_wait3A_2618, %dma_wait3A_2619] : memref<8x3968xf32, #tpu.memory_space<vmem>> -> memref<8x2048xf32, #tpu.memory_space<vmem>>
    %dma_wait3A_2621 = arith.constant 0 : i32
    %dma_wait3A_2622 = arith.constant 0 : i32
    %dma_wait3A_2623 = tpu.memref_slice %arg3[%dma_wait3A_2617, %dma_wait3A_2621, %dma_wait3A_2622] : memref<12x2048x2048xf32, #tpu.memory_space<hbm>> -> memref<1x8x2048xf32, #tpu.memory_space<hbm>>
    %dma_wait3A_2624 = tpu.memref_squeeze %dma_wait3A_2623 : memref<1x8x2048xf32, #tpu.memory_space<hbm>> -> memref<8x2048xf32, #tpu.memory_space<hbm>>
    %dma_wait3A_2625 = arith.constant 0 : i32
    %dma_wait3A_2626 = arith.constant 0 : i32
    %dma_wait3A_2627 = tpu.memref_slice %arg3[%dma_wait3A_2617, %dma_wait3A_2625, %dma_wait3A_2626] : memref<12x2048x2048xf32, #tpu.memory_space<hbm>> -> memref<1x8x2048xf32, #tpu.memory_space<hbm>>
    %dma_wait3A_2628 = tpu.memref_squeeze %dma_wait3A_2627 : memref<1x8x2048xf32, #tpu.memory_space<hbm>> -> memref<8x2048xf32, #tpu.memory_space<hbm>>
    %dma_wait3A_2629 = arith.constant 0 : i32
    %dma_wait3A_2630 = arith.constant 0 : i32
    %dma_wait3A_2631 = tpu.memref_slice %arg4[%dma_wait3A_2629, %dma_wait3A_2630] : memref<8x3968xf32, #tpu.memory_space<vmem>> -> memref<8x2048xf32, #tpu.memory_space<vmem>>
    tpu.wait_dma2 semaphore(%arg7 : memref<!tpu.dma_semaphore, #tpu.memory_space<semaphore_mem>>) src(%dma_wait3A_2631 : memref<8x2048xf32, #tpu.memory_space<vmem>>) dst(%dma_wait3A_2628 : memref<8x2048xf32, #tpu.memory_space<hbm>>)
    %dma_wait3A_2632 = arith.constant 0 : i32
    %dma_wait3A_2633 = arith.constant 0 : i32
    %dma_wait3A_2634 = arith.constant 0 : i32
    %dma_wait3A_2635 = tpu.memref_slice %arg4[%dma_wait3A_2633, %dma_wait3A_2634] : memref<8x3968xf32, #tpu.memory_space<vmem>> -> memref<8x2048xf32, #tpu.memory_space<vmem>>
    %dma_wait3A_2636 = arith.constant 0 : i32
    %dma_wait3A_2637 = arith.constant 0 : i32
    %dma_wait3A_2638 = tpu.memref_slice %arg3[%dma_wait3A_2632, %dma_wait3A_2636, %dma_wait3A_2637] : memref<12x2048x2048xf32, #tpu.memory_space<hbm>> -> memref<1x8x2048xf32, #tpu.memory_space<hbm>>
    %dma_wait3A_2639 = tpu.memref_squeeze %dma_wait3A_2638 : memref<1x8x2048xf32, #tpu.memory_space<hbm>> -> memref<8x2048xf32, #tpu.memory_space<hbm>>
    %dma_wait3A_2640 = arith.constant 0 : i32
    %dma_wait3A_2641 = arith.constant 0 : i32
    %dma_wait3A_2642 = tpu.memref_slice %arg3[%dma_wait3A_2632, %dma_wait3A_2640, %dma_wait3A_2641] : memref<12x2048x2048xf32, #tpu.memory_space<hbm>> -> memref<1x8x2048xf32, #tpu.memory_space<hbm>>
    %dma_wait3A_2643 = tpu.memref_squeeze %dma_wait3A_2642 : memref<1x8x2048xf32, #tpu.memory_space<hbm>> -> memref<8x2048xf32, #tpu.memory_space<hbm>>
    %dma_wait3A_2644 = arith.constant 0 : i32
    %dma_wait3A_2645 = arith.constant 0 : i32
    %dma_wait3A_2646 = tpu.memref_slice %arg4[%dma_wait3A_2644, %dma_wait3A_2645] : memref<8x3968xf32, #tpu.memory_space<vmem>> -> memref<8x2048xf32, #tpu.memory_space<vmem>>
    tpu.wait_dma2 semaphore(%arg7 : memref<!tpu.dma_semaphore, #tpu.memory_space<semaphore_mem>>) src(%dma_wait3A_2646 : memref<8x2048xf32, #tpu.memory_space<vmem>>) dst(%dma_wait3A_2643 : memref<8x2048xf32, #tpu.memory_space<hbm>>)
    %dma_wait3A_2647 = arith.constant 0 : i32
    %dma_wait3A_2648 = arith.constant 0 : i32
    %dma_wait3A_2649 = arith.constant 0 : i32
    %dma_wait3A_2650 = tpu.memref_slice %arg4[%dma_wait3A_2648, %dma_wait3A_2649] : memref<8x3968xf32, #tpu.memory_space<vmem>> -> memref<8x2048xf32, #tpu.memory_space<vmem>>
    %dma_wait3A_2651 = arith.constant 0 : i32
    %dma_wait3A_2652 = arith.constant 0 : i32
    %dma_wait3A_2653 = tpu.memref_slice %arg3[%dma_wait3A_2647, %dma_wait3A_2651, %dma_wait3A_2652] : memref<12x2048x2048xf32, #tpu.memory_space<hbm>> -> memref<1x8x2048xf32, #tpu.memory_space<hbm>>
    %dma_wait3A_2654 = tpu.memref_squeeze %dma_wait3A_2653 : memref<1x8x2048xf32, #tpu.memory_space<hbm>> -> memref<8x2048xf32, #tpu.memory_space<hbm>>
    %dma_wait3A_2655 = arith.constant 0 : i32
    %dma_wait3A_2656 = arith.constant 0 : i32
    %dma_wait3A_2657 = tpu.memref_slice %arg3[%dma_wait3A_2647, %dma_wait3A_2655, %dma_wait3A_2656] : memref<12x2048x2048xf32, #tpu.memory_space<hbm>> -> memref<1x8x2048xf32, #tpu.memory_space<hbm>>
    %dma_wait3A_2658 = tpu.memref_squeeze %dma_wait3A_2657 : memref<1x8x2048xf32, #tpu.memory_space<hbm>> -> memref<8x2048xf32, #tpu.memory_space<hbm>>
    %dma_wait3A_2659 = arith.constant 0 : i32
    %dma_wait3A_2660 = arith.constant 0 : i32
    %dma_wait3A_2661 = tpu.memref_slice %arg4[%dma_wait3A_2659, %dma_wait3A_2660] : memref<8x3968xf32, #tpu.memory_space<vmem>> -> memref<8x2048xf32, #tpu.memory_space<vmem>>
    tpu.wait_dma2 semaphore(%arg7 : memref<!tpu.dma_semaphore, #tpu.memory_space<semaphore_mem>>) src(%dma_wait3A_2661 : memref<8x2048xf32, #tpu.memory_space<vmem>>) dst(%dma_wait3A_2658 : memref<8x2048xf32, #tpu.memory_space<hbm>>)
    %dma_wait3A_2662 = arith.constant 0 : i32
    %dma_wait3A_2663 = arith.constant 0 : i32
    %dma_wait3A_2664 = arith.constant 0 : i32
    %dma_wait3A_2665 = tpu.memref_slice %arg4[%dma_wait3A_2663, %dma_wait3A_2664] : memref<8x3968xf32, #tpu.memory_space<vmem>> -> memref<8x2048xf32, #tpu.memory_space<vmem>>
    %dma_wait3A_2666 = arith.constant 0 : i32
    %dma_wait3A_2667 = arith.constant 0 : i32
    %dma_wait3A_2668 = tpu.memref_slice %arg3[%dma_wait3A_2662, %dma_wait3A_2666, %dma_wait3A_2667] : memref<12x2048x2048xf32, #tpu.memory_space<hbm>> -> memref<1x8x2048xf32, #tpu.memory_space<hbm>>
    %dma_wait3A_2669 = tpu.memref_squeeze %dma_wait3A_2668 : memref<1x8x2048xf32, #tpu.memory_space<hbm>> -> memref<8x2048xf32, #tpu.memory_space<hbm>>
    %dma_wait3A_2670 = arith.constant 0 : i32
    %dma_wait3A_2671 = arith.constant 0 : i32
    %dma_wait3A_2672 = tpu.memref_slice %arg3[%dma_wait3A_2662, %dma_wait3A_2670, %dma_wait3A_2671] : memref<12x2048x2048xf32, #tpu.memory_space<hbm>> -> memref<1x8x2048xf32, #tpu.memory_space<hbm>>
    %dma_wait3A_2673 = tpu.memref_squeeze %dma_wait3A_2672 : memref<1x8x2048xf32, #tpu.memory_space<hbm>> -> memref<8x2048xf32, #tpu.memory_space<hbm>>
    %dma_wait3A_2674 = arith.constant 0 : i32
    %dma_wait3A_2675 = arith.constant 0 : i32
    %dma_wait3A_2676 = tpu.memref_slice %arg4[%dma_wait3A_2674, %dma_wait3A_2675] : memref<8x3968xf32, #tpu.memory_space<vmem>> -> memref<8x2048xf32, #tpu.memory_space<vmem>>
    tpu.wait_dma2 semaphore(%arg7 : memref<!tpu.dma_semaphore, #tpu.memory_space<semaphore_mem>>) src(%dma_wait3A_2676 : memref<8x2048xf32, #tpu.memory_space<vmem>>) dst(%dma_wait3A_2673 : memref<8x2048xf32, #tpu.memory_space<hbm>>)
    %dma_wait3A_2677 = arith.constant 0 : i32
    %dma_wait3A_2678 = arith.constant 0 : i32
    %dma_wait3A_2679 = arith.constant 0 : i32
    %dma_wait3A_2680 = tpu.memref_slice %arg4[%dma_wait3A_2678, %dma_wait3A_2679] : memref<8x3968xf32, #tpu.memory_space<vmem>> -> memref<8x2048xf32, #tpu.memory_space<vmem>>
    %dma_wait3A_2681 = arith.constant 0 : i32
    %dma_wait3A_2682 = arith.constant 0 : i32
    %dma_wait3A_2683 = tpu.memref_slice %arg3[%dma_wait3A_2677, %dma_wait3A_2681, %dma_wait3A_2682] : memref<12x2048x2048xf32, #tpu.memory_space<hbm>> -> memref<1x8x2048xf32, #tpu.memory_space<hbm>>
    %dma_wait3A_2684 = tpu.memref_squeeze %dma_wait3A_2683 : memref<1x8x2048xf32, #tpu.memory_space<hbm>> -> memref<8x2048xf32, #tpu.memory_space<hbm>>
    %dma_wait3A_2685 = arith.constant 0 : i32
    %dma_wait3A_2686 = arith.constant 0 : i32
    %dma_wait3A_2687 = tpu.memref_slice %arg3[%dma_wait3A_2677, %dma_wait3A_2685, %dma_wait3A_2686] : memref<12x2048x2048xf32, #tpu.memory_space<hbm>> -> memref<1x8x2048xf32, #tpu.memory_space<hbm>>
    %dma_wait3A_2688 = tpu.memref_squeeze %dma_wait3A_2687 : memref<1x8x2048xf32, #tpu.memory_space<hbm>> -> memref<8x2048xf32, #tpu.memory_space<hbm>>
    %dma_wait3A_2689 = arith.constant 0 : i32
    %dma_wait3A_2690 = arith.constant 0 : i32
    %dma_wait3A_2691 = tpu.memref_slice %arg4[%dma_wait3A_2689, %dma_wait3A_2690] : memref<8x3968xf32, #tpu.memory_space<vmem>> -> memref<8x2048xf32, #tpu.memory_space<vmem>>
    tpu.wait_dma2 semaphore(%arg7 : memref<!tpu.dma_semaphore, #tpu.memory_space<semaphore_mem>>) src(%dma_wait3A_2691 : memref<8x2048xf32, #tpu.memory_space<vmem>>) dst(%dma_wait3A_2688 : memref<8x2048xf32, #tpu.memory_space<hbm>>)
    %dma_wait3A_2692 = arith.constant 0 : i32
    %dma_wait3A_2693 = arith.constant 0 : i32
    %dma_wait3A_2694 = arith.constant 0 : i32
    %dma_wait3A_2695 = tpu.memref_slice %arg4[%dma_wait3A_2693, %dma_wait3A_2694] : memref<8x3968xf32, #tpu.memory_space<vmem>> -> memref<8x2048xf32, #tpu.memory_space<vmem>>
    %dma_wait3A_2696 = arith.constant 0 : i32
    %dma_wait3A_2697 = arith.constant 0 : i32
    %dma_wait3A_2698 = tpu.memref_slice %arg3[%dma_wait3A_2692, %dma_wait3A_2696, %dma_wait3A_2697] : memref<12x2048x2048xf32, #tpu.memory_space<hbm>> -> memref<1x8x2048xf32, #tpu.memory_space<hbm>>
    %dma_wait3A_2699 = tpu.memref_squeeze %dma_wait3A_2698 : memref<1x8x2048xf32, #tpu.memory_space<hbm>> -> memref<8x2048xf32, #tpu.memory_space<hbm>>
    %dma_wait3A_2700 = arith.constant 0 : i32
    %dma_wait3A_2701 = arith.constant 0 : i32
    %dma_wait3A_2702 = tpu.memref_slice %arg3[%dma_wait3A_2692, %dma_wait3A_2700, %dma_wait3A_2701] : memref<12x2048x2048xf32, #tpu.memory_space<hbm>> -> memref<1x8x2048xf32, #tpu.memory_space<hbm>>
    %dma_wait3A_2703 = tpu.memref_squeeze %dma_wait3A_2702 : memref<1x8x2048xf32, #tpu.memory_space<hbm>> -> memref<8x2048xf32, #tpu.memory_space<hbm>>
    %dma_wait3A_2704 = arith.constant 0 : i32
    %dma_wait3A_2705 = arith.constant 0 : i32
    %dma_wait3A_2706 = tpu.memref_slice %arg4[%dma_wait3A_2704, %dma_wait3A_2705] : memref<8x3968xf32, #tpu.memory_space<vmem>> -> memref<8x2048xf32, #tpu.memory_space<vmem>>
    tpu.wait_dma2 semaphore(%arg7 : memref<!tpu.dma_semaphore, #tpu.memory_space<semaphore_mem>>) src(%dma_wait3A_2706 : memref<8x2048xf32, #tpu.memory_space<vmem>>) dst(%dma_wait3A_2703 : memref<8x2048xf32, #tpu.memory_space<hbm>>)
    %dma_wait3A_2707 = arith.constant 0 : i32
    %dma_wait3A_2708 = arith.constant 0 : i32
    %dma_wait3A_2709 = arith.constant 0 : i32
    %dma_wait3A_2710 = tpu.memref_slice %arg4[%dma_wait3A_2708, %dma_wait3A_2709] : memref<8x3968xf32, #tpu.memory_space<vmem>> -> memref<8x2048xf32, #tpu.memory_space<vmem>>
    %dma_wait3A_2711 = arith.constant 0 : i32
    %dma_wait3A_2712 = arith.constant 0 : i32
    %dma_wait3A_2713 = tpu.memref_slice %arg3[%dma_wait3A_2707, %dma_wait3A_2711, %dma_wait3A_2712] : memref<12x2048x2048xf32, #tpu.memory_space<hbm>> -> memref<1x8x2048xf32, #tpu.memory_space<hbm>>
    %dma_wait3A_2714 = tpu.memref_squeeze %dma_wait3A_2713 : memref<1x8x2048xf32, #tpu.memory_space<hbm>> -> memref<8x2048xf32, #tpu.memory_space<hbm>>
    %dma_wait3A_2715 = arith.constant 0 : i32
    %dma_wait3A_2716 = arith.constant 0 : i32
    %dma_wait3A_2717 = tpu.memref_slice %arg3[%dma_wait3A_2707, %dma_wait3A_2715, %dma_wait3A_2716] : memref<12x2048x2048xf32, #tpu.memory_space<hbm>> -> memref<1x8x2048xf32, #tpu.memory_space<hbm>>
    %dma_wait3A_2718 = tpu.memref_squeeze %dma_wait3A_2717 : memref<1x8x2048xf32, #tpu.memory_space<hbm>> -> memref<8x2048xf32, #tpu.memory_space<hbm>>
    %dma_wait3A_2719 = arith.constant 0 : i32
    %dma_wait3A_2720 = arith.constant 0 : i32
    %dma_wait3A_2721 = tpu.memref_slice %arg4[%dma_wait3A_2719, %dma_wait3A_2720] : memref<8x3968xf32, #tpu.memory_space<vmem>> -> memref<8x2048xf32, #tpu.memory_space<vmem>>
    tpu.wait_dma2 semaphore(%arg7 : memref<!tpu.dma_semaphore, #tpu.memory_space<semaphore_mem>>) src(%dma_wait3A_2721 : memref<8x2048xf32, #tpu.memory_space<vmem>>) dst(%dma_wait3A_2718 : memref<8x2048xf32, #tpu.memory_space<hbm>>)
    %dma_wait3A_2722 = arith.constant 0 : i32
    %dma_wait3A_2723 = arith.constant 0 : i32
    %dma_wait3A_2724 = arith.constant 0 : i32
    %dma_wait3A_2725 = tpu.memref_slice %arg4[%dma_wait3A_2723, %dma_wait3A_2724] : memref<8x3968xf32, #tpu.memory_space<vmem>> -> memref<8x2048xf32, #tpu.memory_space<vmem>>
    %dma_wait3A_2726 = arith.constant 0 : i32
    %dma_wait3A_2727 = arith.constant 0 : i32
    %dma_wait3A_2728 = tpu.memref_slice %arg3[%dma_wait3A_2722, %dma_wait3A_2726, %dma_wait3A_2727] : memref<12x2048x2048xf32, #tpu.memory_space<hbm>> -> memref<1x8x2048xf32, #tpu.memory_space<hbm>>
    %dma_wait3A_2729 = tpu.memref_squeeze %dma_wait3A_2728 : memref<1x8x2048xf32, #tpu.memory_space<hbm>> -> memref<8x2048xf32, #tpu.memory_space<hbm>>
    %dma_wait3A_2730 = arith.constant 0 : i32
    %dma_wait3A_2731 = arith.constant 0 : i32
    %dma_wait3A_2732 = tpu.memref_slice %arg3[%dma_wait3A_2722, %dma_wait3A_2730, %dma_wait3A_2731] : memref<12x2048x2048xf32, #tpu.memory_space<hbm>> -> memref<1x8x2048xf32, #tpu.memory_space<hbm>>
    %dma_wait3A_2733 = tpu.memref_squeeze %dma_wait3A_2732 : memref<1x8x2048xf32, #tpu.memory_space<hbm>> -> memref<8x2048xf32, #tpu.memory_space<hbm>>
    %dma_wait3A_2734 = arith.constant 0 : i32
    %dma_wait3A_2735 = arith.constant 0 : i32
    %dma_wait3A_2736 = tpu.memref_slice %arg4[%dma_wait3A_2734, %dma_wait3A_2735] : memref<8x3968xf32, #tpu.memory_space<vmem>> -> memref<8x2048xf32, #tpu.memory_space<vmem>>
    tpu.wait_dma2 semaphore(%arg7 : memref<!tpu.dma_semaphore, #tpu.memory_space<semaphore_mem>>) src(%dma_wait3A_2736 : memref<8x2048xf32, #tpu.memory_space<vmem>>) dst(%dma_wait3A_2733 : memref<8x2048xf32, #tpu.memory_space<hbm>>)
    %dma_wait3A_2737 = arith.constant 0 : i32
    %dma_wait3A_2738 = arith.constant 0 : i32
    %dma_wait3A_2739 = arith.constant 0 : i32
    %dma_wait3A_2740 = tpu.memref_slice %arg4[%dma_wait3A_2738, %dma_wait3A_2739] : memref<8x3968xf32, #tpu.memory_space<vmem>> -> memref<8x2048xf32, #tpu.memory_space<vmem>>
    %dma_wait3A_2741 = arith.constant 0 : i32
    %dma_wait3A_2742 = arith.constant 0 : i32
    %dma_wait3A_2743 = tpu.memref_slice %arg3[%dma_wait3A_2737, %dma_wait3A_2741, %dma_wait3A_2742] : memref<12x2048x2048xf32, #tpu.memory_space<hbm>> -> memref<1x8x2048xf32, #tpu.memory_space<hbm>>
    %dma_wait3A_2744 = tpu.memref_squeeze %dma_wait3A_2743 : memref<1x8x2048xf32, #tpu.memory_space<hbm>> -> memref<8x2048xf32, #tpu.memory_space<hbm>>
    %dma_wait3A_2745 = arith.constant 0 : i32
    %dma_wait3A_2746 = arith.constant 0 : i32
    %dma_wait3A_2747 = tpu.memref_slice %arg3[%dma_wait3A_2737, %dma_wait3A_2745, %dma_wait3A_2746] : memref<12x2048x2048xf32, #tpu.memory_space<hbm>> -> memref<1x8x2048xf32, #tpu.memory_space<hbm>>
    %dma_wait3A_2748 = tpu.memref_squeeze %dma_wait3A_2747 : memref<1x8x2048xf32, #tpu.memory_space<hbm>> -> memref<8x2048xf32, #tpu.memory_space<hbm>>
    %dma_wait3A_2749 = arith.constant 0 : i32
    %dma_wait3A_2750 = arith.constant 0 : i32
    %dma_wait3A_2751 = tpu.memref_slice %arg4[%dma_wait3A_2749, %dma_wait3A_2750] : memref<8x3968xf32, #tpu.memory_space<vmem>> -> memref<8x2048xf32, #tpu.memory_space<vmem>>
    tpu.wait_dma2 semaphore(%arg7 : memref<!tpu.dma_semaphore, #tpu.memory_space<semaphore_mem>>) src(%dma_wait3A_2751 : memref<8x2048xf32, #tpu.memory_space<vmem>>) dst(%dma_wait3A_2748 : memref<8x2048xf32, #tpu.memory_space<hbm>>)
    %dma_wait3A_2752 = arith.constant 0 : i32
    %dma_wait3A_2753 = arith.constant 0 : i32
    %dma_wait3A_2754 = arith.constant 0 : i32
    %dma_wait3A_2755 = tpu.memref_slice %arg4[%dma_wait3A_2753, %dma_wait3A_2754] : memref<8x3968xf32, #tpu.memory_space<vmem>> -> memref<8x2048xf32, #tpu.memory_space<vmem>>
    %dma_wait3A_2756 = arith.constant 0 : i32
    %dma_wait3A_2757 = arith.constant 0 : i32
    %dma_wait3A_2758 = tpu.memref_slice %arg3[%dma_wait3A_2752, %dma_wait3A_2756, %dma_wait3A_2757] : memref<12x2048x2048xf32, #tpu.memory_space<hbm>> -> memref<1x8x2048xf32, #tpu.memory_space<hbm>>
    %dma_wait3A_2759 = tpu.memref_squeeze %dma_wait3A_2758 : memref<1x8x2048xf32, #tpu.memory_space<hbm>> -> memref<8x2048xf32, #tpu.memory_space<hbm>>
    %dma_wait3A_2760 = arith.constant 0 : i32
    %dma_wait3A_2761 = arith.constant 0 : i32
    %dma_wait3A_2762 = tpu.memref_slice %arg3[%dma_wait3A_2752, %dma_wait3A_2760, %dma_wait3A_2761] : memref<12x2048x2048xf32, #tpu.memory_space<hbm>> -> memref<1x8x2048xf32, #tpu.memory_space<hbm>>
    %dma_wait3A_2763 = tpu.memref_squeeze %dma_wait3A_2762 : memref<1x8x2048xf32, #tpu.memory_space<hbm>> -> memref<8x2048xf32, #tpu.memory_space<hbm>>
    %dma_wait3A_2764 = arith.constant 0 : i32
    %dma_wait3A_2765 = arith.constant 0 : i32
    %dma_wait3A_2766 = tpu.memref_slice %arg4[%dma_wait3A_2764, %dma_wait3A_2765] : memref<8x3968xf32, #tpu.memory_space<vmem>> -> memref<8x2048xf32, #tpu.memory_space<vmem>>
    tpu.wait_dma2 semaphore(%arg7 : memref<!tpu.dma_semaphore, #tpu.memory_space<semaphore_mem>>) src(%dma_wait3A_2766 : memref<8x2048xf32, #tpu.memory_space<vmem>>) dst(%dma_wait3A_2763 : memref<8x2048xf32, #tpu.memory_space<hbm>>)
    %dma_wait3A_2767 = arith.constant 0 : i32
    %dma_wait3A_2768 = arith.constant 0 : i32
    %dma_wait3A_2769 = arith.constant 0 : i32
    %dma_wait3A_2770 = tpu.memref_slice %arg5[%dma_wait3A_2768, %dma_wait3A_2769] : memref<8x3968xf32, #tpu.memory_space<vmem>> -> memref<8x2048xf32, #tpu.memory_space<vmem>>
    %dma_wait3A_2771 = arith.constant 0 : i32
    %dma_wait3A_2772 = arith.constant 0 : i32
    %dma_wait3A_2773 = tpu.memref_slice %arg3[%dma_wait3A_2767, %dma_wait3A_2771, %dma_wait3A_2772] : memref<12x2048x2048xf32, #tpu.memory_space<hbm>> -> memref<1x8x2048xf32, #tpu.memory_space<hbm>>
    %dma_wait3A_2774 = tpu.memref_squeeze %dma_wait3A_2773 : memref<1x8x2048xf32, #tpu.memory_space<hbm>> -> memref<8x2048xf32, #tpu.memory_space<hbm>>
    %dma_wait3A_2775 = arith.constant 0 : i32
    %dma_wait3A_2776 = arith.constant 0 : i32
    %dma_wait3A_2777 = tpu.memref_slice %arg3[%dma_wait3A_2767, %dma_wait3A_2775, %dma_wait3A_2776] : memref<12x2048x2048xf32, #tpu.memory_space<hbm>> -> memref<1x8x2048xf32, #tpu.memory_space<hbm>>
    %dma_wait3A_2778 = tpu.memref_squeeze %dma_wait3A_2777 : memref<1x8x2048xf32, #tpu.memory_space<hbm>> -> memref<8x2048xf32, #tpu.memory_space<hbm>>
    %dma_wait3A_2779 = arith.constant 0 : i32
    %dma_wait3A_2780 = arith.constant 0 : i32
    %dma_wait3A_2781 = tpu.memref_slice %arg5[%dma_wait3A_2779, %dma_wait3A_2780] : memref<8x3968xf32, #tpu.memory_space<vmem>> -> memref<8x2048xf32, #tpu.memory_space<vmem>>
    tpu.wait_dma2 semaphore(%arg8 : memref<!tpu.dma_semaphore, #tpu.memory_space<semaphore_mem>>) src(%dma_wait3A_2781 : memref<8x2048xf32, #tpu.memory_space<vmem>>) dst(%dma_wait3A_2778 : memref<8x2048xf32, #tpu.memory_space<hbm>>)
    %dma_wait3A_2782 = arith.constant 0 : i32
    %dma_wait3A_2783 = arith.constant 0 : i32
    %dma_wait3A_2784 = arith.constant 0 : i32
    %dma_wait3A_2785 = tpu.memref_slice %arg5[%dma_wait3A_2783, %dma_wait3A_2784] : memref<8x3968xf32, #tpu.memory_space<vmem>> -> memref<8x2048xf32, #tpu.memory_space<vmem>>
    %dma_wait3A_2786 = arith.constant 0 : i32
    %dma_wait3A_2787 = arith.constant 0 : i32
    %dma_wait3A_2788 = tpu.memref_slice %arg3[%dma_wait3A_2782, %dma_wait3A_2786, %dma_wait3A_2787] : memref<12x2048x2048xf32, #tpu.memory_space<hbm>> -> memref<1x8x2048xf32, #tpu.memory_space<hbm>>
    %dma_wait3A_2789 = tpu.memref_squeeze %dma_wait3A_2788 : memref<1x8x2048xf32, #tpu.memory_space<hbm>> -> memref<8x2048xf32, #tpu.memory_space<hbm>>
    %dma_wait3A_2790 = arith.constant 0 : i32
    %dma_wait3A_2791 = arith.constant 0 : i32
    %dma_wait3A_2792 = tpu.memref_slice %arg3[%dma_wait3A_2782, %dma_wait3A_2790, %dma_wait3A_2791] : memref<12x2048x2048xf32, #tpu.memory_space<hbm>> -> memref<1x8x2048xf32, #tpu.memory_space<hbm>>
    %dma_wait3A_2793 = tpu.memref_squeeze %dma_wait3A_2792 : memref<1x8x2048xf32, #tpu.memory_space<hbm>> -> memref<8x2048xf32, #tpu.memory_space<hbm>>
    %dma_wait3A_2794 = arith.constant 0 : i32
    %dma_wait3A_2795 = arith.constant 0 : i32
    %dma_wait3A_2796 = tpu.memref_slice %arg5[%dma_wait3A_2794, %dma_wait3A_2795] : memref<8x3968xf32, #tpu.memory_space<vmem>> -> memref<8x2048xf32, #tpu.memory_space<vmem>>
    tpu.wait_dma2 semaphore(%arg8 : memref<!tpu.dma_semaphore, #tpu.memory_space<semaphore_mem>>) src(%dma_wait3A_2796 : memref<8x2048xf32, #tpu.memory_space<vmem>>) dst(%dma_wait3A_2793 : memref<8x2048xf32, #tpu.memory_space<hbm>>)
    %dma_wait3A_2797 = arith.constant 0 : i32
    %dma_wait3A_2798 = arith.constant 0 : i32
    %dma_wait3A_2799 = arith.constant 0 : i32
    %dma_wait3A_2800 = tpu.memref_slice %arg5[%dma_wait3A_2798, %dma_wait3A_2799] : memref<8x3968xf32, #tpu.memory_space<vmem>> -> memref<8x2048xf32, #tpu.memory_space<vmem>>
    %dma_wait3A_2801 = arith.constant 0 : i32
    %dma_wait3A_2802 = arith.constant 0 : i32
    %dma_wait3A_2803 = tpu.memref_slice %arg3[%dma_wait3A_2797, %dma_wait3A_2801, %dma_wait3A_2802] : memref<12x2048x2048xf32, #tpu.memory_space<hbm>> -> memref<1x8x2048xf32, #tpu.memory_space<hbm>>
    %dma_wait3A_2804 = tpu.memref_squeeze %dma_wait3A_2803 : memref<1x8x2048xf32, #tpu.memory_space<hbm>> -> memref<8x2048xf32, #tpu.memory_space<hbm>>
    %dma_wait3A_2805 = arith.constant 0 : i32
    %dma_wait3A_2806 = arith.constant 0 : i32
    %dma_wait3A_2807 = tpu.memref_slice %arg3[%dma_wait3A_2797, %dma_wait3A_2805, %dma_wait3A_2806] : memref<12x2048x2048xf32, #tpu.memory_space<hbm>> -> memref<1x8x2048xf32, #tpu.memory_space<hbm>>
    %dma_wait3A_2808 = tpu.memref_squeeze %dma_wait3A_2807 : memref<1x8x2048xf32, #tpu.memory_space<hbm>> -> memref<8x2048xf32, #tpu.memory_space<hbm>>
    %dma_wait3A_2809 = arith.constant 0 : i32
    %dma_wait3A_2810 = arith.constant 0 : i32
    %dma_wait3A_2811 = tpu.memref_slice %arg5[%dma_wait3A_2809, %dma_wait3A_2810] : memref<8x3968xf32, #tpu.memory_space<vmem>> -> memref<8x2048xf32, #tpu.memory_space<vmem>>
    tpu.wait_dma2 semaphore(%arg8 : memref<!tpu.dma_semaphore, #tpu.memory_space<semaphore_mem>>) src(%dma_wait3A_2811 : memref<8x2048xf32, #tpu.memory_space<vmem>>) dst(%dma_wait3A_2808 : memref<8x2048xf32, #tpu.memory_space<hbm>>)
    %dma_wait3A_2812 = arith.constant 0 : i32
    %dma_wait3A_2813 = arith.constant 0 : i32
    %dma_wait3A_2814 = arith.constant 0 : i32
    %dma_wait3A_2815 = tpu.memref_slice %arg5[%dma_wait3A_2813, %dma_wait3A_2814] : memref<8x3968xf32, #tpu.memory_space<vmem>> -> memref<8x2048xf32, #tpu.memory_space<vmem>>
    %dma_wait3A_2816 = arith.constant 0 : i32
    %dma_wait3A_2817 = arith.constant 0 : i32
    %dma_wait3A_2818 = tpu.memref_slice %arg3[%dma_wait3A_2812, %dma_wait3A_2816, %dma_wait3A_2817] : memref<12x2048x2048xf32, #tpu.memory_space<hbm>> -> memref<1x8x2048xf32, #tpu.memory_space<hbm>>
    %dma_wait3A_2819 = tpu.memref_squeeze %dma_wait3A_2818 : memref<1x8x2048xf32, #tpu.memory_space<hbm>> -> memref<8x2048xf32, #tpu.memory_space<hbm>>
    %dma_wait3A_2820 = arith.constant 0 : i32
    %dma_wait3A_2821 = arith.constant 0 : i32
    %dma_wait3A_2822 = tpu.memref_slice %arg3[%dma_wait3A_2812, %dma_wait3A_2820, %dma_wait3A_2821] : memref<12x2048x2048xf32, #tpu.memory_space<hbm>> -> memref<1x8x2048xf32, #tpu.memory_space<hbm>>
    %dma_wait3A_2823 = tpu.memref_squeeze %dma_wait3A_2822 : memref<1x8x2048xf32, #tpu.memory_space<hbm>> -> memref<8x2048xf32, #tpu.memory_space<hbm>>
    %dma_wait3A_2824 = arith.constant 0 : i32
    %dma_wait3A_2825 = arith.constant 0 : i32
    %dma_wait3A_2826 = tpu.memref_slice %arg5[%dma_wait3A_2824, %dma_wait3A_2825] : memref<8x3968xf32, #tpu.memory_space<vmem>> -> memref<8x2048xf32, #tpu.memory_space<vmem>>
    tpu.wait_dma2 semaphore(%arg8 : memref<!tpu.dma_semaphore, #tpu.memory_space<semaphore_mem>>) src(%dma_wait3A_2826 : memref<8x2048xf32, #tpu.memory_space<vmem>>) dst(%dma_wait3A_2823 : memref<8x2048xf32, #tpu.memory_space<hbm>>)
    %dma_wait3A_2827 = arith.constant 0 : i32
    %dma_wait3A_2828 = arith.constant 0 : i32
    %dma_wait3A_2829 = arith.constant 0 : i32
    %dma_wait3A_2830 = tpu.memref_slice %arg5[%dma_wait3A_2828, %dma_wait3A_2829] : memref<8x3968xf32, #tpu.memory_space<vmem>> -> memref<8x2048xf32, #tpu.memory_space<vmem>>
    %dma_wait3A_2831 = arith.constant 0 : i32
    %dma_wait3A_2832 = arith.constant 0 : i32
    %dma_wait3A_2833 = tpu.memref_slice %arg3[%dma_wait3A_2827, %dma_wait3A_2831, %dma_wait3A_2832] : memref<12x2048x2048xf32, #tpu.memory_space<hbm>> -> memref<1x8x2048xf32, #tpu.memory_space<hbm>>
    %dma_wait3A_2834 = tpu.memref_squeeze %dma_wait3A_2833 : memref<1x8x2048xf32, #tpu.memory_space<hbm>> -> memref<8x2048xf32, #tpu.memory_space<hbm>>
    %dma_wait3A_2835 = arith.constant 0 : i32
    %dma_wait3A_2836 = arith.constant 0 : i32
    %dma_wait3A_2837 = tpu.memref_slice %arg3[%dma_wait3A_2827, %dma_wait3A_2835, %dma_wait3A_2836] : memref<12x2048x2048xf32, #tpu.memory_space<hbm>> -> memref<1x8x2048xf32, #tpu.memory_space<hbm>>
    %dma_wait3A_2838 = tpu.memref_squeeze %dma_wait3A_2837 : memref<1x8x2048xf32, #tpu.memory_space<hbm>> -> memref<8x2048xf32, #tpu.memory_space<hbm>>
    %dma_wait3A_2839 = arith.constant 0 : i32
    %dma_wait3A_2840 = arith.constant 0 : i32
    %dma_wait3A_2841 = tpu.memref_slice %arg5[%dma_wait3A_2839, %dma_wait3A_2840] : memref<8x3968xf32, #tpu.memory_space<vmem>> -> memref<8x2048xf32, #tpu.memory_space<vmem>>
    tpu.wait_dma2 semaphore(%arg8 : memref<!tpu.dma_semaphore, #tpu.memory_space<semaphore_mem>>) src(%dma_wait3A_2841 : memref<8x2048xf32, #tpu.memory_space<vmem>>) dst(%dma_wait3A_2838 : memref<8x2048xf32, #tpu.memory_space<hbm>>)
    %dma_wait3A_2842 = arith.constant 0 : i32
    %dma_wait3A_2843 = arith.constant 0 : i32
    %dma_wait3A_2844 = arith.constant 0 : i32
    %dma_wait3A_2845 = tpu.memref_slice %arg5[%dma_wait3A_2843, %dma_wait3A_2844] : memref<8x3968xf32, #tpu.memory_space<vmem>> -> memref<8x2048xf32, #tpu.memory_space<vmem>>
    %dma_wait3A_2846 = arith.constant 0 : i32
    %dma_wait3A_2847 = arith.constant 0 : i32
    %dma_wait3A_2848 = tpu.memref_slice %arg3[%dma_wait3A_2842, %dma_wait3A_2846, %dma_wait3A_2847] : memref<12x2048x2048xf32, #tpu.memory_space<hbm>> -> memref<1x8x2048xf32, #tpu.memory_space<hbm>>
    %dma_wait3A_2849 = tpu.memref_squeeze %dma_wait3A_2848 : memref<1x8x2048xf32, #tpu.memory_space<hbm>> -> memref<8x2048xf32, #tpu.memory_space<hbm>>
    %dma_wait3A_2850 = arith.constant 0 : i32
    %dma_wait3A_2851 = arith.constant 0 : i32
    %dma_wait3A_2852 = tpu.memref_slice %arg3[%dma_wait3A_2842, %dma_wait3A_2850, %dma_wait3A_2851] : memref<12x2048x2048xf32, #tpu.memory_space<hbm>> -> memref<1x8x2048xf32, #tpu.memory_space<hbm>>
    %dma_wait3A_2853 = tpu.memref_squeeze %dma_wait3A_2852 : memref<1x8x2048xf32, #tpu.memory_space<hbm>> -> memref<8x2048xf32, #tpu.memory_space<hbm>>
    %dma_wait3A_2854 = arith.constant 0 : i32
    %dma_wait3A_2855 = arith.constant 0 : i32
    %dma_wait3A_2856 = tpu.memref_slice %arg5[%dma_wait3A_2854, %dma_wait3A_2855] : memref<8x3968xf32, #tpu.memory_space<vmem>> -> memref<8x2048xf32, #tpu.memory_space<vmem>>
    tpu.wait_dma2 semaphore(%arg8 : memref<!tpu.dma_semaphore, #tpu.memory_space<semaphore_mem>>) src(%dma_wait3A_2856 : memref<8x2048xf32, #tpu.memory_space<vmem>>) dst(%dma_wait3A_2853 : memref<8x2048xf32, #tpu.memory_space<hbm>>)
    %dma_wait3A_2857 = arith.constant 0 : i32
    %dma_wait3A_2858 = arith.constant 0 : i32
    %dma_wait3A_2859 = arith.constant 0 : i32
    %dma_wait3A_2860 = tpu.memref_slice %arg5[%dma_wait3A_2858, %dma_wait3A_2859] : memref<8x3968xf32, #tpu.memory_space<vmem>> -> memref<8x2048xf32, #tpu.memory_space<vmem>>
    %dma_wait3A_2861 = arith.constant 0 : i32
    %dma_wait3A_2862 = arith.constant 0 : i32
    %dma_wait3A_2863 = tpu.memref_slice %arg3[%dma_wait3A_2857, %dma_wait3A_2861, %dma_wait3A_2862] : memref<12x2048x2048xf32, #tpu.memory_space<hbm>> -> memref<1x8x2048xf32, #tpu.memory_space<hbm>>
    %dma_wait3A_2864 = tpu.memref_squeeze %dma_wait3A_2863 : memref<1x8x2048xf32, #tpu.memory_space<hbm>> -> memref<8x2048xf32, #tpu.memory_space<hbm>>
    %dma_wait3A_2865 = arith.constant 0 : i32
    %dma_wait3A_2866 = arith.constant 0 : i32
    %dma_wait3A_2867 = tpu.memref_slice %arg3[%dma_wait3A_2857, %dma_wait3A_2865, %dma_wait3A_2866] : memref<12x2048x2048xf32, #tpu.memory_space<hbm>> -> memref<1x8x2048xf32, #tpu.memory_space<hbm>>
    %dma_wait3A_2868 = tpu.memref_squeeze %dma_wait3A_2867 : memref<1x8x2048xf32, #tpu.memory_space<hbm>> -> memref<8x2048xf32, #tpu.memory_space<hbm>>
    %dma_wait3A_2869 = arith.constant 0 : i32
    %dma_wait3A_2870 = arith.constant 0 : i32
    %dma_wait3A_2871 = tpu.memref_slice %arg5[%dma_wait3A_2869, %dma_wait3A_2870] : memref<8x3968xf32, #tpu.memory_space<vmem>> -> memref<8x2048xf32, #tpu.memory_space<vmem>>
    tpu.wait_dma2 semaphore(%arg8 : memref<!tpu.dma_semaphore, #tpu.memory_space<semaphore_mem>>) src(%dma_wait3A_2871 : memref<8x2048xf32, #tpu.memory_space<vmem>>) dst(%dma_wait3A_2868 : memref<8x2048xf32, #tpu.memory_space<hbm>>)
    %dma_wait3A_2872 = arith.constant 0 : i32
    %dma_wait3A_2873 = arith.constant 0 : i32
    %dma_wait3A_2874 = arith.constant 0 : i32
    %dma_wait3A_2875 = tpu.memref_slice %arg5[%dma_wait3A_2873, %dma_wait3A_2874] : memref<8x3968xf32, #tpu.memory_space<vmem>> -> memref<8x2048xf32, #tpu.memory_space<vmem>>
    %dma_wait3A_2876 = arith.constant 0 : i32
    %dma_wait3A_2877 = arith.constant 0 : i32
    %dma_wait3A_2878 = tpu.memref_slice %arg3[%dma_wait3A_2872, %dma_wait3A_2876, %dma_wait3A_2877] : memref<12x2048x2048xf32, #tpu.memory_space<hbm>> -> memref<1x8x2048xf32, #tpu.memory_space<hbm>>
    %dma_wait3A_2879 = tpu.memref_squeeze %dma_wait3A_2878 : memref<1x8x2048xf32, #tpu.memory_space<hbm>> -> memref<8x2048xf32, #tpu.memory_space<hbm>>
    %dma_wait3A_2880 = arith.constant 0 : i32
    %dma_wait3A_2881 = arith.constant 0 : i32
    %dma_wait3A_2882 = tpu.memref_slice %arg3[%dma_wait3A_2872, %dma_wait3A_2880, %dma_wait3A_2881] : memref<12x2048x2048xf32, #tpu.memory_space<hbm>> -> memref<1x8x2048xf32, #tpu.memory_space<hbm>>
    %dma_wait3A_2883 = tpu.memref_squeeze %dma_wait3A_2882 : memref<1x8x2048xf32, #tpu.memory_space<hbm>> -> memref<8x2048xf32, #tpu.memory_space<hbm>>
    %dma_wait3A_2884 = arith.constant 0 : i32
    %dma_wait3A_2885 = arith.constant 0 : i32
    %dma_wait3A_2886 = tpu.memref_slice %arg5[%dma_wait3A_2884, %dma_wait3A_2885] : memref<8x3968xf32, #tpu.memory_space<vmem>> -> memref<8x2048xf32, #tpu.memory_space<vmem>>
    tpu.wait_dma2 semaphore(%arg8 : memref<!tpu.dma_semaphore, #tpu.memory_space<semaphore_mem>>) src(%dma_wait3A_2886 : memref<8x2048xf32, #tpu.memory_space<vmem>>) dst(%dma_wait3A_2883 : memref<8x2048xf32, #tpu.memory_space<hbm>>)
    %dma_wait3A_2887 = arith.constant 0 : i32
    %dma_wait3A_2888 = arith.constant 0 : i32
    %dma_wait3A_2889 = arith.constant 0 : i32
    %dma_wait3A_2890 = tpu.memref_slice %arg5[%dma_wait3A_2888, %dma_wait3A_2889] : memref<8x3968xf32, #tpu.memory_space<vmem>> -> memref<8x2048xf32, #tpu.memory_space<vmem>>
    %dma_wait3A_2891 = arith.constant 0 : i32
    %dma_wait3A_2892 = arith.constant 0 : i32
    %dma_wait3A_2893 = tpu.memref_slice %arg3[%dma_wait3A_2887, %dma_wait3A_2891, %dma_wait3A_2892] : memref<12x2048x2048xf32, #tpu.memory_space<hbm>> -> memref<1x8x2048xf32, #tpu.memory_space<hbm>>
    %dma_wait3A_2894 = tpu.memref_squeeze %dma_wait3A_2893 : memref<1x8x2048xf32, #tpu.memory_space<hbm>> -> memref<8x2048xf32, #tpu.memory_space<hbm>>
    %dma_wait3A_2895 = arith.constant 0 : i32
    %dma_wait3A_2896 = arith.constant 0 : i32
    %dma_wait3A_2897 = tpu.memref_slice %arg3[%dma_wait3A_2887, %dma_wait3A_2895, %dma_wait3A_2896] : memref<12x2048x2048xf32, #tpu.memory_space<hbm>> -> memref<1x8x2048xf32, #tpu.memory_space<hbm>>
    %dma_wait3A_2898 = tpu.memref_squeeze %dma_wait3A_2897 : memref<1x8x2048xf32, #tpu.memory_space<hbm>> -> memref<8x2048xf32, #tpu.memory_space<hbm>>
    %dma_wait3A_2899 = arith.constant 0 : i32
    %dma_wait3A_2900 = arith.constant 0 : i32
    %dma_wait3A_2901 = tpu.memref_slice %arg5[%dma_wait3A_2899, %dma_wait3A_2900] : memref<8x3968xf32, #tpu.memory_space<vmem>> -> memref<8x2048xf32, #tpu.memory_space<vmem>>
    tpu.wait_dma2 semaphore(%arg8 : memref<!tpu.dma_semaphore, #tpu.memory_space<semaphore_mem>>) src(%dma_wait3A_2901 : memref<8x2048xf32, #tpu.memory_space<vmem>>) dst(%dma_wait3A_2898 : memref<8x2048xf32, #tpu.memory_space<hbm>>)
    %dma_wait3A_2902 = arith.constant 0 : i32
    %dma_wait3A_2903 = arith.constant 0 : i32
    %dma_wait3A_2904 = arith.constant 0 : i32
    %dma_wait3A_2905 = tpu.memref_slice %arg5[%dma_wait3A_2903, %dma_wait3A_2904] : memref<8x3968xf32, #tpu.memory_space<vmem>> -> memref<8x2048xf32, #tpu.memory_space<vmem>>
    %dma_wait3A_2906 = arith.constant 0 : i32
    %dma_wait3A_2907 = arith.constant 0 : i32
    %dma_wait3A_2908 = tpu.memref_slice %arg3[%dma_wait3A_2902, %dma_wait3A_2906, %dma_wait3A_2907] : memref<12x2048x2048xf32, #tpu.memory_space<hbm>> -> memref<1x8x2048xf32, #tpu.memory_space<hbm>>
    %dma_wait3A_2909 = tpu.memref_squeeze %dma_wait3A_2908 : memref<1x8x2048xf32, #tpu.memory_space<hbm>> -> memref<8x2048xf32, #tpu.memory_space<hbm>>
    %dma_wait3A_2910 = arith.constant 0 : i32
    %dma_wait3A_2911 = arith.constant 0 : i32
    %dma_wait3A_2912 = tpu.memref_slice %arg3[%dma_wait3A_2902, %dma_wait3A_2910, %dma_wait3A_2911] : memref<12x2048x2048xf32, #tpu.memory_space<hbm>> -> memref<1x8x2048xf32, #tpu.memory_space<hbm>>
    %dma_wait3A_2913 = tpu.memref_squeeze %dma_wait3A_2912 : memref<1x8x2048xf32, #tpu.memory_space<hbm>> -> memref<8x2048xf32, #tpu.memory_space<hbm>>
    %dma_wait3A_2914 = arith.constant 0 : i32
    %dma_wait3A_2915 = arith.constant 0 : i32
    %dma_wait3A_2916 = tpu.memref_slice %arg5[%dma_wait3A_2914, %dma_wait3A_2915] : memref<8x3968xf32, #tpu.memory_space<vmem>> -> memref<8x2048xf32, #tpu.memory_space<vmem>>
    tpu.wait_dma2 semaphore(%arg8 : memref<!tpu.dma_semaphore, #tpu.memory_space<semaphore_mem>>) src(%dma_wait3A_2916 : memref<8x2048xf32, #tpu.memory_space<vmem>>) dst(%dma_wait3A_2913 : memref<8x2048xf32, #tpu.memory_space<hbm>>)
    %dma_wait3A_2917 = arith.constant 0 : i32
    %dma_wait3A_2918 = arith.constant 0 : i32
    %dma_wait3A_2919 = arith.constant 0 : i32
    %dma_wait3A_2920 = tpu.memref_slice %arg5[%dma_wait3A_2918, %dma_wait3A_2919] : memref<8x3968xf32, #tpu.memory_space<vmem>> -> memref<8x2048xf32, #tpu.memory_space<vmem>>
    %dma_wait3A_2921 = arith.constant 0 : i32
    %dma_wait3A_2922 = arith.constant 0 : i32
    %dma_wait3A_2923 = tpu.memref_slice %arg3[%dma_wait3A_2917, %dma_wait3A_2921, %dma_wait3A_2922] : memref<12x2048x2048xf32, #tpu.memory_space<hbm>> -> memref<1x8x2048xf32, #tpu.memory_space<hbm>>
    %dma_wait3A_2924 = tpu.memref_squeeze %dma_wait3A_2923 : memref<1x8x2048xf32, #tpu.memory_space<hbm>> -> memref<8x2048xf32, #tpu.memory_space<hbm>>
    %dma_wait3A_2925 = arith.constant 0 : i32
    %dma_wait3A_2926 = arith.constant 0 : i32
    %dma_wait3A_2927 = tpu.memref_slice %arg3[%dma_wait3A_2917, %dma_wait3A_2925, %dma_wait3A_2926] : memref<12x2048x2048xf32, #tpu.memory_space<hbm>> -> memref<1x8x2048xf32, #tpu.memory_space<hbm>>
    %dma_wait3A_2928 = tpu.memref_squeeze %dma_wait3A_2927 : memref<1x8x2048xf32, #tpu.memory_space<hbm>> -> memref<8x2048xf32, #tpu.memory_space<hbm>>
    %dma_wait3A_2929 = arith.constant 0 : i32
    %dma_wait3A_2930 = arith.constant 0 : i32
    %dma_wait3A_2931 = tpu.memref_slice %arg5[%dma_wait3A_2929, %dma_wait3A_2930] : memref<8x3968xf32, #tpu.memory_space<vmem>> -> memref<8x2048xf32, #tpu.memory_space<vmem>>
    tpu.wait_dma2 semaphore(%arg8 : memref<!tpu.dma_semaphore, #tpu.memory_space<semaphore_mem>>) src(%dma_wait3A_2931 : memref<8x2048xf32, #tpu.memory_space<vmem>>) dst(%dma_wait3A_2928 : memref<8x2048xf32, #tpu.memory_space<hbm>>)
    %dma_wait3A_2932 = arith.constant 0 : i32
    %dma_wait3A_2933 = arith.constant 0 : i32
    %dma_wait3A_2934 = arith.constant 0 : i32
    %dma_wait3A_2935 = tpu.memref_slice %arg5[%dma_wait3A_2933, %dma_wait3A_2934] : memref<8x3968xf32, #tpu.memory_space<vmem>> -> memref<8x2048xf32, #tpu.memory_space<vmem>>
    %dma_wait3A_2936 = arith.constant 0 : i32
    %dma_wait3A_2937 = arith.constant 0 : i32
    %dma_wait3A_2938 = tpu.memref_slice %arg3[%dma_wait3A_2932, %dma_wait3A_2936, %dma_wait3A_2937] : memref<12x2048x2048xf32, #tpu.memory_space<hbm>> -> memref<1x8x2048xf32, #tpu.memory_space<hbm>>
    %dma_wait3A_2939 = tpu.memref_squeeze %dma_wait3A_2938 : memref<1x8x2048xf32, #tpu.memory_space<hbm>> -> memref<8x2048xf32, #tpu.memory_space<hbm>>
    %dma_wait3A_2940 = arith.constant 0 : i32
    %dma_wait3A_2941 = arith.constant 0 : i32
    %dma_wait3A_2942 = tpu.memref_slice %arg3[%dma_wait3A_2932, %dma_wait3A_2940, %dma_wait3A_2941] : memref<12x2048x2048xf32, #tpu.memory_space<hbm>> -> memref<1x8x2048xf32, #tpu.memory_space<hbm>>
    %dma_wait3A_2943 = tpu.memref_squeeze %dma_wait3A_2942 : memref<1x8x2048xf32, #tpu.memory_space<hbm>> -> memref<8x2048xf32, #tpu.memory_space<hbm>>
    %dma_wait3A_2944 = arith.constant 0 : i32
    %dma_wait3A_2945 = arith.constant 0 : i32
    %dma_wait3A_2946 = tpu.memref_slice %arg5[%dma_wait3A_2944, %dma_wait3A_2945] : memref<8x3968xf32, #tpu.memory_space<vmem>> -> memref<8x2048xf32, #tpu.memory_space<vmem>>
    tpu.wait_dma2 semaphore(%arg8 : memref<!tpu.dma_semaphore, #tpu.memory_space<semaphore_mem>>) src(%dma_wait3A_2946 : memref<8x2048xf32, #tpu.memory_space<vmem>>) dst(%dma_wait3A_2943 : memref<8x2048xf32, #tpu.memory_space<hbm>>)
    %dma_wait3A_2947 = arith.constant 0 : i32
    %dma_wait3A_2948 = arith.constant 0 : i32
    %dma_wait3A_2949 = arith.constant 0 : i32
    %dma_wait3A_2950 = tpu.memref_slice %arg5[%dma_wait3A_2948, %dma_wait3A_2949] : memref<8x3968xf32, #tpu.memory_space<vmem>> -> memref<8x2048xf32, #tpu.memory_space<vmem>>
    %dma_wait3A_2951 = arith.constant 0 : i32
    %dma_wait3A_2952 = arith.constant 0 : i32
    %dma_wait3A_2953 = tpu.memref_slice %arg3[%dma_wait3A_2947, %dma_wait3A_2951, %dma_wait3A_2952] : memref<12x2048x2048xf32, #tpu.memory_space<hbm>> -> memref<1x8x2048xf32, #tpu.memory_space<hbm>>
    %dma_wait3A_2954 = tpu.memref_squeeze %dma_wait3A_2953 : memref<1x8x2048xf32, #tpu.memory_space<hbm>> -> memref<8x2048xf32, #tpu.memory_space<hbm>>
    %dma_wait3A_2955 = arith.constant 0 : i32
    %dma_wait3A_2956 = arith.constant 0 : i32
    %dma_wait3A_2957 = tpu.memref_slice %arg3[%dma_wait3A_2947, %dma_wait3A_2955, %dma_wait3A_2956] : memref<12x2048x2048xf32, #tpu.memory_space<hbm>> -> memref<1x8x2048xf32, #tpu.memory_space<hbm>>
    %dma_wait3A_2958 = tpu.memref_squeeze %dma_wait3A_2957 : memref<1x8x2048xf32, #tpu.memory_space<hbm>> -> memref<8x2048xf32, #tpu.memory_space<hbm>>
    %dma_wait3A_2959 = arith.constant 0 : i32
    %dma_wait3A_2960 = arith.constant 0 : i32
    %dma_wait3A_2961 = tpu.memref_slice %arg5[%dma_wait3A_2959, %dma_wait3A_2960] : memref<8x3968xf32, #tpu.memory_space<vmem>> -> memref<8x2048xf32, #tpu.memory_space<vmem>>
    tpu.wait_dma2 semaphore(%arg8 : memref<!tpu.dma_semaphore, #tpu.memory_space<semaphore_mem>>) src(%dma_wait3A_2961 : memref<8x2048xf32, #tpu.memory_space<vmem>>) dst(%dma_wait3A_2958 : memref<8x2048xf32, #tpu.memory_space<hbm>>)
    %dma_wait3A_2962 = arith.constant 0 : i32
    %dma_wait3A_2963 = arith.constant 0 : i32
    %dma_wait3A_2964 = arith.constant 0 : i32
    %dma_wait3A_2965 = tpu.memref_slice %arg5[%dma_wait3A_2963, %dma_wait3A_2964] : memref<8x3968xf32, #tpu.memory_space<vmem>> -> memref<8x2048xf32, #tpu.memory_space<vmem>>
    %dma_wait3A_2966 = arith.constant 0 : i32
    %dma_wait3A_2967 = arith.constant 0 : i32
    %dma_wait3A_2968 = tpu.memref_slice %arg3[%dma_wait3A_2962, %dma_wait3A_2966, %dma_wait3A_2967] : memref<12x2048x2048xf32, #tpu.memory_space<hbm>> -> memref<1x8x2048xf32, #tpu.memory_space<hbm>>
    %dma_wait3A_2969 = tpu.memref_squeeze %dma_wait3A_2968 : memref<1x8x2048xf32, #tpu.memory_space<hbm>> -> memref<8x2048xf32, #tpu.memory_space<hbm>>
    %dma_wait3A_2970 = arith.constant 0 : i32
    %dma_wait3A_2971 = arith.constant 0 : i32
    %dma_wait3A_2972 = tpu.memref_slice %arg3[%dma_wait3A_2962, %dma_wait3A_2970, %dma_wait3A_2971] : memref<12x2048x2048xf32, #tpu.memory_space<hbm>> -> memref<1x8x2048xf32, #tpu.memory_space<hbm>>
    %dma_wait3A_2973 = tpu.memref_squeeze %dma_wait3A_2972 : memref<1x8x2048xf32, #tpu.memory_space<hbm>> -> memref<8x2048xf32, #tpu.memory_space<hbm>>
    %dma_wait3A_2974 = arith.constant 0 : i32
    %dma_wait3A_2975 = arith.constant 0 : i32
    %dma_wait3A_2976 = tpu.memref_slice %arg5[%dma_wait3A_2974, %dma_wait3A_2975] : memref<8x3968xf32, #tpu.memory_space<vmem>> -> memref<8x2048xf32, #tpu.memory_space<vmem>>
    tpu.wait_dma2 semaphore(%arg8 : memref<!tpu.dma_semaphore, #tpu.memory_space<semaphore_mem>>) src(%dma_wait3A_2976 : memref<8x2048xf32, #tpu.memory_space<vmem>>) dst(%dma_wait3A_2973 : memref<8x2048xf32, #tpu.memory_space<hbm>>)
    %dma_wait3A_2977 = arith.constant 0 : i32
    %dma_wait3A_2978 = arith.constant 0 : i32
    %dma_wait3A_2979 = arith.constant 0 : i32
    %dma_wait3A_2980 = tpu.memref_slice %arg5[%dma_wait3A_2978, %dma_wait3A_2979] : memref<8x3968xf32, #tpu.memory_space<vmem>> -> memref<8x2048xf32, #tpu.memory_space<vmem>>
    %dma_wait3A_2981 = arith.constant 0 : i32
    %dma_wait3A_2982 = arith.constant 0 : i32
    %dma_wait3A_2983 = tpu.memref_slice %arg3[%dma_wait3A_2977, %dma_wait3A_2981, %dma_wait3A_2982] : memref<12x2048x2048xf32, #tpu.memory_space<hbm>> -> memref<1x8x2048xf32, #tpu.memory_space<hbm>>
    %dma_wait3A_2984 = tpu.memref_squeeze %dma_wait3A_2983 : memref<1x8x2048xf32, #tpu.memory_space<hbm>> -> memref<8x2048xf32, #tpu.memory_space<hbm>>
    %dma_wait3A_2985 = arith.constant 0 : i32
    %dma_wait3A_2986 = arith.constant 0 : i32
    %dma_wait3A_2987 = tpu.memref_slice %arg3[%dma_wait3A_2977, %dma_wait3A_2985, %dma_wait3A_2986] : memref<12x2048x2048xf32, #tpu.memory_space<hbm>> -> memref<1x8x2048xf32, #tpu.memory_space<hbm>>
    %dma_wait3A_2988 = tpu.memref_squeeze %dma_wait3A_2987 : memref<1x8x2048xf32, #tpu.memory_space<hbm>> -> memref<8x2048xf32, #tpu.memory_space<hbm>>
    %dma_wait3A_2989 = arith.constant 0 : i32
    %dma_wait3A_2990 = arith.constant 0 : i32
    %dma_wait3A_2991 = tpu.memref_slice %arg5[%dma_wait3A_2989, %dma_wait3A_2990] : memref<8x3968xf32, #tpu.memory_space<vmem>> -> memref<8x2048xf32, #tpu.memory_space<vmem>>
    tpu.wait_dma2 semaphore(%arg8 : memref<!tpu.dma_semaphore, #tpu.memory_space<semaphore_mem>>) src(%dma_wait3A_2991 : memref<8x2048xf32, #tpu.memory_space<vmem>>) dst(%dma_wait3A_2988 : memref<8x2048xf32, #tpu.memory_space<hbm>>)
    %dma_wait3A_2992 = arith.constant 0 : i32
    %dma_wait3A_2993 = arith.constant 0 : i32
    %dma_wait3A_2994 = arith.constant 0 : i32
    %dma_wait3A_2995 = tpu.memref_slice %arg5[%dma_wait3A_2993, %dma_wait3A_2994] : memref<8x3968xf32, #tpu.memory_space<vmem>> -> memref<8x2048xf32, #tpu.memory_space<vmem>>
    %dma_wait3A_2996 = arith.constant 0 : i32
    %dma_wait3A_2997 = arith.constant 0 : i32
    %dma_wait3A_2998 = tpu.memref_slice %arg3[%dma_wait3A_2992, %dma_wait3A_2996, %dma_wait3A_2997] : memref<12x2048x2048xf32, #tpu.memory_space<hbm>> -> memref<1x8x2048xf32, #tpu.memory_space<hbm>>
    %dma_wait3A_2999 = tpu.memref_squeeze %dma_wait3A_2998 : memref<1x8x2048xf32, #tpu.memory_space<hbm>> -> memref<8x2048xf32, #tpu.memory_space<hbm>>
    %dma_wait3A_3000 = arith.constant 0 : i32
    %dma_wait3A_3001 = arith.constant 0 : i32
    %dma_wait3A_3002 = tpu.memref_slice %arg3[%dma_wait3A_2992, %dma_wait3A_3000, %dma_wait3A_3001] : memref<12x2048x2048xf32, #tpu.memory_space<hbm>> -> memref<1x8x2048xf32, #tpu.memory_space<hbm>>
    %dma_wait3A_3003 = tpu.memref_squeeze %dma_wait3A_3002 : memref<1x8x2048xf32, #tpu.memory_space<hbm>> -> memref<8x2048xf32, #tpu.memory_space<hbm>>
    %dma_wait3A_3004 = arith.constant 0 : i32
    %dma_wait3A_3005 = arith.constant 0 : i32
    %dma_wait3A_3006 = tpu.memref_slice %arg5[%dma_wait3A_3004, %dma_wait3A_3005] : memref<8x3968xf32, #tpu.memory_space<vmem>> -> memref<8x2048xf32, #tpu.memory_space<vmem>>
    tpu.wait_dma2 semaphore(%arg8 : memref<!tpu.dma_semaphore, #tpu.memory_space<semaphore_mem>>) src(%dma_wait3A_3006 : memref<8x2048xf32, #tpu.memory_space<vmem>>) dst(%dma_wait3A_3003 : memref<8x2048xf32, #tpu.memory_space<hbm>>)
    %dma_wait3A_3007 = arith.constant 0 : i32
    %dma_wait3A_3008 = arith.constant 0 : i32
    %dma_wait3A_3009 = arith.constant 0 : i32
    %dma_wait3A_3010 = tpu.memref_slice %arg6[%dma_wait3A_3008, %dma_wait3A_3009] : memref<8x3968xf32, #tpu.memory_space<vmem>> -> memref<8x2048xf32, #tpu.memory_space<vmem>>
    %dma_wait3A_3011 = arith.constant 0 : i32
    %dma_wait3A_3012 = arith.constant 0 : i32
    %dma_wait3A_3013 = tpu.memref_slice %arg3[%dma_wait3A_3007, %dma_wait3A_3011, %dma_wait3A_3012] : memref<12x2048x2048xf32, #tpu.memory_space<hbm>> -> memref<1x8x2048xf32, #tpu.memory_space<hbm>>
    %dma_wait3A_3014 = tpu.memref_squeeze %dma_wait3A_3013 : memref<1x8x2048xf32, #tpu.memory_space<hbm>> -> memref<8x2048xf32, #tpu.memory_space<hbm>>
    %dma_wait3A_3015 = arith.constant 0 : i32
    %dma_wait3A_3016 = arith.constant 0 : i32
    %dma_wait3A_3017 = tpu.memref_slice %arg3[%dma_wait3A_3007, %dma_wait3A_3015, %dma_wait3A_3016] : memref<12x2048x2048xf32, #tpu.memory_space<hbm>> -> memref<1x8x2048xf32, #tpu.memory_space<hbm>>
    %dma_wait3A_3018 = tpu.memref_squeeze %dma_wait3A_3017 : memref<1x8x2048xf32, #tpu.memory_space<hbm>> -> memref<8x2048xf32, #tpu.memory_space<hbm>>
    %dma_wait3A_3019 = arith.constant 0 : i32
    %dma_wait3A_3020 = arith.constant 0 : i32
    %dma_wait3A_3021 = tpu.memref_slice %arg6[%dma_wait3A_3019, %dma_wait3A_3020] : memref<8x3968xf32, #tpu.memory_space<vmem>> -> memref<8x2048xf32, #tpu.memory_space<vmem>>
    tpu.wait_dma2 semaphore(%arg9 : memref<!tpu.dma_semaphore, #tpu.memory_space<semaphore_mem>>) src(%dma_wait3A_3021 : memref<8x2048xf32, #tpu.memory_space<vmem>>) dst(%dma_wait3A_3018 : memref<8x2048xf32, #tpu.memory_space<hbm>>)
    %dma_wait3A_3022 = arith.constant 0 : i32
    %dma_wait3A_3023 = arith.constant 0 : i32
    %dma_wait3A_3024 = arith.constant 0 : i32
    %dma_wait3A_3025 = tpu.memref_slice %arg6[%dma_wait3A_3023, %dma_wait3A_3024] : memref<8x3968xf32, #tpu.memory_space<vmem>> -> memref<8x2048xf32, #tpu.memory_space<vmem>>
    %dma_wait3A_3026 = arith.constant 0 : i32
    %dma_wait3A_3027 = arith.constant 0 : i32
    %dma_wait3A_3028 = tpu.memref_slice %arg3[%dma_wait3A_3022, %dma_wait3A_3026, %dma_wait3A_3027] : memref<12x2048x2048xf32, #tpu.memory_space<hbm>> -> memref<1x8x2048xf32, #tpu.memory_space<hbm>>
    %dma_wait3A_3029 = tpu.memref_squeeze %dma_wait3A_3028 : memref<1x8x2048xf32, #tpu.memory_space<hbm>> -> memref<8x2048xf32, #tpu.memory_space<hbm>>
    %dma_wait3A_3030 = arith.constant 0 : i32
    %dma_wait3A_3031 = arith.constant 0 : i32
    %dma_wait3A_3032 = tpu.memref_slice %arg3[%dma_wait3A_3022, %dma_wait3A_3030, %dma_wait3A_3031] : memref<12x2048x2048xf32, #tpu.memory_space<hbm>> -> memref<1x8x2048xf32, #tpu.memory_space<hbm>>
    %dma_wait3A_3033 = tpu.memref_squeeze %dma_wait3A_3032 : memref<1x8x2048xf32, #tpu.memory_space<hbm>> -> memref<8x2048xf32, #tpu.memory_space<hbm>>
    %dma_wait3A_3034 = arith.constant 0 : i32
    %dma_wait3A_3035 = arith.constant 0 : i32
    %dma_wait3A_3036 = tpu.memref_slice %arg6[%dma_wait3A_3034, %dma_wait3A_3035] : memref<8x3968xf32, #tpu.memory_space<vmem>> -> memref<8x2048xf32, #tpu.memory_space<vmem>>
    tpu.wait_dma2 semaphore(%arg9 : memref<!tpu.dma_semaphore, #tpu.memory_space<semaphore_mem>>) src(%dma_wait3A_3036 : memref<8x2048xf32, #tpu.memory_space<vmem>>) dst(%dma_wait3A_3033 : memref<8x2048xf32, #tpu.memory_space<hbm>>)
    %dma_wait3A_3037 = arith.constant 0 : i32
    %dma_wait3A_3038 = arith.constant 0 : i32
    %dma_wait3A_3039 = arith.constant 0 : i32
    %dma_wait3A_3040 = tpu.memref_slice %arg6[%dma_wait3A_3038, %dma_wait3A_3039] : memref<8x3968xf32, #tpu.memory_space<vmem>> -> memref<8x2048xf32, #tpu.memory_space<vmem>>
    %dma_wait3A_3041 = arith.constant 0 : i32
    %dma_wait3A_3042 = arith.constant 0 : i32
    %dma_wait3A_3043 = tpu.memref_slice %arg3[%dma_wait3A_3037, %dma_wait3A_3041, %dma_wait3A_3042] : memref<12x2048x2048xf32, #tpu.memory_space<hbm>> -> memref<1x8x2048xf32, #tpu.memory_space<hbm>>
    %dma_wait3A_3044 = tpu.memref_squeeze %dma_wait3A_3043 : memref<1x8x2048xf32, #tpu.memory_space<hbm>> -> memref<8x2048xf32, #tpu.memory_space<hbm>>
    %dma_wait3A_3045 = arith.constant 0 : i32
    %dma_wait3A_3046 = arith.constant 0 : i32
    %dma_wait3A_3047 = tpu.memref_slice %arg3[%dma_wait3A_3037, %dma_wait3A_3045, %dma_wait3A_3046] : memref<12x2048x2048xf32, #tpu.memory_space<hbm>> -> memref<1x8x2048xf32, #tpu.memory_space<hbm>>
    %dma_wait3A_3048 = tpu.memref_squeeze %dma_wait3A_3047 : memref<1x8x2048xf32, #tpu.memory_space<hbm>> -> memref<8x2048xf32, #tpu.memory_space<hbm>>
    %dma_wait3A_3049 = arith.constant 0 : i32
    %dma_wait3A_3050 = arith.constant 0 : i32
    %dma_wait3A_3051 = tpu.memref_slice %arg6[%dma_wait3A_3049, %dma_wait3A_3050] : memref<8x3968xf32, #tpu.memory_space<vmem>> -> memref<8x2048xf32, #tpu.memory_space<vmem>>
    tpu.wait_dma2 semaphore(%arg9 : memref<!tpu.dma_semaphore, #tpu.memory_space<semaphore_mem>>) src(%dma_wait3A_3051 : memref<8x2048xf32, #tpu.memory_space<vmem>>) dst(%dma_wait3A_3048 : memref<8x2048xf32, #tpu.memory_space<hbm>>)
    %dma_wait3A_3052 = arith.constant 0 : i32
    %dma_wait3A_3053 = arith.constant 0 : i32
    %dma_wait3A_3054 = arith.constant 0 : i32
    %dma_wait3A_3055 = tpu.memref_slice %arg6[%dma_wait3A_3053, %dma_wait3A_3054] : memref<8x3968xf32, #tpu.memory_space<vmem>> -> memref<8x2048xf32, #tpu.memory_space<vmem>>
    %dma_wait3A_3056 = arith.constant 0 : i32
    %dma_wait3A_3057 = arith.constant 0 : i32
    %dma_wait3A_3058 = tpu.memref_slice %arg3[%dma_wait3A_3052, %dma_wait3A_3056, %dma_wait3A_3057] : memref<12x2048x2048xf32, #tpu.memory_space<hbm>> -> memref<1x8x2048xf32, #tpu.memory_space<hbm>>
    %dma_wait3A_3059 = tpu.memref_squeeze %dma_wait3A_3058 : memref<1x8x2048xf32, #tpu.memory_space<hbm>> -> memref<8x2048xf32, #tpu.memory_space<hbm>>
    %dma_wait3A_3060 = arith.constant 0 : i32
    %dma_wait3A_3061 = arith.constant 0 : i32
    %dma_wait3A_3062 = tpu.memref_slice %arg3[%dma_wait3A_3052, %dma_wait3A_3060, %dma_wait3A_3061] : memref<12x2048x2048xf32, #tpu.memory_space<hbm>> -> memref<1x8x2048xf32, #tpu.memory_space<hbm>>
    %dma_wait3A_3063 = tpu.memref_squeeze %dma_wait3A_3062 : memref<1x8x2048xf32, #tpu.memory_space<hbm>> -> memref<8x2048xf32, #tpu.memory_space<hbm>>
    %dma_wait3A_3064 = arith.constant 0 : i32
    %dma_wait3A_3065 = arith.constant 0 : i32
    %dma_wait3A_3066 = tpu.memref_slice %arg6[%dma_wait3A_3064, %dma_wait3A_3065] : memref<8x3968xf32, #tpu.memory_space<vmem>> -> memref<8x2048xf32, #tpu.memory_space<vmem>>
    tpu.wait_dma2 semaphore(%arg9 : memref<!tpu.dma_semaphore, #tpu.memory_space<semaphore_mem>>) src(%dma_wait3A_3066 : memref<8x2048xf32, #tpu.memory_space<vmem>>) dst(%dma_wait3A_3063 : memref<8x2048xf32, #tpu.memory_space<hbm>>)
    %dma_wait3A_3067 = arith.constant 0 : i32
    %dma_wait3A_3068 = arith.constant 0 : i32
    %dma_wait3A_3069 = arith.constant 0 : i32
    %dma_wait3A_3070 = tpu.memref_slice %arg6[%dma_wait3A_3068, %dma_wait3A_3069] : memref<8x3968xf32, #tpu.memory_space<vmem>> -> memref<8x2048xf32, #tpu.memory_space<vmem>>
    %dma_wait3A_3071 = arith.constant 0 : i32
    %dma_wait3A_3072 = arith.constant 0 : i32
    %dma_wait3A_3073 = tpu.memref_slice %arg3[%dma_wait3A_3067, %dma_wait3A_3071, %dma_wait3A_3072] : memref<12x2048x2048xf32, #tpu.memory_space<hbm>> -> memref<1x8x2048xf32, #tpu.memory_space<hbm>>
    %dma_wait3A_3074 = tpu.memref_squeeze %dma_wait3A_3073 : memref<1x8x2048xf32, #tpu.memory_space<hbm>> -> memref<8x2048xf32, #tpu.memory_space<hbm>>
    %dma_wait3A_3075 = arith.constant 0 : i32
    %dma_wait3A_3076 = arith.constant 0 : i32
    %dma_wait3A_3077 = tpu.memref_slice %arg3[%dma_wait3A_3067, %dma_wait3A_3075, %dma_wait3A_3076] : memref<12x2048x2048xf32, #tpu.memory_space<hbm>> -> memref<1x8x2048xf32, #tpu.memory_space<hbm>>
    %dma_wait3A_3078 = tpu.memref_squeeze %dma_wait3A_3077 : memref<1x8x2048xf32, #tpu.memory_space<hbm>> -> memref<8x2048xf32, #tpu.memory_space<hbm>>
    %dma_wait3A_3079 = arith.constant 0 : i32
    %dma_wait3A_3080 = arith.constant 0 : i32
    %dma_wait3A_3081 = tpu.memref_slice %arg6[%dma_wait3A_3079, %dma_wait3A_3080] : memref<8x3968xf32, #tpu.memory_space<vmem>> -> memref<8x2048xf32, #tpu.memory_space<vmem>>
    tpu.wait_dma2 semaphore(%arg9 : memref<!tpu.dma_semaphore, #tpu.memory_space<semaphore_mem>>) src(%dma_wait3A_3081 : memref<8x2048xf32, #tpu.memory_space<vmem>>) dst(%dma_wait3A_3078 : memref<8x2048xf32, #tpu.memory_space<hbm>>)
    %dma_wait3A_3082 = arith.constant 0 : i32
    %dma_wait3A_3083 = arith.constant 0 : i32
    %dma_wait3A_3084 = arith.constant 0 : i32
    %dma_wait3A_3085 = tpu.memref_slice %arg6[%dma_wait3A_3083, %dma_wait3A_3084] : memref<8x3968xf32, #tpu.memory_space<vmem>> -> memref<8x2048xf32, #tpu.memory_space<vmem>>
    %dma_wait3A_3086 = arith.constant 0 : i32
    %dma_wait3A_3087 = arith.constant 0 : i32
    %dma_wait3A_3088 = tpu.memref_slice %arg3[%dma_wait3A_3082, %dma_wait3A_3086, %dma_wait3A_3087] : memref<12x2048x2048xf32, #tpu.memory_space<hbm>> -> memref<1x8x2048xf32, #tpu.memory_space<hbm>>
    %dma_wait3A_3089 = tpu.memref_squeeze %dma_wait3A_3088 : memref<1x8x2048xf32, #tpu.memory_space<hbm>> -> memref<8x2048xf32, #tpu.memory_space<hbm>>
    %dma_wait3A_3090 = arith.constant 0 : i32
    %dma_wait3A_3091 = arith.constant 0 : i32
    %dma_wait3A_3092 = tpu.memref_slice %arg3[%dma_wait3A_3082, %dma_wait3A_3090, %dma_wait3A_3091] : memref<12x2048x2048xf32, #tpu.memory_space<hbm>> -> memref<1x8x2048xf32, #tpu.memory_space<hbm>>
    %dma_wait3A_3093 = tpu.memref_squeeze %dma_wait3A_3092 : memref<1x8x2048xf32, #tpu.memory_space<hbm>> -> memref<8x2048xf32, #tpu.memory_space<hbm>>
    %dma_wait3A_3094 = arith.constant 0 : i32
    %dma_wait3A_3095 = arith.constant 0 : i32
    %dma_wait3A_3096 = tpu.memref_slice %arg6[%dma_wait3A_3094, %dma_wait3A_3095] : memref<8x3968xf32, #tpu.memory_space<vmem>> -> memref<8x2048xf32, #tpu.memory_space<vmem>>
    tpu.wait_dma2 semaphore(%arg9 : memref<!tpu.dma_semaphore, #tpu.memory_space<semaphore_mem>>) src(%dma_wait3A_3096 : memref<8x2048xf32, #tpu.memory_space<vmem>>) dst(%dma_wait3A_3093 : memref<8x2048xf32, #tpu.memory_space<hbm>>)
    %dma_wait3A_3097 = arith.constant 0 : i32
    %dma_wait3A_3098 = arith.constant 0 : i32
    %dma_wait3A_3099 = arith.constant 0 : i32
    %dma_wait3A_3100 = tpu.memref_slice %arg6[%dma_wait3A_3098, %dma_wait3A_3099] : memref<8x3968xf32, #tpu.memory_space<vmem>> -> memref<8x2048xf32, #tpu.memory_space<vmem>>
    %dma_wait3A_3101 = arith.constant 0 : i32
    %dma_wait3A_3102 = arith.constant 0 : i32
    %dma_wait3A_3103 = tpu.memref_slice %arg3[%dma_wait3A_3097, %dma_wait3A_3101, %dma_wait3A_3102] : memref<12x2048x2048xf32, #tpu.memory_space<hbm>> -> memref<1x8x2048xf32, #tpu.memory_space<hbm>>
    %dma_wait3A_3104 = tpu.memref_squeeze %dma_wait3A_3103 : memref<1x8x2048xf32, #tpu.memory_space<hbm>> -> memref<8x2048xf32, #tpu.memory_space<hbm>>
    %dma_wait3A_3105 = arith.constant 0 : i32
    %dma_wait3A_3106 = arith.constant 0 : i32
    %dma_wait3A_3107 = tpu.memref_slice %arg3[%dma_wait3A_3097, %dma_wait3A_3105, %dma_wait3A_3106] : memref<12x2048x2048xf32, #tpu.memory_space<hbm>> -> memref<1x8x2048xf32, #tpu.memory_space<hbm>>
    %dma_wait3A_3108 = tpu.memref_squeeze %dma_wait3A_3107 : memref<1x8x2048xf32, #tpu.memory_space<hbm>> -> memref<8x2048xf32, #tpu.memory_space<hbm>>
    %dma_wait3A_3109 = arith.constant 0 : i32
    %dma_wait3A_3110 = arith.constant 0 : i32
    %dma_wait3A_3111 = tpu.memref_slice %arg6[%dma_wait3A_3109, %dma_wait3A_3110] : memref<8x3968xf32, #tpu.memory_space<vmem>> -> memref<8x2048xf32, #tpu.memory_space<vmem>>
    tpu.wait_dma2 semaphore(%arg9 : memref<!tpu.dma_semaphore, #tpu.memory_space<semaphore_mem>>) src(%dma_wait3A_3111 : memref<8x2048xf32, #tpu.memory_space<vmem>>) dst(%dma_wait3A_3108 : memref<8x2048xf32, #tpu.memory_space<hbm>>)
    %dma_wait3A_3112 = arith.constant 0 : i32
    %dma_wait3A_3113 = arith.constant 0 : i32
    %dma_wait3A_3114 = arith.constant 0 : i32
    %dma_wait3A_3115 = tpu.memref_slice %arg6[%dma_wait3A_3113, %dma_wait3A_3114] : memref<8x3968xf32, #tpu.memory_space<vmem>> -> memref<8x2048xf32, #tpu.memory_space<vmem>>
    %dma_wait3A_3116 = arith.constant 0 : i32
    %dma_wait3A_3117 = arith.constant 0 : i32
    %dma_wait3A_3118 = tpu.memref_slice %arg3[%dma_wait3A_3112, %dma_wait3A_3116, %dma_wait3A_3117] : memref<12x2048x2048xf32, #tpu.memory_space<hbm>> -> memref<1x8x2048xf32, #tpu.memory_space<hbm>>
    %dma_wait3A_3119 = tpu.memref_squeeze %dma_wait3A_3118 : memref<1x8x2048xf32, #tpu.memory_space<hbm>> -> memref<8x2048xf32, #tpu.memory_space<hbm>>
    %dma_wait3A_3120 = arith.constant 0 : i32
    %dma_wait3A_3121 = arith.constant 0 : i32
    %dma_wait3A_3122 = tpu.memref_slice %arg3[%dma_wait3A_3112, %dma_wait3A_3120, %dma_wait3A_3121] : memref<12x2048x2048xf32, #tpu.memory_space<hbm>> -> memref<1x8x2048xf32, #tpu.memory_space<hbm>>
    %dma_wait3A_3123 = tpu.memref_squeeze %dma_wait3A_3122 : memref<1x8x2048xf32, #tpu.memory_space<hbm>> -> memref<8x2048xf32, #tpu.memory_space<hbm>>
    %dma_wait3A_3124 = arith.constant 0 : i32
    %dma_wait3A_3125 = arith.constant 0 : i32
    %dma_wait3A_3126 = tpu.memref_slice %arg6[%dma_wait3A_3124, %dma_wait3A_3125] : memref<8x3968xf32, #tpu.memory_space<vmem>> -> memref<8x2048xf32, #tpu.memory_space<vmem>>
    tpu.wait_dma2 semaphore(%arg9 : memref<!tpu.dma_semaphore, #tpu.memory_space<semaphore_mem>>) src(%dma_wait3A_3126 : memref<8x2048xf32, #tpu.memory_space<vmem>>) dst(%dma_wait3A_3123 : memref<8x2048xf32, #tpu.memory_space<hbm>>)
    %dma_wait3A_3127 = arith.constant 0 : i32
    %dma_wait3A_3128 = arith.constant 0 : i32
    %dma_wait3A_3129 = arith.constant 0 : i32
    %dma_wait3A_3130 = tpu.memref_slice %arg6[%dma_wait3A_3128, %dma_wait3A_3129] : memref<8x3968xf32, #tpu.memory_space<vmem>> -> memref<8x2048xf32, #tpu.memory_space<vmem>>
    %dma_wait3A_3131 = arith.constant 0 : i32
    %dma_wait3A_3132 = arith.constant 0 : i32
    %dma_wait3A_3133 = tpu.memref_slice %arg3[%dma_wait3A_3127, %dma_wait3A_3131, %dma_wait3A_3132] : memref<12x2048x2048xf32, #tpu.memory_space<hbm>> -> memref<1x8x2048xf32, #tpu.memory_space<hbm>>
    %dma_wait3A_3134 = tpu.memref_squeeze %dma_wait3A_3133 : memref<1x8x2048xf32, #tpu.memory_space<hbm>> -> memref<8x2048xf32, #tpu.memory_space<hbm>>
    %dma_wait3A_3135 = arith.constant 0 : i32
    %dma_wait3A_3136 = arith.constant 0 : i32
    %dma_wait3A_3137 = tpu.memref_slice %arg3[%dma_wait3A_3127, %dma_wait3A_3135, %dma_wait3A_3136] : memref<12x2048x2048xf32, #tpu.memory_space<hbm>> -> memref<1x8x2048xf32, #tpu.memory_space<hbm>>
    %dma_wait3A_3138 = tpu.memref_squeeze %dma_wait3A_3137 : memref<1x8x2048xf32, #tpu.memory_space<hbm>> -> memref<8x2048xf32, #tpu.memory_space<hbm>>
    %dma_wait3A_3139 = arith.constant 0 : i32
    %dma_wait3A_3140 = arith.constant 0 : i32
    %dma_wait3A_3141 = tpu.memref_slice %arg6[%dma_wait3A_3139, %dma_wait3A_3140] : memref<8x3968xf32, #tpu.memory_space<vmem>> -> memref<8x2048xf32, #tpu.memory_space<vmem>>
    tpu.wait_dma2 semaphore(%arg9 : memref<!tpu.dma_semaphore, #tpu.memory_space<semaphore_mem>>) src(%dma_wait3A_3141 : memref<8x2048xf32, #tpu.memory_space<vmem>>) dst(%dma_wait3A_3138 : memref<8x2048xf32, #tpu.memory_space<hbm>>)
    %dma_wait3A_3142 = arith.constant 0 : i32
    %dma_wait3A_3143 = arith.constant 0 : i32
    %dma_wait3A_3144 = arith.constant 0 : i32
    %dma_wait3A_3145 = tpu.memref_slice %arg6[%dma_wait3A_3143, %dma_wait3A_3144] : memref<8x3968xf32, #tpu.memory_space<vmem>> -> memref<8x2048xf32, #tpu.memory_space<vmem>>
    %dma_wait3A_3146 = arith.constant 0 : i32
    %dma_wait3A_3147 = arith.constant 0 : i32
    %dma_wait3A_3148 = tpu.memref_slice %arg3[%dma_wait3A_3142, %dma_wait3A_3146, %dma_wait3A_3147] : memref<12x2048x2048xf32, #tpu.memory_space<hbm>> -> memref<1x8x2048xf32, #tpu.memory_space<hbm>>
    %dma_wait3A_3149 = tpu.memref_squeeze %dma_wait3A_3148 : memref<1x8x2048xf32, #tpu.memory_space<hbm>> -> memref<8x2048xf32, #tpu.memory_space<hbm>>
    %dma_wait3A_3150 = arith.constant 0 : i32
    %dma_wait3A_3151 = arith.constant 0 : i32
    %dma_wait3A_3152 = tpu.memref_slice %arg3[%dma_wait3A_3142, %dma_wait3A_3150, %dma_wait3A_3151] : memref<12x2048x2048xf32, #tpu.memory_space<hbm>> -> memref<1x8x2048xf32, #tpu.memory_space<hbm>>
    %dma_wait3A_3153 = tpu.memref_squeeze %dma_wait3A_3152 : memref<1x8x2048xf32, #tpu.memory_space<hbm>> -> memref<8x2048xf32, #tpu.memory_space<hbm>>
    %dma_wait3A_3154 = arith.constant 0 : i32
    %dma_wait3A_3155 = arith.constant 0 : i32
    %dma_wait3A_3156 = tpu.memref_slice %arg6[%dma_wait3A_3154, %dma_wait3A_3155] : memref<8x3968xf32, #tpu.memory_space<vmem>> -> memref<8x2048xf32, #tpu.memory_space<vmem>>
    tpu.wait_dma2 semaphore(%arg9 : memref<!tpu.dma_semaphore, #tpu.memory_space<semaphore_mem>>) src(%dma_wait3A_3156 : memref<8x2048xf32, #tpu.memory_space<vmem>>) dst(%dma_wait3A_3153 : memref<8x2048xf32, #tpu.memory_space<hbm>>)
    %dma_wait3A_3157 = arith.constant 0 : i32
    %dma_wait3A_3158 = arith.constant 0 : i32
    %dma_wait3A_3159 = arith.constant 0 : i32
    %dma_wait3A_3160 = tpu.memref_slice %arg6[%dma_wait3A_3158, %dma_wait3A_3159] : memref<8x3968xf32, #tpu.memory_space<vmem>> -> memref<8x2048xf32, #tpu.memory_space<vmem>>
    %dma_wait3A_3161 = arith.constant 0 : i32
    %dma_wait3A_3162 = arith.constant 0 : i32
    %dma_wait3A_3163 = tpu.memref_slice %arg3[%dma_wait3A_3157, %dma_wait3A_3161, %dma_wait3A_3162] : memref<12x2048x2048xf32, #tpu.memory_space<hbm>> -> memref<1x8x2048xf32, #tpu.memory_space<hbm>>
    %dma_wait3A_3164 = tpu.memref_squeeze %dma_wait3A_3163 : memref<1x8x2048xf32, #tpu.memory_space<hbm>> -> memref<8x2048xf32, #tpu.memory_space<hbm>>
    %dma_wait3A_3165 = arith.constant 0 : i32
    %dma_wait3A_3166 = arith.constant 0 : i32
    %dma_wait3A_3167 = tpu.memref_slice %arg3[%dma_wait3A_3157, %dma_wait3A_3165, %dma_wait3A_3166] : memref<12x2048x2048xf32, #tpu.memory_space<hbm>> -> memref<1x8x2048xf32, #tpu.memory_space<hbm>>
    %dma_wait3A_3168 = tpu.memref_squeeze %dma_wait3A_3167 : memref<1x8x2048xf32, #tpu.memory_space<hbm>> -> memref<8x2048xf32, #tpu.memory_space<hbm>>
    %dma_wait3A_3169 = arith.constant 0 : i32
    %dma_wait3A_3170 = arith.constant 0 : i32
    %dma_wait3A_3171 = tpu.memref_slice %arg6[%dma_wait3A_3169, %dma_wait3A_3170] : memref<8x3968xf32, #tpu.memory_space<vmem>> -> memref<8x2048xf32, #tpu.memory_space<vmem>>
    tpu.wait_dma2 semaphore(%arg9 : memref<!tpu.dma_semaphore, #tpu.memory_space<semaphore_mem>>) src(%dma_wait3A_3171 : memref<8x2048xf32, #tpu.memory_space<vmem>>) dst(%dma_wait3A_3168 : memref<8x2048xf32, #tpu.memory_space<hbm>>)
    %dma_wait3A_3172 = arith.constant 0 : i32
    %dma_wait3A_3173 = arith.constant 0 : i32
    %dma_wait3A_3174 = arith.constant 0 : i32
    %dma_wait3A_3175 = tpu.memref_slice %arg6[%dma_wait3A_3173, %dma_wait3A_3174] : memref<8x3968xf32, #tpu.memory_space<vmem>> -> memref<8x2048xf32, #tpu.memory_space<vmem>>
    %dma_wait3A_3176 = arith.constant 0 : i32
    %dma_wait3A_3177 = arith.constant 0 : i32
    %dma_wait3A_3178 = tpu.memref_slice %arg3[%dma_wait3A_3172, %dma_wait3A_3176, %dma_wait3A_3177] : memref<12x2048x2048xf32, #tpu.memory_space<hbm>> -> memref<1x8x2048xf32, #tpu.memory_space<hbm>>
    %dma_wait3A_3179 = tpu.memref_squeeze %dma_wait3A_3178 : memref<1x8x2048xf32, #tpu.memory_space<hbm>> -> memref<8x2048xf32, #tpu.memory_space<hbm>>
    %dma_wait3A_3180 = arith.constant 0 : i32
    %dma_wait3A_3181 = arith.constant 0 : i32
    %dma_wait3A_3182 = tpu.memref_slice %arg3[%dma_wait3A_3172, %dma_wait3A_3180, %dma_wait3A_3181] : memref<12x2048x2048xf32, #tpu.memory_space<hbm>> -> memref<1x8x2048xf32, #tpu.memory_space<hbm>>
    %dma_wait3A_3183 = tpu.memref_squeeze %dma_wait3A_3182 : memref<1x8x2048xf32, #tpu.memory_space<hbm>> -> memref<8x2048xf32, #tpu.memory_space<hbm>>
    %dma_wait3A_3184 = arith.constant 0 : i32
    %dma_wait3A_3185 = arith.constant 0 : i32
    %dma_wait3A_3186 = tpu.memref_slice %arg6[%dma_wait3A_3184, %dma_wait3A_3185] : memref<8x3968xf32, #tpu.memory_space<vmem>> -> memref<8x2048xf32, #tpu.memory_space<vmem>>
    tpu.wait_dma2 semaphore(%arg9 : memref<!tpu.dma_semaphore, #tpu.memory_space<semaphore_mem>>) src(%dma_wait3A_3186 : memref<8x2048xf32, #tpu.memory_space<vmem>>) dst(%dma_wait3A_3183 : memref<8x2048xf32, #tpu.memory_space<hbm>>)
    %dma_wait3A_3187 = arith.constant 0 : i32
    %dma_wait3A_3188 = arith.constant 0 : i32
    %dma_wait3A_3189 = arith.constant 0 : i32
    %dma_wait3A_3190 = tpu.memref_slice %arg6[%dma_wait3A_3188, %dma_wait3A_3189] : memref<8x3968xf32, #tpu.memory_space<vmem>> -> memref<8x2048xf32, #tpu.memory_space<vmem>>
    %dma_wait3A_3191 = arith.constant 0 : i32
    %dma_wait3A_3192 = arith.constant 0 : i32
    %dma_wait3A_3193 = tpu.memref_slice %arg3[%dma_wait3A_3187, %dma_wait3A_3191, %dma_wait3A_3192] : memref<12x2048x2048xf32, #tpu.memory_space<hbm>> -> memref<1x8x2048xf32, #tpu.memory_space<hbm>>
    %dma_wait3A_3194 = tpu.memref_squeeze %dma_wait3A_3193 : memref<1x8x2048xf32, #tpu.memory_space<hbm>> -> memref<8x2048xf32, #tpu.memory_space<hbm>>
    %dma_wait3A_3195 = arith.constant 0 : i32
    %dma_wait3A_3196 = arith.constant 0 : i32
    %dma_wait3A_3197 = tpu.memref_slice %arg3[%dma_wait3A_3187, %dma_wait3A_3195, %dma_wait3A_3196] : memref<12x2048x2048xf32, #tpu.memory_space<hbm>> -> memref<1x8x2048xf32, #tpu.memory_space<hbm>>
    %dma_wait3A_3198 = tpu.memref_squeeze %dma_wait3A_3197 : memref<1x8x2048xf32, #tpu.memory_space<hbm>> -> memref<8x2048xf32, #tpu.memory_space<hbm>>
    %dma_wait3A_3199 = arith.constant 0 : i32
    %dma_wait3A_3200 = arith.constant 0 : i32
    %dma_wait3A_3201 = tpu.memref_slice %arg6[%dma_wait3A_3199, %dma_wait3A_3200] : memref<8x3968xf32, #tpu.memory_space<vmem>> -> memref<8x2048xf32, #tpu.memory_space<vmem>>
    tpu.wait_dma2 semaphore(%arg9 : memref<!tpu.dma_semaphore, #tpu.memory_space<semaphore_mem>>) src(%dma_wait3A_3201 : memref<8x2048xf32, #tpu.memory_space<vmem>>) dst(%dma_wait3A_3198 : memref<8x2048xf32, #tpu.memory_space<hbm>>)
    %dma_wait3A_3202 = arith.constant 0 : i32
    %dma_wait3A_3203 = arith.constant 0 : i32
    %dma_wait3A_3204 = arith.constant 0 : i32
    %dma_wait3A_3205 = tpu.memref_slice %arg6[%dma_wait3A_3203, %dma_wait3A_3204] : memref<8x3968xf32, #tpu.memory_space<vmem>> -> memref<8x2048xf32, #tpu.memory_space<vmem>>
    %dma_wait3A_3206 = arith.constant 0 : i32
    %dma_wait3A_3207 = arith.constant 0 : i32
    %dma_wait3A_3208 = tpu.memref_slice %arg3[%dma_wait3A_3202, %dma_wait3A_3206, %dma_wait3A_3207] : memref<12x2048x2048xf32, #tpu.memory_space<hbm>> -> memref<1x8x2048xf32, #tpu.memory_space<hbm>>
    %dma_wait3A_3209 = tpu.memref_squeeze %dma_wait3A_3208 : memref<1x8x2048xf32, #tpu.memory_space<hbm>> -> memref<8x2048xf32, #tpu.memory_space<hbm>>
    %dma_wait3A_3210 = arith.constant 0 : i32
    %dma_wait3A_3211 = arith.constant 0 : i32
    %dma_wait3A_3212 = tpu.memref_slice %arg3[%dma_wait3A_3202, %dma_wait3A_3210, %dma_wait3A_3211] : memref<12x2048x2048xf32, #tpu.memory_space<hbm>> -> memref<1x8x2048xf32, #tpu.memory_space<hbm>>
    %dma_wait3A_3213 = tpu.memref_squeeze %dma_wait3A_3212 : memref<1x8x2048xf32, #tpu.memory_space<hbm>> -> memref<8x2048xf32, #tpu.memory_space<hbm>>
    %dma_wait3A_3214 = arith.constant 0 : i32
    %dma_wait3A_3215 = arith.constant 0 : i32
    %dma_wait3A_3216 = tpu.memref_slice %arg6[%dma_wait3A_3214, %dma_wait3A_3215] : memref<8x3968xf32, #tpu.memory_space<vmem>> -> memref<8x2048xf32, #tpu.memory_space<vmem>>
    tpu.wait_dma2 semaphore(%arg9 : memref<!tpu.dma_semaphore, #tpu.memory_space<semaphore_mem>>) src(%dma_wait3A_3216 : memref<8x2048xf32, #tpu.memory_space<vmem>>) dst(%dma_wait3A_3213 : memref<8x2048xf32, #tpu.memory_space<hbm>>)
    %dma_wait3A_3217 = arith.constant 0 : i32
    %dma_wait3A_3218 = arith.constant 0 : i32
    %dma_wait3A_3219 = arith.constant 0 : i32
    %dma_wait3A_3220 = tpu.memref_slice %arg6[%dma_wait3A_3218, %dma_wait3A_3219] : memref<8x3968xf32, #tpu.memory_space<vmem>> -> memref<8x2048xf32, #tpu.memory_space<vmem>>
    %dma_wait3A_3221 = arith.constant 0 : i32
    %dma_wait3A_3222 = arith.constant 0 : i32
    %dma_wait3A_3223 = tpu.memref_slice %arg3[%dma_wait3A_3217, %dma_wait3A_3221, %dma_wait3A_3222] : memref<12x2048x2048xf32, #tpu.memory_space<hbm>> -> memref<1x8x2048xf32, #tpu.memory_space<hbm>>
    %dma_wait3A_3224 = tpu.memref_squeeze %dma_wait3A_3223 : memref<1x8x2048xf32, #tpu.memory_space<hbm>> -> memref<8x2048xf32, #tpu.memory_space<hbm>>
    %dma_wait3A_3225 = arith.constant 0 : i32
    %dma_wait3A_3226 = arith.constant 0 : i32
    %dma_wait3A_3227 = tpu.memref_slice %arg3[%dma_wait3A_3217, %dma_wait3A_3225, %dma_wait3A_3226] : memref<12x2048x2048xf32, #tpu.memory_space<hbm>> -> memref<1x8x2048xf32, #tpu.memory_space<hbm>>
    %dma_wait3A_3228 = tpu.memref_squeeze %dma_wait3A_3227 : memref<1x8x2048xf32, #tpu.memory_space<hbm>> -> memref<8x2048xf32, #tpu.memory_space<hbm>>
    %dma_wait3A_3229 = arith.constant 0 : i32
    %dma_wait3A_3230 = arith.constant 0 : i32
    %dma_wait3A_3231 = tpu.memref_slice %arg6[%dma_wait3A_3229, %dma_wait3A_3230] : memref<8x3968xf32, #tpu.memory_space<vmem>> -> memref<8x2048xf32, #tpu.memory_space<vmem>>
    tpu.wait_dma2 semaphore(%arg9 : memref<!tpu.dma_semaphore, #tpu.memory_space<semaphore_mem>>) src(%dma_wait3A_3231 : memref<8x2048xf32, #tpu.memory_space<vmem>>) dst(%dma_wait3A_3228 : memref<8x2048xf32, #tpu.memory_space<hbm>>)
    %dma_wait3A_3232 = arith.constant 0 : i32
    %dma_wait3A_3233 = arith.constant 0 : i32
    %dma_wait3A_3234 = arith.constant 0 : i32
    %dma_wait3A_3235 = tpu.memref_slice %arg6[%dma_wait3A_3233, %dma_wait3A_3234] : memref<8x3968xf32, #tpu.memory_space<vmem>> -> memref<8x2048xf32, #tpu.memory_space<vmem>>
    %dma_wait3A_3236 = arith.constant 0 : i32
    %dma_wait3A_3237 = arith.constant 0 : i32
    %dma_wait3A_3238 = tpu.memref_slice %arg3[%dma_wait3A_3232, %dma_wait3A_3236, %dma_wait3A_3237] : memref<12x2048x2048xf32, #tpu.memory_space<hbm>> -> memref<1x8x2048xf32, #tpu.memory_space<hbm>>
    %dma_wait3A_3239 = tpu.memref_squeeze %dma_wait3A_3238 : memref<1x8x2048xf32, #tpu.memory_space<hbm>> -> memref<8x2048xf32, #tpu.memory_space<hbm>>
    %dma_wait3A_3240 = arith.constant 0 : i32
    %dma_wait3A_3241 = arith.constant 0 : i32
    %dma_wait3A_3242 = tpu.memref_slice %arg3[%dma_wait3A_3232, %dma_wait3A_3240, %dma_wait3A_3241] : memref<12x2048x2048xf32, #tpu.memory_space<hbm>> -> memref<1x8x2048xf32, #tpu.memory_space<hbm>>
    %dma_wait3A_3243 = tpu.memref_squeeze %dma_wait3A_3242 : memref<1x8x2048xf32, #tpu.memory_space<hbm>> -> memref<8x2048xf32, #tpu.memory_space<hbm>>
    %dma_wait3A_3244 = arith.constant 0 : i32
    %dma_wait3A_3245 = arith.constant 0 : i32
    %dma_wait3A_3246 = tpu.memref_slice %arg6[%dma_wait3A_3244, %dma_wait3A_3245] : memref<8x3968xf32, #tpu.memory_space<vmem>> -> memref<8x2048xf32, #tpu.memory_space<vmem>>
    tpu.wait_dma2 semaphore(%arg9 : memref<!tpu.dma_semaphore, #tpu.memory_space<semaphore_mem>>) src(%dma_wait3A_3246 : memref<8x2048xf32, #tpu.memory_space<vmem>>) dst(%dma_wait3A_3243 : memref<8x2048xf32, #tpu.memory_space<hbm>>)
    return
  }
}

module attributes {stable_mosaic.version = 14 : i64} {
  func.func @_expand_body(%arg0: i32, %arg1: memref<1x1x2048xf32, #tpu.memory_space<vmem>>, %arg2: memref<1x128x2048xf32, #tpu.memory_space<vmem>>) attributes {dimension_semantics = [#tpu.dimension_semantics<arbitrary>], iteration_bounds = array<i64: 12>, scalar_prefetch = 0 : i64, scratch_operands = 0 : i64, tpu.core_type = #tpu.core_type<tc>, window_params = [{transform_indices = @transform_0, window_bounds = array<i64: 1, 1, 2048>}, {transform_indices = @transform_1, window_bounds = array<i64: 1, 128, 2048>}]} {
    %get3A = arith.constant 0 : index
    %get3A_0 = arith.constant 0 : index
    %get3A_1 = arith.constant 0 : index
    %get3A_2 = vector.load %arg1[%get3A, %get3A_0, %get3A_1] : memref<1x1x2048xf32, #tpu.memory_space<vmem>>, vector<1x1x2048xf32>
    %get3A_3 = vector.shape_cast %get3A_2 : vector<1x1x2048xf32> to vector<1x2048xf32>
    %roll3A = arith.constant 1921 : i32
    %roll3A_4 = tpu.dynamic_rotate %get3A_3 by %roll3A dim 1 : vector<1x2048xf32>, i32 -> vector<1x2048xf32>
    %broadcast_in_dim3A = vector.shape_cast %roll3A_4 : vector<1x2048xf32> to vector<1x2048xf32>
    %broadcast_in_dim3A_5 = vector.broadcast %broadcast_in_dim3A : vector<1x2048xf32> to vector<128x2048xf32>
    %roll3A_6 = arith.constant 0 : i32
    %roll3A_7 = tpu.dynamic_rotate %broadcast_in_dim3A_5 by %roll3A_6 dim 1 {stride = 1 : si32, stride_dimension = 0 : si32} : vector<128x2048xf32>, i32 -> vector<128x2048xf32>
    %broadcast_in_dim3A_8 = vector.shape_cast %roll3A_7 : vector<128x2048xf32> to vector<1x128x2048xf32>
    %swap3A = arith.constant 0 : index
    %swap3A_9 = arith.constant 0 : index
    %swap3A_10 = arith.constant 0 : index
    %swap3A_11 = vector.load %arg2[%swap3A, %swap3A_9, %swap3A_10] : memref<1x128x2048xf32, #tpu.memory_space<vmem>>, vector<1x128x2048xf32>
    tpu.vector_store %arg2[%swap3A, %swap3A_9, %swap3A_10], %broadcast_in_dim3A_8 {strides = array<i32>} : memref<1x128x2048xf32, #tpu.memory_space<vmem>>, vector<1x128x2048xf32>,
    return
  }
  func.func @transform_0(%arg0: i32) -> (i32, i32, i32) {
    %c0_i32 = arith.constant 0 : i32
    %c0_i32_0 = arith.constant 0 : i32
    %c0_i32_1 = arith.constant 0 : i32
    return %arg0, %c0_i32, %c0_i32_0 : i32, i32, i32
  }
  func.func @transform_1(%arg0: i32) -> (i32, i32, i32) {
    %c0_i32 = arith.constant 0 : i32
    %c0_i32_0 = arith.constant 0 : i32
    %c0_i32_1 = arith.constant 0 : i32
    return %arg0, %c0_i32, %c0_i32_0 : i32, i32, i32
  }
}

</mosaic_0001>

<sc_bundles>
// kernel: kernel.4.cloned.1.call-start
scs
__scs_entry_jumppad:
0x0: {  	(pc) =	sbr.rel $0x88, $3  }
0x1: {  	(tag) =	ssettag $0x0;
	lr =	simm.s32 $0x1  }
0x2: {  	[smem:$0x3FA0] =	sst lr;
	_ =	strace $0xD0000000  }
0x3: {  	_ = 	snop  }
0x4: {  	_ = 	snop  }
0x5: {  	_ = 	snop  }
0x6: {  	_ = 	snop  }
0x7: {  	_ = 	snop  }
__scs_overlays_trampoline_lowered:
0x8: {  	[smem:$0x3FAF] =	sst s0  }
0x9: {  	[smem:$0x3FB0] =	sst s1  }
0xa: {  	[smem:$0x3FB1] =	sst s2  }
0xb: {  	[smem:$0x3FB2] =	sst s3  }
0xc: {  	[smem:$0x3FB3] =	sst s4  }
0xd: {  	[smem:$0x3FB4] =	sst s5  }
0xe: {  	[smem:$0x3FB5] =	sst s6  }
0xf: {  	[smem:$0x3FB6] =	sst s7  }
0x10: {  	[smem:$0x3FB7] =	sst s8  }
0x11: {  	[smem:$0x3FB8] =	sst s9;
	s0 =	simm.s32 @!p0 $0x0  }
0x12: {  	s1 =	sld [smem:$0x3F9E];
	s0 =	simm.s32 @p0 $0x1  }
0x13: {  	[smem:$0x3FB9] =	sst s0;
	s0 =	simm.s32 @!p1 $0x0  }
0x14: {  	s2 =	sld [smem:$0x3F9D];
	s0 =	simm.s32 @p1 $0x1  }
0x15: {  	[smem:$0x3FBA] =	sst s0;
	s0 =	simm.s32 @!p2 $0x0  }
0x16: {  	s3 =	sld [smem:$0x3FDB];
	s0 =	simm.s32 @p2 $0x1  }
0x17: {  	s4 =	simm.s32 $0x1BF5;
	[smem:$0x3FBC] =	sst s0  }
0x18: {  	s0 =	sld [smem:$0x3F9F];
	_ =	swait.ge [sflag:s4], $0x0  }
0x19: {  	s7 =	sld [smem:$0x3FA0]  }
0x1a: {  	s8 =	sadd.s32 $0xFFFFE003, lr  }
0x1b: {  	s9 =	sadd.s32 $0xFFFFFEF7, lr;
	s5 =	simm.s32 $0xFFFFFFFF;
	p2 =	slt.u32 s8, $0xFFFFF086  }
0x1c: {  	p1 =	slt.u32 s9, $0xF7A;
	s5 =	simm.s32 @!p2 $0x0  }
0x1d: {  	s5 =	simm.s32 @p1 $0x1;
	p0 =	seq.s32 s7, s2  }
0x1e: {  	s7 =	smul.u32 @!p0 $0xF7A, s2;
	p2 =	seq.s32 @!p0 s5, $0x0  }
0x1f: {  	s9 =	smul.u32 $0xF7A, s1;
	s8 =	simm.s32 @!p0 $0x1BF5;
	p2 =	por !p2, p0  }
0x20: {  	[sflag:s8] =	ssyncset.s32 @!p0 $0xFFFFF086;
	s6 =	sadd.s32 @!p0 s3, s7;
	s7 =	simm.s32 @!p0 $0x108  }
0x21: {  	s3 =	sadd.s32 s3, s9;
	s6 =	sadd.s32 @!p0 $0x88, s6;
	s7 =	simm.s32 @p2 $0x1082  }
0x22: {  	[simem:s7], [sflag:s8] =	dma.local @!p0 [hbm:s6], $0xF7A  }
0x23: {  	s9 =	sor.u32 $0xD0000000, s2;
	s6 =	simm.s32 $0x108;
	_ =	swait.ge @!p0 [sflag:s8], $0x0  }
0x24: {  	s3 =	sadd.s32 $0x88, s3;
	s6 =	simm.s32 @!p1 $0x1082;
	[sflag:s4] =	ssyncset.s32 $0xFFFFF086  }
0x25: {  	[simem:s6], [sflag:s4] =	dma.local [hbm:s3], $0xF7A  }
0x26: {  	[smem:$0x3FA0] =	sst s1;
	(tag) =	ssettag s2;
	_ =	strace s9  }
0x27: {  	s1 =	sld [smem:$0x3FB0]  }
0x28: {  	s2 =	sld [smem:$0x3FB1]  }
0x29: {  	s4 =	sld [smem:$0x3FB3]  }
0x2a: {  	p0 =	seq.s32 s5, $0x0;
	s5 =	sld [smem:$0x3FB4]  }
0x2b: {  	s6 =	sld [smem:$0x3FB5]  }
0x2c: {  	s7 =	sld [smem:$0x3FB6]  }
0x2d: {  	s3 =	simm.s32 $0x108;
	s8 =	sld [smem:$0x3FB7]  }
0x2e: {  	s3 =	simm.s32 @!p0 $0x1082;
	s9 =	sld [smem:$0x3FB8]  }
0x2f: {  	lr =	sadd.s32 s0, s3;
	s0 =	sld [smem:$0x3FAF]  }
0x30: {  	s3 =	sld [smem:$0x3FB2]  }
0x31: {  	[smem:$0x3FBB] =	sst s10  }
0x32: {  	s10 =	sld [smem:$0x3FB9];
	_ =	sdelay $0x3  }
0x33: {  	p0 =	seq.s32 s10, $0x1;
	s10 =	sld [smem:$0x3FBB];
	_ =	sdelay $0x3  }
0x34: {  	[smem:$0x3FBB] =	sst s10  }
0x35: {  	s10 =	sld [smem:$0x3FBA];
	_ =	sdelay $0x3  }
0x36: {  	p1 =	seq.s32 s10, $0x1;
	s10 =	sld [smem:$0x3FBB];
	_ =	sdelay $0x3  }
0x37: {  	[smem:$0x3FBB] =	sst s10  }
0x38: {  	s10 =	sld [smem:$0x3FBC]  }
0x39: {  	_ = 	snop;
	(pc) =	sbr.ind lr, $3  }
0x3a: {  	_ = 	snop  }
0x3b: {  	_ = 	snop  }
0x3c: {  	p2 =	seq.s32 s10, $0x1;
	s10 =	sld [smem:$0x3FBB]  }
0x3d: {  	_ =	shalt  }
0x3e: {  	_ =	shalt  }
0x3f: {  	_ =	shalt  }
0x40: {  	_ =	shalt  }
0x41: {  	_ =	shalt  }
0x42: {  	_ =	shalt  }
0x43: {  	_ =	shalt  }
0x44: {  	_ =	shalt  }
0x45: {  	_ =	shalt  }
0x46: {  	_ =	shalt  }
0x47: {  	_ =	shalt  }
0x48: {  	_ =	shalt  }
0x49: {  	_ =	shalt  }
0x4a: {  	_ =	shalt  }
0x4b: {  	_ =	shalt  }
0x4c: {  	_ =	shalt  }
0x4d: {  	_ =	shalt  }
0x4e: {  	_ =	shalt  }
0x4f: {  	_ =	shalt  }
0x50: {  	_ =	shalt  }
0x51: {  	_ =	shalt  }
0x52: {  	_ =	shalt  }
0x53: {  	_ =	shalt  }
0x54: {  	_ =	shalt  }
0x55: {  	_ =	shalt  }
0x56: {  	_ =	shalt  }
0x57: {  	_ =	shalt  }
0x58: {  	_ =	shalt  }
0x59: {  	_ =	shalt  }
0x5a: {  	_ =	shalt  }
0x5b: {  	_ =	shalt  }
0x5c: {  	_ =	shalt  }
0x5d: {  	_ =	shalt  }
0x5e: {  	_ =	shalt  }
0x5f: {  	_ =	shalt  }
0x60: {  	_ =	shalt  }
0x61: {  	_ =	shalt  }
0x62: {  	_ =	shalt  }
0x63: {  	_ =	shalt  }
0x64: {  	_ =	shalt  }
0x65: {  	_ =	shalt  }
0x66: {  	_ =	shalt  }
0x67: {  	_ =	shalt  }
0x68: {  	_ =	shalt  }
0x69: {  	_ =	shalt  }
0x6a: {  	_ =	shalt  }
0x6b: {  	_ =	shalt  }
0x6c: {  	_ =	shalt  }
0x6d: {  	_ =	shalt  }
0x6e: {  	_ =	shalt  }
0x6f: {  	_ =	shalt  }
0x70: {  	_ =	shalt  }
0x71: {  	_ =	shalt  }
0x72: {  	_ =	shalt  }
0x73: {  	_ =	shalt  }
0x74: {  	_ =	shalt  }
0x75: {  	_ =	shalt  }
0x76: {  	_ =	shalt  }
0x77: {  	_ =	shalt  }
0x78: {  	_ =	shalt  }
0x79: {  	_ =	shalt  }
0x7a: {  	_ =	shalt  }
0x7b: {  	_ =	shalt  }
0x7c: {  	_ =	shalt  }
0x7d: {  	_ =	shalt  }
0x7e: {  	_ =	shalt  }
0x7f: {  	_ =	shalt  }
0x80: {  	_ =	shalt  }
0x81: {  	_ =	shalt  }
0x82: {  	_ =	shalt  }
0x83: {  	_ =	shalt  }
0x84: {  	_ =	shalt  }
0x85: {  	_ =	shalt  }
0x86: {  	_ =	shalt  }
0x87: {  	_ =	shalt  }
.Lfunc_end0:
.L_simem_size_0:
called_computation_lowered:
.L_overlay_start_0:
0x88: {  	s2 =	sld [smem:$0x3FD9]  }
0x89: {  	s3 =	sld [smem:$0x3FFE];
	_ =	sdelay $0x1  }
0x8a: {  	s1 =	srdreg.scid  }
0x8b: {  	s0 =	sand.u32 $0x1, s1  }
0x8c: {  	s17 =	sshll.u32 s0, $0xA;
	s2 =	sadd.s32 s3, s2  }
0x8d: {  	s2 =	sadd.s32 s2, s17  }
0x8e: {  	[smem:$0x3FC7] =	sst s2  }
0x8f: {  	_ = 	snop  }
0x90: {  	s2 =	sld [smem:$0x3FD0];
	(tm) =	ssettm $0x1  }
0x91: {  	s18 =	sld [smem:$0x3FFB];
	_ =	sdelay $0x3  }
0x92: {  	_ =	strace s18  }
0x93: {  	s3 =	sld [smem:$0x3FFC];
	_ =	sdelay $0x3  }
0x94: {  	_ =	strace s3  }
0x95: {  	s3 =	sld [smem:$0x3FFD];
	_ =	sdelay $0x3  }
0x96: {  	_ =	strace s3  }
0x97: {  	_ =	strace $0x8FFFFFFF  }
0x98: {  	s19 =	sld [smem:$0x3FDB];
	_ =	sdelay $0x1  }
0x99: {  	s4 =	simm.s32 $_scs_section_size  }
0x9a: {  	s5 =	simm.s32 $_size__tile_overlayer_lowered;
	s6 =	simm.s32 $_tile_overlayer_lowered  }
0x9b: {  	s22 =	simm.s32 $0x1BFF;
	s21 =	sshll.u32 s6, $0x1;
	s3 =	sadd.s32 s4, s19  }
0x9c: {  	s7 =	simm.s32 $0x0;
	s20 =	sshll.u32 s5, $0x1;
	s5 =	sadd.s32 s21, s3  }
0x9d: {  	[timem:s7], [sflag:s22] =	dma.local [hbm:s5], s20  }
0x9e: {  	_ =	swait.ge [sflag:s22], s20  }
0x9f: {  	s4 =	ssub.s32 $0x0, s20;
	[sflag:s22] =	ssyncset.done $0x0  }
0xa0: {  	[sflag:s22] =	ssyncadd.s32 s4;
	_ =	sdelay $0x1  }
0xa1: {  	s23 =	simm.s32 $0x1B8B  }
0xa2: {  	_ =	swait.ge [sflag:s23], $0x1  }
0xa3: {  	[sflag:s23] =	ssyncset.done $0x0  }
0xa4: {  	s25 =	simm.s32 $0x1B8E;
	s24 =	sld [smem:$0x3FFE];
	[sflag:s23] =	ssyncadd.s32 $0xFFFFFFFF  }
0xa5: {  	s26 =	simm.s32 $execute0_lowered;
	[smem:$0x3FD2] =	sst s25  }
0xa6: {  	s5 =	sshll.u32 s26, $0x1;
	_ =	strace $0x80000046;
	[dreg:$0x1] =	wrdreg $0xFFFFFFFF  }
0xa7: {  	s28 =	simm.s32 $_size_execute0_lowered;
	s3 =	sadd.s32 s3, s5;
	[dreg:$0x0] =	wrdreg $0x0  }
0xa8: {  	s5 =	sshll.u32 s28, $0x1;
	[dreg:$0x2] =	wrdreg s3  }
0xa9: {  	[dreg:$0x3] =	wrdreg s5  }
0xaa: {  	[dreg:$0x4] =	wrdreg $0xC0  }
0xab: {  	_ =	task [dreg:s7], $0x5FFFF  }
0xac: {  	[dreg:$0x1] =	wrdreg $0xFFFFFFFF  }
0xad: {  	[dreg:$0x0] =	wrdreg $0x60  }
0xae: {  	[dreg:$0x2] =	wrdreg s24  }
0xaf: {  	[dreg:$0x3] =	wrdreg s2  }
0xb0: {  	[dreg:$0x4] =	wrdreg $0x9  }
0xb1: {  	_ =	task.clear_ibuf [dreg:s7], $0x5FFFF;
	_ =	strace $0x90000046  }
0xb2: {  	s29 =	simm.s32 $0x9;
	_ =	strace $0x80000048  }
0xb3: {  	_ =	swait.ge [sflag:s29], $0x1  }
0xb4: {  	[sflag:s29] =	ssyncadd.s32 $0xFFFFFFFF  }
0xb5: {  	_ =	strace $0x90000048  }
0xb6: {  	_ =	sfence  }
0xb7: {  	s30 =	sld [smem:$0x0];
	_ =	sdelay $0x2  }
0xb8: {  	s31 =	sshll.u32 s1, $0xD;
	s1 =	sshrl.u32 s1, $0x2  }
0xb9: {  	s3 =	sand.u32 $0x4000, s31;
	s1 =	sadd.s32 s1, s30  }
0xba: {  	s0 =	sor.u32 s3, s0;
	s1 =	sshll.u32 s1, $0x11  }
0xbb: {  	s0 =	sor.u32 s1, s0  }
0xbc: {  	s0 =	sadd.s32 $0x8F2B, s0  }
0xbd: {  	[sflag:s0] =	ssyncadd.remote.s32 $0x1  }
0xbe: {  	_ =	sfence.sel $0xFFFF  }
0xbf: {  	[dreg:$0x0] =	wrdreg $0xFFFFFFFF;
	(pc) =	sbr.abs _section_cstart, $3  }
0xc0: {  	[dreg:$0x1] =	wrdreg $0xFFFFFFFF  }
0xc1: {  	_ =	task.clear_ibuf [dreg:s7], $0x2FFFF;
	_ =	strace $0x9FFFFFFF  }
0xc2: {  	(tm) =	ssettm $0x7FFFFFFF  }
0xc3: {  	_ =	shalt  }
tec
execute0_lowered:
.L_overlay_start_1:
0x0: {  	(tag) =	ssettag $0x1  }
0x1: {  	s3 =	rddreg [dreg:$0x0]  }
0x2: {  	s4 =	stileid.u32;
	s1 =	srdreg.scid  }
0x3: {  	s0 =	rddreg [dreg:$0x1];
	s2 =	sshll.u32 s4, $0x1;
	s5 =	sand.u32 $0x1, s1  }
0x4: {  	[smem:$0x7FD] =	sst s5;
	s9 =	sand.u32 $0xE, s2;
	s2 =	simm.s32 $0x0  }
0x5: {  	s4 =	sshrl.u32 s4, $0x3;
	s1 =	sor.u32 s5, s9;
	[smem:$0x7FF] =	sst s2  }
0x6: {  	s5 =	sor.u32 $0x2, s4;
	s29 =	sshll.u32 s1, $0xE;
	s1 =	sshll.u32 s4, $0x16  }
0x7: {  	_ =	strace $0x80000047;
	s6 =	sor.u32 s1, s29;
	s13 =	sor.u32 $0x40000, s29  }
0x8: {  	s17 =	sor.u32 $0x80000, s29;
	s21 =	sor.u32 $0xC0000, s29;
	s6 =	sshrl.u32 s6, $0x3  }
0x9: {  	s7 =	sor.u32 s1, s13;
	s11 =	sor.u32 s1, s17;
	s8 =	sor.u32 s1, s21  }
0xa: {  	s6 =	sadd.s32 s0, s6;
	s7 =	sshrl.u32 s7, $0x3;
	s12 =	sshrl.u32 s11, $0x3  }
0xb: {  	s14 =	sshrl.u32 s8, $0x3;
	[dreg:$0x3] =	wrdreg s6;
	s10 =	sadd.s32 s0, s7  }
0xc: {  	s7 =	sadd.s32 s0, s12;
	s6 =	sor.u32 $0x100000, s29;
	[dreg:$0x4] =	wrdreg s10  }
0xd: {  	s9 =	sadd.s32 s0, s14;
	[dreg:$0x5] =	wrdreg s7;
	s15 =	sor.u32 s1, s6  }
0xe: {  	s7 =	sor.u32 $0x140000, s29;
	[dreg:$0x6] =	wrdreg s9;
	s8 =	sshrl.u32 s15, $0x3  }
0xf: {  	s16 =	sor.u32 s1, s7;
	s15 =	sor.u32 $0x280000, s29;
	s8 =	sadd.s32 s0, s8  }
0x10: {  	s9 =	sshrl.u32 s16, $0x3;
	s24 =	sor.u32 s1, s15;
	[dreg:$0x7] =	wrdreg s8  }
0x11: {  	s8 =	sor.u32 $0x180000, s29;
	s10 =	sadd.s32 s0, s9;
	s9 =	sor.u32 $0x1C0000, s29  }
0x12: {  	s11 =	sor.u32 s1, s8;
	[dreg:$0x8] =	wrdreg s10;
	s19 =	sor.u32 s1, s9  }
0x13: {  	s10 =	sor.u32 $0x200000, s29;
	s18 =	sshrl.u32 s11, $0x3;
	s11 =	sshrl.u32 s19, $0x3  }
0x14: {  	s20 =	sor.u32 s1, s10;
	s19 =	sor.u32 $0x340000, s29;
	s14 =	sadd.s32 s0, s18  }
0x15: {  	s11 =	sadd.s32 s0, s11;
	s22 =	sshrl.u32 s20, $0x3;
	[dreg:$0x9] =	wrdreg s14  }
0x16: {  	s18 =	sshrl.u32 s24, $0x3;
	s12 =	sor.u32 s1, s19;
	[dreg:$0xa] =	wrdreg s11  }
0x17: {  	s14 =	sor.u32 $0x240000, s29;
	s11 =	sadd.s32 s0, s22;
	s25 =	sadd.s32 s0, s18  }
0x18: {  	s18 =	sor.u32 $0x300000, s29;
	s22 =	sshrl.u32 s12, $0x3;
	[dreg:$0xb] =	wrdreg s11  }
0x19: {  	s16 =	sor.u32 s1, s14;
	[dreg:$0xd] =	wrdreg s25;
	s20 =	sor.u32 s1, s18  }
0x1a: {  	s22 =	sadd.s32 s0, s22;
	s23 =	sshrl.u32 s16, $0x3;
	s16 =	sor.u32 $0x2C0000, s29  }
0x1b: {  	s31 =	sshrl.u32 s20, $0x3;
	s20 =	sor.u32 $0x380000, s29;
	[dreg:$0x10] =	wrdreg s22  }
0x1c: {  	s11 =	sadd.s32 s0, s23;
	s26 =	sor.u32 s1, s16;
	s23 =	sor.u32 s1, s20  }
0x1d: {  	s30 =	sshrl.u32 s26, $0x3;
	s24 =	sshrl.u32 s23, $0x3;
	s23 =	sor.u32 $0x3C0000, s29  }
0x1e: {  	[dreg:$0xc] =	wrdreg s11;
	s11 =	sadd.s32 s0, s30;
	s25 =	sor.u32 s1, s23  }
0x1f: {  	s1 =	sshll.u32 s5, $0x16;
	[dreg:$0xe] =	wrdreg s11;
	s11 =	sadd.s32 s0, s31  }
0x20: {  	s26 =	sshrl.u32 s25, $0x3;
	s30 =	sor.u32 s1, s29;
	[dreg:$0xf] =	wrdreg s11  }
0x21: {  	s11 =	sadd.s32 s0, s24;
	s22 =	sshrl.u32 s30, $0x3;
	s24 =	sor.u32 s1, s13  }
0x22: {  	s30 =	sor.u32 s1, s6;
	[dreg:$0x11] =	wrdreg s11;
	s11 =	sadd.s32 s0, s26  }
0x23: {  	s31 =	sadd.s32 s0, s22;
	s12 =	sshrl.u32 s24, $0x3;
	[dreg:$0x12] =	wrdreg s11  }
0x24: {  	s24 =	sor.u32 s1, s17;
	s26 =	sor.u32 s1, s21;
	[dreg:$0x13] =	wrdreg s31  }
0x25: {  	s22 =	sadd.s32 s0, s12;
	s25 =	sshrl.u32 s24, $0x3;
	s12 =	sshrl.u32 s30, $0x3  }
0x26: {  	s24 =	sor.u32 s1, s7;
	s30 =	sor.u32 s1, s9;
	[dreg:$0x14] =	wrdreg s22  }
0x27: {  	s11 =	sadd.s32 s0, s25;
	s22 =	sshrl.u32 s26, $0x3;
	s25 =	sshrl.u32 s24, $0x3  }
0x28: {  	s26 =	sor.u32 s1, s8;
	s24 =	sor.u32 s1, s10;
	[dreg:$0x15] =	wrdreg s11  }
0x29: {  	s31 =	sadd.s32 s0, s22;
	s22 =	sadd.s32 s0, s12;
	s11 =	sadd.s32 s0, s25  }
0x2a: {  	s12 =	sshrl.u32 s30, $0x3;
	s25 =	sshrl.u32 s24, $0x3;
	[dreg:$0x16] =	wrdreg s31  }
0x2b: {  	s30 =	sor.u32 s1, s15;
	s24 =	sor.u32 s1, s16;
	[dreg:$0x17] =	wrdreg s22  }
0x2c: {  	s22 =	sshrl.u32 s26, $0x3;
	[dreg:$0x18] =	wrdreg s11;
	s26 =	sor.u32 s1, s14  }
0x2d: {  	s11 =	sadd.s32 s0, s25;
	s25 =	sshrl.u32 s24, $0x3;
	s24 =	sor.u32 s1, s20  }
0x2e: {  	s31 =	sadd.s32 s0, s22;
	s22 =	sadd.s32 s0, s12;
	[dreg:$0x1b] =	wrdreg s11  }
0x2f: {  	s12 =	sshrl.u32 s30, $0x3;
	s11 =	sadd.s32 s0, s25;
	s30 =	sor.u32 s1, s19  }
0x30: {  	s25 =	sshrl.u32 s24, $0x3;
	[dreg:$0x1a] =	wrdreg s22;
	s22 =	sshrl.u32 s26, $0x3  }
0x31: {  	[dreg:$0x19] =	wrdreg s31;
	s26 =	sor.u32 s1, s18;
	s31 =	sadd.s32 s0, s22  }
0x32: {  	s1 =	sor.u32 s1, s23;
	s22 =	sadd.s32 s0, s12;
	[dreg:$0x1c] =	wrdreg s31  }
0x33: {  	s12 =	sshrl.u32 s30, $0x3;
	s1 =	sshrl.u32 s1, $0x3;
	[dreg:$0x1d] =	wrdreg s22  }
0x34: {  	s22 =	sshrl.u32 s26, $0x3;
	[dreg:$0x1e] =	wrdreg s11;
	s26 =	sadd.s32 s0, s25  }
0x35: {  	s31 =	sadd.s32 s0, s22;
	s22 =	sadd.s32 s0, s12;
	[smem:$0x7B6] =	sst s26  }
0x36: {  	s1 =	sadd.s32 s0, s1;
	[smem:$0x7B5] =	sst s22;
	s22 =	sor.u32 $0x4, s4  }
0x37: {  	[smem:$0x7B7] =	sst s1;
	s11 =	sshll.u32 s22, $0x16  }
0x38: {  	[dreg:$0x1f] =	wrdreg s31;
	s30 =	sor.u32 s11, s29  }
0x39: {  	s25 =	sor.u32 s11, s13;
	s26 =	sor.u32 s11, s17;
	s24 =	sshrl.u32 s30, $0x3  }
0x3a: {  	s12 =	sshrl.u32 s25, $0x3;
	s30 =	sshrl.u32 s26, $0x3;
	s31 =	sadd.s32 s0, s24  }
0x3b: {  	s25 =	sadd.s32 s0, s12;
	s1 =	sadd.s32 s0, s30;
	[smem:$0x7B9] =	sst s31  }
0x3c: {  	s12 =	sor.u32 s11, s6;
	[smem:$0x7BA] =	sst s25;
	s31 =	sor.u32 s11, s21  }
0x3d: {  	[smem:$0x7BB] =	sst s1;
	s30 =	sshrl.u32 s12, $0x3;
	s12 =	sor.u32 s11, s7  }
0x3e: {  	s24 =	sshrl.u32 s31, $0x3;
	s31 =	sadd.s32 s0, s30;
	s25 =	sshrl.u32 s12, $0x3  }
0x3f: {  	s30 =	sor.u32 s11, s9;
	s26 =	sadd.s32 s0, s24;
	[smem:$0x7BD] =	sst s31  }
0x40: {  	s1 =	sadd.s32 s0, s25;
	s12 =	sshrl.u32 s30, $0x3;
	[smem:$0x7BC] =	sst s26  }
0x41: {  	s26 =	sor.u32 s11, s8;
	[smem:$0x7BE] =	sst s1;
	s25 =	sadd.s32 s0, s12  }
0x42: {  	s12 =	sor.u32 s11, s15;
	s24 =	sshrl.u32 s26, $0x3;
	s26 =	sor.u32 s11, s10  }
0x43: {  	[smem:$0x7C0] =	sst s25;
	s31 =	sadd.s32 s0, s24;
	s30 =	sshrl.u32 s26, $0x3  }
0x44: {  	[smem:$0x7BF] =	sst s31;
	s31 =	sor.u32 s11, s14;
	s1 =	sadd.s32 s0, s30  }
0x45: {  	s30 =	sshrl.u32 s12, $0x3;
	s12 =	sor.u32 s11, s16;
	s24 =	sshrl.u32 s31, $0x3  }
0x46: {  	[smem:$0x7C1] =	sst s1;
	s31 =	sadd.s32 s0, s30;
	s25 =	sshrl.u32 s12, $0x3  }
0x47: {  	s30 =	sor.u32 s11, s19;
	s26 =	sadd.s32 s0, s24;
	[smem:$0x7C3] =	sst s31  }
0x48: {  	s1 =	sadd.s32 s0, s25;
	s12 =	sshrl.u32 s30, $0x3;
	[smem:$0x7C2] =	sst s26  }
0x49: {  	s25 =	sor.u32 s11, s20;
	s26 =	sor.u32 s11, s18;
	[smem:$0x7C4] =	sst s1  }
0x4a: {  	s1 =	sor.u32 $0x6, s4;
	s11 =	sor.u32 s11, s23;
	s24 =	sshrl.u32 s26, $0x3  }
0x4b: {  	s11 =	sshrl.u32 s11, $0x3;
	s31 =	sadd.s32 s0, s24;
	s24 =	sadd.s32 s0, s12  }
0x4c: {  	s11 =	sadd.s32 s0, s11;
	[smem:$0x7C6] =	sst s24;
	s24 =	sshrl.u32 s25, $0x3  }
0x4d: {  	[smem:$0x7C5] =	sst s31;
	s26 =	sadd.s32 s0, s24;
	s24 =	sshll.u32 s1, $0x16  }
0x4e: {  	[smem:$0x7C7] =	sst s26;
	s30 =	sor.u32 s24, s29;
	s26 =	sor.u32 s24, s13  }
0x4f: {  	[smem:$0x7C8] =	sst s11;
	s25 =	sshrl.u32 s30, $0x3;
	s12 =	sshrl.u32 s26, $0x3  }
0x50: {  	s26 =	sor.u32 s24, s17;
	s31 =	sadd.s32 s0, s25;
	s25 =	sadd.s32 s0, s12  }
0x51: {  	s30 =	sshrl.u32 s26, $0x3;
	s12 =	sor.u32 s24, s6;
	[smem:$0x7CB] =	sst s31  }
0x52: {  	s26 =	sor.u32 s24, s8;
	[smem:$0x7CC] =	sst s25;
	s31 =	sor.u32 s24, s21  }
0x53: {  	s11 =	sadd.s32 s0, s30;
	s30 =	sshrl.u32 s12, $0x3;
	s12 =	sor.u32 s24, s7  }
0x54: {  	s25 =	sshrl.u32 s31, $0x3;
	[smem:$0x7CD] =	sst s11;
	s31 =	sadd.s32 s0, s30  }
0x55: {  	s30 =	sor.u32 s24, s9;
	s25 =	sadd.s32 s0, s25;
	[smem:$0x7CF] =	sst s31  }
0x56: {  	[smem:$0x7CE] =	sst s25;
	s25 =	sshrl.u32 s12, $0x3;
	s12 =	sshrl.u32 s30, $0x3  }
0x57: {  	s11 =	sadd.s32 s0, s25;
	s25 =	sshrl.u32 s26, $0x3;
	s26 =	sor.u32 s24, s10  }
0x58: {  	[smem:$0x7D0] =	sst s11;
	s31 =	sadd.s32 s0, s25;
	s25 =	sadd.s32 s0, s12  }
0x59: {  	s30 =	sshrl.u32 s26, $0x3;
	s12 =	sor.u32 s24, s15;
	[smem:$0x7D1] =	sst s31  }
0x5a: {  	s26 =	sor.u32 s24, s18;
	[smem:$0x7D2] =	sst s25;
	s31 =	sor.u32 s24, s14  }
0x5b: {  	s11 =	sadd.s32 s0, s30;
	s30 =	sshrl.u32 s12, $0x3;
	s12 =	sor.u32 s24, s16  }
0x5c: {  	s25 =	sshrl.u32 s31, $0x3;
	[smem:$0x7D3] =	sst s11;
	s31 =	sadd.s32 s0, s30  }
0x5d: {  	s30 =	sor.u32 s24, s19;
	s25 =	sadd.s32 s0, s25;
	[smem:$0x7D5] =	sst s31  }
0x5e: {  	[smem:$0x7D4] =	sst s25;
	s25 =	sshrl.u32 s12, $0x3;
	s12 =	sshrl.u32 s30, $0x3  }
0x5f: {  	s30 =	sor.u32 s24, s20;
	s11 =	sadd.s32 s0, s25;
	s25 =	sshrl.u32 s26, $0x3  }
0x60: {  	s26 =	sadd.s32 s0, s12;
	s12 =	sor.u32 s24, s23;
	[smem:$0x7D6] =	sst s11  }
0x61: {  	s31 =	sadd.s32 s0, s25;
	[smem:$0x7D8] =	sst s26;
	s25 =	sshrl.u32 s30, $0x3  }
0x62: {  	s30 =	sshrl.u32 s12, $0x3;
	[smem:$0x7D7] =	sst s31;
	s31 =	sor.u32 $0x8, s4  }
0x63: {  	s25 =	sadd.s32 s0, s25;
	[smem:$0x7C9] =	sst s31;
	s24 =	sshll.u32 s31, $0x16  }
0x64: {  	[smem:$0x7D9] =	sst s25;
	s25 =	sadd.s32 s0, s30;
	s31 =	sor.u32 s24, s29  }
0x65: {  	s28 =	sor.u32 s24, s13;
	[smem:$0x7DA] =	sst s25;
	s26 =	sshrl.u32 s31, $0x3  }
0x66: {  	s12 =	sshrl.u32 s28, $0x3;
	s31 =	sor.u32 s24, s17;
	s11 =	sadd.s32 s0, s26  }
0x67: {  	s28 =	sor.u32 s24, s6;
	s30 =	sadd.s32 s0, s12;
	[smem:$0x7DD] =	sst s11  }
0x68: {  	s12 =	sor.u32 s24, s21;
	[smem:$0x7DE] =	sst s30;
	s11 =	sshrl.u32 s31, $0x3  }
0x69: {  	s26 =	sshrl.u32 s12, $0x3;
	s31 =	sshrl.u32 s28, $0x3;
	s25 =	sadd.s32 s0, s11  }
0x6a: {  	s12 =	sor.u32 s24, s7;
	s30 =	sadd.s32 s0, s26;
	[smem:$0x7DF] =	sst s25  }
0x6b: {  	s28 =	sor.u32 s24, s9;
	s11 =	sadd.s32 s0, s31;
	[smem:$0x7E0] =	sst s30  }
0x6c: {  	s31 =	sor.u32 s24, s8;
	[smem:$0x7E1] =	sst s11;
	s30 =	sshrl.u32 s12, $0x3  }
0x6d: {  	s26 =	sshrl.u32 s31, $0x3;
	s12 =	sshrl.u32 s28, $0x3;
	s25 =	sadd.s32 s0, s30  }
0x6e: {  	s31 =	sor.u32 s24, s10;
	s11 =	sadd.s32 s0, s26;
	[smem:$0x7E2] =	sst s25  }
0x6f: {  	s28 =	sor.u32 s24, s15;
	s30 =	sadd.s32 s0, s12;
	[smem:$0x7E3] =	sst s11  }
0x70: {  	s12 =	sor.u32 s24, s14;
	[smem:$0x7E4] =	sst s30;
	s11 =	sshrl.u32 s31, $0x3  }
0x71: {  	s26 =	sshrl.u32 s12, $0x3;
	s31 =	sshrl.u32 s28, $0x3;
	s25 =	sadd.s32 s0, s11  }
0x72: {  	s12 =	sor.u32 s24, s16;
	s30 =	sadd.s32 s0, s26;
	[smem:$0x7E5] =	sst s25  }
0x73: {  	s28 =	sor.u32 s24, s19;
	s11 =	sadd.s32 s0, s31;
	[smem:$0x7E6] =	sst s30  }
0x74: {  	s26 =	sshrl.u32 s12, $0x3;
	[smem:$0x7E7] =	sst s11;
	s30 =	sor.u32 s24, s18  }
0x75: {  	s25 =	sadd.s32 s0, s26;
	s11 =	sshrl.u32 s28, $0x3;
	s26 =	sshrl.u32 s30, $0x3  }
0x76: {  	[smem:$0x7E8] =	sst s25;
	s12 =	sadd.s32 s0, s11;
	s30 =	sor.u32 s24, s20  }
0x77: {  	s31 =	sadd.s32 s0, s26;
	[smem:$0x7EA] =	sst s12;
	s26 =	sor.u32 $0xA, s4  }
0x78: {  	s25 =	sshrl.u32 s30, $0x3;
	s4 =	sshll.u32 s4, $0x12;
	[smem:$0x7E9] =	sst s31  }
0x79: {  	[smem:$0x7DB] =	sst s26;
	s31 =	sor.u32 s24, s23;
	s24 =	sshll.u32 s26, $0x16  }
0x7a: {  	s25 =	sadd.s32 s0, s25;
	s26 =	sshrl.u32 s31, $0x3;
	s28 =	sor.u32 s24, s29  }
0x7b: {  	[smem:$0x7EB] =	sst s25;
	s13 =	sor.u32 s24, s13;
	s17 =	sor.u32 s24, s17  }
0x7c: {  	s21 =	sor.u32 s24, s21;
	s25 =	sor.u32 s24, s7;
	s16 =	sor.u32 s24, s16  }
0x7d: {  	s11 =	sadd.s32 s0, s26;
	s12 =	sshrl.u32 s28, $0x3;
	s13 =	sshrl.u32 s13, $0x3  }
0x7e: {  	s17 =	sshrl.u32 s17, $0x3;
	s31 =	sshrl.u32 s21, $0x3;
	s21 =	sor.u32 s24, s6  }
0x7f: {  	[smem:$0x7EC] =	sst s11;
	s26 =	sadd.s32 s0, s12;
	s13 =	sadd.s32 s0, s13  }
0x80: {  	s30 =	sadd.s32 s0, s17;
	s11 =	sadd.s32 s0, s31;
	[smem:$0x7ED] =	sst s26  }
0x81: {  	s17 =	sadd.s32 $0x600, s3;
	s12 =	sor.u32 s4, s29;
	[smem:$0x7EE] =	sst s13  }
0x82: {  	s31 =	sor.u32 s24, s9;
	s9 =	sor.u32 s24, s10;
	[smem:$0x7EF] =	sst s30  }
0x83: {  	[smem:$0x7F0] =	sst s11;
	s13 =	sshll.u32 s5, $0x12;
	s3 =	sshrl.u32 s12, $0x3  }
0x84: {  	s5 =	sshrl.u32 s21, $0x3;
	s26 =	sshrl.u32 s25, $0x3;
	s30 =	sor.u32 s24, s8  }
0x85: {  	s7 =	sshrl.u32 s31, $0x3;
	s10 =	sshrl.u32 s9, $0x3;
	s11 =	sor.u32 s24, s14  }
0x86: {  	s12 =	sor.u32 s24, s15;
	s21 =	sshrl.u32 s16, $0x3;
	s25 =	sor.u32 s24, s18  }
0x87: {  	s9 =	sor.u32 s24, s23;
	s4 =	sor.u32 s13, s29;
	s5 =	sadd.s32 s0, s5  }
0x88: {  	s3 =	sadd.s32 s17, s3;
	s8 =	sadd.s32 s0, s7;
	[smem:$0x7F1] =	sst s5  }
0x89: {  	s6 =	sshrl.u32 s30, $0x3;
	s14 =	sshrl.u32 s12, $0x3;
	[smem:$0x7F4] =	sst s8  }
0x8a: {  	[tilespmem:s2], [sflag:$0x1] =	stream.linear.gather [hbm4b:s3+s2], $0x4000, $0x38;
	[tilespmem:$0x17400] =	vst v63  }
0x8b: {  	s7 =	sor.u32 s24, s20;
	s5 =	sadd.s32 s0, s26;
	[smem:$0x7B2] =	sst s3  }
0x8c: {  	s4 =	sshrl.u32 s4, $0x3;
	s6 =	sadd.s32 s0, s6;
	[smem:$0x7F2] =	sst s5  }
0x8d: {  	s15 =	sadd.s32 s0, s14;
	s8 =	sshrl.u32 s7, $0x3;
	[smem:$0x7F3] =	sst s6  }
0x8e: {  	s7 =	simm.s32 $0x4000;
	s5 =	sadd.s32 s0, s10;
	[smem:$0x7F7] =	sst s15  }
0x8f: {  	s4 =	sadd.s32 s17, s4;
	s6 =	sshrl.u32 s11, $0x3;
	[smem:$0x7F5] =	sst s5  }
0x90: {  	[tilespmem:s7], [sflag:$0x1] =	stream.linear.gather [hbm4b:s3+s2], $0x3C00, $0x38;
	[tilespmem:$0x17400] =	vst v63  }
0x91: {  	s26 =	sor.u32 s24, s19;
	s13 =	sadd.s32 s0, s6;
	[smem:$0x7B3] =	sst s4  }
0x92: {  	s5 =	sadd.s32 s0, s21;
	s6 =	sshrl.u32 s25, $0x3;
	[smem:$0x7F6] =	sst s13  }
0x93: {  	s31 =	sshrl.u32 s26, $0x3;
	[smem:$0x7F8] =	sst s5;
	s30 =	sadd.s32 s0, s6  }
0x94: {  	s24 =	simm.s32 $0x7C00;
	s6 =	sadd.s32 s0, s31;
	[smem:$0x7F9] =	sst s30  }
0x95: {  	s5 =	sadd.s32 s0, s8;
	[smem:$0x7FA] =	sst s6;
	s6 =	sshrl.u32 s9, $0x3  }
0x96: {  	[tilespmem:s24], [sflag:$0x2] =	stream.linear.gather [hbm4b:s4+s2], $0x4000, $0x38;
	[tilespmem:$0x17400] =	vst v63  }
0x97: {  	[smem:$0x7FB] =	sst s5;
	s0 =	sadd.s32 s0, s6  }
0x98: {  	s13 =	simm.s32 $0xBC00;
	s8 =	simm.s32 $0x1;
	[smem:$0x7FC] =	sst s0  }
0x99: {  	[tilespmem:s13], [sflag:$0x2] =	stream.linear.gather [hbm4b:s4+s2], $0x3C00, $0x38;
	[tilespmem:$0x17400] =	vst v63  }
0x9a: {  	_ =	swait.ge [sflag:s8], $0x4000  }
0x9b: {  	[sflag:s8] =	ssyncset.done $0x0  }
0x9c: {  	[sflag:s8] =	ssyncadd.s32 $0xFFFFC000  }
0x9d: {  	_ =	swait.ge [sflag:s8], $0x3C00  }
0x9e: {  	[sflag:s8] =	ssyncset.done $0x0  }
0x9f: {  	s11 =	simm.s32 $0x3C00;
	s10 =	rddreg [dreg:$0x3];
	[sflag:s8] =	ssyncadd.s32 $0xFFFFC400  }
0xa0: {  	[hbm4b:s10+s2] =	stream.linear.scatter [tilespmem:s11], [sflag:$0x1], $0x4000, $0x38;
	[tilespmem:$0x17400] =	vst v63  }
0xa1: {  	s14 =	simm.s32 $0x3800;
	s12 =	rddreg [dreg:$0x4]  }
0xa2: {  	[hbm4b:s12+s2] =	stream.linear.scatter [tilespmem:s14], [sflag:$0x1], $0x4000, $0x38;
	[tilespmem:$0x17400] =	vst v63  }
0xa3: {  	s16 =	simm.s32 $0x3400;
	s15 =	rddreg [dreg:$0x5]  }
0xa4: {  	[hbm4b:s15+s2] =	stream.linear.scatter [tilespmem:s16], [sflag:$0x1], $0x4000, $0x38;
	[tilespmem:$0x17400] =	vst v63  }
0xa5: {  	s19 =	simm.s32 $0x3000;
	s18 =	rddreg [dreg:$0x6]  }
0xa6: {  	[hbm4b:s18+s2] =	stream.linear.scatter [tilespmem:s19], [sflag:$0x1], $0x4000, $0x38;
	[tilespmem:$0x17400] =	vst v63  }
0xa7: {  	s21 =	simm.s32 $0x2C00;
	s20 =	rddreg [dreg:$0x7]  }
0xa8: {  	[hbm4b:s20+s2] =	stream.linear.scatter [tilespmem:s21], [sflag:$0x1], $0x4000, $0x38;
	[tilespmem:$0x17400] =	vst v63  }
0xa9: {  	s25 =	simm.s32 $0x2800;
	s23 =	rddreg [dreg:$0x8]  }
0xaa: {  	[hbm4b:s23+s2] =	stream.linear.scatter [tilespmem:s25], [sflag:$0x1], $0x4000, $0x38;
	[tilespmem:$0x17400] =	vst v63  }
0xab: {  	s30 =	simm.s32 $0x2400;
	s26 =	rddreg [dreg:$0x9]  }
0xac: {  	[hbm4b:s26+s2] =	stream.linear.scatter [tilespmem:s30], [sflag:$0x1], $0x4000, $0x38;
	[tilespmem:$0x17400] =	vst v63  }
0xad: {  	s0 =	simm.s32 $0x2000;
	s31 =	rddreg [dreg:$0xa]  }
0xae: {  	[hbm4b:s31+s2] =	stream.linear.scatter [tilespmem:s0], [sflag:$0x1], $0x4000, $0x38;
	[tilespmem:$0x17400] =	vst v63  }
0xaf: {  	s5 =	simm.s32 $0x1C00;
	s4 =	rddreg [dreg:$0xb]  }
0xb0: {  	[hbm4b:s4+s2] =	stream.linear.scatter [tilespmem:s5], [sflag:$0x1], $0x4000, $0x38;
	[tilespmem:$0x17400] =	vst v63  }
0xb1: {  	s9 =	simm.s32 $0x1800;
	s6 =	rddreg [dreg:$0xc]  }
0xb2: {  	[hbm4b:s6+s2] =	stream.linear.scatter [tilespmem:s9], [sflag:$0x1], $0x4000, $0x38;
	[tilespmem:$0x17400] =	vst v63  }
0xb3: {  	s10 =	rddreg [dreg:$0xd];
	s31 =	simm.s32 $0x1400  }
0xb4: {  	[hbm4b:s10+s2] =	stream.linear.scatter [tilespmem:s31], [sflag:$0x1], $0x4000, $0x38;
	[tilespmem:$0x17400] =	vst v63  }
0xb5: {  	s11 =	rddreg [dreg:$0xe];
	s30 =	simm.s32 $0x1000  }
0xb6: {  	[hbm4b:s11+s2] =	stream.linear.scatter [tilespmem:s30], [sflag:$0x1], $0x4000, $0x38;
	[tilespmem:$0x17400] =	vst v63  }
0xb7: {  	s12 =	rddreg [dreg:$0xf];
	s26 =	simm.s32 $0xC00  }
0xb8: {  	[hbm4b:s12+s2] =	stream.linear.scatter [tilespmem:s26], [sflag:$0x1], $0x4000, $0x38;
	[tilespmem:$0x17400] =	vst v63  }
0xb9: {  	s14 =	rddreg [dreg:$0x10];
	s18 =	sshll.u32 s22, $0x12;
	s25 =	simm.s32 $0x800  }
0xba: {  	[hbm4b:s14+s2] =	stream.linear.scatter [tilespmem:s25], [sflag:$0x1], $0x4000, $0x38;
	[tilespmem:$0x17400] =	vst v63  }
0xbb: {  	s15 =	rddreg [dreg:$0x11];
	s23 =	simm.s32 $0x400;
	s0 =	sor.u32 s18, s29  }
0xbc: {  	[hbm4b:s15+s2] =	stream.linear.scatter [tilespmem:s23], [sflag:$0x1], $0x4000, $0x38;
	[tilespmem:$0x17400] =	vst v63  }
0xbd: {  	s16 =	rddreg [dreg:$0x12];
	s0 =	sshrl.u32 s0, $0x3  }
0xbe: {  	[hbm4b:s16+s2] =	stream.linear.scatter [tilespmem:s2], [sflag:$0x1], $0x4000, $0x38;
	[tilespmem:$0x17400] =	vst v63  }
0xbf: {  	s3 =	simm.s32 $0xF800;
	s0 =	sadd.s32 s17, s0  }
0xc0: {  	[tilespmem:s3], [sflag:$0x3] =	stream.linear.gather [hbm4b:s0+s2], $0x4000, $0x38;
	[tilespmem:$0x17400] =	vst v63  }
0xc1: {  	s28 =	simm.s32 $0x2;
	s19 =	simm.s32 $0x13800;
	[smem:$0x7B4] =	sst s0  }
0xc2: {  	[tilespmem:s19], [sflag:$0x3] =	stream.linear.gather [hbm4b:s0+s2], $0x3C00, $0x38;
	[tilespmem:$0x17400] =	vst v63  }
0xc3: {  	_ =	swait.ge [sflag:s28], $0x4000  }
0xc4: {  	[sflag:s28] =	ssyncset.done $0x0  }
0xc5: {  	[sflag:s28] =	ssyncadd.s32 $0xFFFFC000  }
0xc6: {  	_ =	swait.ge [sflag:s28], $0x3C00  }
0xc7: {  	s20 =	rddreg [dreg:$0x13];
	[sflag:s28] =	ssyncset.done $0x0  }
0xc8: {  	s21 =	simm.s32 $0xB800;
	s22 =	rddreg [dreg:$0x14];
	[sflag:s28] =	ssyncadd.s32 $0xFFFFC400  }
0xc9: {  	[hbm4b:s20+s2] =	stream.linear.scatter [tilespmem:s21], [sflag:$0x2], $0x4000, $0x38;
	[tilespmem:$0x17400] =	vst v63  }
0xca: {  	s0 =	simm.s32 $0xB400;
	s6 =	rddreg [dreg:$0x15]  }
0xcb: {  	[hbm4b:s22+s2] =	stream.linear.scatter [tilespmem:s0], [sflag:$0x2], $0x4000, $0x38;
	[tilespmem:$0x17400] =	vst v63  }
0xcc: {  	s9 =	simm.s32 $0xB000;
	s10 =	rddreg [dreg:$0x16]  }
0xcd: {  	[hbm4b:s6+s2] =	stream.linear.scatter [tilespmem:s9], [sflag:$0x2], $0x4000, $0x38;
	[tilespmem:$0x17400] =	vst v63  }
0xce: {  	s11 =	simm.s32 $0xAC00;
	s12 =	rddreg [dreg:$0x17]  }
0xcf: {  	[hbm4b:s10+s2] =	stream.linear.scatter [tilespmem:s11], [sflag:$0x2], $0x4000, $0x38;
	[tilespmem:$0x17400] =	vst v63  }
0xd0: {  	s14 =	simm.s32 $0xA800;
	s15 =	rddreg [dreg:$0x18]  }
0xd1: {  	[hbm4b:s12+s2] =	stream.linear.scatter [tilespmem:s14], [sflag:$0x2], $0x4000, $0x38;
	[tilespmem:$0x17400] =	vst v63  }
0xd2: {  	s16 =	simm.s32 $0xA400;
	s18 =	rddreg [dreg:$0x19]  }
0xd3: {  	[hbm4b:s15+s2] =	stream.linear.scatter [tilespmem:s16], [sflag:$0x2], $0x4000, $0x38;
	[tilespmem:$0x17400] =	vst v63  }
0xd4: {  	s19 =	simm.s32 $0xA000;
	s20 =	rddreg [dreg:$0x1a]  }
0xd5: {  	[hbm4b:s18+s2] =	stream.linear.scatter [tilespmem:s19], [sflag:$0x2], $0x4000, $0x38;
	[tilespmem:$0x17400] =	vst v63  }
0xd6: {  	s21 =	simm.s32 $0x9C00;
	s22 =	rddreg [dreg:$0x1b]  }
0xd7: {  	[hbm4b:s20+s2] =	stream.linear.scatter [tilespmem:s21], [sflag:$0x2], $0x4000, $0x38;
	[tilespmem:$0x17400] =	vst v63  }
0xd8: {  	s5 =	simm.s32 $0x9800;
	s6 =	rddreg [dreg:$0x1c]  }
0xd9: {  	[hbm4b:s22+s2] =	stream.linear.scatter [tilespmem:s5], [sflag:$0x2], $0x4000, $0x38;
	[tilespmem:$0x17400] =	vst v63  }
0xda: {  	s9 =	simm.s32 $0x9400;
	s10 =	rddreg [dreg:$0x1d]  }
0xdb: {  	[hbm4b:s6+s2] =	stream.linear.scatter [tilespmem:s9], [sflag:$0x2], $0x4000, $0x38;
	[tilespmem:$0x17400] =	vst v63  }
0xdc: {  	s11 =	simm.s32 $0x9000;
	s12 =	rddreg [dreg:$0x1e]  }
0xdd: {  	[hbm4b:s10+s2] =	stream.linear.scatter [tilespmem:s11], [sflag:$0x2], $0x4000, $0x38;
	[tilespmem:$0x17400] =	vst v63  }
0xde: {  	s14 =	simm.s32 $0x8C00;
	s15 =	rddreg [dreg:$0x1f]  }
0xdf: {  	[hbm4b:s12+s2] =	stream.linear.scatter [tilespmem:s14], [sflag:$0x2], $0x4000, $0x38;
	[tilespmem:$0x17400] =	vst v63  }
0xe0: {  	s16 =	simm.s32 $0x8800;
	s18 =	sld [smem:$0x7B5]  }
0xe1: {  	[hbm4b:s15+s2] =	stream.linear.scatter [tilespmem:s16], [sflag:$0x2], $0x4000, $0x38;
	[tilespmem:$0x17400] =	vst v63  }
0xe2: {  	s19 =	simm.s32 $0x8400;
	s20 =	sld [smem:$0x7B6]  }
0xe3: {  	[hbm4b:s18+s2] =	stream.linear.scatter [tilespmem:s19], [sflag:$0x2], $0x4000, $0x38;
	[tilespmem:$0x17400] =	vst v63  }
0xe4: {  	s21 =	simm.s32 $0x8000;
	s22 =	sld [smem:$0x7B7]  }
0xe5: {  	[hbm4b:s20+s2] =	stream.linear.scatter [tilespmem:s21], [sflag:$0x2], $0x4000, $0x38;
	[tilespmem:$0x17400] =	vst v63  }
0xe6: {  	_ = 	snop  }
0xe7: {  	[hbm4b:s22+s2] =	stream.linear.scatter [tilespmem:s24], [sflag:$0x2], $0x4000, $0x38;
	[tilespmem:$0x17400] =	vst v63  }
0xe8: {  	_ =	swait.ge [sflag:s8], $0x4000  }
0xe9: {  	[sflag:s8] =	ssyncset.done $0x0  }
0xea: {  	[sflag:s8] =	ssyncadd.s32 $0xFFFFC000  }
0xeb: {  	_ =	swait.ge [sflag:s8], $0x4000  }
0xec: {  	[sflag:s8] =	ssyncset.done $0x0  }
0xed: {  	[sflag:s8] =	ssyncadd.s32 $0xFFFFC000  }
0xee: {  	_ =	swait.ge [sflag:s8], $0x4000  }
0xef: {  	[sflag:s8] =	ssyncset.done $0x0  }
0xf0: {  	[sflag:s8] =	ssyncadd.s32 $0xFFFFC000  }
0xf1: {  	_ =	swait.ge [sflag:s8], $0x4000  }
0xf2: {  	[sflag:s8] =	ssyncset.done $0x0  }
0xf3: {  	[sflag:s8] =	ssyncadd.s32 $0xFFFFC000  }
0xf4: {  	_ =	swait.ge [sflag:s8], $0x4000  }
0xf5: {  	[sflag:s8] =	ssyncset.done $0x0  }
0xf6: {  	[sflag:s8] =	ssyncadd.s32 $0xFFFFC000  }
0xf7: {  	_ =	swait.ge [sflag:s8], $0x4000  }
0xf8: {  	[sflag:s8] =	ssyncset.done $0x0  }
0xf9: {  	[sflag:s8] =	ssyncadd.s32 $0xFFFFC000  }
0xfa: {  	_ =	swait.ge [sflag:s8], $0x4000  }
0xfb: {  	[sflag:s8] =	ssyncset.done $0x0  }
0xfc: {  	[sflag:s8] =	ssyncadd.s32 $0xFFFFC000  }
0xfd: {  	_ =	swait.ge [sflag:s8], $0x4000  }
0xfe: {  	[sflag:s8] =	ssyncset.done $0x0  }
0xff: {  	[sflag:s8] =	ssyncadd.s32 $0xFFFFC000  }
0x100: {  	_ =	swait.ge [sflag:s8], $0x4000  }
0x101: {  	[sflag:s8] =	ssyncset.done $0x0  }
0x102: {  	[sflag:s8] =	ssyncadd.s32 $0xFFFFC000  }
0x103: {  	_ =	swait.ge [sflag:s8], $0x4000  }
0x104: {  	[sflag:s8] =	ssyncset.done $0x0  }
0x105: {  	[sflag:s8] =	ssyncadd.s32 $0xFFFFC000  }
0x106: {  	_ =	swait.ge [sflag:s8], $0x4000  }
0x107: {  	[sflag:s8] =	ssyncset.done $0x0  }
0x108: {  	[sflag:s8] =	ssyncadd.s32 $0xFFFFC000  }
0x109: {  	_ =	swait.ge [sflag:s8], $0x4000  }
0x10a: {  	[sflag:s8] =	ssyncset.done $0x0  }
0x10b: {  	[sflag:s8] =	ssyncadd.s32 $0xFFFFC000  }
0x10c: {  	_ =	swait.ge [sflag:s8], $0x4000  }
0x10d: {  	[sflag:s8] =	ssyncset.done $0x0  }
0x10e: {  	[sflag:s8] =	ssyncadd.s32 $0xFFFFC000  }
0x10f: {  	_ =	swait.ge [sflag:s8], $0x4000  }
0x110: {  	[sflag:s8] =	ssyncset.done $0x0  }
0x111: {  	[sflag:s8] =	ssyncadd.s32 $0xFFFFC000  }
0x112: {  	_ =	swait.ge [sflag:s8], $0x4000  }
0x113: {  	[sflag:s8] =	ssyncset.done $0x0  }
0x114: {  	s6 =	sshll.u32 s1, $0x12;
	[sflag:s8] =	ssyncadd.s32 $0xFFFFC000  }
0x115: {  	s0 =	sor.u32 s6, s29;
	_ =	swait.ge [sflag:s8], $0x4000  }
0x116: {  	s0 =	sshrl.u32 s0, $0x3;
	[sflag:s8] =	ssyncset.done $0x0  }
0x117: {  	s0 =	sadd.s32 s17, s0;
	[sflag:s8] =	ssyncadd.s32 $0xFFFFC000  }
0x118: {  	[tilespmem:s2], [sflag:$0x1] =	stream.linear.gather [hbm4b:s0+s2], $0x4000, $0x38;
	[tilespmem:$0x17400] =	vst v63  }
0x119: {  	s18 =	simm.s32 $0x3;
	[smem:$0x7B8] =	sst s0  }
0x11a: {  	[tilespmem:s7], [sflag:$0x1] =	stream.linear.gather [hbm4b:s0+s2], $0x3C00, $0x38;
	[tilespmem:$0x17400] =	vst v63  }
0x11b: {  	_ =	swait.ge [sflag:s18], $0x4000  }
0x11c: {  	[sflag:s18] =	ssyncset.done $0x0  }
0x11d: {  	[sflag:s18] =	ssyncadd.s32 $0xFFFFC000  }
0x11e: {  	_ =	swait.ge [sflag:s18], $0x3C00  }
0x11f: {  	s7 =	sld [smem:$0x7B9]  }
0x120: {  	[sflag:s18] =	ssyncset.done $0x0  }
0x121: {  	s22 =	simm.s32 $0x13400;
	s9 =	sld [smem:$0x7BA];
	[sflag:s18] =	ssyncadd.s32 $0xFFFFC400  }
0x122: {  	[hbm4b:s7+s2] =	stream.linear.scatter [tilespmem:s22], [sflag:$0x3], $0x4000, $0x38;
	[tilespmem:$0x17400] =	vst v63  }
0x123: {  	s21 =	simm.s32 $0x13000;
	s10 =	sld [smem:$0x7BB]  }
0x124: {  	[hbm4b:s9+s2] =	stream.linear.scatter [tilespmem:s21], [sflag:$0x3], $0x4000, $0x38;
	[tilespmem:$0x17400] =	vst v63  }
0x125: {  	s20 =	simm.s32 $0x12C00;
	s11 =	sld [smem:$0x7BC]  }
0x126: {  	[hbm4b:s10+s2] =	stream.linear.scatter [tilespmem:s20], [sflag:$0x3], $0x4000, $0x38;
	[tilespmem:$0x17400] =	vst v63  }
0x127: {  	s19 =	simm.s32 $0x12800;
	s12 =	sld [smem:$0x7BD]  }
0x128: {  	[hbm4b:s11+s2] =	stream.linear.scatter [tilespmem:s19], [sflag:$0x3], $0x4000, $0x38;
	[tilespmem:$0x17400] =	vst v63  }
0x129: {  	s16 =	simm.s32 $0x12400;
	s14 =	sld [smem:$0x7BE]  }
0x12a: {  	[hbm4b:s12+s2] =	stream.linear.scatter [tilespmem:s16], [sflag:$0x3], $0x4000, $0x38;
	[tilespmem:$0x17400] =	vst v63  }
0x12b: {  	s15 =	simm.s32 $0x12000;
	s4 =	sld [smem:$0x7BF]  }
0x12c: {  	[hbm4b:s14+s2] =	stream.linear.scatter [tilespmem:s15], [sflag:$0x3], $0x4000, $0x38;
	[tilespmem:$0x17400] =	vst v63  }
0x12d: {  	s5 =	sld [smem:$0x7C0];
	s14 =	simm.s32 $0x11C00  }
0x12e: {  	[hbm4b:s4+s2] =	stream.linear.scatter [tilespmem:s14], [sflag:$0x3], $0x4000, $0x38;
	[tilespmem:$0x17400] =	vst v63  }
0x12f: {  	s6 =	simm.s32 $0x11800;
	s7 =	sld [smem:$0x7C1]  }
0x130: {  	[hbm4b:s5+s2] =	stream.linear.scatter [tilespmem:s6], [sflag:$0x3], $0x4000, $0x38;
	[tilespmem:$0x17400] =	vst v63  }
0x131: {  	s9 =	sld [smem:$0x7C2];
	s4 =	simm.s32 $0x11400  }
0x132: {  	[hbm4b:s7+s2] =	stream.linear.scatter [tilespmem:s4], [sflag:$0x3], $0x4000, $0x38;
	[tilespmem:$0x17400] =	vst v63  }
0x133: {  	s1 =	simm.s32 $0x11000;
	s10 =	sld [smem:$0x7C3]  }
0x134: {  	[hbm4b:s9+s2] =	stream.linear.scatter [tilespmem:s1], [sflag:$0x3], $0x4000, $0x38;
	[tilespmem:$0x17400] =	vst v63  }
0x135: {  	s11 =	sld [smem:$0x7C4];
	s5 =	simm.s32 $0x10C00  }
0x136: {  	[hbm4b:s10+s2] =	stream.linear.scatter [tilespmem:s5], [sflag:$0x3], $0x4000, $0x38;
	[tilespmem:$0x17400] =	vst v63  }
0x137: {  	s12 =	sld [smem:$0x7C5];
	s7 =	simm.s32 $0x10800  }
0x138: {  	[hbm4b:s11+s2] =	stream.linear.scatter [tilespmem:s7], [sflag:$0x3], $0x4000, $0x38;
	[tilespmem:$0x17400] =	vst v63  }
0x139: {  	s0 =	sld [smem:$0x7C6];
	s9 =	simm.s32 $0x10400  }
0x13a: {  	[hbm4b:s12+s2] =	stream.linear.scatter [tilespmem:s9], [sflag:$0x3], $0x4000, $0x38;
	[tilespmem:$0x17400] =	vst v63  }
0x13b: {  	s10 =	simm.s32 $0x10000;
	s12 =	sld [smem:$0x7C7]  }
0x13c: {  	[hbm4b:s0+s2] =	stream.linear.scatter [tilespmem:s10], [sflag:$0x3], $0x4000, $0x38;
	[tilespmem:$0x17400] =	vst v63  }
0x13d: {  	s11 =	sld [smem:$0x7C8];
	s0 =	simm.s32 $0xFC00  }
0x13e: {  	[hbm4b:s12+s2] =	stream.linear.scatter [tilespmem:s0], [sflag:$0x3], $0x4000, $0x38;
	[tilespmem:$0x17400] =	vst v63  }
0x13f: {  	_ = 	snop  }
0x140: {  	[hbm4b:s11+s2] =	stream.linear.scatter [tilespmem:s3], [sflag:$0x3], $0x4000, $0x38;
	[tilespmem:$0x17400] =	vst v63  }
0x141: {  	_ =	swait.ge [sflag:s28], $0x4000  }
0x142: {  	[sflag:s28] =	ssyncset.done $0x0  }
0x143: {  	[sflag:s28] =	ssyncadd.s32 $0xFFFFC000  }
0x144: {  	_ =	swait.ge [sflag:s28], $0x4000  }
0x145: {  	[sflag:s28] =	ssyncset.done $0x0  }
0x146: {  	[sflag:s28] =	ssyncadd.s32 $0xFFFFC000  }
0x147: {  	_ =	swait.ge [sflag:s28], $0x4000  }
0x148: {  	[sflag:s28] =	ssyncset.done $0x0  }
0x149: {  	[sflag:s28] =	ssyncadd.s32 $0xFFFFC000  }
0x14a: {  	_ =	swait.ge [sflag:s28], $0x4000  }
0x14b: {  	[sflag:s28] =	ssyncset.done $0x0  }
0x14c: {  	[sflag:s28] =	ssyncadd.s32 $0xFFFFC000  }
0x14d: {  	_ =	swait.ge [sflag:s28], $0x4000  }
0x14e: {  	[sflag:s28] =	ssyncset.done $0x0  }
0x14f: {  	[sflag:s28] =	ssyncadd.s32 $0xFFFFC000  }
0x150: {  	_ =	swait.ge [sflag:s28], $0x4000  }
0x151: {  	[sflag:s28] =	ssyncset.done $0x0  }
0x152: {  	[sflag:s28] =	ssyncadd.s32 $0xFFFFC000  }
0x153: {  	_ =	swait.ge [sflag:s28], $0x4000  }
0x154: {  	[sflag:s28] =	ssyncset.done $0x0  }
0x155: {  	[sflag:s28] =	ssyncadd.s32 $0xFFFFC000  }
0x156: {  	_ =	swait.ge [sflag:s28], $0x4000  }
0x157: {  	[sflag:s28] =	ssyncset.done $0x0  }
0x158: {  	[sflag:s28] =	ssyncadd.s32 $0xFFFFC000  }
0x159: {  	_ =	swait.ge [sflag:s28], $0x4000  }
0x15a: {  	[sflag:s28] =	ssyncset.done $0x0  }
0x15b: {  	[sflag:s28] =	ssyncadd.s32 $0xFFFFC000  }
0x15c: {  	_ =	swait.ge [sflag:s28], $0x4000  }
0x15d: {  	[sflag:s28] =	ssyncset.done $0x0  }
0x15e: {  	[sflag:s28] =	ssyncadd.s32 $0xFFFFC000  }
0x15f: {  	_ =	swait.ge [sflag:s28], $0x4000  }
0x160: {  	[sflag:s28] =	ssyncset.done $0x0  }
0x161: {  	[sflag:s28] =	ssyncadd.s32 $0xFFFFC000  }
0x162: {  	_ =	swait.ge [sflag:s28], $0x4000  }
0x163: {  	[sflag:s28] =	ssyncset.done $0x0  }
0x164: {  	[sflag:s28] =	ssyncadd.s32 $0xFFFFC000  }
0x165: {  	_ =	swait.ge [sflag:s28], $0x4000  }
0x166: {  	[sflag:s28] =	ssyncset.done $0x0  }
0x167: {  	[sflag:s28] =	ssyncadd.s32 $0xFFFFC000  }
0x168: {  	_ =	swait.ge [sflag:s28], $0x4000  }
0x169: {  	[sflag:s28] =	ssyncset.done $0x0  }
0x16a: {  	[sflag:s28] =	ssyncadd.s32 $0xFFFFC000  }
0x16b: {  	_ =	swait.ge [sflag:s28], $0x4000  }
0x16c: {  	s12 =	sld [smem:$0x7C9];
	_ =	sdelay $0x1  }
0x16d: {  	[sflag:s28] =	ssyncset.done $0x0  }
0x16e: {  	[sflag:s28] =	ssyncadd.s32 $0xFFFFC000;
	s11 =	sshll.u32 s12, $0x12  }
0x16f: {  	_ =	swait.ge [sflag:s28], $0x4000;
	s11 =	sor.u32 s11, s29  }
0x170: {  	[sflag:s28] =	ssyncset.done $0x0;
	s11 =	sshrl.u32 s11, $0x3  }
0x171: {  	[sflag:s28] =	ssyncadd.s32 $0xFFFFC000;
	s11 =	sadd.s32 s17, s11  }
0x172: {  	[tilespmem:s24], [sflag:$0x2] =	stream.linear.gather [hbm4b:s11+s2], $0x4000, $0x38;
	[tilespmem:$0x17400] =	vst v63  }
0x173: {  	[smem:$0x7CA] =	sst s11  }
0x174: {  	[tilespmem:s13], [sflag:$0x2] =	stream.linear.gather [hbm4b:s11+s2], $0x3C00, $0x38;
	[tilespmem:$0x17400] =	vst v63  }
0x175: {  	_ =	swait.ge [sflag:s8], $0x4000  }
0x176: {  	[sflag:s8] =	ssyncset.done $0x0  }
0x177: {  	[sflag:s8] =	ssyncadd.s32 $0xFFFFC000  }
0x178: {  	_ =	swait.ge [sflag:s8], $0x3C00  }
0x179: {  	s13 =	sld [smem:$0x7CB]  }
0x17a: {  	[sflag:s8] =	ssyncset.done $0x0  }
0x17b: {  	s11 =	simm.s32 $0x3C00;
	s12 =	sld [smem:$0x7CC];
	[sflag:s8] =	ssyncadd.s32 $0xFFFFC400  }
0x17c: {  	[hbm4b:s13+s2] =	stream.linear.scatter [tilespmem:s11], [sflag:$0x1], $0x4000, $0x38;
	[tilespmem:$0x17400] =	vst v63  }
0x17d: {  	s13 =	sld [smem:$0x7CD];
	s11 =	simm.s32 $0x3800  }
0x17e: {  	[hbm4b:s12+s2] =	stream.linear.scatter [tilespmem:s11], [sflag:$0x1], $0x4000, $0x38;
	[tilespmem:$0x17400] =	vst v63  }
0x17f: {  	s12 =	sld [smem:$0x7CE];
	s11 =	simm.s32 $0x3400  }
0x180: {  	[hbm4b:s13+s2] =	stream.linear.scatter [tilespmem:s11], [sflag:$0x1], $0x4000, $0x38;
	[tilespmem:$0x17400] =	vst v63  }
0x181: {  	s13 =	sld [smem:$0x7CF];
	s11 =	simm.s32 $0x3000  }
0x182: {  	[hbm4b:s12+s2] =	stream.linear.scatter [tilespmem:s11], [sflag:$0x1], $0x4000, $0x38;
	[tilespmem:$0x17400] =	vst v63  }
0x183: {  	s12 =	sld [smem:$0x7D0];
	s11 =	simm.s32 $0x2C00  }
0x184: {  	[hbm4b:s13+s2] =	stream.linear.scatter [tilespmem:s11], [sflag:$0x1], $0x4000, $0x38;
	[tilespmem:$0x17400] =	vst v63  }
0x185: {  	s13 =	sld [smem:$0x7D1];
	s11 =	simm.s32 $0x2800  }
0x186: {  	[hbm4b:s12+s2] =	stream.linear.scatter [tilespmem:s11], [sflag:$0x1], $0x4000, $0x38;
	[tilespmem:$0x17400] =	vst v63  }
0x187: {  	s12 =	sld [smem:$0x7D2];
	s11 =	simm.s32 $0x2400  }
0x188: {  	[hbm4b:s13+s2] =	stream.linear.scatter [tilespmem:s11], [sflag:$0x1], $0x4000, $0x38;
	[tilespmem:$0x17400] =	vst v63  }
0x189: {  	s13 =	sld [smem:$0x7D3];
	s11 =	simm.s32 $0x2000  }
0x18a: {  	[hbm4b:s12+s2] =	stream.linear.scatter [tilespmem:s11], [sflag:$0x1], $0x4000, $0x38;
	[tilespmem:$0x17400] =	vst v63  }
0x18b: {  	s12 =	sld [smem:$0x7D4];
	s11 =	simm.s32 $0x1C00  }
0x18c: {  	[hbm4b:s13+s2] =	stream.linear.scatter [tilespmem:s11], [sflag:$0x1], $0x4000, $0x38;
	[tilespmem:$0x17400] =	vst v63  }
0x18d: {  	s13 =	sld [smem:$0x7D5];
	s11 =	simm.s32 $0x1800  }
0x18e: {  	[hbm4b:s12+s2] =	stream.linear.scatter [tilespmem:s11], [sflag:$0x1], $0x4000, $0x38;
	[tilespmem:$0x17400] =	vst v63  }
0x18f: {  	s12 =	sld [smem:$0x7D6]  }
0x190: {  	[hbm4b:s13+s2] =	stream.linear.scatter [tilespmem:s31], [sflag:$0x1], $0x4000, $0x38;
	[tilespmem:$0x17400] =	vst v63  }
0x191: {  	s11 =	sld [smem:$0x7D7]  }
0x192: {  	[hbm4b:s12+s2] =	stream.linear.scatter [tilespmem:s30], [sflag:$0x1], $0x4000, $0x38;
	[tilespmem:$0x17400] =	vst v63  }
0x193: {  	s30 =	sld [smem:$0x7D8]  }
0x194: {  	[hbm4b:s11+s2] =	stream.linear.scatter [tilespmem:s26], [sflag:$0x1], $0x4000, $0x38;
	[tilespmem:$0x17400] =	vst v63  }
0x195: {  	s31 =	sld [smem:$0x7D9]  }
0x196: {  	[hbm4b:s30+s2] =	stream.linear.scatter [tilespmem:s25], [sflag:$0x1], $0x4000, $0x38;
	[tilespmem:$0x17400] =	vst v63  }
0x197: {  	s11 =	sld [smem:$0x7DA]  }
0x198: {  	[hbm4b:s31+s2] =	stream.linear.scatter [tilespmem:s23], [sflag:$0x1], $0x4000, $0x38;
	[tilespmem:$0x17400] =	vst v63  }
0x199: {  	_ = 	snop  }
0x19a: {  	[hbm4b:s11+s2] =	stream.linear.scatter [tilespmem:s2], [sflag:$0x1], $0x4000, $0x38;
	[tilespmem:$0x17400] =	vst v63  }
0x19b: {  	_ =	swait.ge [sflag:s18], $0x4000  }
0x19c: {  	[sflag:s18] =	ssyncset.done $0x0  }
0x19d: {  	[sflag:s18] =	ssyncadd.s32 $0xFFFFC000  }
0x19e: {  	_ =	swait.ge [sflag:s18], $0x4000  }
0x19f: {  	[sflag:s18] =	ssyncset.done $0x0  }
0x1a0: {  	[sflag:s18] =	ssyncadd.s32 $0xFFFFC000  }
0x1a1: {  	_ =	swait.ge [sflag:s18], $0x4000  }
0x1a2: {  	[sflag:s18] =	ssyncset.done $0x0  }
0x1a3: {  	[sflag:s18] =	ssyncadd.s32 $0xFFFFC000  }
0x1a4: {  	_ =	swait.ge [sflag:s18], $0x4000  }
0x1a5: {  	[sflag:s18] =	ssyncset.done $0x0  }
0x1a6: {  	[sflag:s18] =	ssyncadd.s32 $0xFFFFC000  }
0x1a7: {  	_ =	swait.ge [sflag:s18], $0x4000  }
0x1a8: {  	[sflag:s18] =	ssyncset.done $0x0  }
0x1a9: {  	[sflag:s18] =	ssyncadd.s32 $0xFFFFC000  }
0x1aa: {  	_ =	swait.ge [sflag:s18], $0x4000  }
0x1ab: {  	[sflag:s18] =	ssyncset.done $0x0  }
0x1ac: {  	[sflag:s18] =	ssyncadd.s32 $0xFFFFC000  }
0x1ad: {  	_ =	swait.ge [sflag:s18], $0x4000  }
0x1ae: {  	[sflag:s18] =	ssyncset.done $0x0  }
0x1af: {  	[sflag:s18] =	ssyncadd.s32 $0xFFFFC000  }
0x1b0: {  	_ =	swait.ge [sflag:s18], $0x4000  }
0x1b1: {  	[sflag:s18] =	ssyncset.done $0x0  }
0x1b2: {  	[sflag:s18] =	ssyncadd.s32 $0xFFFFC000  }
0x1b3: {  	_ =	swait.ge [sflag:s18], $0x4000  }
0x1b4: {  	[sflag:s18] =	ssyncset.done $0x0  }
0x1b5: {  	[sflag:s18] =	ssyncadd.s32 $0xFFFFC000  }
0x1b6: {  	_ =	swait.ge [sflag:s18], $0x4000  }
0x1b7: {  	[sflag:s18] =	ssyncset.done $0x0  }
0x1b8: {  	[sflag:s18] =	ssyncadd.s32 $0xFFFFC000  }
0x1b9: {  	_ =	swait.ge [sflag:s18], $0x4000  }
0x1ba: {  	[sflag:s18] =	ssyncset.done $0x0  }
0x1bb: {  	[sflag:s18] =	ssyncadd.s32 $0xFFFFC000  }
0x1bc: {  	_ =	swait.ge [sflag:s18], $0x4000  }
0x1bd: {  	[sflag:s18] =	ssyncset.done $0x0  }
0x1be: {  	[sflag:s18] =	ssyncadd.s32 $0xFFFFC000  }
0x1bf: {  	_ =	swait.ge [sflag:s18], $0x4000  }
0x1c0: {  	[sflag:s18] =	ssyncset.done $0x0  }
0x1c1: {  	[sflag:s18] =	ssyncadd.s32 $0xFFFFC000  }
0x1c2: {  	_ =	swait.ge [sflag:s18], $0x4000  }
0x1c3: {  	[sflag:s18] =	ssyncset.done $0x0  }
0x1c4: {  	[sflag:s18] =	ssyncadd.s32 $0xFFFFC000  }
0x1c5: {  	_ =	swait.ge [sflag:s18], $0x4000  }
0x1c6: {  	s25 =	sld [smem:$0x7DB];
	_ =	sdelay $0x1  }
0x1c7: {  	[sflag:s18] =	ssyncset.done $0x0  }
0x1c8: {  	[sflag:s18] =	ssyncadd.s32 $0xFFFFC000;
	s26 =	sshll.u32 s25, $0x12  }
0x1c9: {  	_ =	swait.ge [sflag:s18], $0x4000;
	s12 =	sor.u32 s26, s29  }
0x1ca: {  	[sflag:s18] =	ssyncset.done $0x0;
	s12 =	sshrl.u32 s12, $0x3  }
0x1cb: {  	[sflag:s18] =	ssyncadd.s32 $0xFFFFC000;
	s30 =	sadd.s32 s17, s12  }
0x1cc: {  	[tilespmem:s3], [sflag:$0x3] =	stream.linear.gather [hbm4b:s30+s2], $0x4000, $0x38;
	[tilespmem:$0x17400] =	vst v63  }
0x1cd: {  	s31 =	simm.s32 $0x13800;
	[smem:$0x7DC] =	sst s30  }
0x1ce: {  	[tilespmem:s31], [sflag:$0x3] =	stream.linear.gather [hbm4b:s30+s2], $0x3C00, $0x38;
	[tilespmem:$0x17400] =	vst v63  }
0x1cf: {  	_ =	swait.ge [sflag:s28], $0x4000  }
0x1d0: {  	[sflag:s28] =	ssyncset.done $0x0  }
0x1d1: {  	[sflag:s28] =	ssyncadd.s32 $0xFFFFC000  }
0x1d2: {  	_ =	swait.ge [sflag:s28], $0x3C00  }
0x1d3: {  	s13 =	sld [smem:$0x7DD]  }
0x1d4: {  	[sflag:s28] =	ssyncset.done $0x0  }
0x1d5: {  	s23 =	simm.s32 $0xB800;
	s17 =	sld [smem:$0x7DE];
	[sflag:s28] =	ssyncadd.s32 $0xFFFFC400  }
0x1d6: {  	[hbm4b:s13+s2] =	stream.linear.scatter [tilespmem:s23], [sflag:$0x2], $0x4000, $0x38;
	[tilespmem:$0x17400] =	vst v63  }
0x1d7: {  	s26 =	simm.s32 $0xB400;
	s25 =	sld [smem:$0x7DF]  }
0x1d8: {  	[hbm4b:s17+s2] =	stream.linear.scatter [tilespmem:s26], [sflag:$0x2], $0x4000, $0x38;
	[tilespmem:$0x17400] =	vst v63  }
0x1d9: {  	s30 =	simm.s32 $0xB000;
	s29 =	sld [smem:$0x7E0]  }
0x1da: {  	[hbm4b:s25+s2] =	stream.linear.scatter [tilespmem:s30], [sflag:$0x2], $0x4000, $0x38;
	[tilespmem:$0x17400] =	vst v63  }
0x1db: {  	s31 =	sld [smem:$0x7E1];
	s17 =	simm.s32 $0xAC00  }
0x1dc: {  	[hbm4b:s29+s2] =	stream.linear.scatter [tilespmem:s17], [sflag:$0x2], $0x4000, $0x38;
	[tilespmem:$0x17400] =	vst v63  }
0x1dd: {  	s23 =	sld [smem:$0x7E2];
	s25 =	simm.s32 $0xA800  }
0x1de: {  	[hbm4b:s31+s2] =	stream.linear.scatter [tilespmem:s25], [sflag:$0x2], $0x4000, $0x38;
	[tilespmem:$0x17400] =	vst v63  }
0x1df: {  	s26 =	sld [smem:$0x7E3];
	s29 =	simm.s32 $0xA400  }
0x1e0: {  	[hbm4b:s23+s2] =	stream.linear.scatter [tilespmem:s29], [sflag:$0x2], $0x4000, $0x38;
	[tilespmem:$0x17400] =	vst v63  }
0x1e1: {  	s30 =	sld [smem:$0x7E4];
	s31 =	simm.s32 $0xA000  }
0x1e2: {  	[hbm4b:s26+s2] =	stream.linear.scatter [tilespmem:s31], [sflag:$0x2], $0x4000, $0x38;
	[tilespmem:$0x17400] =	vst v63  }
0x1e3: {  	s17 =	sld [smem:$0x7E5];
	s23 =	simm.s32 $0x9C00  }
0x1e4: {  	[hbm4b:s30+s2] =	stream.linear.scatter [tilespmem:s23], [sflag:$0x2], $0x4000, $0x38;
	[tilespmem:$0x17400] =	vst v63  }
0x1e5: {  	s25 =	sld [smem:$0x7E6];
	s26 =	simm.s32 $0x9800  }
0x1e6: {  	[hbm4b:s17+s2] =	stream.linear.scatter [tilespmem:s26], [sflag:$0x2], $0x4000, $0x38;
	[tilespmem:$0x17400] =	vst v63  }
0x1e7: {  	s29 =	sld [smem:$0x7E7];
	s30 =	simm.s32 $0x9400  }
0x1e8: {  	[hbm4b:s25+s2] =	stream.linear.scatter [tilespmem:s30], [sflag:$0x2], $0x4000, $0x38;
	[tilespmem:$0x17400] =	vst v63  }
0x1e9: {  	s31 =	sld [smem:$0x7E8];
	s17 =	simm.s32 $0x9000  }
0x1ea: {  	[hbm4b:s29+s2] =	stream.linear.scatter [tilespmem:s17], [sflag:$0x2], $0x4000, $0x38;
	[tilespmem:$0x17400] =	vst v63  }
0x1eb: {  	s23 =	sld [smem:$0x7E9];
	s25 =	simm.s32 $0x8C00  }
0x1ec: {  	[hbm4b:s31+s2] =	stream.linear.scatter [tilespmem:s25], [sflag:$0x2], $0x4000, $0x38;
	[tilespmem:$0x17400] =	vst v63  }
0x1ed: {  	s26 =	sld [smem:$0x7EA];
	s29 =	simm.s32 $0x8800  }
0x1ee: {  	[hbm4b:s23+s2] =	stream.linear.scatter [tilespmem:s29], [sflag:$0x2], $0x4000, $0x38;
	[tilespmem:$0x17400] =	vst v63  }
0x1ef: {  	s30 =	sld [smem:$0x7EB];
	s31 =	simm.s32 $0x8400  }
0x1f0: {  	[hbm4b:s26+s2] =	stream.linear.scatter [tilespmem:s31], [sflag:$0x2], $0x4000, $0x38;
	[tilespmem:$0x17400] =	vst v63  }
0x1f1: {  	s17 =	sld [smem:$0x7EC];
	s23 =	simm.s32 $0x8000  }
0x1f2: {  	[hbm4b:s30+s2] =	stream.linear.scatter [tilespmem:s23], [sflag:$0x2], $0x4000, $0x38;
	[tilespmem:$0x17400] =	vst v63  }
0x1f3: {  	_ = 	snop  }
0x1f4: {  	[hbm4b:s17+s2] =	stream.linear.scatter [tilespmem:s24], [sflag:$0x2], $0x4000, $0x38;
	[tilespmem:$0x17400] =	vst v63  }
0x1f5: {  	_ =	swait.ge [sflag:s18], $0x4000  }
0x1f6: {  	[sflag:s18] =	ssyncset.done $0x0  }
0x1f7: {  	[sflag:s18] =	ssyncadd.s32 $0xFFFFC000  }
0x1f8: {  	_ =	swait.ge [sflag:s18], $0x3C00  }
0x1f9: {  	s25 =	sld [smem:$0x7ED]  }
0x1fa: {  	[sflag:s18] =	ssyncset.done $0x0  }
0x1fb: {  	s26 =	sld [smem:$0x7EE];
	[sflag:s18] =	ssyncadd.s32 $0xFFFFC400  }
0x1fc: {  	[hbm4b:s25+s2] =	stream.linear.scatter [tilespmem:s22], [sflag:$0x3], $0x4000, $0x38;
	[tilespmem:$0x17400] =	vst v63  }
0x1fd: {  	s29 =	sld [smem:$0x7EF]  }
0x1fe: {  	[hbm4b:s26+s2] =	stream.linear.scatter [tilespmem:s21], [sflag:$0x3], $0x4000, $0x38;
	[tilespmem:$0x17400] =	vst v63  }
0x1ff: {  	s30 =	sld [smem:$0x7F0]  }
0x200: {  	[hbm4b:s29+s2] =	stream.linear.scatter [tilespmem:s20], [sflag:$0x3], $0x4000, $0x38;
	[tilespmem:$0x17400] =	vst v63  }
0x201: {  	s31 =	sld [smem:$0x7F1]  }
0x202: {  	[hbm4b:s30+s2] =	stream.linear.scatter [tilespmem:s19], [sflag:$0x3], $0x4000, $0x38;
	[tilespmem:$0x17400] =	vst v63  }
0x203: {  	s12 =	sld [smem:$0x7F2]  }
0x204: {  	[hbm4b:s31+s2] =	stream.linear.scatter [tilespmem:s16], [sflag:$0x3], $0x4000, $0x38;
	[tilespmem:$0x17400] =	vst v63  }
0x205: {  	s17 =	sld [smem:$0x7F3]  }
0x206: {  	[hbm4b:s12+s2] =	stream.linear.scatter [tilespmem:s15], [sflag:$0x3], $0x4000, $0x38;
	[tilespmem:$0x17400] =	vst v63  }
0x207: {  	s19 =	sld [smem:$0x7F4]  }
0x208: {  	[hbm4b:s17+s2] =	stream.linear.scatter [tilespmem:s14], [sflag:$0x3], $0x4000, $0x38;
	[tilespmem:$0x17400] =	vst v63  }
0x209: {  	s20 =	sld [smem:$0x7F5]  }
0x20a: {  	[hbm4b:s19+s2] =	stream.linear.scatter [tilespmem:s6], [sflag:$0x3], $0x4000, $0x38;
	[tilespmem:$0x17400] =	vst v63  }
0x20b: {  	s21 =	sld [smem:$0x7F6]  }
0x20c: {  	[hbm4b:s20+s2] =	stream.linear.scatter [tilespmem:s4], [sflag:$0x3], $0x4000, $0x38;
	[tilespmem:$0x17400] =	vst v63  }
0x20d: {  	s22 =	sld [smem:$0x7F7]  }
0x20e: {  	[hbm4b:s21+s2] =	stream.linear.scatter [tilespmem:s1], [sflag:$0x3], $0x4000, $0x38;
	[tilespmem:$0x17400] =	vst v63  }
0x20f: {  	s23 =	sld [smem:$0x7F8]  }
0x210: {  	[hbm4b:s22+s2] =	stream.linear.scatter [tilespmem:s5], [sflag:$0x3], $0x4000, $0x38;
	[tilespmem:$0x17400] =	vst v63  }
0x211: {  	s24 =	sld [smem:$0x7F9]  }
0x212: {  	[hbm4b:s23+s2] =	stream.linear.scatter [tilespmem:s7], [sflag:$0x3], $0x4000, $0x38;
	[tilespmem:$0x17400] =	vst v63  }
0x213: {  	s25 =	sld [smem:$0x7FA]  }
0x214: {  	[hbm4b:s24+s2] =	stream.linear.scatter [tilespmem:s9], [sflag:$0x3], $0x4000, $0x38;
	[tilespmem:$0x17400] =	vst v63  }
0x215: {  	s26 =	sld [smem:$0x7FB]  }
0x216: {  	[hbm4b:s25+s2] =	stream.linear.scatter [tilespmem:s10], [sflag:$0x3], $0x4000, $0x38;
	[tilespmem:$0x17400] =	vst v63  }
0x217: {  	s29 =	sld [smem:$0x7FC]  }
0x218: {  	[hbm4b:s26+s2] =	stream.linear.scatter [tilespmem:s0], [sflag:$0x3], $0x4000, $0x38;
	[tilespmem:$0x17400] =	vst v63  }
0x219: {  	_ = 	snop  }
0x21a: {  	[hbm4b:s29+s2] =	stream.linear.scatter [tilespmem:s3], [sflag:$0x3], $0x4000, $0x38;
	[tilespmem:$0x17400] =	vst v63  }
0x21b: {  	_ =	swait.ge [sflag:s8], $0x4000  }
0x21c: {  	[sflag:s8] =	ssyncset.done $0x0  }
0x21d: {  	[sflag:s8] =	ssyncadd.s32 $0xFFFFC000  }
0x21e: {  	_ =	swait.ge [sflag:s8], $0x4000  }
0x21f: {  	[sflag:s8] =	ssyncset.done $0x0  }
0x220: {  	[sflag:s8] =	ssyncadd.s32 $0xFFFFC000  }
0x221: {  	_ =	swait.ge [sflag:s8], $0x4000  }
0x222: {  	[sflag:s8] =	ssyncset.done $0x0  }
0x223: {  	[sflag:s8] =	ssyncadd.s32 $0xFFFFC000  }
0x224: {  	_ =	swait.ge [sflag:s8], $0x4000  }
0x225: {  	[sflag:s8] =	ssyncset.done $0x0  }
0x226: {  	[sflag:s8] =	ssyncadd.s32 $0xFFFFC000  }
0x227: {  	_ =	swait.ge [sflag:s8], $0x4000  }
0x228: {  	[sflag:s8] =	ssyncset.done $0x0  }
0x229: {  	[sflag:s8] =	ssyncadd.s32 $0xFFFFC000  }
0x22a: {  	_ =	swait.ge [sflag:s8], $0x4000  }
0x22b: {  	[sflag:s8] =	ssyncset.done $0x0  }
0x22c: {  	[sflag:s8] =	ssyncadd.s32 $0xFFFFC000  }
0x22d: {  	_ =	swait.ge [sflag:s8], $0x4000  }
0x22e: {  	[sflag:s8] =	ssyncset.done $0x0  }
0x22f: {  	[sflag:s8] =	ssyncadd.s32 $0xFFFFC000  }
0x230: {  	_ =	swait.ge [sflag:s8], $0x4000  }
0x231: {  	[sflag:s8] =	ssyncset.done $0x0  }
0x232: {  	[sflag:s8] =	ssyncadd.s32 $0xFFFFC000  }
0x233: {  	_ =	swait.ge [sflag:s8], $0x4000  }
0x234: {  	[sflag:s8] =	ssyncset.done $0x0  }
0x235: {  	[sflag:s8] =	ssyncadd.s32 $0xFFFFC000  }
0x236: {  	_ =	swait.ge [sflag:s8], $0x4000  }
0x237: {  	[sflag:s8] =	ssyncset.done $0x0  }
0x238: {  	[sflag:s8] =	ssyncadd.s32 $0xFFFFC000  }
0x239: {  	_ =	swait.ge [sflag:s8], $0x4000  }
0x23a: {  	[sflag:s8] =	ssyncset.done $0x0  }
0x23b: {  	[sflag:s8] =	ssyncadd.s32 $0xFFFFC000  }
0x23c: {  	_ =	swait.ge [sflag:s8], $0x4000  }
0x23d: {  	[sflag:s8] =	ssyncset.done $0x0  }
0x23e: {  	[sflag:s8] =	ssyncadd.s32 $0xFFFFC000  }
0x23f: {  	_ =	swait.ge [sflag:s8], $0x4000  }
0x240: {  	[sflag:s8] =	ssyncset.done $0x0  }
0x241: {  	[sflag:s8] =	ssyncadd.s32 $0xFFFFC000  }
0x242: {  	_ =	swait.ge [sflag:s8], $0x4000  }
0x243: {  	[sflag:s8] =	ssyncset.done $0x0  }
0x244: {  	[sflag:s8] =	ssyncadd.s32 $0xFFFFC000  }
0x245: {  	_ =	swait.ge [sflag:s8], $0x4000  }
0x246: {  	[sflag:s8] =	ssyncset.done $0x0  }
0x247: {  	[sflag:s8] =	ssyncadd.s32 $0xFFFFC000  }
0x248: {  	_ =	swait.ge [sflag:s8], $0x4000  }
0x249: {  	[sflag:s8] =	ssyncset.done $0x0  }
0x24a: {  	[sflag:s8] =	ssyncadd.s32 $0xFFFFC000  }
0x24b: {  	_ =	swait.ge [sflag:s28], $0x4000  }
0x24c: {  	[sflag:s28] =	ssyncset.done $0x0  }
0x24d: {  	[sflag:s28] =	ssyncadd.s32 $0xFFFFC000  }
0x24e: {  	_ =	swait.ge [sflag:s28], $0x4000  }
0x24f: {  	[sflag:s28] =	ssyncset.done $0x0  }
0x250: {  	[sflag:s28] =	ssyncadd.s32 $0xFFFFC000  }
0x251: {  	_ =	swait.ge [sflag:s28], $0x4000  }
0x252: {  	[sflag:s28] =	ssyncset.done $0x0  }
0x253: {  	[sflag:s28] =	ssyncadd.s32 $0xFFFFC000  }
0x254: {  	_ =	swait.ge [sflag:s28], $0x4000  }
0x255: {  	[sflag:s28] =	ssyncset.done $0x0  }
0x256: {  	[sflag:s28] =	ssyncadd.s32 $0xFFFFC000  }
0x257: {  	_ =	swait.ge [sflag:s28], $0x4000  }
0x258: {  	[sflag:s28] =	ssyncset.done $0x0  }
0x259: {  	[sflag:s28] =	ssyncadd.s32 $0xFFFFC000  }
0x25a: {  	_ =	swait.ge [sflag:s28], $0x4000  }
0x25b: {  	[sflag:s28] =	ssyncset.done $0x0  }
0x25c: {  	[sflag:s28] =	ssyncadd.s32 $0xFFFFC000  }
0x25d: {  	_ =	swait.ge [sflag:s28], $0x4000  }
0x25e: {  	[sflag:s28] =	ssyncset.done $0x0  }
0x25f: {  	[sflag:s28] =	ssyncadd.s32 $0xFFFFC000  }
0x260: {  	_ =	swait.ge [sflag:s28], $0x4000  }
0x261: {  	[sflag:s28] =	ssyncset.done $0x0  }
0x262: {  	[sflag:s28] =	ssyncadd.s32 $0xFFFFC000  }
0x263: {  	_ =	swait.ge [sflag:s28], $0x4000  }
0x264: {  	[sflag:s28] =	ssyncset.done $0x0  }
0x265: {  	[sflag:s28] =	ssyncadd.s32 $0xFFFFC000  }
0x266: {  	_ =	swait.ge [sflag:s28], $0x4000  }
0x267: {  	[sflag:s28] =	ssyncset.done $0x0  }
0x268: {  	[sflag:s28] =	ssyncadd.s32 $0xFFFFC000  }
0x269: {  	_ =	swait.ge [sflag:s28], $0x4000  }
0x26a: {  	[sflag:s28] =	ssyncset.done $0x0  }
0x26b: {  	[sflag:s28] =	ssyncadd.s32 $0xFFFFC000  }
0x26c: {  	_ =	swait.ge [sflag:s28], $0x4000  }
0x26d: {  	[sflag:s28] =	ssyncset.done $0x0  }
0x26e: {  	[sflag:s28] =	ssyncadd.s32 $0xFFFFC000  }
0x26f: {  	_ =	swait.ge [sflag:s28], $0x4000  }
0x270: {  	[sflag:s28] =	ssyncset.done $0x0  }
0x271: {  	[sflag:s28] =	ssyncadd.s32 $0xFFFFC000  }
0x272: {  	_ =	swait.ge [sflag:s28], $0x4000  }
0x273: {  	[sflag:s28] =	ssyncset.done $0x0  }
0x274: {  	[sflag:s28] =	ssyncadd.s32 $0xFFFFC000  }
0x275: {  	_ =	swait.ge [sflag:s28], $0x4000  }
0x276: {  	[sflag:s28] =	ssyncset.done $0x0  }
0x277: {  	[sflag:s28] =	ssyncadd.s32 $0xFFFFC000  }
0x278: {  	_ =	swait.ge [sflag:s28], $0x4000  }
0x279: {  	[sflag:s28] =	ssyncset.done $0x0  }
0x27a: {  	[sflag:s28] =	ssyncadd.s32 $0xFFFFC000  }
0x27b: {  	_ =	swait.ge [sflag:s18], $0x4000  }
0x27c: {  	[sflag:s18] =	ssyncset.done $0x0  }
0x27d: {  	[sflag:s18] =	ssyncadd.s32 $0xFFFFC000  }
0x27e: {  	_ =	swait.ge [sflag:s18], $0x4000  }
0x27f: {  	[sflag:s18] =	ssyncset.done $0x0  }
0x280: {  	[sflag:s18] =	ssyncadd.s32 $0xFFFFC000  }
0x281: {  	_ =	swait.ge [sflag:s18], $0x4000  }
0x282: {  	[sflag:s18] =	ssyncset.done $0x0  }
0x283: {  	[sflag:s18] =	ssyncadd.s32 $0xFFFFC000  }
0x284: {  	_ =	swait.ge [sflag:s18], $0x4000  }
0x285: {  	[sflag:s18] =	ssyncset.done $0x0  }
0x286: {  	[sflag:s18] =	ssyncadd.s32 $0xFFFFC000  }
0x287: {  	_ =	swait.ge [sflag:s18], $0x4000  }
0x288: {  	[sflag:s18] =	ssyncset.done $0x0  }
0x289: {  	[sflag:s18] =	ssyncadd.s32 $0xFFFFC000  }
0x28a: {  	_ =	swait.ge [sflag:s18], $0x4000  }
0x28b: {  	[sflag:s18] =	ssyncset.done $0x0  }
0x28c: {  	[sflag:s18] =	ssyncadd.s32 $0xFFFFC000  }
0x28d: {  	_ =	swait.ge [sflag:s18], $0x4000  }
0x28e: {  	[sflag:s18] =	ssyncset.done $0x0  }
0x28f: {  	[sflag:s18] =	ssyncadd.s32 $0xFFFFC000  }
0x290: {  	_ =	swait.ge [sflag:s18], $0x4000  }
0x291: {  	[sflag:s18] =	ssyncset.done $0x0  }
0x292: {  	[sflag:s18] =	ssyncadd.s32 $0xFFFFC000  }
0x293: {  	_ =	swait.ge [sflag:s18], $0x4000  }
0x294: {  	[sflag:s18] =	ssyncset.done $0x0  }
0x295: {  	[sflag:s18] =	ssyncadd.s32 $0xFFFFC000  }
0x296: {  	_ =	swait.ge [sflag:s18], $0x4000  }
0x297: {  	[sflag:s18] =	ssyncset.done $0x0  }
0x298: {  	[sflag:s18] =	ssyncadd.s32 $0xFFFFC000  }
0x299: {  	_ =	swait.ge [sflag:s18], $0x4000  }
0x29a: {  	[sflag:s18] =	ssyncset.done $0x0  }
0x29b: {  	[sflag:s18] =	ssyncadd.s32 $0xFFFFC000  }
0x29c: {  	_ =	swait.ge [sflag:s18], $0x4000  }
0x29d: {  	[sflag:s18] =	ssyncset.done $0x0  }
0x29e: {  	[sflag:s18] =	ssyncadd.s32 $0xFFFFC000  }
0x29f: {  	_ =	swait.ge [sflag:s18], $0x4000  }
0x2a0: {  	[sflag:s18] =	ssyncset.done $0x0  }
0x2a1: {  	[sflag:s18] =	ssyncadd.s32 $0xFFFFC000  }
0x2a2: {  	_ =	swait.ge [sflag:s18], $0x4000  }
0x2a3: {  	s30 =	sld [smem:$0x7FD];
	_ =	sdelay $0x2  }
0x2a4: {  	s0 =	ssub.s32 $0x2, s30  }
0x2a5: {  	s31 =	sshrl.u32 s0, $0x1  }
0x2a6: {  	s13 =	ssub.s32 s0, s31  }
0x2a7: {  	[sflag:s18] =	ssyncset.done $0x0;
	s13 =	smax.u32 s13, $0x1  }
0x2a8: {  	[sflag:s18] =	ssyncadd.s32 $0xFFFFC000;
	p0 =	sne.s32 s13, $0x1  }
.Ltmp0:
0x2a9: {  	_ =	swait.ge [sflag:s18], $0x4000;
	(pc) =	sbr.rel @!p0 .LBB2_3-.Ltmp0, $4  }
0x2aa: {  	[sflag:s18] =	ssyncset.done $0x0  }
0x2ab: {  	[sflag:s18] =	ssyncadd.s32 $0xFFFFC000  }
0x2ac: {  	_ =	swait.ge [sflag:s18], $0x4000  }
0x2ad: {  	[sflag:s18] =	ssyncset.done $0x0;
	s13 =	sadd.s32 $0xFFFFFFFF, s13  }
0x2ae: {  	s24 =	simm.s32 $0x7C00  }
0x2af: {  	s23 =	simm.s32 $0x3000;
	s26 =	simm.s32 $0x2C00;
	s29 =	simm.s32 $0x2800  }
0x2b0: {  	s30 =	simm.s32 $0x2400;
	s31 =	simm.s32 $0x2000;
	s25 =	simm.s32 $0x1800  }
0x2b1: {  	s17 =	simm.s32 $0xF800;
	s3 =	simm.s32 $0x12800;
	s4 =	simm.s32 $0x12400  }
0x2b2: {  	s5 =	simm.s32 $0x12000;
	s7 =	simm.s32 $0x11800;
	s9 =	simm.s32 $0x11400  }
0x2b3: {  	s10 =	simm.s32 $0x11000;
	s11 =	simm.s32 $0x10C00;
	s12 =	simm.s32 $0x10800  }
0x2b4: {  	s19 =	simm.s32 $0x10400;
	s20 =	simm.s32 $0x10000;
	s21 =	simm.s32 $0xFC00  }
.LBB2_2:
0x2b5: {  	s0 =	sld [smem:$0x7B2];
	_ =	sdelay $0x1  }
0x2b6: {  	[sflag:s18] =	ssyncadd.s32 $0xFFFFC000  }
0x2b7: {  	[tilespmem:s2], [sflag:$0x1] =	stream.linear.gather [hbm4b:s0+s2], $0x4000, $0x38;
	[tilespmem:$0x17400] =	vst v63  }
0x2b8: {  	s16 =	simm.s32 $0x4000;
	s15 =	sld [smem:$0x7B3]  }
0x2b9: {  	[tilespmem:s16], [sflag:$0x1] =	stream.linear.gather [hbm4b:s0+s2], $0x3C00, $0x38;
	[tilespmem:$0x17400] =	vst v63  }
0x2ba: {  	_ = 	snop  }
0x2bb: {  	[tilespmem:s24], [sflag:$0x2] =	stream.linear.gather [hbm4b:s15+s2], $0x4000, $0x38;
	[tilespmem:$0x17400] =	vst v63  }
0x2bc: {  	s1 =	simm.s32 $0xBC00  }
0x2bd: {  	[tilespmem:s1], [sflag:$0x2] =	stream.linear.gather [hbm4b:s15+s2], $0x3C00, $0x38;
	[tilespmem:$0x17400] =	vst v63  }
0x2be: {  	_ =	swait.ge [sflag:s8], $0x4000  }
0x2bf: {  	[sflag:s8] =	ssyncset.done $0x0  }
0x2c0: {  	[sflag:s8] =	ssyncadd.s32 $0xFFFFC000  }
0x2c1: {  	_ =	swait.ge [sflag:s8], $0x3C00  }
0x2c2: {  	s14 =	rddreg [dreg:$0x3];
	[sflag:s8] =	ssyncset.done $0x0  }
0x2c3: {  	s22 =	simm.s32 $0x3C00;
	s15 =	rddreg [dreg:$0x4];
	[sflag:s8] =	ssyncadd.s32 $0xFFFFC400  }
0x2c4: {  	[hbm4b:s14+s2] =	stream.linear.scatter [tilespmem:s22], [sflag:$0x1], $0x4000, $0x38;
	[tilespmem:$0x17400] =	vst v63  }
0x2c5: {  	s1 =	simm.s32 $0x3800;
	s6 =	rddreg [dreg:$0x6]  }
0x2c6: {  	[hbm4b:s15+s2] =	stream.linear.scatter [tilespmem:s1], [sflag:$0x1], $0x4000, $0x38;
	[tilespmem:$0x17400] =	vst v63  }
0x2c7: {  	s14 =	rddreg [dreg:$0x5];
	s22 =	simm.s32 $0x3400  }
0x2c8: {  	[hbm4b:s14+s2] =	stream.linear.scatter [tilespmem:s22], [sflag:$0x1], $0x4000, $0x38;
	[tilespmem:$0x17400] =	vst v63  }
0x2c9: {  	s0 =	rddreg [dreg:$0xa]  }
0x2ca: {  	[hbm4b:s6+s2] =	stream.linear.scatter [tilespmem:s23], [sflag:$0x1], $0x4000, $0x38;
	[tilespmem:$0x17400] =	vst v63  }
0x2cb: {  	s1 =	rddreg [dreg:$0x7]  }
0x2cc: {  	[hbm4b:s1+s2] =	stream.linear.scatter [tilespmem:s26], [sflag:$0x1], $0x4000, $0x38;
	[tilespmem:$0x17400] =	vst v63  }
0x2cd: {  	s6 =	rddreg [dreg:$0x8]  }
0x2ce: {  	[hbm4b:s6+s2] =	stream.linear.scatter [tilespmem:s29], [sflag:$0x1], $0x4000, $0x38;
	[tilespmem:$0x17400] =	vst v63  }
0x2cf: {  	s22 =	rddreg [dreg:$0x9]  }
0x2d0: {  	[hbm4b:s22+s2] =	stream.linear.scatter [tilespmem:s30], [sflag:$0x1], $0x4000, $0x38;
	[tilespmem:$0x17400] =	vst v63  }
0x2d1: {  	s14 =	rddreg [dreg:$0xf]  }
0x2d2: {  	[hbm4b:s0+s2] =	stream.linear.scatter [tilespmem:s31], [sflag:$0x1], $0x4000, $0x38;
	[tilespmem:$0x17400] =	vst v63  }
0x2d3: {  	s1 =	rddreg [dreg:$0xb];
	s22 =	simm.s32 $0x1C00  }
0x2d4: {  	[hbm4b:s1+s2] =	stream.linear.scatter [tilespmem:s22], [sflag:$0x1], $0x4000, $0x38;
	[tilespmem:$0x17400] =	vst v63  }
0x2d5: {  	s6 =	rddreg [dreg:$0xc]  }
0x2d6: {  	[hbm4b:s6+s2] =	stream.linear.scatter [tilespmem:s25], [sflag:$0x1], $0x4000, $0x38;
	[tilespmem:$0x17400] =	vst v63  }
0x2d7: {  	s0 =	rddreg [dreg:$0xd];
	s6 =	simm.s32 $0x1400  }
0x2d8: {  	[hbm4b:s0+s2] =	stream.linear.scatter [tilespmem:s6], [sflag:$0x1], $0x4000, $0x38;
	[tilespmem:$0x17400] =	vst v63  }
0x2d9: {  	s1 =	rddreg [dreg:$0xe];
	s22 =	simm.s32 $0x1000  }
0x2da: {  	[hbm4b:s1+s2] =	stream.linear.scatter [tilespmem:s22], [sflag:$0x1], $0x4000, $0x38;
	[tilespmem:$0x17400] =	vst v63  }
0x2db: {  	s6 =	simm.s32 $0xC00;
	s1 =	rddreg [dreg:$0x10]  }
0x2dc: {  	[hbm4b:s14+s2] =	stream.linear.scatter [tilespmem:s6], [sflag:$0x1], $0x4000, $0x38;
	[tilespmem:$0x17400] =	vst v63  }
0x2dd: {  	s22 =	simm.s32 $0x800;
	s14 =	rddreg [dreg:$0x11]  }
0x2de: {  	[hbm4b:s1+s2] =	stream.linear.scatter [tilespmem:s22], [sflag:$0x1], $0x4000, $0x38;
	[tilespmem:$0x17400] =	vst v63  }
0x2df: {  	s6 =	simm.s32 $0x400;
	s1 =	rddreg [dreg:$0x12]  }
0x2e0: {  	[hbm4b:s14+s2] =	stream.linear.scatter [tilespmem:s6], [sflag:$0x1], $0x4000, $0x38;
	[tilespmem:$0x17400] =	vst v63  }
0x2e1: {  	s6 =	sld [smem:$0x7B4]  }
0x2e2: {  	[hbm4b:s1+s2] =	stream.linear.scatter [tilespmem:s2], [sflag:$0x1], $0x4000, $0x38;
	[tilespmem:$0x17400] =	vst v63  }
0x2e3: {  	_ = 	snop  }
0x2e4: {  	[tilespmem:s17], [sflag:$0x3] =	stream.linear.gather [hbm4b:s6+s2], $0x4000, $0x38;
	[tilespmem:$0x17400] =	vst v63  }
0x2e5: {  	s22 =	simm.s32 $0x13800  }
0x2e6: {  	[tilespmem:s22], [sflag:$0x3] =	stream.linear.gather [hbm4b:s6+s2], $0x3C00, $0x38;
	[tilespmem:$0x17400] =	vst v63  }
0x2e7: {  	_ =	swait.ge [sflag:s28], $0x4000  }
0x2e8: {  	[sflag:s28] =	ssyncset.done $0x0  }
0x2e9: {  	[sflag:s28] =	ssyncadd.s32 $0xFFFFC000  }
0x2ea: {  	_ =	swait.ge [sflag:s28], $0x3C00  }
0x2eb: {  	s1 =	rddreg [dreg:$0x13];
	[sflag:s28] =	ssyncset.done $0x0  }
0x2ec: {  	s22 =	simm.s32 $0xB800;
	s6 =	rddreg [dreg:$0x14];
	[sflag:s28] =	ssyncadd.s32 $0xFFFFC400  }
0x2ed: {  	[hbm4b:s1+s2] =	stream.linear.scatter [tilespmem:s22], [sflag:$0x2], $0x4000, $0x38;
	[tilespmem:$0x17400] =	vst v63  }
0x2ee: {  	s14 =	rddreg [dreg:$0x15];
	s1 =	simm.s32 $0xB400  }
0x2ef: {  	[hbm4b:s6+s2] =	stream.linear.scatter [tilespmem:s1], [sflag:$0x2], $0x4000, $0x38;
	[tilespmem:$0x17400] =	vst v63  }
0x2f0: {  	s22 =	simm.s32 $0xB000;
	s6 =	rddreg [dreg:$0x16]  }
0x2f1: {  	[hbm4b:s14+s2] =	stream.linear.scatter [tilespmem:s22], [sflag:$0x2], $0x4000, $0x38;
	[tilespmem:$0x17400] =	vst v63  }
0x2f2: {  	s1 =	simm.s32 $0xAC00;
	s14 =	rddreg [dreg:$0x17]  }
0x2f3: {  	[hbm4b:s6+s2] =	stream.linear.scatter [tilespmem:s1], [sflag:$0x2], $0x4000, $0x38;
	[tilespmem:$0x17400] =	vst v63  }
0x2f4: {  	s22 =	simm.s32 $0xA800;
	s6 =	rddreg [dreg:$0x18]  }
0x2f5: {  	[hbm4b:s14+s2] =	stream.linear.scatter [tilespmem:s22], [sflag:$0x2], $0x4000, $0x38;
	[tilespmem:$0x17400] =	vst v63  }
0x2f6: {  	s1 =	simm.s32 $0xA400;
	s14 =	rddreg [dreg:$0x19]  }
0x2f7: {  	[hbm4b:s6+s2] =	stream.linear.scatter [tilespmem:s1], [sflag:$0x2], $0x4000, $0x38;
	[tilespmem:$0x17400] =	vst v63  }
0x2f8: {  	s22 =	simm.s32 $0xA000;
	s6 =	rddreg [dreg:$0x1a]  }
0x2f9: {  	[hbm4b:s14+s2] =	stream.linear.scatter [tilespmem:s22], [sflag:$0x2], $0x4000, $0x38;
	[tilespmem:$0x17400] =	vst v63  }
0x2fa: {  	s1 =	simm.s32 $0x9C00;
	s14 =	rddreg [dreg:$0x1b]  }
0x2fb: {  	[hbm4b:s6+s2] =	stream.linear.scatter [tilespmem:s1], [sflag:$0x2], $0x4000, $0x38;
	[tilespmem:$0x17400] =	vst v63  }
0x2fc: {  	s22 =	simm.s32 $0x9800;
	s6 =	rddreg [dreg:$0x1c]  }
0x2fd: {  	[hbm4b:s14+s2] =	stream.linear.scatter [tilespmem:s22], [sflag:$0x2], $0x4000, $0x38;
	[tilespmem:$0x17400] =	vst v63  }
0x2fe: {  	s1 =	simm.s32 $0x9400;
	s14 =	rddreg [dreg:$0x1d]  }
0x2ff: {  	[hbm4b:s6+s2] =	stream.linear.scatter [tilespmem:s1], [sflag:$0x2], $0x4000, $0x38;
	[tilespmem:$0x17400] =	vst v63  }
0x300: {  	s22 =	simm.s32 $0x9000;
	s6 =	rddreg [dreg:$0x1e]  }
0x301: {  	[hbm4b:s14+s2] =	stream.linear.scatter [tilespmem:s22], [sflag:$0x2], $0x4000, $0x38;
	[tilespmem:$0x17400] =	vst v63  }
0x302: {  	s1 =	simm.s32 $0x8C00;
	s14 =	rddreg [dreg:$0x1f]  }
0x303: {  	[hbm4b:s6+s2] =	stream.linear.scatter [tilespmem:s1], [sflag:$0x2], $0x4000, $0x38;
	[tilespmem:$0x17400] =	vst v63  }
0x304: {  	s22 =	simm.s32 $0x8800;
	s6 =	sld [smem:$0x7B5]  }
0x305: {  	[hbm4b:s14+s2] =	stream.linear.scatter [tilespmem:s22], [sflag:$0x2], $0x4000, $0x38;
	[tilespmem:$0x17400] =	vst v63  }
0x306: {  	s1 =	simm.s32 $0x8400;
	s14 =	sld [smem:$0x7B6]  }
0x307: {  	[hbm4b:s6+s2] =	stream.linear.scatter [tilespmem:s1], [sflag:$0x2], $0x4000, $0x38;
	[tilespmem:$0x17400] =	vst v63  }
0x308: {  	s22 =	simm.s32 $0x8000;
	s6 =	sld [smem:$0x7B7]  }
0x309: {  	[hbm4b:s14+s2] =	stream.linear.scatter [tilespmem:s22], [sflag:$0x2], $0x4000, $0x38;
	[tilespmem:$0x17400] =	vst v63  }
0x30a: {  	_ = 	snop  }
0x30b: {  	[hbm4b:s6+s2] =	stream.linear.scatter [tilespmem:s24], [sflag:$0x2], $0x4000, $0x38;
	[tilespmem:$0x17400] =	vst v63  }
0x30c: {  	_ =	swait.ge [sflag:s8], $0x4000  }
0x30d: {  	[sflag:s8] =	ssyncset.done $0x0  }
0x30e: {  	[sflag:s8] =	ssyncadd.s32 $0xFFFFC000  }
0x30f: {  	_ =	swait.ge [sflag:s8], $0x4000  }
0x310: {  	[sflag:s8] =	ssyncset.done $0x0  }
0x311: {  	[sflag:s8] =	ssyncadd.s32 $0xFFFFC000  }
0x312: {  	_ =	swait.ge [sflag:s8], $0x4000  }
0x313: {  	[sflag:s8] =	ssyncset.done $0x0  }
0x314: {  	[sflag:s8] =	ssyncadd.s32 $0xFFFFC000  }
0x315: {  	_ =	swait.ge [sflag:s8], $0x4000  }
0x316: {  	[sflag:s8] =	ssyncset.done $0x0  }
0x317: {  	[sflag:s8] =	ssyncadd.s32 $0xFFFFC000  }
0x318: {  	_ =	swait.ge [sflag:s8], $0x4000  }
0x319: {  	[sflag:s8] =	ssyncset.done $0x0  }
0x31a: {  	[sflag:s8] =	ssyncadd.s32 $0xFFFFC000  }
0x31b: {  	_ =	swait.ge [sflag:s8], $0x4000  }
0x31c: {  	[sflag:s8] =	ssyncset.done $0x0  }
0x31d: {  	[sflag:s8] =	ssyncadd.s32 $0xFFFFC000  }
0x31e: {  	_ =	swait.ge [sflag:s8], $0x4000  }
0x31f: {  	[sflag:s8] =	ssyncset.done $0x0  }
0x320: {  	[sflag:s8] =	ssyncadd.s32 $0xFFFFC000  }
0x321: {  	_ =	swait.ge [sflag:s8], $0x4000  }
0x322: {  	[sflag:s8] =	ssyncset.done $0x0  }
0x323: {  	[sflag:s8] =	ssyncadd.s32 $0xFFFFC000  }
0x324: {  	_ =	swait.ge [sflag:s8], $0x4000  }
0x325: {  	[sflag:s8] =	ssyncset.done $0x0  }
0x326: {  	[sflag:s8] =	ssyncadd.s32 $0xFFFFC000  }
0x327: {  	_ =	swait.ge [sflag:s8], $0x4000  }
0x328: {  	[sflag:s8] =	ssyncset.done $0x0  }
0x329: {  	[sflag:s8] =	ssyncadd.s32 $0xFFFFC000  }
0x32a: {  	_ =	swait.ge [sflag:s8], $0x4000  }
0x32b: {  	[sflag:s8] =	ssyncset.done $0x0  }
0x32c: {  	[sflag:s8] =	ssyncadd.s32 $0xFFFFC000  }
0x32d: {  	_ =	swait.ge [sflag:s8], $0x4000  }
0x32e: {  	[sflag:s8] =	ssyncset.done $0x0  }
0x32f: {  	[sflag:s8] =	ssyncadd.s32 $0xFFFFC000  }
0x330: {  	_ =	swait.ge [sflag:s8], $0x4000  }
0x331: {  	[sflag:s8] =	ssyncset.done $0x0  }
0x332: {  	[sflag:s8] =	ssyncadd.s32 $0xFFFFC000  }
0x333: {  	_ =	swait.ge [sflag:s8], $0x4000  }
0x334: {  	[sflag:s8] =	ssyncset.done $0x0  }
0x335: {  	[sflag:s8] =	ssyncadd.s32 $0xFFFFC000  }
0x336: {  	_ =	swait.ge [sflag:s8], $0x4000  }
0x337: {  	[sflag:s8] =	ssyncset.done $0x0  }
0x338: {  	[sflag:s8] =	ssyncadd.s32 $0xFFFFC000  }
0x339: {  	_ =	swait.ge [sflag:s8], $0x4000  }
0x33a: {  	s0 =	sld [smem:$0x7B8]  }
0x33b: {  	[sflag:s8] =	ssyncset.done $0x0  }
0x33c: {  	[sflag:s8] =	ssyncadd.s32 $0xFFFFC000  }
0x33d: {  	[tilespmem:s2], [sflag:$0x1] =	stream.linear.gather [hbm4b:s0+s2], $0x4000, $0x38;
	[tilespmem:$0x17400] =	vst v63  }
0x33e: {  	_ = 	snop  }
0x33f: {  	[tilespmem:s16], [sflag:$0x1] =	stream.linear.gather [hbm4b:s0+s2], $0x3C00, $0x38;
	[tilespmem:$0x17400] =	vst v63  }
0x340: {  	_ =	swait.ge [sflag:s18], $0x4000  }
0x341: {  	[sflag:s18] =	ssyncset.done $0x0  }
0x342: {  	[sflag:s18] =	ssyncadd.s32 $0xFFFFC000  }
0x343: {  	_ =	swait.ge [sflag:s18], $0x3C00  }
0x344: {  	s1 =	sld [smem:$0x7B9]  }
0x345: {  	[sflag:s18] =	ssyncset.done $0x0  }
0x346: {  	s16 =	simm.s32 $0x13400;
	s6 =	sld [smem:$0x7BA];
	[sflag:s18] =	ssyncadd.s32 $0xFFFFC400  }
0x347: {  	[hbm4b:s1+s2] =	stream.linear.scatter [tilespmem:s16], [sflag:$0x3], $0x4000, $0x38;
	[tilespmem:$0x17400] =	vst v63  }
0x348: {  	s0 =	simm.s32 $0x13000;
	s22 =	sld [smem:$0x7BB]  }
0x349: {  	[hbm4b:s6+s2] =	stream.linear.scatter [tilespmem:s0], [sflag:$0x3], $0x4000, $0x38;
	[tilespmem:$0x17400] =	vst v63  }
0x34a: {  	s1 =	simm.s32 $0x12C00;
	s6 =	sld [smem:$0x7BC]  }
0x34b: {  	[hbm4b:s22+s2] =	stream.linear.scatter [tilespmem:s1], [sflag:$0x3], $0x4000, $0x38;
	[tilespmem:$0x17400] =	vst v63  }
0x34c: {  	s22 =	sld [smem:$0x7BD]  }
0x34d: {  	[hbm4b:s6+s2] =	stream.linear.scatter [tilespmem:s3], [sflag:$0x3], $0x4000, $0x38;
	[tilespmem:$0x17400] =	vst v63  }
0x34e: {  	s6 =	sld [smem:$0x7BE]  }
0x34f: {  	[hbm4b:s22+s2] =	stream.linear.scatter [tilespmem:s4], [sflag:$0x3], $0x4000, $0x38;
	[tilespmem:$0x17400] =	vst v63  }
0x350: {  	s14 =	sld [smem:$0x7BF]  }
0x351: {  	[hbm4b:s6+s2] =	stream.linear.scatter [tilespmem:s5], [sflag:$0x3], $0x4000, $0x38;
	[tilespmem:$0x17400] =	vst v63  }
0x352: {  	s22 =	sld [smem:$0x7C0];
	s6 =	simm.s32 $0x11C00  }
0x353: {  	[hbm4b:s14+s2] =	stream.linear.scatter [tilespmem:s6], [sflag:$0x3], $0x4000, $0x38;
	[tilespmem:$0x17400] =	vst v63  }
0x354: {  	s14 =	sld [smem:$0x7C1]  }
0x355: {  	[hbm4b:s22+s2] =	stream.linear.scatter [tilespmem:s7], [sflag:$0x3], $0x4000, $0x38;
	[tilespmem:$0x17400] =	vst v63  }
0x356: {  	s22 =	sld [smem:$0x7C2]  }
0x357: {  	[hbm4b:s14+s2] =	stream.linear.scatter [tilespmem:s9], [sflag:$0x3], $0x4000, $0x38;
	[tilespmem:$0x17400] =	vst v63  }
0x358: {  	s14 =	sld [smem:$0x7C3]  }
0x359: {  	[hbm4b:s22+s2] =	stream.linear.scatter [tilespmem:s10], [sflag:$0x3], $0x4000, $0x38;
	[tilespmem:$0x17400] =	vst v63  }
0x35a: {  	s22 =	sld [smem:$0x7C4]  }
0x35b: {  	[hbm4b:s14+s2] =	stream.linear.scatter [tilespmem:s11], [sflag:$0x3], $0x4000, $0x38;
	[tilespmem:$0x17400] =	vst v63  }
0x35c: {  	s14 =	sld [smem:$0x7C5]  }
0x35d: {  	[hbm4b:s22+s2] =	stream.linear.scatter [tilespmem:s12], [sflag:$0x3], $0x4000, $0x38;
	[tilespmem:$0x17400] =	vst v63  }
0x35e: {  	s22 =	sld [smem:$0x7C6]  }
0x35f: {  	[hbm4b:s14+s2] =	stream.linear.scatter [tilespmem:s19], [sflag:$0x3], $0x4000, $0x38;
	[tilespmem:$0x17400] =	vst v63  }
0x360: {  	s14 =	sld [smem:$0x7C7]  }
0x361: {  	[hbm4b:s22+s2] =	stream.linear.scatter [tilespmem:s20], [sflag:$0x3], $0x4000, $0x38;
	[tilespmem:$0x17400] =	vst v63  }
0x362: {  	s22 =	sld [smem:$0x7C8]  }
0x363: {  	[hbm4b:s14+s2] =	stream.linear.scatter [tilespmem:s21], [sflag:$0x3], $0x4000, $0x38;
	[tilespmem:$0x17400] =	vst v63  }
0x364: {  	_ = 	snop  }
0x365: {  	[hbm4b:s22+s2] =	stream.linear.scatter [tilespmem:s17], [sflag:$0x3], $0x4000, $0x38;
	[tilespmem:$0x17400] =	vst v63  }
0x366: {  	_ =	swait.ge [sflag:s28], $0x4000  }
0x367: {  	[sflag:s28] =	ssyncset.done $0x0  }
0x368: {  	[sflag:s28] =	ssyncadd.s32 $0xFFFFC000  }
0x369: {  	_ =	swait.ge [sflag:s28], $0x4000  }
0x36a: {  	[sflag:s28] =	ssyncset.done $0x0  }
0x36b: {  	[sflag:s28] =	ssyncadd.s32 $0xFFFFC000  }
0x36c: {  	_ =	swait.ge [sflag:s28], $0x4000  }
0x36d: {  	[sflag:s28] =	ssyncset.done $0x0  }
0x36e: {  	[sflag:s28] =	ssyncadd.s32 $0xFFFFC000  }
0x36f: {  	_ =	swait.ge [sflag:s28], $0x4000  }
0x370: {  	[sflag:s28] =	ssyncset.done $0x0  }
0x371: {  	[sflag:s28] =	ssyncadd.s32 $0xFFFFC000  }
0x372: {  	_ =	swait.ge [sflag:s28], $0x4000  }
0x373: {  	[sflag:s28] =	ssyncset.done $0x0  }
0x374: {  	[sflag:s28] =	ssyncadd.s32 $0xFFFFC000  }
0x375: {  	_ =	swait.ge [sflag:s28], $0x4000  }
0x376: {  	[sflag:s28] =	ssyncset.done $0x0  }
0x377: {  	[sflag:s28] =	ssyncadd.s32 $0xFFFFC000  }
0x378: {  	_ =	swait.ge [sflag:s28], $0x4000  }
0x379: {  	[sflag:s28] =	ssyncset.done $0x0  }
0x37a: {  	[sflag:s28] =	ssyncadd.s32 $0xFFFFC000  }
0x37b: {  	_ =	swait.ge [sflag:s28], $0x4000  }
0x37c: {  	[sflag:s28] =	ssyncset.done $0x0  }
0x37d: {  	[sflag:s28] =	ssyncadd.s32 $0xFFFFC000  }
0x37e: {  	_ =	swait.ge [sflag:s28], $0x4000  }
0x37f: {  	[sflag:s28] =	ssyncset.done $0x0  }
0x380: {  	[sflag:s28] =	ssyncadd.s32 $0xFFFFC000  }
0x381: {  	_ =	swait.ge [sflag:s28], $0x4000  }
0x382: {  	[sflag:s28] =	ssyncset.done $0x0  }
0x383: {  	[sflag:s28] =	ssyncadd.s32 $0xFFFFC000  }
0x384: {  	_ =	swait.ge [sflag:s28], $0x4000  }
0x385: {  	[sflag:s28] =	ssyncset.done $0x0  }
0x386: {  	[sflag:s28] =	ssyncadd.s32 $0xFFFFC000  }
0x387: {  	_ =	swait.ge [sflag:s28], $0x4000  }
0x388: {  	[sflag:s28] =	ssyncset.done $0x0  }
0x389: {  	[sflag:s28] =	ssyncadd.s32 $0xFFFFC000  }
0x38a: {  	_ =	swait.ge [sflag:s28], $0x4000  }
0x38b: {  	[sflag:s28] =	ssyncset.done $0x0  }
0x38c: {  	[sflag:s28] =	ssyncadd.s32 $0xFFFFC000  }
0x38d: {  	_ =	swait.ge [sflag:s28], $0x4000  }
0x38e: {  	[sflag:s28] =	ssyncset.done $0x0  }
0x38f: {  	[sflag:s28] =	ssyncadd.s32 $0xFFFFC000  }
0x390: {  	_ =	swait.ge [sflag:s28], $0x4000  }
0x391: {  	[sflag:s28] =	ssyncset.done $0x0  }
0x392: {  	[sflag:s28] =	ssyncadd.s32 $0xFFFFC000  }
0x393: {  	_ =	swait.ge [sflag:s28], $0x4000  }
0x394: {  	s15 =	sld [smem:$0x7CA]  }
0x395: {  	[sflag:s28] =	ssyncset.done $0x0  }
0x396: {  	[sflag:s28] =	ssyncadd.s32 $0xFFFFC000  }
0x397: {  	[tilespmem:s24], [sflag:$0x2] =	stream.linear.gather [hbm4b:s15+s2], $0x4000, $0x38;
	[tilespmem:$0x17400] =	vst v63  }
0x398: {  	s22 =	simm.s32 $0xBC00  }
0x399: {  	[tilespmem:s22], [sflag:$0x2] =	stream.linear.gather [hbm4b:s15+s2], $0x3C00, $0x38;
	[tilespmem:$0x17400] =	vst v63  }
0x39a: {  	_ =	swait.ge [sflag:s8], $0x4000  }
0x39b: {  	[sflag:s8] =	ssyncset.done $0x0  }
0x39c: {  	[sflag:s8] =	ssyncadd.s32 $0xFFFFC000  }
0x39d: {  	_ =	swait.ge [sflag:s8], $0x3C00  }
0x39e: {  	s14 =	sld [smem:$0x7CB]  }
0x39f: {  	[sflag:s8] =	ssyncset.done $0x0  }
0x3a0: {  	s22 =	simm.s32 $0x3C00;
	s15 =	sld [smem:$0x7CC];
	[sflag:s8] =	ssyncadd.s32 $0xFFFFC400  }
0x3a1: {  	[hbm4b:s14+s2] =	stream.linear.scatter [tilespmem:s22], [sflag:$0x1], $0x4000, $0x38;
	[tilespmem:$0x17400] =	vst v63  }
0x3a2: {  	s14 =	sld [smem:$0x7CD];
	s22 =	simm.s32 $0x3800  }
0x3a3: {  	[hbm4b:s15+s2] =	stream.linear.scatter [tilespmem:s22], [sflag:$0x1], $0x4000, $0x38;
	[tilespmem:$0x17400] =	vst v63  }
0x3a4: {  	s15 =	sld [smem:$0x7CE];
	s22 =	simm.s32 $0x3400  }
0x3a5: {  	[hbm4b:s14+s2] =	stream.linear.scatter [tilespmem:s22], [sflag:$0x1], $0x4000, $0x38;
	[tilespmem:$0x17400] =	vst v63  }
0x3a6: {  	s14 =	sld [smem:$0x7CF]  }
0x3a7: {  	[hbm4b:s15+s2] =	stream.linear.scatter [tilespmem:s23], [sflag:$0x1], $0x4000, $0x38;
	[tilespmem:$0x17400] =	vst v63  }
0x3a8: {  	s22 =	sld [smem:$0x7D0]  }
0x3a9: {  	[hbm4b:s14+s2] =	stream.linear.scatter [tilespmem:s26], [sflag:$0x1], $0x4000, $0x38;
	[tilespmem:$0x17400] =	vst v63  }
0x3aa: {  	s14 =	sld [smem:$0x7D1]  }
0x3ab: {  	[hbm4b:s22+s2] =	stream.linear.scatter [tilespmem:s29], [sflag:$0x1], $0x4000, $0x38;
	[tilespmem:$0x17400] =	vst v63  }
0x3ac: {  	s22 =	sld [smem:$0x7D2]  }
0x3ad: {  	[hbm4b:s14+s2] =	stream.linear.scatter [tilespmem:s30], [sflag:$0x1], $0x4000, $0x38;
	[tilespmem:$0x17400] =	vst v63  }
0x3ae: {  	s14 =	sld [smem:$0x7D3]  }
0x3af: {  	[hbm4b:s22+s2] =	stream.linear.scatter [tilespmem:s31], [sflag:$0x1], $0x4000, $0x38;
	[tilespmem:$0x17400] =	vst v63  }
0x3b0: {  	s15 =	sld [smem:$0x7D4];
	s22 =	simm.s32 $0x1C00  }
0x3b1: {  	[hbm4b:s14+s2] =	stream.linear.scatter [tilespmem:s22], [sflag:$0x1], $0x4000, $0x38;
	[tilespmem:$0x17400] =	vst v63  }
0x3b2: {  	s14 =	sld [smem:$0x7D5]  }
0x3b3: {  	[hbm4b:s15+s2] =	stream.linear.scatter [tilespmem:s25], [sflag:$0x1], $0x4000, $0x38;
	[tilespmem:$0x17400] =	vst v63  }
0x3b4: {  	s22 =	simm.s32 $0x1400;
	s15 =	sld [smem:$0x7D6]  }
0x3b5: {  	[hbm4b:s14+s2] =	stream.linear.scatter [tilespmem:s22], [sflag:$0x1], $0x4000, $0x38;
	[tilespmem:$0x17400] =	vst v63  }
0x3b6: {  	s14 =	sld [smem:$0x7D7];
	s22 =	simm.s32 $0x1000  }
0x3b7: {  	[hbm4b:s15+s2] =	stream.linear.scatter [tilespmem:s22], [sflag:$0x1], $0x4000, $0x38;
	[tilespmem:$0x17400] =	vst v63  }
0x3b8: {  	s15 =	sld [smem:$0x7D8];
	s22 =	simm.s32 $0xC00  }
0x3b9: {  	[hbm4b:s14+s2] =	stream.linear.scatter [tilespmem:s22], [sflag:$0x1], $0x4000, $0x38;
	[tilespmem:$0x17400] =	vst v63  }
0x3ba: {  	s14 =	sld [smem:$0x7D9];
	s22 =	simm.s32 $0x800  }
0x3bb: {  	[hbm4b:s15+s2] =	stream.linear.scatter [tilespmem:s22], [sflag:$0x1], $0x4000, $0x38;
	[tilespmem:$0x17400] =	vst v63  }
0x3bc: {  	s15 =	sld [smem:$0x7DA];
	s22 =	simm.s32 $0x400  }
0x3bd: {  	[hbm4b:s14+s2] =	stream.linear.scatter [tilespmem:s22], [sflag:$0x1], $0x4000, $0x38;
	[tilespmem:$0x17400] =	vst v63  }
0x3be: {  	_ = 	snop  }
0x3bf: {  	[hbm4b:s15+s2] =	stream.linear.scatter [tilespmem:s2], [sflag:$0x1], $0x4000, $0x38;
	[tilespmem:$0x17400] =	vst v63  }
0x3c0: {  	_ =	swait.ge [sflag:s18], $0x4000  }
0x3c1: {  	[sflag:s18] =	ssyncset.done $0x0  }
0x3c2: {  	[sflag:s18] =	ssyncadd.s32 $0xFFFFC000  }
0x3c3: {  	_ =	swait.ge [sflag:s18], $0x4000  }
0x3c4: {  	[sflag:s18] =	ssyncset.done $0x0  }
0x3c5: {  	[sflag:s18] =	ssyncadd.s32 $0xFFFFC000  }
0x3c6: {  	_ =	swait.ge [sflag:s18], $0x4000  }
0x3c7: {  	[sflag:s18] =	ssyncset.done $0x0  }
0x3c8: {  	[sflag:s18] =	ssyncadd.s32 $0xFFFFC000  }
0x3c9: {  	_ =	swait.ge [sflag:s18], $0x4000  }
0x3ca: {  	[sflag:s18] =	ssyncset.done $0x0  }
0x3cb: {  	[sflag:s18] =	ssyncadd.s32 $0xFFFFC000  }
0x3cc: {  	_ =	swait.ge [sflag:s18], $0x4000  }
0x3cd: {  	[sflag:s18] =	ssyncset.done $0x0  }
0x3ce: {  	[sflag:s18] =	ssyncadd.s32 $0xFFFFC000  }
0x3cf: {  	_ =	swait.ge [sflag:s18], $0x4000  }
0x3d0: {  	[sflag:s18] =	ssyncset.done $0x0  }
0x3d1: {  	[sflag:s18] =	ssyncadd.s32 $0xFFFFC000  }
0x3d2: {  	_ =	swait.ge [sflag:s18], $0x4000  }
0x3d3: {  	[sflag:s18] =	ssyncset.done $0x0  }
0x3d4: {  	[sflag:s18] =	ssyncadd.s32 $0xFFFFC000  }
0x3d5: {  	_ =	swait.ge [sflag:s18], $0x4000  }
0x3d6: {  	[sflag:s18] =	ssyncset.done $0x0  }
0x3d7: {  	[sflag:s18] =	ssyncadd.s32 $0xFFFFC000  }
0x3d8: {  	_ =	swait.ge [sflag:s18], $0x4000  }
0x3d9: {  	[sflag:s18] =	ssyncset.done $0x0  }
0x3da: {  	[sflag:s18] =	ssyncadd.s32 $0xFFFFC000  }
0x3db: {  	_ =	swait.ge [sflag:s18], $0x4000  }
0x3dc: {  	[sflag:s18] =	ssyncset.done $0x0  }
0x3dd: {  	[sflag:s18] =	ssyncadd.s32 $0xFFFFC000  }
0x3de: {  	_ =	swait.ge [sflag:s18], $0x4000  }
0x3df: {  	[sflag:s18] =	ssyncset.done $0x0  }
0x3e0: {  	[sflag:s18] =	ssyncadd.s32 $0xFFFFC000  }
0x3e1: {  	_ =	swait.ge [sflag:s18], $0x4000  }
0x3e2: {  	[sflag:s18] =	ssyncset.done $0x0  }
0x3e3: {  	[sflag:s18] =	ssyncadd.s32 $0xFFFFC000  }
0x3e4: {  	_ =	swait.ge [sflag:s18], $0x4000  }
0x3e5: {  	[sflag:s18] =	ssyncset.done $0x0  }
0x3e6: {  	[sflag:s18] =	ssyncadd.s32 $0xFFFFC000  }
0x3e7: {  	_ =	swait.ge [sflag:s18], $0x4000  }
0x3e8: {  	[sflag:s18] =	ssyncset.done $0x0  }
0x3e9: {  	[sflag:s18] =	ssyncadd.s32 $0xFFFFC000  }
0x3ea: {  	_ =	swait.ge [sflag:s18], $0x4000  }
0x3eb: {  	[sflag:s18] =	ssyncset.done $0x0  }
0x3ec: {  	[sflag:s18] =	ssyncadd.s32 $0xFFFFC000  }
0x3ed: {  	_ =	swait.ge [sflag:s18], $0x4000  }
0x3ee: {  	s15 =	sld [smem:$0x7DC]  }
0x3ef: {  	[sflag:s18] =	ssyncset.done $0x0  }
0x3f0: {  	[sflag:s18] =	ssyncadd.s32 $0xFFFFC000  }
0x3f1: {  	[tilespmem:s17], [sflag:$0x3] =	stream.linear.gather [hbm4b:s15+s2], $0x4000, $0x38;
	[tilespmem:$0x17400] =	vst v63  }
0x3f2: {  	s22 =	simm.s32 $0x13800  }
0x3f3: {  	[tilespmem:s22], [sflag:$0x3] =	stream.linear.gather [hbm4b:s15+s2], $0x3C00, $0x38;
	[tilespmem:$0x17400] =	vst v63  }
0x3f4: {  	_ =	swait.ge [sflag:s28], $0x4000  }
0x3f5: {  	[sflag:s28] =	ssyncset.done $0x0  }
0x3f6: {  	[sflag:s28] =	ssyncadd.s32 $0xFFFFC000  }
0x3f7: {  	_ =	swait.ge [sflag:s28], $0x3C00  }
0x3f8: {  	s14 =	sld [smem:$0x7DD]  }
0x3f9: {  	[sflag:s28] =	ssyncset.done $0x0  }
0x3fa: {  	s22 =	simm.s32 $0xB800;
	s15 =	sld [smem:$0x7DE];
	[sflag:s28] =	ssyncadd.s32 $0xFFFFC400  }
0x3fb: {  	[hbm4b:s14+s2] =	stream.linear.scatter [tilespmem:s22], [sflag:$0x2], $0x4000, $0x38;
	[tilespmem:$0x17400] =	vst v63  }
0x3fc: {  	s14 =	sld [smem:$0x7DF];
	s22 =	simm.s32 $0xB400  }
0x3fd: {  	[hbm4b:s15+s2] =	stream.linear.scatter [tilespmem:s22], [sflag:$0x2], $0x4000, $0x38;
	[tilespmem:$0x17400] =	vst v63  }
0x3fe: {  	s15 =	sld [smem:$0x7E0];
	s22 =	simm.s32 $0xB000  }
0x3ff: {  	[hbm4b:s14+s2] =	stream.linear.scatter [tilespmem:s22], [sflag:$0x2], $0x4000, $0x38;
	[tilespmem:$0x17400] =	vst v63  }
0x400: {  	s14 =	sld [smem:$0x7E1];
	s22 =	simm.s32 $0xAC00  }
0x401: {  	[hbm4b:s15+s2] =	stream.linear.scatter [tilespmem:s22], [sflag:$0x2], $0x4000, $0x38;
	[tilespmem:$0x17400] =	vst v63  }
0x402: {  	s15 =	sld [smem:$0x7E2];
	s22 =	simm.s32 $0xA800  }
0x403: {  	[hbm4b:s14+s2] =	stream.linear.scatter [tilespmem:s22], [sflag:$0x2], $0x4000, $0x38;
	[tilespmem:$0x17400] =	vst v63  }
0x404: {  	s14 =	sld [smem:$0x7E3];
	s22 =	simm.s32 $0xA400  }
0x405: {  	[hbm4b:s15+s2] =	stream.linear.scatter [tilespmem:s22], [sflag:$0x2], $0x4000, $0x38;
	[tilespmem:$0x17400] =	vst v63  }
0x406: {  	s15 =	sld [smem:$0x7E4];
	s22 =	simm.s32 $0xA000  }
0x407: {  	[hbm4b:s14+s2] =	stream.linear.scatter [tilespmem:s22], [sflag:$0x2], $0x4000, $0x38;
	[tilespmem:$0x17400] =	vst v63  }
0x408: {  	s14 =	sld [smem:$0x7E5];
	s22 =	simm.s32 $0x9C00  }
0x409: {  	[hbm4b:s15+s2] =	stream.linear.scatter [tilespmem:s22], [sflag:$0x2], $0x4000, $0x38;
	[tilespmem:$0x17400] =	vst v63  }
0x40a: {  	s15 =	sld [smem:$0x7E6];
	s22 =	simm.s32 $0x9800  }
0x40b: {  	[hbm4b:s14+s2] =	stream.linear.scatter [tilespmem:s22], [sflag:$0x2], $0x4000, $0x38;
	[tilespmem:$0x17400] =	vst v63  }
0x40c: {  	s14 =	sld [smem:$0x7E7];
	s22 =	simm.s32 $0x9400  }
0x40d: {  	[hbm4b:s15+s2] =	stream.linear.scatter [tilespmem:s22], [sflag:$0x2], $0x4000, $0x38;
	[tilespmem:$0x17400] =	vst v63  }
0x40e: {  	s15 =	sld [smem:$0x7E8];
	s22 =	simm.s32 $0x9000  }
0x40f: {  	[hbm4b:s14+s2] =	stream.linear.scatter [tilespmem:s22], [sflag:$0x2], $0x4000, $0x38;
	[tilespmem:$0x17400] =	vst v63  }
0x410: {  	s14 =	sld [smem:$0x7E9];
	s22 =	simm.s32 $0x8C00  }
0x411: {  	[hbm4b:s15+s2] =	stream.linear.scatter [tilespmem:s22], [sflag:$0x2], $0x4000, $0x38;
	[tilespmem:$0x17400] =	vst v63  }
0x412: {  	s15 =	sld [smem:$0x7EA];
	s22 =	simm.s32 $0x8800  }
0x413: {  	[hbm4b:s14+s2] =	stream.linear.scatter [tilespmem:s22], [sflag:$0x2], $0x4000, $0x38;
	[tilespmem:$0x17400] =	vst v63  }
0x414: {  	s14 =	sld [smem:$0x7EB];
	s22 =	simm.s32 $0x8400  }
0x415: {  	[hbm4b:s15+s2] =	stream.linear.scatter [tilespmem:s22], [sflag:$0x2], $0x4000, $0x38;
	[tilespmem:$0x17400] =	vst v63  }
0x416: {  	s15 =	sld [smem:$0x7EC];
	s22 =	simm.s32 $0x8000  }
0x417: {  	[hbm4b:s14+s2] =	stream.linear.scatter [tilespmem:s22], [sflag:$0x2], $0x4000, $0x38;
	[tilespmem:$0x17400] =	vst v63  }
0x418: {  	_ = 	snop  }
0x419: {  	[hbm4b:s15+s2] =	stream.linear.scatter [tilespmem:s24], [sflag:$0x2], $0x4000, $0x38;
	[tilespmem:$0x17400] =	vst v63  }
0x41a: {  	_ =	swait.ge [sflag:s18], $0x4000  }
0x41b: {  	[sflag:s18] =	ssyncset.done $0x0  }
0x41c: {  	[sflag:s18] =	ssyncadd.s32 $0xFFFFC000  }
0x41d: {  	_ =	swait.ge [sflag:s18], $0x3C00  }
0x41e: {  	s22 =	sld [smem:$0x7ED]  }
0x41f: {  	[sflag:s18] =	ssyncset.done $0x0  }
0x420: {  	s15 =	sld [smem:$0x7EE];
	[sflag:s18] =	ssyncadd.s32 $0xFFFFC400  }
0x421: {  	[hbm4b:s22+s2] =	stream.linear.scatter [tilespmem:s16], [sflag:$0x3], $0x4000, $0x38;
	[tilespmem:$0x17400] =	vst v63  }
0x422: {  	s22 =	sld [smem:$0x7EF]  }
0x423: {  	[hbm4b:s15+s2] =	stream.linear.scatter [tilespmem:s0], [sflag:$0x3], $0x4000, $0x38;
	[tilespmem:$0x17400] =	vst v63  }
0x424: {  	s0 =	sld [smem:$0x7F0]  }
0x425: {  	[hbm4b:s22+s2] =	stream.linear.scatter [tilespmem:s1], [sflag:$0x3], $0x4000, $0x38;
	[tilespmem:$0x17400] =	vst v63  }
0x426: {  	s16 =	sld [smem:$0x7F1]  }
0x427: {  	[hbm4b:s0+s2] =	stream.linear.scatter [tilespmem:s3], [sflag:$0x3], $0x4000, $0x38;
	[tilespmem:$0x17400] =	vst v63  }
0x428: {  	s22 =	sld [smem:$0x7F2]  }
0x429: {  	[hbm4b:s16+s2] =	stream.linear.scatter [tilespmem:s4], [sflag:$0x3], $0x4000, $0x38;
	[tilespmem:$0x17400] =	vst v63  }
0x42a: {  	s0 =	sld [smem:$0x7F3]  }
0x42b: {  	[hbm4b:s22+s2] =	stream.linear.scatter [tilespmem:s5], [sflag:$0x3], $0x4000, $0x38;
	[tilespmem:$0x17400] =	vst v63  }
0x42c: {  	s1 =	sld [smem:$0x7F4]  }
0x42d: {  	[hbm4b:s0+s2] =	stream.linear.scatter [tilespmem:s6], [sflag:$0x3], $0x4000, $0x38;
	[tilespmem:$0x17400] =	vst v63  }
0x42e: {  	s6 =	sld [smem:$0x7F5]  }
0x42f: {  	[hbm4b:s1+s2] =	stream.linear.scatter [tilespmem:s7], [sflag:$0x3], $0x4000, $0x38;
	[tilespmem:$0x17400] =	vst v63  }
0x430: {  	s16 =	sld [smem:$0x7F6]  }
0x431: {  	[hbm4b:s6+s2] =	stream.linear.scatter [tilespmem:s9], [sflag:$0x3], $0x4000, $0x38;
	[tilespmem:$0x17400] =	vst v63  }
0x432: {  	s22 =	sld [smem:$0x7F7]  }
0x433: {  	[hbm4b:s16+s2] =	stream.linear.scatter [tilespmem:s10], [sflag:$0x3], $0x4000, $0x38;
	[tilespmem:$0x17400] =	vst v63  }
0x434: {  	s0 =	sld [smem:$0x7F8]  }
0x435: {  	[hbm4b:s22+s2] =	stream.linear.scatter [tilespmem:s11], [sflag:$0x3], $0x4000, $0x38;
	[tilespmem:$0x17400] =	vst v63  }
0x436: {  	s1 =	sld [smem:$0x7F9]  }
0x437: {  	[hbm4b:s0+s2] =	stream.linear.scatter [tilespmem:s12], [sflag:$0x3], $0x4000, $0x38;
	[tilespmem:$0x17400] =	vst v63  }
0x438: {  	s6 =	sld [smem:$0x7FA]  }
0x439: {  	[hbm4b:s1+s2] =	stream.linear.scatter [tilespmem:s19], [sflag:$0x3], $0x4000, $0x38;
	[tilespmem:$0x17400] =	vst v63  }
0x43a: {  	s16 =	sld [smem:$0x7FB]  }
0x43b: {  	[hbm4b:s6+s2] =	stream.linear.scatter [tilespmem:s20], [sflag:$0x3], $0x4000, $0x38;
	[tilespmem:$0x17400] =	vst v63  }
0x43c: {  	s22 =	sld [smem:$0x7FC]  }
0x43d: {  	[hbm4b:s16+s2] =	stream.linear.scatter [tilespmem:s21], [sflag:$0x3], $0x4000, $0x38;
	[tilespmem:$0x17400] =	vst v63  }
0x43e: {  	_ = 	snop  }
0x43f: {  	[hbm4b:s22+s2] =	stream.linear.scatter [tilespmem:s17], [sflag:$0x3], $0x4000, $0x38;
	[tilespmem:$0x17400] =	vst v63  }
0x440: {  	_ =	swait.ge [sflag:s8], $0x4000  }
0x441: {  	[sflag:s8] =	ssyncset.done $0x0  }
0x442: {  	[sflag:s8] =	ssyncadd.s32 $0xFFFFC000  }
0x443: {  	_ =	swait.ge [sflag:s8], $0x4000  }
0x444: {  	[sflag:s8] =	ssyncset.done $0x0  }
0x445: {  	[sflag:s8] =	ssyncadd.s32 $0xFFFFC000  }
0x446: {  	_ =	swait.ge [sflag:s8], $0x4000  }
0x447: {  	[sflag:s8] =	ssyncset.done $0x0  }
0x448: {  	[sflag:s8] =	ssyncadd.s32 $0xFFFFC000  }
0x449: {  	_ =	swait.ge [sflag:s8], $0x4000  }
0x44a: {  	[sflag:s8] =	ssyncset.done $0x0  }
0x44b: {  	[sflag:s8] =	ssyncadd.s32 $0xFFFFC000  }
0x44c: {  	_ =	swait.ge [sflag:s8], $0x4000  }
0x44d: {  	[sflag:s8] =	ssyncset.done $0x0  }
0x44e: {  	[sflag:s8] =	ssyncadd.s32 $0xFFFFC000  }
0x44f: {  	_ =	swait.ge [sflag:s8], $0x4000  }
0x450: {  	[sflag:s8] =	ssyncset.done $0x0  }
0x451: {  	[sflag:s8] =	ssyncadd.s32 $0xFFFFC000  }
0x452: {  	_ =	swait.ge [sflag:s8], $0x4000  }
0x453: {  	[sflag:s8] =	ssyncset.done $0x0  }
0x454: {  	[sflag:s8] =	ssyncadd.s32 $0xFFFFC000  }
0x455: {  	_ =	swait.ge [sflag:s8], $0x4000  }
0x456: {  	[sflag:s8] =	ssyncset.done $0x0  }
0x457: {  	[sflag:s8] =	ssyncadd.s32 $0xFFFFC000  }
0x458: {  	_ =	swait.ge [sflag:s8], $0x4000  }
0x459: {  	[sflag:s8] =	ssyncset.done $0x0  }
0x45a: {  	[sflag:s8] =	ssyncadd.s32 $0xFFFFC000  }
0x45b: {  	_ =	swait.ge [sflag:s8], $0x4000  }
0x45c: {  	[sflag:s8] =	ssyncset.done $0x0  }
0x45d: {  	[sflag:s8] =	ssyncadd.s32 $0xFFFFC000  }
0x45e: {  	_ =	swait.ge [sflag:s8], $0x4000  }
0x45f: {  	[sflag:s8] =	ssyncset.done $0x0  }
0x460: {  	[sflag:s8] =	ssyncadd.s32 $0xFFFFC000  }
0x461: {  	_ =	swait.ge [sflag:s8], $0x4000  }
0x462: {  	[sflag:s8] =	ssyncset.done $0x0  }
0x463: {  	[sflag:s8] =	ssyncadd.s32 $0xFFFFC000  }
0x464: {  	_ =	swait.ge [sflag:s8], $0x4000  }
0x465: {  	[sflag:s8] =	ssyncset.done $0x0  }
0x466: {  	[sflag:s8] =	ssyncadd.s32 $0xFFFFC000  }
0x467: {  	_ =	swait.ge [sflag:s8], $0x4000  }
0x468: {  	[sflag:s8] =	ssyncset.done $0x0  }
0x469: {  	[sflag:s8] =	ssyncadd.s32 $0xFFFFC000  }
0x46a: {  	_ =	swait.ge [sflag:s8], $0x4000  }
0x46b: {  	[sflag:s8] =	ssyncset.done $0x0  }
0x46c: {  	[sflag:s8] =	ssyncadd.s32 $0xFFFFC000  }
0x46d: {  	_ =	swait.ge [sflag:s8], $0x4000  }
0x46e: {  	[sflag:s8] =	ssyncset.done $0x0  }
0x46f: {  	[sflag:s8] =	ssyncadd.s32 $0xFFFFC000  }
0x470: {  	_ =	swait.ge [sflag:s28], $0x4000  }
0x471: {  	[sflag:s28] =	ssyncset.done $0x0  }
0x472: {  	[sflag:s28] =	ssyncadd.s32 $0xFFFFC000  }
0x473: {  	_ =	swait.ge [sflag:s28], $0x4000  }
0x474: {  	[sflag:s28] =	ssyncset.done $0x0  }
0x475: {  	[sflag:s28] =	ssyncadd.s32 $0xFFFFC000  }
0x476: {  	_ =	swait.ge [sflag:s28], $0x4000  }
0x477: {  	[sflag:s28] =	ssyncset.done $0x0  }
0x478: {  	[sflag:s28] =	ssyncadd.s32 $0xFFFFC000  }
0x479: {  	_ =	swait.ge [sflag:s28], $0x4000  }
0x47a: {  	[sflag:s28] =	ssyncset.done $0x0  }
0x47b: {  	[sflag:s28] =	ssyncadd.s32 $0xFFFFC000  }
0x47c: {  	_ =	swait.ge [sflag:s28], $0x4000  }
0x47d: {  	[sflag:s28] =	ssyncset.done $0x0  }
0x47e: {  	[sflag:s28] =	ssyncadd.s32 $0xFFFFC000  }
0x47f: {  	_ =	swait.ge [sflag:s28], $0x4000  }
0x480: {  	[sflag:s28] =	ssyncset.done $0x0  }
0x481: {  	[sflag:s28] =	ssyncadd.s32 $0xFFFFC000  }
0x482: {  	_ =	swait.ge [sflag:s28], $0x4000  }
0x483: {  	[sflag:s28] =	ssyncset.done $0x0  }
0x484: {  	[sflag:s28] =	ssyncadd.s32 $0xFFFFC000  }
0x485: {  	_ =	swait.ge [sflag:s28], $0x4000  }
0x486: {  	[sflag:s28] =	ssyncset.done $0x0  }
0x487: {  	[sflag:s28] =	ssyncadd.s32 $0xFFFFC000  }
0x488: {  	_ =	swait.ge [sflag:s28], $0x4000  }
0x489: {  	[sflag:s28] =	ssyncset.done $0x0  }
0x48a: {  	[sflag:s28] =	ssyncadd.s32 $0xFFFFC000  }
0x48b: {  	_ =	swait.ge [sflag:s28], $0x4000  }
0x48c: {  	[sflag:s28] =	ssyncset.done $0x0  }
0x48d: {  	[sflag:s28] =	ssyncadd.s32 $0xFFFFC000  }
0x48e: {  	_ =	swait.ge [sflag:s28], $0x4000  }
0x48f: {  	[sflag:s28] =	ssyncset.done $0x0  }
0x490: {  	[sflag:s28] =	ssyncadd.s32 $0xFFFFC000  }
0x491: {  	_ =	swait.ge [sflag:s28], $0x4000  }
0x492: {  	[sflag:s28] =	ssyncset.done $0x0  }
0x493: {  	[sflag:s28] =	ssyncadd.s32 $0xFFFFC000  }
0x494: {  	_ =	swait.ge [sflag:s28], $0x4000  }
0x495: {  	[sflag:s28] =	ssyncset.done $0x0  }
0x496: {  	[sflag:s28] =	ssyncadd.s32 $0xFFFFC000  }
0x497: {  	_ =	swait.ge [sflag:s28], $0x4000  }
0x498: {  	[sflag:s28] =	ssyncset.done $0x0  }
0x499: {  	[sflag:s28] =	ssyncadd.s32 $0xFFFFC000  }
0x49a: {  	_ =	swait.ge [sflag:s28], $0x4000  }
0x49b: {  	[sflag:s28] =	ssyncset.done $0x0  }
0x49c: {  	[sflag:s28] =	ssyncadd.s32 $0xFFFFC000  }
0x49d: {  	_ =	swait.ge [sflag:s28], $0x4000  }
0x49e: {  	[sflag:s28] =	ssyncset.done $0x0  }
0x49f: {  	[sflag:s28] =	ssyncadd.s32 $0xFFFFC000  }
0x4a0: {  	_ =	swait.ge [sflag:s18], $0x4000  }
0x4a1: {  	[sflag:s18] =	ssyncset.done $0x0  }
0x4a2: {  	[sflag:s18] =	ssyncadd.s32 $0xFFFFC000  }
0x4a3: {  	_ =	swait.ge [sflag:s18], $0x4000  }
0x4a4: {  	[sflag:s18] =	ssyncset.done $0x0  }
0x4a5: {  	[sflag:s18] =	ssyncadd.s32 $0xFFFFC000  }
0x4a6: {  	_ =	swait.ge [sflag:s18], $0x4000  }
0x4a7: {  	[sflag:s18] =	ssyncset.done $0x0  }
0x4a8: {  	[sflag:s18] =	ssyncadd.s32 $0xFFFFC000  }
0x4a9: {  	_ =	swait.ge [sflag:s18], $0x4000  }
0x4aa: {  	[sflag:s18] =	ssyncset.done $0x0  }
0x4ab: {  	[sflag:s18] =	ssyncadd.s32 $0xFFFFC000  }
0x4ac: {  	_ =	swait.ge [sflag:s18], $0x4000  }
0x4ad: {  	[sflag:s18] =	ssyncset.done $0x0  }
0x4ae: {  	[sflag:s18] =	ssyncadd.s32 $0xFFFFC000  }
0x4af: {  	_ =	swait.ge [sflag:s18], $0x4000  }
0x4b0: {  	[sflag:s18] =	ssyncset.done $0x0  }
0x4b1: {  	[sflag:s18] =	ssyncadd.s32 $0xFFFFC000  }
0x4b2: {  	_ =	swait.ge [sflag:s18], $0x4000  }
0x4b3: {  	[sflag:s18] =	ssyncset.done $0x0  }
0x4b4: {  	[sflag:s18] =	ssyncadd.s32 $0xFFFFC000  }
0x4b5: {  	_ =	swait.ge [sflag:s18], $0x4000  }
0x4b6: {  	[sflag:s18] =	ssyncset.done $0x0  }
0x4b7: {  	[sflag:s18] =	ssyncadd.s32 $0xFFFFC000  }
0x4b8: {  	_ =	swait.ge [sflag:s18], $0x4000  }
0x4b9: {  	[sflag:s18] =	ssyncset.done $0x0  }
0x4ba: {  	[sflag:s18] =	ssyncadd.s32 $0xFFFFC000  }
0x4bb: {  	_ =	swait.ge [sflag:s18], $0x4000  }
0x4bc: {  	[sflag:s18] =	ssyncset.done $0x0  }
0x4bd: {  	[sflag:s18] =	ssyncadd.s32 $0xFFFFC000  }
0x4be: {  	_ =	swait.ge [sflag:s18], $0x4000  }
0x4bf: {  	[sflag:s18] =	ssyncset.done $0x0  }
0x4c0: {  	[sflag:s18] =	ssyncadd.s32 $0xFFFFC000  }
0x4c1: {  	_ =	swait.ge [sflag:s18], $0x4000  }
0x4c2: {  	[sflag:s18] =	ssyncset.done $0x0  }
0x4c3: {  	[sflag:s18] =	ssyncadd.s32 $0xFFFFC000  }
0x4c4: {  	_ =	swait.ge [sflag:s18], $0x4000  }
0x4c5: {  	[sflag:s18] =	ssyncset.done $0x0  }
0x4c6: {  	[sflag:s18] =	ssyncadd.s32 $0xFFFFC000  }
0x4c7: {  	_ =	swait.ge [sflag:s18], $0x4000  }
0x4c8: {  	[sflag:s18] =	ssyncset.done $0x0  }
0x4c9: {  	p0 =	sne.s32 s13, $0x1;
	[sflag:s18] =	ssyncadd.s32 $0xFFFFC000  }
.Ltmp1:
0x4ca: {  	_ =	swait.ge [sflag:s18], $0x4000;
	(pc) =	sbr.rel @p0 .LBB2_2-.Ltmp1, $4  }
0x4cb: {  	[sflag:s18] =	ssyncset.done $0x0  }
0x4cc: {  	[sflag:s18] =	ssyncadd.s32 $0xFFFFC000  }
0x4cd: {  	_ =	swait.ge [sflag:s18], $0x4000  }
0x4ce: {  	s13 =	sadd.s32 $0xFFFFFFFF, s13;
	[sflag:s18] =	ssyncset.done $0x0  }
.LBB2_3:
0x4cf: {  	[sflag:s18] =	ssyncadd.s32 $0xFFFFC000  }
0x4d0: {  	_ =	sfence.sel $0x180000  }
0x4d1: {  	[bflag:$0x0] =	sbarrier.arrive $0xFFFF  }
0x4d2: {  	_ =	strace $0x90000047  }
0x4d3: {  	s0 =	stileid.u32;
	[bflag:$0x2] =	sbarrier.arrive $0xFFFF  }
0x4d4: {  	p0 =	sne.s32 s0, $0x0;
	s0 =	rddreg [dreg:$0x2]  }
0x4d5: {  	s0 =	sadd.s32 @!p0 $0x100000, s0  }
0x4d6: {  	[sflag:s0] =	ssyncadd.tile.s32 @!p0 $0x1;
	_ =	shalt  }
.Lfunc_end2:
_tile_overlayer_lowered:
.L_overlay_start_2:
0x4d7: {  	(tag) =	ssettag $0x2  }
0x4d8: {  	s0 =	rddreg [dreg:$0x0];
	s2 =	stileid.u32  }
0x4d9: {  	s1 =	rddreg [dreg:$0x1];
	p0 =	sne.s32 s2, $0x0  }
0x4da: {  	s3 =	rddreg [dreg:$0x2];
	[bflag:$0x3] =	sbarrier.arrive $0xFFFF;
	s2 =	simm.s32 @!p0 $0x1C04  }
0x4db: {  	[timem:s3], [sflag:s2] =	dma.local @!p0 [hbm:s0], s1  }
0x4dc: {  	s0 =	simm.s32 @!p0 $0x4  }
0x4dd: {  	_ =	swait.ge @!p0 [sflag:s0], s1  }
0x4de: {  	s1 =	ssub.s32 @!p0 $0x0, s1;
	[sflag:s0] =	ssyncset.done @!p0 $0x0  }
0x4df: {  	[sflag:s0] =	ssyncadd.s32 @!p0 s1  }
0x4e0: {  	[bflag:$0x3] =	sbarrier.arrive $0xFFFF  }
0x4e1: {  	_ =	shalt  }

</sc_bundles>
